<compile_context>
chip_gen: v7x
topology: tpu7x:2x2x1
jax: 0.10.2.dev20260603
libtpu: 0.0.44.dev20260713+nightly
codegen_flags: <defaults>
</compile_context>

<pallas_src>
import functools

import jax
import jax.numpy as jnp
from jax import lax
from jax.experimental import pallas as pl
from jax.experimental.pallas import tpu as pltpu
from jax.experimental.pallas import tpu_sc as plsc

_N = 16384
_K = int(_N * 0.1)
_NSUB = 16
_E = _N // _NSUB
_NV = _E // 16
_INT_MIN = -(2 ** 31)


def _body(loss_hbm, out_hbm, xv, mk, lh, lhr, gridv, decb, accrow, accg,
          outv, grid_s, dec_s, acc_s):
    c = lax.axis_index("c")
    wid = lax.axis_index("s")
    on0 = c == 0
    li = lax.iota(jnp.int32, 16)
    z16i = jnp.zeros((16,), jnp.int32)
    ones16 = jnp.ones((16,), jnp.int32)

    def _trips(n):
        return jnp.where(on0, n, 0)

    pltpu.sync_copy(loss_hbm.at[pl.ds(wid * _E, _E)], xv)

    def _keys(i, carry):
        x = xv[pl.ds(i * 16, 16)]
        b = lax.bitcast_convert_type(x, jnp.int32)
        mk[pl.ds(i * 16, 16)] = jnp.where(b < 0, ~b, b ^ _INT_MIN)
        return carry

    lax.fori_loop(0, _trips(_NV), _keys, 0)

    prefix = jnp.int32(0)
    rk = jnp.int32(_K)

    for r in range(4):
        shift = 24 - 8 * r

        def _zero(i, carry):
            lh[pl.ds(i * 16, 16)] = z16i
            return carry

        lax.fori_loop(0, _trips(256), _zero, 0)

        lidx = li * 256
        shv = jnp.full((16,), shift, jnp.int32)
        shv8 = jnp.full((16,), shift + 8, jnp.int32)

        def _hist(i, carry):
            m = mk[pl.ds(i * 16, 16)]
            binv = lax.shift_right_logical(m, shv) & 255
            if r == 0:
                plsc.addupdate_scatter(lh, [lidx + binv], ones16)
            else:
                inr = lax.shift_right_logical(m, shv8) == prefix
                plsc.addupdate_scatter(lh, [lidx + binv], ones16, mask=inr)
            return carry

        lax.fori_loop(0, _trips(_NV), _hist, 0)

        def _red(i, carry):
            a = z16i
            for j in range(16):
                a = a + lh[pl.ds(j * 256 + i * 16, 16)]
            lhr[pl.ds(i * 16, 16)] = a
            return carry

        lax.fori_loop(0, _trips(16), _red, 0)
        pltpu.sync_copy(lhr, grid_s.at[r, wid])
        plsc.subcore_barrier()

        @pl.when(jnp.logical_and(wid == 0, on0))
        def _():
            pltpu.sync_copy(grid_s.at[r], gridv)

            def _merge(i, carry):
                cum, bstar, cbelow = carry
                g = z16i
                for j in range(16):
                    g = g + gridv[j, pl.ds(i * 16, 16)]
                cs = plsc.cumsum(g)
                tot = jnp.sum(g)
                msk = (cum + cs) >= rk
                f = jnp.max(plsc.all_reduce_ffs(msk))
                found = jnp.logical_and(bstar < 0, f < 16)
                below = jnp.sum(jnp.where(li < f, g, 0))
                bstar = jnp.where(found, i * 16 + f, bstar)
                cbelow = jnp.where(found, cum + below, cbelow)
                return (cum + tot, bstar, cbelow)

            _, bstar, cbelow = lax.fori_loop(
                0, 16, _merge, (jnp.int32(0), jnp.int32(-1), jnp.int32(0)))
            decb[...] = jnp.where(
                li == 0, prefix * 256 + bstar,
                jnp.where(li == 1, rk - cbelow, 0))
            pltpu.sync_copy(decb, dec_s.at[r])

        plsc.subcore_barrier()
        pltpu.sync_copy(dec_s.at[r], decb)
        d = decb[...]
        prefix = jnp.sum(jnp.where(li == 0, d, 0))
        rk = jnp.sum(jnp.where(li == 1, d, 0))

    sP = prefix ^ _INT_MIN

    def _final(i, carry):
        s_acc, z_acc = carry
        m = mk[pl.ds(i * 16, 16)]
        x = xv[pl.ds(i * 16, 16)]
        sel = (m ^ _INT_MIN) < sP
        s_acc = s_acc + jnp.where(sel, x, jnp.float32(0))
        z_acc = z_acc + jnp.where(
            jnp.logical_and(sel, x == jnp.float32(0)), 1, 0)
        return (s_acc, z_acc)

    s_acc, z_acc = lax.fori_loop(
        0, _trips(_NV), _final, (jnp.zeros((16,), jnp.float32), z16i))
    s_l = jnp.sum(s_acc)
    z_l = jnp.sum(z_acc).astype(jnp.float32)
    accrow[...] = jnp.where(li == 0, s_l, jnp.where(li == 1, z_l, 0.0))
    pltpu.sync_copy(accrow, acc_s.at[wid])
    plsc.subcore_barrier()

    @pl.when(jnp.logical_and(wid == 0, on0))
    def _():
        pltpu.sync_copy(acc_s, accg)
        tv = jnp.zeros((16,), jnp.float32)
        for j in range(16):
            tv = tv + accg[j, pl.ds(0, 16)]
        s_g = jnp.sum(jnp.where(li == 0, tv, 0.0))
        z_g = jnp.sum(jnp.where(li == 1, tv, 0.0))
        pv = jnp.full((16,), 1, jnp.int32) * prefix
        bv = jnp.where(pv < 0, pv ^ _INT_MIN, ~pv)
        t_v = lax.bitcast_convert_type(bv, jnp.float32)
        rkf = rk.astype(jnp.float32)
        total = s_g + t_v * rkf
        denom = (jnp.float32(_K) - z_g
                 - jnp.where(t_v == jnp.float32(0), rkf, 0.0))
        outv[...] = total / denom
        pltpu.sync_copy(outv, out_hbm)


@functools.partial(
    pl.kernel,
    out_type=jax.ShapeDtypeStruct((16,), jnp.float32),
    mesh=plsc.VectorSubcoreMesh(
        core_axis_name="c", subcore_axis_name="s",
        num_cores=2, num_subcores=_NSUB),
    compiler_params=pltpu.CompilerParams(
        needs_layout_passes=False, skip_device_barrier=True),
    scratch_types=[
        pltpu.VMEM((_E,), jnp.float32),
        pltpu.VMEM((_E,), jnp.int32),
        pltpu.VMEM((16 * 256,), jnp.int32),
        pltpu.VMEM((256,), jnp.int32),
        pltpu.VMEM((16, 256), jnp.int32),
        pltpu.VMEM((16,), jnp.int32),
        pltpu.VMEM((16,), jnp.float32),
        pltpu.VMEM((16, 16), jnp.float32),
        pltpu.VMEM((16,), jnp.float32),
        pltpu.VMEM_SHARED((4, 16, 256), jnp.int32),
        pltpu.VMEM_SHARED((4, 16), jnp.int32),
        pltpu.VMEM_SHARED((16, 16), jnp.float32),
    ],
)
def _select_mean(loss_hbm, out_hbm, *scratch):
    _body(loss_hbm, out_hbm, *scratch)


def kernel(loss, gradients):
    del gradients
    return _select_mean(loss)[0]

# --- scband reference (transcript-rebuilt; emitter-appended) ---
"""Pipeline reference for scband-self-paced-learning-11407433138208 (READ-ONLY COPY).

The authoritative reference and input builder live on the scoring server;
editing this copy changes nothing except your own understanding.
"""

import jax, jax.numpy as jnp
import numpy as np

N = 16384
D = 128
LMDA = 0.1
DIFFICULTY_TYPE = 'loss'

def setup_inputs(seed: int = 0) -> dict:
    key = jax.random.key(seed)
    k1, k2 = jax.random.split(key)
    loss = jax.random.uniform(k1, (N,), dtype=jnp.float32) + 0.01
    gradients = jax.random.normal(k2, (N, D), dtype=jnp.float32)
    return {"loss": loss, "gradients": gradients}

def _gradients_length(gradients):
    # norm of each per-example flattened gradient
    return jnp.sqrt(jnp.sum(gradients.reshape(gradients.shape[0], -1) ** 2, axis=1))

def reference(loss, gradients):
    if DIFFICULTY_TYPE == 'loss':
        example_difficulty = loss
    elif DIFFICULTY_TYPE == 'gradients':
        example_difficulty = _gradients_length(gradients)
    else:
        raise NotImplementedError
    k = int(N * LMDA)
    # torch.topk(..., largest=False) == top_k of negated values
    _, indices = jax.lax.top_k(-example_difficulty, k)
    weight_matrix = jnp.zeros_like(example_difficulty).at[indices].set(1.0)
    weighted = loss * weight_matrix
    denom = jnp.count_nonzero(weighted).astype(jnp.float32)
    return weighted.sum() / denom

if __name__ == "__main__":
    import jax
    _d = setup_inputs()
    print(jax.jit(kernel)(*tuple(_d.values())))

</pallas_src>

<mosaic_0001>
#map = affine_map<(d0, d1) -> (0)>
module attributes {stable_mosaic.version = 14 : i64} {
  func.func @_select_mean(%arg0: i32, %arg1: i32, %arg2: memref<16384xf32, #tpu.memory_space<hbm>>, %arg3: memref<16xf32, #tpu.memory_space<hbm>>, %arg4: memref<1024xf32, #tpu.memory_space<vmem>>, %arg5: memref<1024xi32, #tpu.memory_space<vmem>>, %arg6: memref<4096xi32, #tpu.memory_space<vmem>>, %arg7: memref<256xi32, #tpu.memory_space<vmem>>, %arg8: memref<16x256xi32, #tpu.memory_space<vmem>>, %arg9: memref<16xi32, #tpu.memory_space<vmem>>, %arg10: memref<16xf32, #tpu.memory_space<vmem>>, %arg11: memref<16x16xf32, #tpu.memory_space<vmem>>, %arg12: memref<16xf32, #tpu.memory_space<vmem>>, %arg13: memref<4x16x256xi32, #tpu.memory_space<vmem_shared>>, %arg14: memref<4x16xi32, #tpu.memory_space<vmem_shared>>, %arg15: memref<16x16xf32, #tpu.memory_space<vmem_shared>>) attributes {dimension_semantics = [#tpu.dimension_semantics<core_parallel>, #tpu.dimension_semantics<subcore_parallel>], iteration_bounds = array<i64: 2, 16>, scalar_prefetch = 0 : i64, scratch_operands = 12 : i64, tpu.core_type = #tpu.core_type<sc_vector_subcore>, window_params = [{transform_indices = #map}, {transform_indices = #map}]} {
    %eq3A = arith.constant 0 : i32
    %eq3A_0 = arith.cmpi eq, %arg0, %eq3A : i32
    %iota3A = tpu.iota {dimensions = array<i32: 0>} : vector<16xi32>
    %broadcast_in_dim3A = arith.constant 0 : i32
    %broadcast_in_dim3A_1 = vector.broadcast %broadcast_in_dim3A : i32 to vector<16xi32>
    %broadcast_in_dim3A_2 = arith.constant 1 : i32
    %broadcast_in_dim3A_3 = vector.broadcast %broadcast_in_dim3A_2 : i32 to vector<16xi32>
    %mul3A = arith.constant 1024 : i32
    %mul3A_4 = arith.muli %arg1, %mul3A : i32
    "tpu.region"() ({
      %run_scoped3A_368 = tpu.sem_alloc : memref<!tpu.dma_semaphore, #tpu.memory_space<semaphore_mem>>
      %dma_start3A = tpu.memref_slice %arg2[%mul3A_4] : memref<16384xf32, #tpu.memory_space<hbm>> -> memref<1024xf32, #tpu.memory_space<hbm>>
      %dma_start3A_369 = tpu.memref_slice %arg2[%mul3A_4] : memref<16384xf32, #tpu.memory_space<hbm>> -> memref<1024xf32, #tpu.memory_space<hbm>>
      tpu.enqueue_dma source(%dma_start3A_369 : memref<1024xf32, #tpu.memory_space<hbm>>) target(%arg4 : memref<1024xf32, #tpu.memory_space<vmem>>) target_semaphore(%run_scoped3A_368 : memref<!tpu.dma_semaphore, #tpu.memory_space<semaphore_mem>>)
      %dma_wait3A = tpu.memref_slice %arg2[%mul3A_4] : memref<16384xf32, #tpu.memory_space<hbm>> -> memref<1024xf32, #tpu.memory_space<hbm>>
      %dma_wait3A_370 = tpu.memref_slice %arg2[%mul3A_4] : memref<16384xf32, #tpu.memory_space<hbm>> -> memref<1024xf32, #tpu.memory_space<hbm>>
      tpu.wait_dma2 semaphore(%run_scoped3A_368 : memref<!tpu.dma_semaphore, #tpu.memory_space<semaphore_mem>>) src(%dma_wait3A_370 : memref<1024xf32, #tpu.memory_space<hbm>>) dst(%arg4 : memref<1024xf32, #tpu.memory_space<vmem>>)
      tpu.yield
    }) : () -> ()
    %jit3A = arith.constant 64 : i32
    %jit3A_5 = arith.constant 0 : i32
    %select_n3A = arith.select %eq3A_0, %jit3A, %jit3A_5 : i32
    %while3A = arith.constant 0 : i32
    %while3A_6 = arith.constant 0 : i32
    %while3A_7 = arith.subi %select_n3A, %while3A_6 : i32
    %while3A_8 = arith.addi %while3A_6, %while3A_7 : i32
    %while3A_9 = arith.constant 1 : i32
    %while3A_10 = arith.divsi %while3A_7, %while3A_9 : i32
    %while3A_11 = arith.muli %while3A_10, %while3A_9 : i32
    %while3A_12 = arith.addi %while3A_6, %while3A_11 : i32
    %while3A_13 = arith.constant 1 : i32
    scf.for %while3A_368 = %while3A_6 to %while3A_12 step %while3A_13  : i32 {
      %mul3A_369 = arith.constant 16 : i32
      %mul3A_370 = arith.muli %while3A_368, %mul3A_369 : i32
      %get3A_371 = arith.index_cast %mul3A_370 : i32 to index
      %get3A_372 = tpu.vector_load %arg4[%get3A_371] {strides = array<i32>} : memref<1024xf32, #tpu.memory_space<vmem>>, vector<16xf32>,
      %bitcast_convert_type3A = tpu.bitcast %get3A_372 : vector<16xf32> -> vector<16xi32>
      %lt3A = arith.constant 0 : i32
      %lt3A_373 = vector.broadcast %lt3A : i32 to vector<16xi32>
      %lt3A_374 = arith.cmpi slt, %bitcast_convert_type3A, %lt3A_373 : vector<16xi32>
      %not3A = arith.constant dense<-1> : vector<16xi32>
      %not3A_375 = arith.xori %bitcast_convert_type3A, %not3A : vector<16xi32>
      %xor3A_376 = arith.constant -2147483648 : i32
      %xor3A_377 = vector.broadcast %xor3A_376 : i32 to vector<16xi32>
      %xor3A_378 = arith.xori %bitcast_convert_type3A, %xor3A_377 : vector<16xi32>
      %select_n3A_379 = arith.select %lt3A_374, %not3A_375, %xor3A_378 : vector<16xi1>, vector<16xi32>
      %mul3A_380 = arith.constant 16 : i32
      %mul3A_381 = arith.muli %while3A_368, %mul3A_380 : i32
      %swap3A_382 = arith.index_cast %mul3A_381 : i32 to index
      %swap3A_383 = tpu.vector_load %arg5[%swap3A_382] {strides = array<i32>} : memref<1024xi32, #tpu.memory_space<vmem>>, vector<16xi32>,
      tpu.vector_store %arg5[%swap3A_382], %select_n3A_379 {strides = array<i32>} : memref<1024xi32, #tpu.memory_space<vmem>>, vector<16xi32>,
    }
    %while3A_14 = arith.constant 1 : i32
    scf.for %while3A_368 = %while3A_12 to %while3A_8 step %while3A_14  : i32 {
      %mul3A_369 = arith.constant 16 : i32
      %mul3A_370 = arith.muli %while3A_368, %mul3A_369 : i32
      %get3A_371 = arith.index_cast %mul3A_370 : i32 to index
      %get3A_372 = tpu.vector_load %arg4[%get3A_371] {strides = array<i32>} : memref<1024xf32, #tpu.memory_space<vmem>>, vector<16xf32>,
      %bitcast_convert_type3A = tpu.bitcast %get3A_372 : vector<16xf32> -> vector<16xi32>
      %lt3A = arith.constant 0 : i32
      %lt3A_373 = vector.broadcast %lt3A : i32 to vector<16xi32>
      %lt3A_374 = arith.cmpi slt, %bitcast_convert_type3A, %lt3A_373 : vector<16xi32>
      %not3A = arith.constant dense<-1> : vector<16xi32>
      %not3A_375 = arith.xori %bitcast_convert_type3A, %not3A : vector<16xi32>
      %xor3A_376 = arith.constant -2147483648 : i32
      %xor3A_377 = vector.broadcast %xor3A_376 : i32 to vector<16xi32>
      %xor3A_378 = arith.xori %bitcast_convert_type3A, %xor3A_377 : vector<16xi32>
      %select_n3A_379 = arith.select %lt3A_374, %not3A_375, %xor3A_378 : vector<16xi1>, vector<16xi32>
      %mul3A_380 = arith.constant 16 : i32
      %mul3A_381 = arith.muli %while3A_368, %mul3A_380 : i32
      %swap3A_382 = arith.index_cast %mul3A_381 : i32 to index
      %swap3A_383 = tpu.vector_load %arg5[%swap3A_382] {strides = array<i32>} : memref<1024xi32, #tpu.memory_space<vmem>>, vector<16xi32>,
      tpu.vector_store %arg5[%swap3A_382], %select_n3A_379 {strides = array<i32>} : memref<1024xi32, #tpu.memory_space<vmem>>, vector<16xi32>,
    }
    %jit3A_15 = arith.constant 256 : i32
    %jit3A_16 = arith.constant 0 : i32
    %select_n3A_17 = arith.select %eq3A_0, %jit3A_15, %jit3A_16 : i32
    %while3A_18 = arith.constant 0 : i32
    %while3A_19 = arith.constant 0 : i32
    %while3A_20 = arith.subi %select_n3A_17, %while3A_19 : i32
    %while3A_21 = arith.addi %while3A_19, %while3A_20 : i32
    %while3A_22 = arith.constant 1 : i32
    %while3A_23 = arith.divsi %while3A_20, %while3A_22 : i32
    %while3A_24 = arith.muli %while3A_23, %while3A_22 : i32
    %while3A_25 = arith.addi %while3A_19, %while3A_24 : i32
    %while3A_26 = arith.constant 1 : i32
    scf.for %while3A_368 = %while3A_19 to %while3A_25 step %while3A_26  : i32 {
      %mul3A_369 = arith.constant 16 : i32
      %mul3A_370 = arith.muli %while3A_368, %mul3A_369 : i32
      %swap3A_371 = arith.index_cast %mul3A_370 : i32 to index
      %swap3A_372 = tpu.vector_load %arg6[%swap3A_371] {strides = array<i32>} : memref<4096xi32, #tpu.memory_space<vmem>>, vector<16xi32>,
      tpu.vector_store %arg6[%swap3A_371], %broadcast_in_dim3A_1 {strides = array<i32>} : memref<4096xi32, #tpu.memory_space<vmem>>, vector<16xi32>,
    }
    %while3A_27 = arith.constant 1 : i32
    scf.for %while3A_368 = %while3A_25 to %while3A_21 step %while3A_27  : i32 {
      %mul3A_369 = arith.constant 16 : i32
      %mul3A_370 = arith.muli %while3A_368, %mul3A_369 : i32
      %swap3A_371 = arith.index_cast %mul3A_370 : i32 to index
      %swap3A_372 = tpu.vector_load %arg6[%swap3A_371] {strides = array<i32>} : memref<4096xi32, #tpu.memory_space<vmem>>, vector<16xi32>,
      tpu.vector_store %arg6[%swap3A_371], %broadcast_in_dim3A_1 {strides = array<i32>} : memref<4096xi32, #tpu.memory_space<vmem>>, vector<16xi32>,
    }
    %mul3A_28 = arith.constant 256 : i32
    %mul3A_29 = vector.broadcast %mul3A_28 : i32 to vector<16xi32>
    %mul3A_30 = arith.muli %iota3A, %mul3A_29 : vector<16xi32>
    %broadcast_in_dim3A_31 = arith.constant 24 : i32
    %broadcast_in_dim3A_32 = vector.broadcast %broadcast_in_dim3A_31 : i32 to vector<16xi32>
    %broadcast_in_dim3A_33 = arith.constant 32 : i32
    %broadcast_in_dim3A_34 = vector.broadcast %broadcast_in_dim3A_33 : i32 to vector<16xi32>
    %jit3A_35 = arith.constant 64 : i32
    %jit3A_36 = arith.constant 0 : i32
    %select_n3A_37 = arith.select %eq3A_0, %jit3A_35, %jit3A_36 : i32
    %while3A_38 = arith.constant 0 : i32
    %while3A_39 = arith.constant 0 : i32
    %while3A_40 = arith.subi %select_n3A_37, %while3A_39 : i32
    %while3A_41 = arith.addi %while3A_39, %while3A_40 : i32
    %while3A_42 = arith.constant 1 : i32
    %while3A_43 = arith.divsi %while3A_40, %while3A_42 : i32
    %while3A_44 = arith.muli %while3A_43, %while3A_42 : i32
    %while3A_45 = arith.addi %while3A_39, %while3A_44 : i32
    %while3A_46 = arith.constant 1 : i32
    scf.for %while3A_368 = %while3A_39 to %while3A_45 step %while3A_46  : i32 {
      %mul3A_369 = arith.constant 16 : i32
      %mul3A_370 = arith.muli %while3A_368, %mul3A_369 : i32
      %get3A_371 = arith.index_cast %mul3A_370 : i32 to index
      %get3A_372 = tpu.vector_load %arg5[%get3A_371] {strides = array<i32>} : memref<1024xi32, #tpu.memory_space<vmem>>, vector<16xi32>,
      %shift_right_logical3A = arith.shrui %get3A_372, %broadcast_in_dim3A_32 : vector<16xi32>
      %and3A_373 = arith.constant 255 : i32
      %and3A_374 = vector.broadcast %and3A_373 : i32 to vector<16xi32>
      %and3A_375 = arith.andi %shift_right_logical3A, %and3A_374 : vector<16xi32>
      %add3A = arith.addi %mul3A_30, %and3A_375 : vector<16xi32>
      tpu.vector_store_idx %arg6[%add3A], %broadcast_in_dim3A_3 {add = true} : memref<4096xi32, #tpu.memory_space<vmem>>[vector<16xi32>], vector<16xi32>,
    }
    %while3A_47 = arith.constant 1 : i32
    scf.for %while3A_368 = %while3A_45 to %while3A_41 step %while3A_47  : i32 {
      %mul3A_369 = arith.constant 16 : i32
      %mul3A_370 = arith.muli %while3A_368, %mul3A_369 : i32
      %get3A_371 = arith.index_cast %mul3A_370 : i32 to index
      %get3A_372 = tpu.vector_load %arg5[%get3A_371] {strides = array<i32>} : memref<1024xi32, #tpu.memory_space<vmem>>, vector<16xi32>,
      %shift_right_logical3A = arith.shrui %get3A_372, %broadcast_in_dim3A_32 : vector<16xi32>
      %and3A_373 = arith.constant 255 : i32
      %and3A_374 = vector.broadcast %and3A_373 : i32 to vector<16xi32>
      %and3A_375 = arith.andi %shift_right_logical3A, %and3A_374 : vector<16xi32>
      %add3A = arith.addi %mul3A_30, %and3A_375 : vector<16xi32>
      tpu.vector_store_idx %arg6[%add3A], %broadcast_in_dim3A_3 {add = true} : memref<4096xi32, #tpu.memory_space<vmem>>[vector<16xi32>], vector<16xi32>,
    }
    %jit3A_48 = arith.constant 16 : i32
    %jit3A_49 = arith.constant 0 : i32
    %select_n3A_50 = arith.select %eq3A_0, %jit3A_48, %jit3A_49 : i32
    %while3A_51 = arith.constant 0 : i32
    %while3A_52 = arith.constant 0 : i32
    %while3A_53 = arith.subi %select_n3A_50, %while3A_52 : i32
    %while3A_54 = arith.addi %while3A_52, %while3A_53 : i32
    %while3A_55 = arith.constant 1 : i32
    %while3A_56 = arith.divsi %while3A_53, %while3A_55 : i32
    %while3A_57 = arith.muli %while3A_56, %while3A_55 : i32
    %while3A_58 = arith.addi %while3A_52, %while3A_57 : i32
    %while3A_59 = arith.constant 1 : i32
    scf.for %while3A_368 = %while3A_52 to %while3A_58 step %while3A_59  : i32 {
      %mul3A_369 = arith.constant 16 : i32
      %mul3A_370 = arith.muli %while3A_368, %mul3A_369 : i32
      %add3A = arith.constant 0 : i32
      %add3A_371 = arith.addi %add3A, %mul3A_370 : i32
      %get3A_372 = arith.index_cast %add3A_371 : i32 to index
      %get3A_373 = tpu.vector_load %arg6[%get3A_372] {strides = array<i32>} : memref<4096xi32, #tpu.memory_space<vmem>>, vector<16xi32>,
      %add3A_374 = arith.addi %broadcast_in_dim3A_1, %get3A_373 : vector<16xi32>
      %mul3A_375 = arith.constant 16 : i32
      %mul3A_376 = arith.muli %while3A_368, %mul3A_375 : i32
      %add3A_377 = arith.constant 256 : i32
      %add3A_378 = arith.addi %add3A_377, %mul3A_376 : i32
      %get3A_379 = arith.index_cast %add3A_378 : i32 to index
      %get3A_380 = tpu.vector_load %arg6[%get3A_379] {strides = array<i32>} : memref<4096xi32, #tpu.memory_space<vmem>>, vector<16xi32>,
      %add3A_381 = arith.addi %add3A_374, %get3A_380 : vector<16xi32>
      %mul3A_382 = arith.constant 16 : i32
      %mul3A_383 = arith.muli %while3A_368, %mul3A_382 : i32
      %add3A_384 = arith.constant 512 : i32
      %add3A_385 = arith.addi %add3A_384, %mul3A_383 : i32
      %get3A_386 = arith.index_cast %add3A_385 : i32 to index
      %get3A_387 = tpu.vector_load %arg6[%get3A_386] {strides = array<i32>} : memref<4096xi32, #tpu.memory_space<vmem>>, vector<16xi32>,
      %add3A_388 = arith.addi %add3A_381, %get3A_387 : vector<16xi32>
      %mul3A_389 = arith.constant 16 : i32
      %mul3A_390 = arith.muli %while3A_368, %mul3A_389 : i32
      %add3A_391 = arith.constant 768 : i32
      %add3A_392 = arith.addi %add3A_391, %mul3A_390 : i32
      %get3A_393 = arith.index_cast %add3A_392 : i32 to index
      %get3A_394 = tpu.vector_load %arg6[%get3A_393] {strides = array<i32>} : memref<4096xi32, #tpu.memory_space<vmem>>, vector<16xi32>,
      %add3A_395 = arith.addi %add3A_388, %get3A_394 : vector<16xi32>
      %mul3A_396 = arith.constant 16 : i32
      %mul3A_397 = arith.muli %while3A_368, %mul3A_396 : i32
      %add3A_398 = arith.constant 1024 : i32
      %add3A_399 = arith.addi %add3A_398, %mul3A_397 : i32
      %get3A_400 = arith.index_cast %add3A_399 : i32 to index
      %get3A_401 = tpu.vector_load %arg6[%get3A_400] {strides = array<i32>} : memref<4096xi32, #tpu.memory_space<vmem>>, vector<16xi32>,
      %add3A_402 = arith.addi %add3A_395, %get3A_401 : vector<16xi32>
      %mul3A_403 = arith.constant 16 : i32
      %mul3A_404 = arith.muli %while3A_368, %mul3A_403 : i32
      %add3A_405 = arith.constant 1280 : i32
      %add3A_406 = arith.addi %add3A_405, %mul3A_404 : i32
      %get3A_407 = arith.index_cast %add3A_406 : i32 to index
      %get3A_408 = tpu.vector_load %arg6[%get3A_407] {strides = array<i32>} : memref<4096xi32, #tpu.memory_space<vmem>>, vector<16xi32>,
      %add3A_409 = arith.addi %add3A_402, %get3A_408 : vector<16xi32>
      %mul3A_410 = arith.constant 16 : i32
      %mul3A_411 = arith.muli %while3A_368, %mul3A_410 : i32
      %add3A_412 = arith.constant 1536 : i32
      %add3A_413 = arith.addi %add3A_412, %mul3A_411 : i32
      %get3A_414 = arith.index_cast %add3A_413 : i32 to index
      %get3A_415 = tpu.vector_load %arg6[%get3A_414] {strides = array<i32>} : memref<4096xi32, #tpu.memory_space<vmem>>, vector<16xi32>,
      %add3A_416 = arith.addi %add3A_409, %get3A_415 : vector<16xi32>
      %mul3A_417 = arith.constant 16 : i32
      %mul3A_418 = arith.muli %while3A_368, %mul3A_417 : i32
      %add3A_419 = arith.constant 1792 : i32
      %add3A_420 = arith.addi %add3A_419, %mul3A_418 : i32
      %get3A_421 = arith.index_cast %add3A_420 : i32 to index
      %get3A_422 = tpu.vector_load %arg6[%get3A_421] {strides = array<i32>} : memref<4096xi32, #tpu.memory_space<vmem>>, vector<16xi32>,
      %add3A_423 = arith.addi %add3A_416, %get3A_422 : vector<16xi32>
      %mul3A_424 = arith.constant 16 : i32
      %mul3A_425 = arith.muli %while3A_368, %mul3A_424 : i32
      %add3A_426 = arith.constant 2048 : i32
      %add3A_427 = arith.addi %add3A_426, %mul3A_425 : i32
      %get3A_428 = arith.index_cast %add3A_427 : i32 to index
      %get3A_429 = tpu.vector_load %arg6[%get3A_428] {strides = array<i32>} : memref<4096xi32, #tpu.memory_space<vmem>>, vector<16xi32>,
      %add3A_430 = arith.addi %add3A_423, %get3A_429 : vector<16xi32>
      %mul3A_431 = arith.constant 16 : i32
      %mul3A_432 = arith.muli %while3A_368, %mul3A_431 : i32
      %add3A_433 = arith.constant 2304 : i32
      %add3A_434 = arith.addi %add3A_433, %mul3A_432 : i32
      %get3A_435 = arith.index_cast %add3A_434 : i32 to index
      %get3A_436 = tpu.vector_load %arg6[%get3A_435] {strides = array<i32>} : memref<4096xi32, #tpu.memory_space<vmem>>, vector<16xi32>,
      %add3A_437 = arith.addi %add3A_430, %get3A_436 : vector<16xi32>
      %mul3A_438 = arith.constant 16 : i32
      %mul3A_439 = arith.muli %while3A_368, %mul3A_438 : i32
      %add3A_440 = arith.constant 2560 : i32
      %add3A_441 = arith.addi %add3A_440, %mul3A_439 : i32
      %get3A_442 = arith.index_cast %add3A_441 : i32 to index
      %get3A_443 = tpu.vector_load %arg6[%get3A_442] {strides = array<i32>} : memref<4096xi32, #tpu.memory_space<vmem>>, vector<16xi32>,
      %add3A_444 = arith.addi %add3A_437, %get3A_443 : vector<16xi32>
      %mul3A_445 = arith.constant 16 : i32
      %mul3A_446 = arith.muli %while3A_368, %mul3A_445 : i32
      %add3A_447 = arith.constant 2816 : i32
      %add3A_448 = arith.addi %add3A_447, %mul3A_446 : i32
      %get3A_449 = arith.index_cast %add3A_448 : i32 to index
      %get3A_450 = tpu.vector_load %arg6[%get3A_449] {strides = array<i32>} : memref<4096xi32, #tpu.memory_space<vmem>>, vector<16xi32>,
      %add3A_451 = arith.addi %add3A_444, %get3A_450 : vector<16xi32>
      %mul3A_452 = arith.constant 16 : i32
      %mul3A_453 = arith.muli %while3A_368, %mul3A_452 : i32
      %add3A_454 = arith.constant 3072 : i32
      %add3A_455 = arith.addi %add3A_454, %mul3A_453 : i32
      %get3A_456 = arith.index_cast %add3A_455 : i32 to index
      %get3A_457 = tpu.vector_load %arg6[%get3A_456] {strides = array<i32>} : memref<4096xi32, #tpu.memory_space<vmem>>, vector<16xi32>,
      %add3A_458 = arith.addi %add3A_451, %get3A_457 : vector<16xi32>
      %mul3A_459 = arith.constant 16 : i32
      %mul3A_460 = arith.muli %while3A_368, %mul3A_459 : i32
      %add3A_461 = arith.constant 3328 : i32
      %add3A_462 = arith.addi %add3A_461, %mul3A_460 : i32
      %get3A_463 = arith.index_cast %add3A_462 : i32 to index
      %get3A_464 = tpu.vector_load %arg6[%get3A_463] {strides = array<i32>} : memref<4096xi32, #tpu.memory_space<vmem>>, vector<16xi32>,
      %add3A_465 = arith.addi %add3A_458, %get3A_464 : vector<16xi32>
      %mul3A_466 = arith.constant 16 : i32
      %mul3A_467 = arith.muli %while3A_368, %mul3A_466 : i32
      %add3A_468 = arith.constant 3584 : i32
      %add3A_469 = arith.addi %add3A_468, %mul3A_467 : i32
      %get3A_470 = arith.index_cast %add3A_469 : i32 to index
      %get3A_471 = tpu.vector_load %arg6[%get3A_470] {strides = array<i32>} : memref<4096xi32, #tpu.memory_space<vmem>>, vector<16xi32>,
      %add3A_472 = arith.addi %add3A_465, %get3A_471 : vector<16xi32>
      %mul3A_473 = arith.constant 16 : i32
      %mul3A_474 = arith.muli %while3A_368, %mul3A_473 : i32
      %add3A_475 = arith.constant 3840 : i32
      %add3A_476 = arith.addi %add3A_475, %mul3A_474 : i32
      %get3A_477 = arith.index_cast %add3A_476 : i32 to index
      %get3A_478 = tpu.vector_load %arg6[%get3A_477] {strides = array<i32>} : memref<4096xi32, #tpu.memory_space<vmem>>, vector<16xi32>,
      %add3A_479 = arith.addi %add3A_472, %get3A_478 : vector<16xi32>
      %mul3A_480 = arith.constant 16 : i32
      %mul3A_481 = arith.muli %while3A_368, %mul3A_480 : i32
      %swap3A_482 = arith.index_cast %mul3A_481 : i32 to index
      %swap3A_483 = tpu.vector_load %arg7[%swap3A_482] {strides = array<i32>} : memref<256xi32, #tpu.memory_space<vmem>>, vector<16xi32>,
      tpu.vector_store %arg7[%swap3A_482], %add3A_479 {strides = array<i32>} : memref<256xi32, #tpu.memory_space<vmem>>, vector<16xi32>,
    }
    %while3A_60 = arith.constant 1 : i32
    scf.for %while3A_368 = %while3A_58 to %while3A_54 step %while3A_60  : i32 {
      %mul3A_369 = arith.constant 16 : i32
      %mul3A_370 = arith.muli %while3A_368, %mul3A_369 : i32
      %add3A = arith.constant 0 : i32
      %add3A_371 = arith.addi %add3A, %mul3A_370 : i32
      %get3A_372 = arith.index_cast %add3A_371 : i32 to index
      %get3A_373 = tpu.vector_load %arg6[%get3A_372] {strides = array<i32>} : memref<4096xi32, #tpu.memory_space<vmem>>, vector<16xi32>,
      %add3A_374 = arith.addi %broadcast_in_dim3A_1, %get3A_373 : vector<16xi32>
      %mul3A_375 = arith.constant 16 : i32
      %mul3A_376 = arith.muli %while3A_368, %mul3A_375 : i32
      %add3A_377 = arith.constant 256 : i32
      %add3A_378 = arith.addi %add3A_377, %mul3A_376 : i32
      %get3A_379 = arith.index_cast %add3A_378 : i32 to index
      %get3A_380 = tpu.vector_load %arg6[%get3A_379] {strides = array<i32>} : memref<4096xi32, #tpu.memory_space<vmem>>, vector<16xi32>,
      %add3A_381 = arith.addi %add3A_374, %get3A_380 : vector<16xi32>
      %mul3A_382 = arith.constant 16 : i32
      %mul3A_383 = arith.muli %while3A_368, %mul3A_382 : i32
      %add3A_384 = arith.constant 512 : i32
      %add3A_385 = arith.addi %add3A_384, %mul3A_383 : i32
      %get3A_386 = arith.index_cast %add3A_385 : i32 to index
      %get3A_387 = tpu.vector_load %arg6[%get3A_386] {strides = array<i32>} : memref<4096xi32, #tpu.memory_space<vmem>>, vector<16xi32>,
      %add3A_388 = arith.addi %add3A_381, %get3A_387 : vector<16xi32>
      %mul3A_389 = arith.constant 16 : i32
      %mul3A_390 = arith.muli %while3A_368, %mul3A_389 : i32
      %add3A_391 = arith.constant 768 : i32
      %add3A_392 = arith.addi %add3A_391, %mul3A_390 : i32
      %get3A_393 = arith.index_cast %add3A_392 : i32 to index
      %get3A_394 = tpu.vector_load %arg6[%get3A_393] {strides = array<i32>} : memref<4096xi32, #tpu.memory_space<vmem>>, vector<16xi32>,
      %add3A_395 = arith.addi %add3A_388, %get3A_394 : vector<16xi32>
      %mul3A_396 = arith.constant 16 : i32
      %mul3A_397 = arith.muli %while3A_368, %mul3A_396 : i32
      %add3A_398 = arith.constant 1024 : i32
      %add3A_399 = arith.addi %add3A_398, %mul3A_397 : i32
      %get3A_400 = arith.index_cast %add3A_399 : i32 to index
      %get3A_401 = tpu.vector_load %arg6[%get3A_400] {strides = array<i32>} : memref<4096xi32, #tpu.memory_space<vmem>>, vector<16xi32>,
      %add3A_402 = arith.addi %add3A_395, %get3A_401 : vector<16xi32>
      %mul3A_403 = arith.constant 16 : i32
      %mul3A_404 = arith.muli %while3A_368, %mul3A_403 : i32
      %add3A_405 = arith.constant 1280 : i32
      %add3A_406 = arith.addi %add3A_405, %mul3A_404 : i32
      %get3A_407 = arith.index_cast %add3A_406 : i32 to index
      %get3A_408 = tpu.vector_load %arg6[%get3A_407] {strides = array<i32>} : memref<4096xi32, #tpu.memory_space<vmem>>, vector<16xi32>,
      %add3A_409 = arith.addi %add3A_402, %get3A_408 : vector<16xi32>
      %mul3A_410 = arith.constant 16 : i32
      %mul3A_411 = arith.muli %while3A_368, %mul3A_410 : i32
      %add3A_412 = arith.constant 1536 : i32
      %add3A_413 = arith.addi %add3A_412, %mul3A_411 : i32
      %get3A_414 = arith.index_cast %add3A_413 : i32 to index
      %get3A_415 = tpu.vector_load %arg6[%get3A_414] {strides = array<i32>} : memref<4096xi32, #tpu.memory_space<vmem>>, vector<16xi32>,
      %add3A_416 = arith.addi %add3A_409, %get3A_415 : vector<16xi32>
      %mul3A_417 = arith.constant 16 : i32
      %mul3A_418 = arith.muli %while3A_368, %mul3A_417 : i32
      %add3A_419 = arith.constant 1792 : i32
      %add3A_420 = arith.addi %add3A_419, %mul3A_418 : i32
      %get3A_421 = arith.index_cast %add3A_420 : i32 to index
      %get3A_422 = tpu.vector_load %arg6[%get3A_421] {strides = array<i32>} : memref<4096xi32, #tpu.memory_space<vmem>>, vector<16xi32>,
      %add3A_423 = arith.addi %add3A_416, %get3A_422 : vector<16xi32>
      %mul3A_424 = arith.constant 16 : i32
      %mul3A_425 = arith.muli %while3A_368, %mul3A_424 : i32
      %add3A_426 = arith.constant 2048 : i32
      %add3A_427 = arith.addi %add3A_426, %mul3A_425 : i32
      %get3A_428 = arith.index_cast %add3A_427 : i32 to index
      %get3A_429 = tpu.vector_load %arg6[%get3A_428] {strides = array<i32>} : memref<4096xi32, #tpu.memory_space<vmem>>, vector<16xi32>,
      %add3A_430 = arith.addi %add3A_423, %get3A_429 : vector<16xi32>
      %mul3A_431 = arith.constant 16 : i32
      %mul3A_432 = arith.muli %while3A_368, %mul3A_431 : i32
      %add3A_433 = arith.constant 2304 : i32
      %add3A_434 = arith.addi %add3A_433, %mul3A_432 : i32
      %get3A_435 = arith.index_cast %add3A_434 : i32 to index
      %get3A_436 = tpu.vector_load %arg6[%get3A_435] {strides = array<i32>} : memref<4096xi32, #tpu.memory_space<vmem>>, vector<16xi32>,
      %add3A_437 = arith.addi %add3A_430, %get3A_436 : vector<16xi32>
      %mul3A_438 = arith.constant 16 : i32
      %mul3A_439 = arith.muli %while3A_368, %mul3A_438 : i32
      %add3A_440 = arith.constant 2560 : i32
      %add3A_441 = arith.addi %add3A_440, %mul3A_439 : i32
      %get3A_442 = arith.index_cast %add3A_441 : i32 to index
      %get3A_443 = tpu.vector_load %arg6[%get3A_442] {strides = array<i32>} : memref<4096xi32, #tpu.memory_space<vmem>>, vector<16xi32>,
      %add3A_444 = arith.addi %add3A_437, %get3A_443 : vector<16xi32>
      %mul3A_445 = arith.constant 16 : i32
      %mul3A_446 = arith.muli %while3A_368, %mul3A_445 : i32
      %add3A_447 = arith.constant 2816 : i32
      %add3A_448 = arith.addi %add3A_447, %mul3A_446 : i32
      %get3A_449 = arith.index_cast %add3A_448 : i32 to index
      %get3A_450 = tpu.vector_load %arg6[%get3A_449] {strides = array<i32>} : memref<4096xi32, #tpu.memory_space<vmem>>, vector<16xi32>,
      %add3A_451 = arith.addi %add3A_444, %get3A_450 : vector<16xi32>
      %mul3A_452 = arith.constant 16 : i32
      %mul3A_453 = arith.muli %while3A_368, %mul3A_452 : i32
      %add3A_454 = arith.constant 3072 : i32
      %add3A_455 = arith.addi %add3A_454, %mul3A_453 : i32
      %get3A_456 = arith.index_cast %add3A_455 : i32 to index
      %get3A_457 = tpu.vector_load %arg6[%get3A_456] {strides = array<i32>} : memref<4096xi32, #tpu.memory_space<vmem>>, vector<16xi32>,
      %add3A_458 = arith.addi %add3A_451, %get3A_457 : vector<16xi32>
      %mul3A_459 = arith.constant 16 : i32
      %mul3A_460 = arith.muli %while3A_368, %mul3A_459 : i32
      %add3A_461 = arith.constant 3328 : i32
      %add3A_462 = arith.addi %add3A_461, %mul3A_460 : i32
      %get3A_463 = arith.index_cast %add3A_462 : i32 to index
      %get3A_464 = tpu.vector_load %arg6[%get3A_463] {strides = array<i32>} : memref<4096xi32, #tpu.memory_space<vmem>>, vector<16xi32>,
      %add3A_465 = arith.addi %add3A_458, %get3A_464 : vector<16xi32>
      %mul3A_466 = arith.constant 16 : i32
      %mul3A_467 = arith.muli %while3A_368, %mul3A_466 : i32
      %add3A_468 = arith.constant 3584 : i32
      %add3A_469 = arith.addi %add3A_468, %mul3A_467 : i32
      %get3A_470 = arith.index_cast %add3A_469 : i32 to index
      %get3A_471 = tpu.vector_load %arg6[%get3A_470] {strides = array<i32>} : memref<4096xi32, #tpu.memory_space<vmem>>, vector<16xi32>,
      %add3A_472 = arith.addi %add3A_465, %get3A_471 : vector<16xi32>
      %mul3A_473 = arith.constant 16 : i32
      %mul3A_474 = arith.muli %while3A_368, %mul3A_473 : i32
      %add3A_475 = arith.constant 3840 : i32
      %add3A_476 = arith.addi %add3A_475, %mul3A_474 : i32
      %get3A_477 = arith.index_cast %add3A_476 : i32 to index
      %get3A_478 = tpu.vector_load %arg6[%get3A_477] {strides = array<i32>} : memref<4096xi32, #tpu.memory_space<vmem>>, vector<16xi32>,
      %add3A_479 = arith.addi %add3A_472, %get3A_478 : vector<16xi32>
      %mul3A_480 = arith.constant 16 : i32
      %mul3A_481 = arith.muli %while3A_368, %mul3A_480 : i32
      %swap3A_482 = arith.index_cast %mul3A_481 : i32 to index
      %swap3A_483 = tpu.vector_load %arg7[%swap3A_482] {strides = array<i32>} : memref<256xi32, #tpu.memory_space<vmem>>, vector<16xi32>,
      tpu.vector_store %arg7[%swap3A_482], %add3A_479 {strides = array<i32>} : memref<256xi32, #tpu.memory_space<vmem>>, vector<16xi32>,
    }
    %run_scoped3A = arith.constant 0 : i32
    "tpu.region"() ({
      %run_scoped3A_368 = tpu.sem_alloc : memref<!tpu.dma_semaphore, #tpu.memory_space<semaphore_mem>>
      %dma_start3A = arith.constant 0 : i32
      %dma_start3A_369 = tpu.memref_slice %arg13[%run_scoped3A, %arg1, %dma_start3A] : memref<4x16x256xi32, #tpu.memory_space<vmem_shared>> -> memref<1x1x256xi32, #tpu.memory_space<vmem_shared>>
      %dma_start3A_370 = tpu.memref_squeeze %dma_start3A_369 : memref<1x1x256xi32, #tpu.memory_space<vmem_shared>> -> memref<256xi32, #tpu.memory_space<vmem_shared>>
      %dma_start3A_371 = arith.constant 0 : i32
      %dma_start3A_372 = tpu.memref_slice %arg13[%run_scoped3A, %arg1, %dma_start3A_371] : memref<4x16x256xi32, #tpu.memory_space<vmem_shared>> -> memref<1x1x256xi32, #tpu.memory_space<vmem_shared>>
      %dma_start3A_373 = tpu.memref_squeeze %dma_start3A_372 : memref<1x1x256xi32, #tpu.memory_space<vmem_shared>> -> memref<256xi32, #tpu.memory_space<vmem_shared>>
      tpu.enqueue_dma source(%arg7 : memref<256xi32, #tpu.memory_space<vmem>>) target(%dma_start3A_373 : memref<256xi32, #tpu.memory_space<vmem_shared>>) target_semaphore(%run_scoped3A_368 : memref<!tpu.dma_semaphore, #tpu.memory_space<semaphore_mem>>)
      %dma_wait3A = arith.constant 0 : i32
      %dma_wait3A_374 = tpu.memref_slice %arg13[%run_scoped3A, %arg1, %dma_wait3A] : memref<4x16x256xi32, #tpu.memory_space<vmem_shared>> -> memref<1x1x256xi32, #tpu.memory_space<vmem_shared>>
      %dma_wait3A_375 = tpu.memref_squeeze %dma_wait3A_374 : memref<1x1x256xi32, #tpu.memory_space<vmem_shared>> -> memref<256xi32, #tpu.memory_space<vmem_shared>>
      %dma_wait3A_376 = arith.constant 0 : i32
      %dma_wait3A_377 = tpu.memref_slice %arg13[%run_scoped3A, %arg1, %dma_wait3A_376] : memref<4x16x256xi32, #tpu.memory_space<vmem_shared>> -> memref<1x1x256xi32, #tpu.memory_space<vmem_shared>>
      %dma_wait3A_378 = tpu.memref_squeeze %dma_wait3A_377 : memref<1x1x256xi32, #tpu.memory_space<vmem_shared>> -> memref<256xi32, #tpu.memory_space<vmem_shared>>
      tpu.wait_dma2 semaphore(%run_scoped3A_368 : memref<!tpu.dma_semaphore, #tpu.memory_space<semaphore_mem>>) src(%arg7 : memref<256xi32, #tpu.memory_space<vmem>>) dst(%dma_wait3A_378 : memref<256xi32, #tpu.memory_space<vmem_shared>>)
      tpu.yield
    }) : () -> ()
    %barrier3A = arith.constant 0 : index
    tpu.barrier barrier_id(%barrier3A)
    %eq3A_61 = arith.constant 0 : i32
    %eq3A_62 = arith.cmpi eq, %arg1, %eq3A_61 : i32
    %and3A = arith.andi %eq3A_62, %eq3A_0 : i1
    %convert_element_type3A = arith.extui %and3A : i1 to i32
    %cond3A = arith.constant 1638 : i32
    %cond3A_63 = arith.constant 0 : i32
    %cond3A_64 = arith.constant 0 : i32
    %cond3A_65 = arith.cmpi ne, %convert_element_type3A, %cond3A_64 : i32
    scf.if %cond3A_65 {
      %run_scoped3A_368 = arith.constant 0 : i32
      "tpu.region"() ({
        %run_scoped3A_394 = tpu.sem_alloc : memref<!tpu.dma_semaphore, #tpu.memory_space<semaphore_mem>>
        %dma_start3A = arith.constant 0 : i32
        %dma_start3A_395 = arith.constant 0 : i32
        %dma_start3A_396 = tpu.memref_slice %arg13[%run_scoped3A_368, %dma_start3A, %dma_start3A_395] : memref<4x16x256xi32, #tpu.memory_space<vmem_shared>> -> memref<1x16x256xi32, #tpu.memory_space<vmem_shared>>
        %dma_start3A_397 = tpu.memref_squeeze %dma_start3A_396 : memref<1x16x256xi32, #tpu.memory_space<vmem_shared>> -> memref<16x256xi32, #tpu.memory_space<vmem_shared>>
        %dma_start3A_398 = arith.constant 0 : i32
        %dma_start3A_399 = arith.constant 0 : i32
        %dma_start3A_400 = tpu.memref_slice %arg13[%run_scoped3A_368, %dma_start3A_398, %dma_start3A_399] : memref<4x16x256xi32, #tpu.memory_space<vmem_shared>> -> memref<1x16x256xi32, #tpu.memory_space<vmem_shared>>
        %dma_start3A_401 = tpu.memref_squeeze %dma_start3A_400 : memref<1x16x256xi32, #tpu.memory_space<vmem_shared>> -> memref<16x256xi32, #tpu.memory_space<vmem_shared>>
        tpu.enqueue_dma source(%dma_start3A_401 : memref<16x256xi32, #tpu.memory_space<vmem_shared>>) target(%arg8 : memref<16x256xi32, #tpu.memory_space<vmem>>) target_semaphore(%run_scoped3A_394 : memref<!tpu.dma_semaphore, #tpu.memory_space<semaphore_mem>>)
        %dma_wait3A = arith.constant 0 : i32
        %dma_wait3A_402 = arith.constant 0 : i32
        %dma_wait3A_403 = tpu.memref_slice %arg13[%run_scoped3A_368, %dma_wait3A, %dma_wait3A_402] : memref<4x16x256xi32, #tpu.memory_space<vmem_shared>> -> memref<1x16x256xi32, #tpu.memory_space<vmem_shared>>
        %dma_wait3A_404 = tpu.memref_squeeze %dma_wait3A_403 : memref<1x16x256xi32, #tpu.memory_space<vmem_shared>> -> memref<16x256xi32, #tpu.memory_space<vmem_shared>>
        %dma_wait3A_405 = arith.constant 0 : i32
        %dma_wait3A_406 = arith.constant 0 : i32
        %dma_wait3A_407 = tpu.memref_slice %arg13[%run_scoped3A_368, %dma_wait3A_405, %dma_wait3A_406] : memref<4x16x256xi32, #tpu.memory_space<vmem_shared>> -> memref<1x16x256xi32, #tpu.memory_space<vmem_shared>>
        %dma_wait3A_408 = tpu.memref_squeeze %dma_wait3A_407 : memref<1x16x256xi32, #tpu.memory_space<vmem_shared>> -> memref<16x256xi32, #tpu.memory_space<vmem_shared>>
        tpu.wait_dma2 semaphore(%run_scoped3A_394 : memref<!tpu.dma_semaphore, #tpu.memory_space<semaphore_mem>>) src(%dma_wait3A_408 : memref<16x256xi32, #tpu.memory_space<vmem_shared>>) dst(%arg8 : memref<16x256xi32, #tpu.memory_space<vmem>>)
        tpu.yield
      }) : () -> ()
      %scan3A = arith.constant 0 : i32
      %scan3A_369 = arith.constant -1 : i32
      %scan3A_370 = arith.constant 0 : i32
      %scan3A_371 = arith.constant 0 : i32
      %scan3A_372 = arith.constant 16 : i32
      %scan3A_373 = arith.addi %scan3A_371, %scan3A_372 : i32
      %scan3A_374 = arith.constant 1 : i32
      %scan3A_375:3 = scf.for %scan3A_394 = %scan3A_371 to %scan3A_373 step %scan3A_374 iter_args(%scan3A_395 = %scan3A, %scan3A_396 = %scan3A_369, %scan3A_397 = %scan3A_370) -> (i32, i32, i32)  : i32 {
        %mul3A_398 = arith.constant 16 : i32
        %mul3A_399 = arith.muli %scan3A_394, %mul3A_398 : i32
        %get3A_400 = arith.constant 0 : i32
        %get3A_401 = arith.index_cast %get3A_400 : i32 to index
        %get3A_402 = arith.index_cast %mul3A_399 : i32 to index
        %get3A_403 = tpu.vector_load %arg8[%get3A_401, %get3A_402] {strides = array<i32>} : memref<16x256xi32, #tpu.memory_space<vmem>>, vector<16xi32>,
        %add3A_404 = arith.addi %broadcast_in_dim3A_1, %get3A_403 : vector<16xi32>
        %mul3A_405 = arith.constant 16 : i32
        %mul3A_406 = arith.muli %scan3A_394, %mul3A_405 : i32
        %get3A_407 = arith.constant 1 : i32
        %get3A_408 = arith.index_cast %get3A_407 : i32 to index
        %get3A_409 = arith.index_cast %mul3A_406 : i32 to index
        %get3A_410 = tpu.vector_load %arg8[%get3A_408, %get3A_409] {strides = array<i32>} : memref<16x256xi32, #tpu.memory_space<vmem>>, vector<16xi32>,
        %add3A_411 = arith.addi %add3A_404, %get3A_410 : vector<16xi32>
        %mul3A_412 = arith.constant 16 : i32
        %mul3A_413 = arith.muli %scan3A_394, %mul3A_412 : i32
        %get3A_414 = arith.constant 2 : i32
        %get3A_415 = arith.index_cast %get3A_414 : i32 to index
        %get3A_416 = arith.index_cast %mul3A_413 : i32 to index
        %get3A_417 = tpu.vector_load %arg8[%get3A_415, %get3A_416] {strides = array<i32>} : memref<16x256xi32, #tpu.memory_space<vmem>>, vector<16xi32>,
        %add3A_418 = arith.addi %add3A_411, %get3A_417 : vector<16xi32>
        %mul3A_419 = arith.constant 16 : i32
        %mul3A_420 = arith.muli %scan3A_394, %mul3A_419 : i32
        %get3A_421 = arith.constant 3 : i32
        %get3A_422 = arith.index_cast %get3A_421 : i32 to index
        %get3A_423 = arith.index_cast %mul3A_420 : i32 to index
        %get3A_424 = tpu.vector_load %arg8[%get3A_422, %get3A_423] {strides = array<i32>} : memref<16x256xi32, #tpu.memory_space<vmem>>, vector<16xi32>,
        %add3A_425 = arith.addi %add3A_418, %get3A_424 : vector<16xi32>
        %mul3A_426 = arith.constant 16 : i32
        %mul3A_427 = arith.muli %scan3A_394, %mul3A_426 : i32
        %get3A_428 = arith.constant 4 : i32
        %get3A_429 = arith.index_cast %get3A_428 : i32 to index
        %get3A_430 = arith.index_cast %mul3A_427 : i32 to index
        %get3A_431 = tpu.vector_load %arg8[%get3A_429, %get3A_430] {strides = array<i32>} : memref<16x256xi32, #tpu.memory_space<vmem>>, vector<16xi32>,
        %add3A_432 = arith.addi %add3A_425, %get3A_431 : vector<16xi32>
        %mul3A_433 = arith.constant 16 : i32
        %mul3A_434 = arith.muli %scan3A_394, %mul3A_433 : i32
        %get3A_435 = arith.constant 5 : i32
        %get3A_436 = arith.index_cast %get3A_435 : i32 to index
        %get3A_437 = arith.index_cast %mul3A_434 : i32 to index
        %get3A_438 = tpu.vector_load %arg8[%get3A_436, %get3A_437] {strides = array<i32>} : memref<16x256xi32, #tpu.memory_space<vmem>>, vector<16xi32>,
        %add3A_439 = arith.addi %add3A_432, %get3A_438 : vector<16xi32>
        %mul3A_440 = arith.constant 16 : i32
        %mul3A_441 = arith.muli %scan3A_394, %mul3A_440 : i32
        %get3A_442 = arith.constant 6 : i32
        %get3A_443 = arith.index_cast %get3A_442 : i32 to index
        %get3A_444 = arith.index_cast %mul3A_441 : i32 to index
        %get3A_445 = tpu.vector_load %arg8[%get3A_443, %get3A_444] {strides = array<i32>} : memref<16x256xi32, #tpu.memory_space<vmem>>, vector<16xi32>,
        %add3A_446 = arith.addi %add3A_439, %get3A_445 : vector<16xi32>
        %mul3A_447 = arith.constant 16 : i32
        %mul3A_448 = arith.muli %scan3A_394, %mul3A_447 : i32
        %get3A_449 = arith.constant 7 : i32
        %get3A_450 = arith.index_cast %get3A_449 : i32 to index
        %get3A_451 = arith.index_cast %mul3A_448 : i32 to index
        %get3A_452 = tpu.vector_load %arg8[%get3A_450, %get3A_451] {strides = array<i32>} : memref<16x256xi32, #tpu.memory_space<vmem>>, vector<16xi32>,
        %add3A_453 = arith.addi %add3A_446, %get3A_452 : vector<16xi32>
        %mul3A_454 = arith.constant 16 : i32
        %mul3A_455 = arith.muli %scan3A_394, %mul3A_454 : i32
        %get3A_456 = arith.constant 8 : i32
        %get3A_457 = arith.index_cast %get3A_456 : i32 to index
        %get3A_458 = arith.index_cast %mul3A_455 : i32 to index
        %get3A_459 = tpu.vector_load %arg8[%get3A_457, %get3A_458] {strides = array<i32>} : memref<16x256xi32, #tpu.memory_space<vmem>>, vector<16xi32>,
        %add3A_460 = arith.addi %add3A_453, %get3A_459 : vector<16xi32>
        %mul3A_461 = arith.constant 16 : i32
        %mul3A_462 = arith.muli %scan3A_394, %mul3A_461 : i32
        %get3A_463 = arith.constant 9 : i32
        %get3A_464 = arith.index_cast %get3A_463 : i32 to index
        %get3A_465 = arith.index_cast %mul3A_462 : i32 to index
        %get3A_466 = tpu.vector_load %arg8[%get3A_464, %get3A_465] {strides = array<i32>} : memref<16x256xi32, #tpu.memory_space<vmem>>, vector<16xi32>,
        %add3A_467 = arith.addi %add3A_460, %get3A_466 : vector<16xi32>
        %mul3A_468 = arith.constant 16 : i32
        %mul3A_469 = arith.muli %scan3A_394, %mul3A_468 : i32
        %get3A_470 = arith.constant 10 : i32
        %get3A_471 = arith.index_cast %get3A_470 : i32 to index
        %get3A_472 = arith.index_cast %mul3A_469 : i32 to index
        %get3A_473 = tpu.vector_load %arg8[%get3A_471, %get3A_472] {strides = array<i32>} : memref<16x256xi32, #tpu.memory_space<vmem>>, vector<16xi32>,
        %add3A_474 = arith.addi %add3A_467, %get3A_473 : vector<16xi32>
        %mul3A_475 = arith.constant 16 : i32
        %mul3A_476 = arith.muli %scan3A_394, %mul3A_475 : i32
        %get3A_477 = arith.constant 11 : i32
        %get3A_478 = arith.index_cast %get3A_477 : i32 to index
        %get3A_479 = arith.index_cast %mul3A_476 : i32 to index
        %get3A_480 = tpu.vector_load %arg8[%get3A_478, %get3A_479] {strides = array<i32>} : memref<16x256xi32, #tpu.memory_space<vmem>>, vector<16xi32>,
        %add3A_481 = arith.addi %add3A_474, %get3A_480 : vector<16xi32>
        %mul3A_482 = arith.constant 16 : i32
        %mul3A_483 = arith.muli %scan3A_394, %mul3A_482 : i32
        %get3A_484 = arith.constant 12 : i32
        %get3A_485 = arith.index_cast %get3A_484 : i32 to index
        %get3A_486 = arith.index_cast %mul3A_483 : i32 to index
        %get3A_487 = tpu.vector_load %arg8[%get3A_485, %get3A_486] {strides = array<i32>} : memref<16x256xi32, #tpu.memory_space<vmem>>, vector<16xi32>,
        %add3A_488 = arith.addi %add3A_481, %get3A_487 : vector<16xi32>
        %mul3A_489 = arith.constant 16 : i32
        %mul3A_490 = arith.muli %scan3A_394, %mul3A_489 : i32
        %get3A_491 = arith.constant 13 : i32
        %get3A_492 = arith.index_cast %get3A_491 : i32 to index
        %get3A_493 = arith.index_cast %mul3A_490 : i32 to index
        %get3A_494 = tpu.vector_load %arg8[%get3A_492, %get3A_493] {strides = array<i32>} : memref<16x256xi32, #tpu.memory_space<vmem>>, vector<16xi32>,
        %add3A_495 = arith.addi %add3A_488, %get3A_494 : vector<16xi32>
        %mul3A_496 = arith.constant 16 : i32
        %mul3A_497 = arith.muli %scan3A_394, %mul3A_496 : i32
        %get3A_498 = arith.constant 14 : i32
        %get3A_499 = arith.index_cast %get3A_498 : i32 to index
        %get3A_500 = arith.index_cast %mul3A_497 : i32 to index
        %get3A_501 = tpu.vector_load %arg8[%get3A_499, %get3A_500] {strides = array<i32>} : memref<16x256xi32, #tpu.memory_space<vmem>>, vector<16xi32>,
        %add3A_502 = arith.addi %add3A_495, %get3A_501 : vector<16xi32>
        %mul3A_503 = arith.constant 16 : i32
        %mul3A_504 = arith.muli %scan3A_394, %mul3A_503 : i32
        %get3A_505 = arith.constant 15 : i32
        %get3A_506 = arith.index_cast %get3A_505 : i32 to index
        %get3A_507 = arith.index_cast %mul3A_504 : i32 to index
        %get3A_508 = tpu.vector_load %arg8[%get3A_506, %get3A_507] {strides = array<i32>} : memref<16x256xi32, #tpu.memory_space<vmem>>, vector<16xi32>,
        %add3A_509 = arith.addi %add3A_502, %get3A_508 : vector<16xi32>
        %broadcast_in_dim3A_510 = arith.constant true
        %broadcast_in_dim3A_511 = vector.broadcast %broadcast_in_dim3A_510 : i1 to vector<16xi1>
        %masked_cumsum3A = tpu.scan <sum>, %add3A_509 masked %broadcast_in_dim3A_511 : vector<16xi32>, vector<16xi1> -> vector<16xi32>
        %reduce_sum3A_512 = arith.constant true
        %reduce_sum3A_513 = vector.broadcast %reduce_sum3A_512 : i1 to vector<16xi1>
        %reduce_sum3A_514 = tpu.scan <sum>, %add3A_509 masked %reduce_sum3A_513 : vector<16xi32>, vector<16xi1> -> vector<16xi32>
        %reduce_sum3A_515 = vector.extract %reduce_sum3A_514[15] : i32 from vector<16xi32>
        %add3A_516 = vector.broadcast %scan3A_395 : i32 to vector<16xi32>
        %add3A_517 = arith.addi %add3A_516, %masked_cumsum3A : vector<16xi32>
        %ge3A = vector.broadcast %cond3A : i32 to vector<16xi32>
        %ge3A_518 = arith.cmpi sge, %add3A_517, %ge3A : vector<16xi32>
        %all_reduce_ffs3A = tpu.all_reduce %ge3A_518 {dim = 0 : i64, kind = #tpu.reduction_kind<find_first_set>} : vector<16xi1> -> vector<16xi32>
        %reduce_max3A = arith.constant true
        %reduce_max3A_519 = vector.broadcast %reduce_max3A : i1 to vector<16xi1>
        %reduce_max3A_520 = arith.constant -2147483648 : i32
        %reduce_max3A_521 = vector.broadcast %reduce_max3A_520 : i32 to vector<16xi32>
        %reduce_max3A_522 = arith.xori %all_reduce_ffs3A, %reduce_max3A_521 : vector<16xi32>
        %reduce_max3A_523 = tpu.scan <max>, %reduce_max3A_522 masked %reduce_max3A_519 : vector<16xi32>, vector<16xi1> -> vector<16xi32>
        %reduce_max3A_524 = arith.xori %reduce_max3A_523, %reduce_max3A_521 : vector<16xi32>
        %reduce_max3A_525 = vector.extract %reduce_max3A_524[15] : i32 from vector<16xi32>
        %lt3A = arith.constant 0 : i32
        %lt3A_526 = arith.cmpi slt, %scan3A_396, %lt3A : i32
        %lt3A_527 = arith.constant 16 : i32
        %lt3A_528 = arith.cmpi slt, %reduce_max3A_525, %lt3A_527 : i32
        %and3A_529 = arith.andi %lt3A_526, %lt3A_528 : i1
        %lt3A_530 = vector.broadcast %reduce_max3A_525 : i32 to vector<16xi32>
        %lt3A_531 = arith.cmpi slt, %iota3A, %lt3A_530 : vector<16xi32>
        %jit3A_532 = arith.constant 0 : i32
        %broadcast_in_dim3A_533 = vector.broadcast %jit3A_532 : i32 to vector<16xi32>
        %select_n3A_534 = arith.select %lt3A_531, %add3A_509, %broadcast_in_dim3A_533 : vector<16xi1>, vector<16xi32>
        %reduce_sum3A_535 = arith.constant true
        %reduce_sum3A_536 = vector.broadcast %reduce_sum3A_535 : i1 to vector<16xi1>
        %reduce_sum3A_537 = tpu.scan <sum>, %select_n3A_534 masked %reduce_sum3A_536 : vector<16xi32>, vector<16xi1> -> vector<16xi32>
        %reduce_sum3A_538 = vector.extract %reduce_sum3A_537[15] : i32 from vector<16xi32>
        %mul3A_539 = arith.constant 16 : i32
        %mul3A_540 = arith.muli %scan3A_394, %mul3A_539 : i32
        %add3A_541 = arith.addi %mul3A_540, %reduce_max3A_525 : i32
        %select_n3A_542 = arith.select %and3A_529, %add3A_541, %scan3A_396 : i32
        %add3A_543 = arith.addi %scan3A_395, %reduce_sum3A_538 : i32
        %select_n3A_544 = arith.select %and3A_529, %add3A_543, %scan3A_397 : i32
        %add3A_545 = arith.addi %scan3A_395, %reduce_sum3A_515 : i32
        scf.yield %add3A_545, %select_n3A_542, %select_n3A_544 : i32, i32, i32
      }
      %scan3A_376 = arith.constant 16 : i32
      %eq3A_377 = arith.constant 0 : i32
      %eq3A_378 = vector.broadcast %eq3A_377 : i32 to vector<16xi32>
      %eq3A_379 = arith.cmpi eq, %iota3A, %eq3A_378 : vector<16xi32>
      %mul3A_380 = arith.constant 256 : i32
      %mul3A_381 = arith.muli %cond3A_63, %mul3A_380 : i32
      %add3A = arith.addi %mul3A_381, %scan3A_375#1 : i32
      %eq3A_382 = arith.constant 1 : i32
      %eq3A_383 = vector.broadcast %eq3A_382 : i32 to vector<16xi32>
      %eq3A_384 = arith.cmpi eq, %iota3A, %eq3A_383 : vector<16xi32>
      %sub3A = arith.subi %cond3A, %scan3A_375#2 : i32
      %jit3A_385 = arith.constant 0 : i32
      %broadcast_in_dim3A_386 = vector.broadcast %sub3A : i32 to vector<16xi32>
      %broadcast_in_dim3A_387 = vector.broadcast %jit3A_385 : i32 to vector<16xi32>
      %select_n3A_388 = arith.select %eq3A_384, %broadcast_in_dim3A_386, %broadcast_in_dim3A_387 : vector<16xi1>, vector<16xi32>
      %broadcast_in_dim3A_389 = vector.broadcast %add3A : i32 to vector<16xi32>
      %select_n3A_390 = arith.select %eq3A_379, %broadcast_in_dim3A_389, %select_n3A_388 : vector<16xi1>, vector<16xi32>
      %swap3A_391 = arith.constant 0 : index
      %swap3A_392 = tpu.vector_load %arg9[%swap3A_391] {strides = array<i32>} : memref<16xi32, #tpu.memory_space<vmem>>, vector<16xi32>,
      tpu.vector_store %arg9[%swap3A_391], %select_n3A_390 {strides = array<i32>} : memref<16xi32, #tpu.memory_space<vmem>>, vector<16xi32>,
      %run_scoped3A_393 = arith.constant 0 : i32
      "tpu.region"() ({
        %run_scoped3A_394 = tpu.sem_alloc : memref<!tpu.dma_semaphore, #tpu.memory_space<semaphore_mem>>
        %dma_start3A = arith.constant 0 : i32
        %dma_start3A_395 = tpu.memref_slice %arg14[%run_scoped3A_393, %dma_start3A] : memref<4x16xi32, #tpu.memory_space<vmem_shared>> -> memref<1x16xi32, #tpu.memory_space<vmem_shared>>
        %dma_start3A_396 = tpu.memref_squeeze %dma_start3A_395 : memref<1x16xi32, #tpu.memory_space<vmem_shared>> -> memref<16xi32, #tpu.memory_space<vmem_shared>>
        %dma_start3A_397 = arith.constant 0 : i32
        %dma_start3A_398 = tpu.memref_slice %arg14[%run_scoped3A_393, %dma_start3A_397] : memref<4x16xi32, #tpu.memory_space<vmem_shared>> -> memref<1x16xi32, #tpu.memory_space<vmem_shared>>
        %dma_start3A_399 = tpu.memref_squeeze %dma_start3A_398 : memref<1x16xi32, #tpu.memory_space<vmem_shared>> -> memref<16xi32, #tpu.memory_space<vmem_shared>>
        tpu.enqueue_dma source(%arg9 : memref<16xi32, #tpu.memory_space<vmem>>) target(%dma_start3A_399 : memref<16xi32, #tpu.memory_space<vmem_shared>>) target_semaphore(%run_scoped3A_394 : memref<!tpu.dma_semaphore, #tpu.memory_space<semaphore_mem>>)
        %dma_wait3A = arith.constant 0 : i32
        %dma_wait3A_400 = tpu.memref_slice %arg14[%run_scoped3A_393, %dma_wait3A] : memref<4x16xi32, #tpu.memory_space<vmem_shared>> -> memref<1x16xi32, #tpu.memory_space<vmem_shared>>
        %dma_wait3A_401 = tpu.memref_squeeze %dma_wait3A_400 : memref<1x16xi32, #tpu.memory_space<vmem_shared>> -> memref<16xi32, #tpu.memory_space<vmem_shared>>
        %dma_wait3A_402 = arith.constant 0 : i32
        %dma_wait3A_403 = tpu.memref_slice %arg14[%run_scoped3A_393, %dma_wait3A_402] : memref<4x16xi32, #tpu.memory_space<vmem_shared>> -> memref<1x16xi32, #tpu.memory_space<vmem_shared>>
        %dma_wait3A_404 = tpu.memref_squeeze %dma_wait3A_403 : memref<1x16xi32, #tpu.memory_space<vmem_shared>> -> memref<16xi32, #tpu.memory_space<vmem_shared>>
        tpu.wait_dma2 semaphore(%run_scoped3A_394 : memref<!tpu.dma_semaphore, #tpu.memory_space<semaphore_mem>>) src(%arg9 : memref<16xi32, #tpu.memory_space<vmem>>) dst(%dma_wait3A_404 : memref<16xi32, #tpu.memory_space<vmem_shared>>)
        tpu.yield
      }) : () -> ()
    } else {
    }
    %barrier3A_66 = arith.constant 0 : index
    tpu.barrier barrier_id(%barrier3A_66)
    %run_scoped3A_67 = arith.constant 0 : i32
    "tpu.region"() ({
      %run_scoped3A_368 = tpu.sem_alloc : memref<!tpu.dma_semaphore, #tpu.memory_space<semaphore_mem>>
      %dma_start3A = arith.constant 0 : i32
      %dma_start3A_369 = tpu.memref_slice %arg14[%run_scoped3A_67, %dma_start3A] : memref<4x16xi32, #tpu.memory_space<vmem_shared>> -> memref<1x16xi32, #tpu.memory_space<vmem_shared>>
      %dma_start3A_370 = tpu.memref_squeeze %dma_start3A_369 : memref<1x16xi32, #tpu.memory_space<vmem_shared>> -> memref<16xi32, #tpu.memory_space<vmem_shared>>
      %dma_start3A_371 = arith.constant 0 : i32
      %dma_start3A_372 = tpu.memref_slice %arg14[%run_scoped3A_67, %dma_start3A_371] : memref<4x16xi32, #tpu.memory_space<vmem_shared>> -> memref<1x16xi32, #tpu.memory_space<vmem_shared>>
      %dma_start3A_373 = tpu.memref_squeeze %dma_start3A_372 : memref<1x16xi32, #tpu.memory_space<vmem_shared>> -> memref<16xi32, #tpu.memory_space<vmem_shared>>
      tpu.enqueue_dma source(%dma_start3A_373 : memref<16xi32, #tpu.memory_space<vmem_shared>>) target(%arg9 : memref<16xi32, #tpu.memory_space<vmem>>) target_semaphore(%run_scoped3A_368 : memref<!tpu.dma_semaphore, #tpu.memory_space<semaphore_mem>>)
      %dma_wait3A = arith.constant 0 : i32
      %dma_wait3A_374 = tpu.memref_slice %arg14[%run_scoped3A_67, %dma_wait3A] : memref<4x16xi32, #tpu.memory_space<vmem_shared>> -> memref<1x16xi32, #tpu.memory_space<vmem_shared>>
      %dma_wait3A_375 = tpu.memref_squeeze %dma_wait3A_374 : memref<1x16xi32, #tpu.memory_space<vmem_shared>> -> memref<16xi32, #tpu.memory_space<vmem_shared>>
      %dma_wait3A_376 = arith.constant 0 : i32
      %dma_wait3A_377 = tpu.memref_slice %arg14[%run_scoped3A_67, %dma_wait3A_376] : memref<4x16xi32, #tpu.memory_space<vmem_shared>> -> memref<1x16xi32, #tpu.memory_space<vmem_shared>>
      %dma_wait3A_378 = tpu.memref_squeeze %dma_wait3A_377 : memref<1x16xi32, #tpu.memory_space<vmem_shared>> -> memref<16xi32, #tpu.memory_space<vmem_shared>>
      tpu.wait_dma2 semaphore(%run_scoped3A_368 : memref<!tpu.dma_semaphore, #tpu.memory_space<semaphore_mem>>) src(%dma_wait3A_378 : memref<16xi32, #tpu.memory_space<vmem_shared>>) dst(%arg9 : memref<16xi32, #tpu.memory_space<vmem>>)
      tpu.yield
    }) : () -> ()
    %get3A = arith.constant 0 : index
    %get3A_68 = tpu.vector_load %arg9[%get3A] {strides = array<i32>} : memref<16xi32, #tpu.memory_space<vmem>>, vector<16xi32>,
    %eq3A_69 = arith.constant 0 : i32
    %eq3A_70 = vector.broadcast %eq3A_69 : i32 to vector<16xi32>
    %eq3A_71 = arith.cmpi eq, %iota3A, %eq3A_70 : vector<16xi32>
    %jit3A_72 = arith.constant 0 : i32
    %broadcast_in_dim3A_73 = vector.broadcast %jit3A_72 : i32 to vector<16xi32>
    %select_n3A_74 = arith.select %eq3A_71, %get3A_68, %broadcast_in_dim3A_73 : vector<16xi1>, vector<16xi32>
    %reduce_sum3A = arith.constant true
    %reduce_sum3A_75 = vector.broadcast %reduce_sum3A : i1 to vector<16xi1>
    %reduce_sum3A_76 = tpu.scan <sum>, %select_n3A_74 masked %reduce_sum3A_75 : vector<16xi32>, vector<16xi1> -> vector<16xi32>
    %reduce_sum3A_77 = vector.extract %reduce_sum3A_76[15] : i32 from vector<16xi32>
    %eq3A_78 = arith.constant 1 : i32
    %eq3A_79 = vector.broadcast %eq3A_78 : i32 to vector<16xi32>
    %eq3A_80 = arith.cmpi eq, %iota3A, %eq3A_79 : vector<16xi32>
    %jit3A_81 = arith.constant 0 : i32
    %broadcast_in_dim3A_82 = vector.broadcast %jit3A_81 : i32 to vector<16xi32>
    %select_n3A_83 = arith.select %eq3A_80, %get3A_68, %broadcast_in_dim3A_82 : vector<16xi1>, vector<16xi32>
    %reduce_sum3A_84 = arith.constant true
    %reduce_sum3A_85 = vector.broadcast %reduce_sum3A_84 : i1 to vector<16xi1>
    %reduce_sum3A_86 = tpu.scan <sum>, %select_n3A_83 masked %reduce_sum3A_85 : vector<16xi32>, vector<16xi1> -> vector<16xi32>
    %reduce_sum3A_87 = vector.extract %reduce_sum3A_86[15] : i32 from vector<16xi32>
    %jit3A_88 = arith.constant 256 : i32
    %jit3A_89 = arith.constant 0 : i32
    %select_n3A_90 = arith.select %eq3A_0, %jit3A_88, %jit3A_89 : i32
    %while3A_91 = arith.constant 0 : i32
    %while3A_92 = arith.constant 0 : i32
    %while3A_93 = arith.subi %select_n3A_90, %while3A_92 : i32
    %while3A_94 = arith.addi %while3A_92, %while3A_93 : i32
    %while3A_95 = arith.constant 1 : i32
    %while3A_96 = arith.divsi %while3A_93, %while3A_95 : i32
    %while3A_97 = arith.muli %while3A_96, %while3A_95 : i32
    %while3A_98 = arith.addi %while3A_92, %while3A_97 : i32
    %while3A_99 = arith.constant 1 : i32
    scf.for %while3A_368 = %while3A_92 to %while3A_98 step %while3A_99  : i32 {
      %mul3A_369 = arith.constant 16 : i32
      %mul3A_370 = arith.muli %while3A_368, %mul3A_369 : i32
      %swap3A_371 = arith.index_cast %mul3A_370 : i32 to index
      %swap3A_372 = tpu.vector_load %arg6[%swap3A_371] {strides = array<i32>} : memref<4096xi32, #tpu.memory_space<vmem>>, vector<16xi32>,
      tpu.vector_store %arg6[%swap3A_371], %broadcast_in_dim3A_1 {strides = array<i32>} : memref<4096xi32, #tpu.memory_space<vmem>>, vector<16xi32>,
    }
    %while3A_100 = arith.constant 1 : i32
    scf.for %while3A_368 = %while3A_98 to %while3A_94 step %while3A_100  : i32 {
      %mul3A_369 = arith.constant 16 : i32
      %mul3A_370 = arith.muli %while3A_368, %mul3A_369 : i32
      %swap3A_371 = arith.index_cast %mul3A_370 : i32 to index
      %swap3A_372 = tpu.vector_load %arg6[%swap3A_371] {strides = array<i32>} : memref<4096xi32, #tpu.memory_space<vmem>>, vector<16xi32>,
      tpu.vector_store %arg6[%swap3A_371], %broadcast_in_dim3A_1 {strides = array<i32>} : memref<4096xi32, #tpu.memory_space<vmem>>, vector<16xi32>,
    }
    %mul3A_101 = arith.constant 256 : i32
    %mul3A_102 = vector.broadcast %mul3A_101 : i32 to vector<16xi32>
    %mul3A_103 = arith.muli %iota3A, %mul3A_102 : vector<16xi32>
    %broadcast_in_dim3A_104 = arith.constant 16 : i32
    %broadcast_in_dim3A_105 = vector.broadcast %broadcast_in_dim3A_104 : i32 to vector<16xi32>
    %broadcast_in_dim3A_106 = arith.constant 24 : i32
    %broadcast_in_dim3A_107 = vector.broadcast %broadcast_in_dim3A_106 : i32 to vector<16xi32>
    %jit3A_108 = arith.constant 64 : i32
    %jit3A_109 = arith.constant 0 : i32
    %select_n3A_110 = arith.select %eq3A_0, %jit3A_108, %jit3A_109 : i32
    %while3A_111 = arith.constant 0 : i32
    %while3A_112 = arith.constant 0 : i32
    %while3A_113 = arith.subi %select_n3A_110, %while3A_112 : i32
    %while3A_114 = arith.addi %while3A_112, %while3A_113 : i32
    %while3A_115 = arith.constant 1 : i32
    %while3A_116 = arith.divsi %while3A_113, %while3A_115 : i32
    %while3A_117 = arith.muli %while3A_116, %while3A_115 : i32
    %while3A_118 = arith.addi %while3A_112, %while3A_117 : i32
    %while3A_119 = arith.constant 1 : i32
    scf.for %while3A_368 = %while3A_112 to %while3A_118 step %while3A_119  : i32 {
      %mul3A_369 = arith.constant 16 : i32
      %mul3A_370 = arith.muli %while3A_368, %mul3A_369 : i32
      %get3A_371 = arith.index_cast %mul3A_370 : i32 to index
      %get3A_372 = tpu.vector_load %arg5[%get3A_371] {strides = array<i32>} : memref<1024xi32, #tpu.memory_space<vmem>>, vector<16xi32>,
      %shift_right_logical3A = arith.shrui %get3A_372, %broadcast_in_dim3A_105 : vector<16xi32>
      %and3A_373 = arith.constant 255 : i32
      %and3A_374 = vector.broadcast %and3A_373 : i32 to vector<16xi32>
      %and3A_375 = arith.andi %shift_right_logical3A, %and3A_374 : vector<16xi32>
      %shift_right_logical3A_376 = arith.shrui %get3A_372, %broadcast_in_dim3A_107 : vector<16xi32>
      %eq3A_377 = vector.broadcast %reduce_sum3A_77 : i32 to vector<16xi32>
      %eq3A_378 = arith.cmpi eq, %shift_right_logical3A_376, %eq3A_377 : vector<16xi32>
      %add3A = arith.addi %mul3A_103, %and3A_375 : vector<16xi32>
      tpu.vector_store_idx %arg6[%add3A], %broadcast_in_dim3A_3 masked %eq3A_378 {add = true} : memref<4096xi32, #tpu.memory_space<vmem>>[vector<16xi32>], vector<16xi32>, vector<16xi1>
    }
    %while3A_120 = arith.constant 1 : i32
    scf.for %while3A_368 = %while3A_118 to %while3A_114 step %while3A_120  : i32 {
      %mul3A_369 = arith.constant 16 : i32
      %mul3A_370 = arith.muli %while3A_368, %mul3A_369 : i32
      %get3A_371 = arith.index_cast %mul3A_370 : i32 to index
      %get3A_372 = tpu.vector_load %arg5[%get3A_371] {strides = array<i32>} : memref<1024xi32, #tpu.memory_space<vmem>>, vector<16xi32>,
      %shift_right_logical3A = arith.shrui %get3A_372, %broadcast_in_dim3A_105 : vector<16xi32>
      %and3A_373 = arith.constant 255 : i32
      %and3A_374 = vector.broadcast %and3A_373 : i32 to vector<16xi32>
      %and3A_375 = arith.andi %shift_right_logical3A, %and3A_374 : vector<16xi32>
      %shift_right_logical3A_376 = arith.shrui %get3A_372, %broadcast_in_dim3A_107 : vector<16xi32>
      %eq3A_377 = vector.broadcast %reduce_sum3A_77 : i32 to vector<16xi32>
      %eq3A_378 = arith.cmpi eq, %shift_right_logical3A_376, %eq3A_377 : vector<16xi32>
      %add3A = arith.addi %mul3A_103, %and3A_375 : vector<16xi32>
      tpu.vector_store_idx %arg6[%add3A], %broadcast_in_dim3A_3 masked %eq3A_378 {add = true} : memref<4096xi32, #tpu.memory_space<vmem>>[vector<16xi32>], vector<16xi32>, vector<16xi1>
    }
    %jit3A_121 = arith.constant 16 : i32
    %jit3A_122 = arith.constant 0 : i32
    %select_n3A_123 = arith.select %eq3A_0, %jit3A_121, %jit3A_122 : i32
    %while3A_124 = arith.constant 0 : i32
    %while3A_125 = arith.constant 0 : i32
    %while3A_126 = arith.subi %select_n3A_123, %while3A_125 : i32
    %while3A_127 = arith.addi %while3A_125, %while3A_126 : i32
    %while3A_128 = arith.constant 1 : i32
    %while3A_129 = arith.divsi %while3A_126, %while3A_128 : i32
    %while3A_130 = arith.muli %while3A_129, %while3A_128 : i32
    %while3A_131 = arith.addi %while3A_125, %while3A_130 : i32
    %while3A_132 = arith.constant 1 : i32
    scf.for %while3A_368 = %while3A_125 to %while3A_131 step %while3A_132  : i32 {
      %mul3A_369 = arith.constant 16 : i32
      %mul3A_370 = arith.muli %while3A_368, %mul3A_369 : i32
      %add3A = arith.constant 0 : i32
      %add3A_371 = arith.addi %add3A, %mul3A_370 : i32
      %get3A_372 = arith.index_cast %add3A_371 : i32 to index
      %get3A_373 = tpu.vector_load %arg6[%get3A_372] {strides = array<i32>} : memref<4096xi32, #tpu.memory_space<vmem>>, vector<16xi32>,
      %add3A_374 = arith.addi %broadcast_in_dim3A_1, %get3A_373 : vector<16xi32>
      %mul3A_375 = arith.constant 16 : i32
      %mul3A_376 = arith.muli %while3A_368, %mul3A_375 : i32
      %add3A_377 = arith.constant 256 : i32
      %add3A_378 = arith.addi %add3A_377, %mul3A_376 : i32
      %get3A_379 = arith.index_cast %add3A_378 : i32 to index
      %get3A_380 = tpu.vector_load %arg6[%get3A_379] {strides = array<i32>} : memref<4096xi32, #tpu.memory_space<vmem>>, vector<16xi32>,
      %add3A_381 = arith.addi %add3A_374, %get3A_380 : vector<16xi32>
      %mul3A_382 = arith.constant 16 : i32
      %mul3A_383 = arith.muli %while3A_368, %mul3A_382 : i32
      %add3A_384 = arith.constant 512 : i32
      %add3A_385 = arith.addi %add3A_384, %mul3A_383 : i32
      %get3A_386 = arith.index_cast %add3A_385 : i32 to index
      %get3A_387 = tpu.vector_load %arg6[%get3A_386] {strides = array<i32>} : memref<4096xi32, #tpu.memory_space<vmem>>, vector<16xi32>,
      %add3A_388 = arith.addi %add3A_381, %get3A_387 : vector<16xi32>
      %mul3A_389 = arith.constant 16 : i32
      %mul3A_390 = arith.muli %while3A_368, %mul3A_389 : i32
      %add3A_391 = arith.constant 768 : i32
      %add3A_392 = arith.addi %add3A_391, %mul3A_390 : i32
      %get3A_393 = arith.index_cast %add3A_392 : i32 to index
      %get3A_394 = tpu.vector_load %arg6[%get3A_393] {strides = array<i32>} : memref<4096xi32, #tpu.memory_space<vmem>>, vector<16xi32>,
      %add3A_395 = arith.addi %add3A_388, %get3A_394 : vector<16xi32>
      %mul3A_396 = arith.constant 16 : i32
      %mul3A_397 = arith.muli %while3A_368, %mul3A_396 : i32
      %add3A_398 = arith.constant 1024 : i32
      %add3A_399 = arith.addi %add3A_398, %mul3A_397 : i32
      %get3A_400 = arith.index_cast %add3A_399 : i32 to index
      %get3A_401 = tpu.vector_load %arg6[%get3A_400] {strides = array<i32>} : memref<4096xi32, #tpu.memory_space<vmem>>, vector<16xi32>,
      %add3A_402 = arith.addi %add3A_395, %get3A_401 : vector<16xi32>
      %mul3A_403 = arith.constant 16 : i32
      %mul3A_404 = arith.muli %while3A_368, %mul3A_403 : i32
      %add3A_405 = arith.constant 1280 : i32
      %add3A_406 = arith.addi %add3A_405, %mul3A_404 : i32
      %get3A_407 = arith.index_cast %add3A_406 : i32 to index
      %get3A_408 = tpu.vector_load %arg6[%get3A_407] {strides = array<i32>} : memref<4096xi32, #tpu.memory_space<vmem>>, vector<16xi32>,
      %add3A_409 = arith.addi %add3A_402, %get3A_408 : vector<16xi32>
      %mul3A_410 = arith.constant 16 : i32
      %mul3A_411 = arith.muli %while3A_368, %mul3A_410 : i32
      %add3A_412 = arith.constant 1536 : i32
      %add3A_413 = arith.addi %add3A_412, %mul3A_411 : i32
      %get3A_414 = arith.index_cast %add3A_413 : i32 to index
      %get3A_415 = tpu.vector_load %arg6[%get3A_414] {strides = array<i32>} : memref<4096xi32, #tpu.memory_space<vmem>>, vector<16xi32>,
      %add3A_416 = arith.addi %add3A_409, %get3A_415 : vector<16xi32>
      %mul3A_417 = arith.constant 16 : i32
      %mul3A_418 = arith.muli %while3A_368, %mul3A_417 : i32
      %add3A_419 = arith.constant 1792 : i32
      %add3A_420 = arith.addi %add3A_419, %mul3A_418 : i32
      %get3A_421 = arith.index_cast %add3A_420 : i32 to index
      %get3A_422 = tpu.vector_load %arg6[%get3A_421] {strides = array<i32>} : memref<4096xi32, #tpu.memory_space<vmem>>, vector<16xi32>,
      %add3A_423 = arith.addi %add3A_416, %get3A_422 : vector<16xi32>
      %mul3A_424 = arith.constant 16 : i32
      %mul3A_425 = arith.muli %while3A_368, %mul3A_424 : i32
      %add3A_426 = arith.constant 2048 : i32
      %add3A_427 = arith.addi %add3A_426, %mul3A_425 : i32
      %get3A_428 = arith.index_cast %add3A_427 : i32 to index
      %get3A_429 = tpu.vector_load %arg6[%get3A_428] {strides = array<i32>} : memref<4096xi32, #tpu.memory_space<vmem>>, vector<16xi32>,
      %add3A_430 = arith.addi %add3A_423, %get3A_429 : vector<16xi32>
      %mul3A_431 = arith.constant 16 : i32
      %mul3A_432 = arith.muli %while3A_368, %mul3A_431 : i32
      %add3A_433 = arith.constant 2304 : i32
      %add3A_434 = arith.addi %add3A_433, %mul3A_432 : i32
      %get3A_435 = arith.index_cast %add3A_434 : i32 to index
      %get3A_436 = tpu.vector_load %arg6[%get3A_435] {strides = array<i32>} : memref<4096xi32, #tpu.memory_space<vmem>>, vector<16xi32>,
      %add3A_437 = arith.addi %add3A_430, %get3A_436 : vector<16xi32>
      %mul3A_438 = arith.constant 16 : i32
      %mul3A_439 = arith.muli %while3A_368, %mul3A_438 : i32
      %add3A_440 = arith.constant 2560 : i32
      %add3A_441 = arith.addi %add3A_440, %mul3A_439 : i32
      %get3A_442 = arith.index_cast %add3A_441 : i32 to index
      %get3A_443 = tpu.vector_load %arg6[%get3A_442] {strides = array<i32>} : memref<4096xi32, #tpu.memory_space<vmem>>, vector<16xi32>,
      %add3A_444 = arith.addi %add3A_437, %get3A_443 : vector<16xi32>
      %mul3A_445 = arith.constant 16 : i32
      %mul3A_446 = arith.muli %while3A_368, %mul3A_445 : i32
      %add3A_447 = arith.constant 2816 : i32
      %add3A_448 = arith.addi %add3A_447, %mul3A_446 : i32
      %get3A_449 = arith.index_cast %add3A_448 : i32 to index
      %get3A_450 = tpu.vector_load %arg6[%get3A_449] {strides = array<i32>} : memref<4096xi32, #tpu.memory_space<vmem>>, vector<16xi32>,
      %add3A_451 = arith.addi %add3A_444, %get3A_450 : vector<16xi32>
      %mul3A_452 = arith.constant 16 : i32
      %mul3A_453 = arith.muli %while3A_368, %mul3A_452 : i32
      %add3A_454 = arith.constant 3072 : i32
      %add3A_455 = arith.addi %add3A_454, %mul3A_453 : i32
      %get3A_456 = arith.index_cast %add3A_455 : i32 to index
      %get3A_457 = tpu.vector_load %arg6[%get3A_456] {strides = array<i32>} : memref<4096xi32, #tpu.memory_space<vmem>>, vector<16xi32>,
      %add3A_458 = arith.addi %add3A_451, %get3A_457 : vector<16xi32>
      %mul3A_459 = arith.constant 16 : i32
      %mul3A_460 = arith.muli %while3A_368, %mul3A_459 : i32
      %add3A_461 = arith.constant 3328 : i32
      %add3A_462 = arith.addi %add3A_461, %mul3A_460 : i32
      %get3A_463 = arith.index_cast %add3A_462 : i32 to index
      %get3A_464 = tpu.vector_load %arg6[%get3A_463] {strides = array<i32>} : memref<4096xi32, #tpu.memory_space<vmem>>, vector<16xi32>,
      %add3A_465 = arith.addi %add3A_458, %get3A_464 : vector<16xi32>
      %mul3A_466 = arith.constant 16 : i32
      %mul3A_467 = arith.muli %while3A_368, %mul3A_466 : i32
      %add3A_468 = arith.constant 3584 : i32
      %add3A_469 = arith.addi %add3A_468, %mul3A_467 : i32
      %get3A_470 = arith.index_cast %add3A_469 : i32 to index
      %get3A_471 = tpu.vector_load %arg6[%get3A_470] {strides = array<i32>} : memref<4096xi32, #tpu.memory_space<vmem>>, vector<16xi32>,
      %add3A_472 = arith.addi %add3A_465, %get3A_471 : vector<16xi32>
      %mul3A_473 = arith.constant 16 : i32
      %mul3A_474 = arith.muli %while3A_368, %mul3A_473 : i32
      %add3A_475 = arith.constant 3840 : i32
      %add3A_476 = arith.addi %add3A_475, %mul3A_474 : i32
      %get3A_477 = arith.index_cast %add3A_476 : i32 to index
      %get3A_478 = tpu.vector_load %arg6[%get3A_477] {strides = array<i32>} : memref<4096xi32, #tpu.memory_space<vmem>>, vector<16xi32>,
      %add3A_479 = arith.addi %add3A_472, %get3A_478 : vector<16xi32>
      %mul3A_480 = arith.constant 16 : i32
      %mul3A_481 = arith.muli %while3A_368, %mul3A_480 : i32
      %swap3A_482 = arith.index_cast %mul3A_481 : i32 to index
      %swap3A_483 = tpu.vector_load %arg7[%swap3A_482] {strides = array<i32>} : memref<256xi32, #tpu.memory_space<vmem>>, vector<16xi32>,
      tpu.vector_store %arg7[%swap3A_482], %add3A_479 {strides = array<i32>} : memref<256xi32, #tpu.memory_space<vmem>>, vector<16xi32>,
    }
    %while3A_133 = arith.constant 1 : i32
    scf.for %while3A_368 = %while3A_131 to %while3A_127 step %while3A_133  : i32 {
      %mul3A_369 = arith.constant 16 : i32
      %mul3A_370 = arith.muli %while3A_368, %mul3A_369 : i32
      %add3A = arith.constant 0 : i32
      %add3A_371 = arith.addi %add3A, %mul3A_370 : i32
      %get3A_372 = arith.index_cast %add3A_371 : i32 to index
      %get3A_373 = tpu.vector_load %arg6[%get3A_372] {strides = array<i32>} : memref<4096xi32, #tpu.memory_space<vmem>>, vector<16xi32>,
      %add3A_374 = arith.addi %broadcast_in_dim3A_1, %get3A_373 : vector<16xi32>
      %mul3A_375 = arith.constant 16 : i32
      %mul3A_376 = arith.muli %while3A_368, %mul3A_375 : i32
      %add3A_377 = arith.constant 256 : i32
      %add3A_378 = arith.addi %add3A_377, %mul3A_376 : i32
      %get3A_379 = arith.index_cast %add3A_378 : i32 to index
      %get3A_380 = tpu.vector_load %arg6[%get3A_379] {strides = array<i32>} : memref<4096xi32, #tpu.memory_space<vmem>>, vector<16xi32>,
      %add3A_381 = arith.addi %add3A_374, %get3A_380 : vector<16xi32>
      %mul3A_382 = arith.constant 16 : i32
      %mul3A_383 = arith.muli %while3A_368, %mul3A_382 : i32
      %add3A_384 = arith.constant 512 : i32
      %add3A_385 = arith.addi %add3A_384, %mul3A_383 : i32
      %get3A_386 = arith.index_cast %add3A_385 : i32 to index
      %get3A_387 = tpu.vector_load %arg6[%get3A_386] {strides = array<i32>} : memref<4096xi32, #tpu.memory_space<vmem>>, vector<16xi32>,
      %add3A_388 = arith.addi %add3A_381, %get3A_387 : vector<16xi32>
      %mul3A_389 = arith.constant 16 : i32
      %mul3A_390 = arith.muli %while3A_368, %mul3A_389 : i32
      %add3A_391 = arith.constant 768 : i32
      %add3A_392 = arith.addi %add3A_391, %mul3A_390 : i32
      %get3A_393 = arith.index_cast %add3A_392 : i32 to index
      %get3A_394 = tpu.vector_load %arg6[%get3A_393] {strides = array<i32>} : memref<4096xi32, #tpu.memory_space<vmem>>, vector<16xi32>,
      %add3A_395 = arith.addi %add3A_388, %get3A_394 : vector<16xi32>
      %mul3A_396 = arith.constant 16 : i32
      %mul3A_397 = arith.muli %while3A_368, %mul3A_396 : i32
      %add3A_398 = arith.constant 1024 : i32
      %add3A_399 = arith.addi %add3A_398, %mul3A_397 : i32
      %get3A_400 = arith.index_cast %add3A_399 : i32 to index
      %get3A_401 = tpu.vector_load %arg6[%get3A_400] {strides = array<i32>} : memref<4096xi32, #tpu.memory_space<vmem>>, vector<16xi32>,
      %add3A_402 = arith.addi %add3A_395, %get3A_401 : vector<16xi32>
      %mul3A_403 = arith.constant 16 : i32
      %mul3A_404 = arith.muli %while3A_368, %mul3A_403 : i32
      %add3A_405 = arith.constant 1280 : i32
      %add3A_406 = arith.addi %add3A_405, %mul3A_404 : i32
      %get3A_407 = arith.index_cast %add3A_406 : i32 to index
      %get3A_408 = tpu.vector_load %arg6[%get3A_407] {strides = array<i32>} : memref<4096xi32, #tpu.memory_space<vmem>>, vector<16xi32>,
      %add3A_409 = arith.addi %add3A_402, %get3A_408 : vector<16xi32>
      %mul3A_410 = arith.constant 16 : i32
      %mul3A_411 = arith.muli %while3A_368, %mul3A_410 : i32
      %add3A_412 = arith.constant 1536 : i32
      %add3A_413 = arith.addi %add3A_412, %mul3A_411 : i32
      %get3A_414 = arith.index_cast %add3A_413 : i32 to index
      %get3A_415 = tpu.vector_load %arg6[%get3A_414] {strides = array<i32>} : memref<4096xi32, #tpu.memory_space<vmem>>, vector<16xi32>,
      %add3A_416 = arith.addi %add3A_409, %get3A_415 : vector<16xi32>
      %mul3A_417 = arith.constant 16 : i32
      %mul3A_418 = arith.muli %while3A_368, %mul3A_417 : i32
      %add3A_419 = arith.constant 1792 : i32
      %add3A_420 = arith.addi %add3A_419, %mul3A_418 : i32
      %get3A_421 = arith.index_cast %add3A_420 : i32 to index
      %get3A_422 = tpu.vector_load %arg6[%get3A_421] {strides = array<i32>} : memref<4096xi32, #tpu.memory_space<vmem>>, vector<16xi32>,
      %add3A_423 = arith.addi %add3A_416, %get3A_422 : vector<16xi32>
      %mul3A_424 = arith.constant 16 : i32
      %mul3A_425 = arith.muli %while3A_368, %mul3A_424 : i32
      %add3A_426 = arith.constant 2048 : i32
      %add3A_427 = arith.addi %add3A_426, %mul3A_425 : i32
      %get3A_428 = arith.index_cast %add3A_427 : i32 to index
      %get3A_429 = tpu.vector_load %arg6[%get3A_428] {strides = array<i32>} : memref<4096xi32, #tpu.memory_space<vmem>>, vector<16xi32>,
      %add3A_430 = arith.addi %add3A_423, %get3A_429 : vector<16xi32>
      %mul3A_431 = arith.constant 16 : i32
      %mul3A_432 = arith.muli %while3A_368, %mul3A_431 : i32
      %add3A_433 = arith.constant 2304 : i32
      %add3A_434 = arith.addi %add3A_433, %mul3A_432 : i32
      %get3A_435 = arith.index_cast %add3A_434 : i32 to index
      %get3A_436 = tpu.vector_load %arg6[%get3A_435] {strides = array<i32>} : memref<4096xi32, #tpu.memory_space<vmem>>, vector<16xi32>,
      %add3A_437 = arith.addi %add3A_430, %get3A_436 : vector<16xi32>
      %mul3A_438 = arith.constant 16 : i32
      %mul3A_439 = arith.muli %while3A_368, %mul3A_438 : i32
      %add3A_440 = arith.constant 2560 : i32
      %add3A_441 = arith.addi %add3A_440, %mul3A_439 : i32
      %get3A_442 = arith.index_cast %add3A_441 : i32 to index
      %get3A_443 = tpu.vector_load %arg6[%get3A_442] {strides = array<i32>} : memref<4096xi32, #tpu.memory_space<vmem>>, vector<16xi32>,
      %add3A_444 = arith.addi %add3A_437, %get3A_443 : vector<16xi32>
      %mul3A_445 = arith.constant 16 : i32
      %mul3A_446 = arith.muli %while3A_368, %mul3A_445 : i32
      %add3A_447 = arith.constant 2816 : i32
      %add3A_448 = arith.addi %add3A_447, %mul3A_446 : i32
      %get3A_449 = arith.index_cast %add3A_448 : i32 to index
      %get3A_450 = tpu.vector_load %arg6[%get3A_449] {strides = array<i32>} : memref<4096xi32, #tpu.memory_space<vmem>>, vector<16xi32>,
      %add3A_451 = arith.addi %add3A_444, %get3A_450 : vector<16xi32>
      %mul3A_452 = arith.constant 16 : i32
      %mul3A_453 = arith.muli %while3A_368, %mul3A_452 : i32
      %add3A_454 = arith.constant 3072 : i32
      %add3A_455 = arith.addi %add3A_454, %mul3A_453 : i32
      %get3A_456 = arith.index_cast %add3A_455 : i32 to index
      %get3A_457 = tpu.vector_load %arg6[%get3A_456] {strides = array<i32>} : memref<4096xi32, #tpu.memory_space<vmem>>, vector<16xi32>,
      %add3A_458 = arith.addi %add3A_451, %get3A_457 : vector<16xi32>
      %mul3A_459 = arith.constant 16 : i32
      %mul3A_460 = arith.muli %while3A_368, %mul3A_459 : i32
      %add3A_461 = arith.constant 3328 : i32
      %add3A_462 = arith.addi %add3A_461, %mul3A_460 : i32
      %get3A_463 = arith.index_cast %add3A_462 : i32 to index
      %get3A_464 = tpu.vector_load %arg6[%get3A_463] {strides = array<i32>} : memref<4096xi32, #tpu.memory_space<vmem>>, vector<16xi32>,
      %add3A_465 = arith.addi %add3A_458, %get3A_464 : vector<16xi32>
      %mul3A_466 = arith.constant 16 : i32
      %mul3A_467 = arith.muli %while3A_368, %mul3A_466 : i32
      %add3A_468 = arith.constant 3584 : i32
      %add3A_469 = arith.addi %add3A_468, %mul3A_467 : i32
      %get3A_470 = arith.index_cast %add3A_469 : i32 to index
      %get3A_471 = tpu.vector_load %arg6[%get3A_470] {strides = array<i32>} : memref<4096xi32, #tpu.memory_space<vmem>>, vector<16xi32>,
      %add3A_472 = arith.addi %add3A_465, %get3A_471 : vector<16xi32>
      %mul3A_473 = arith.constant 16 : i32
      %mul3A_474 = arith.muli %while3A_368, %mul3A_473 : i32
      %add3A_475 = arith.constant 3840 : i32
      %add3A_476 = arith.addi %add3A_475, %mul3A_474 : i32
      %get3A_477 = arith.index_cast %add3A_476 : i32 to index
      %get3A_478 = tpu.vector_load %arg6[%get3A_477] {strides = array<i32>} : memref<4096xi32, #tpu.memory_space<vmem>>, vector<16xi32>,
      %add3A_479 = arith.addi %add3A_472, %get3A_478 : vector<16xi32>
      %mul3A_480 = arith.constant 16 : i32
      %mul3A_481 = arith.muli %while3A_368, %mul3A_480 : i32
      %swap3A_482 = arith.index_cast %mul3A_481 : i32 to index
      %swap3A_483 = tpu.vector_load %arg7[%swap3A_482] {strides = array<i32>} : memref<256xi32, #tpu.memory_space<vmem>>, vector<16xi32>,
      tpu.vector_store %arg7[%swap3A_482], %add3A_479 {strides = array<i32>} : memref<256xi32, #tpu.memory_space<vmem>>, vector<16xi32>,
    }
    %run_scoped3A_134 = arith.constant 1 : i32
    "tpu.region"() ({
      %run_scoped3A_368 = tpu.sem_alloc : memref<!tpu.dma_semaphore, #tpu.memory_space<semaphore_mem>>
      %dma_start3A = arith.constant 0 : i32
      %dma_start3A_369 = tpu.memref_slice %arg13[%run_scoped3A_134, %arg1, %dma_start3A] : memref<4x16x256xi32, #tpu.memory_space<vmem_shared>> -> memref<1x1x256xi32, #tpu.memory_space<vmem_shared>>
      %dma_start3A_370 = tpu.memref_squeeze %dma_start3A_369 : memref<1x1x256xi32, #tpu.memory_space<vmem_shared>> -> memref<256xi32, #tpu.memory_space<vmem_shared>>
      %dma_start3A_371 = arith.constant 0 : i32
      %dma_start3A_372 = tpu.memref_slice %arg13[%run_scoped3A_134, %arg1, %dma_start3A_371] : memref<4x16x256xi32, #tpu.memory_space<vmem_shared>> -> memref<1x1x256xi32, #tpu.memory_space<vmem_shared>>
      %dma_start3A_373 = tpu.memref_squeeze %dma_start3A_372 : memref<1x1x256xi32, #tpu.memory_space<vmem_shared>> -> memref<256xi32, #tpu.memory_space<vmem_shared>>
      tpu.enqueue_dma source(%arg7 : memref<256xi32, #tpu.memory_space<vmem>>) target(%dma_start3A_373 : memref<256xi32, #tpu.memory_space<vmem_shared>>) target_semaphore(%run_scoped3A_368 : memref<!tpu.dma_semaphore, #tpu.memory_space<semaphore_mem>>)
      %dma_wait3A = arith.constant 0 : i32
      %dma_wait3A_374 = tpu.memref_slice %arg13[%run_scoped3A_134, %arg1, %dma_wait3A] : memref<4x16x256xi32, #tpu.memory_space<vmem_shared>> -> memref<1x1x256xi32, #tpu.memory_space<vmem_shared>>
      %dma_wait3A_375 = tpu.memref_squeeze %dma_wait3A_374 : memref<1x1x256xi32, #tpu.memory_space<vmem_shared>> -> memref<256xi32, #tpu.memory_space<vmem_shared>>
      %dma_wait3A_376 = arith.constant 0 : i32
      %dma_wait3A_377 = tpu.memref_slice %arg13[%run_scoped3A_134, %arg1, %dma_wait3A_376] : memref<4x16x256xi32, #tpu.memory_space<vmem_shared>> -> memref<1x1x256xi32, #tpu.memory_space<vmem_shared>>
      %dma_wait3A_378 = tpu.memref_squeeze %dma_wait3A_377 : memref<1x1x256xi32, #tpu.memory_space<vmem_shared>> -> memref<256xi32, #tpu.memory_space<vmem_shared>>
      tpu.wait_dma2 semaphore(%run_scoped3A_368 : memref<!tpu.dma_semaphore, #tpu.memory_space<semaphore_mem>>) src(%arg7 : memref<256xi32, #tpu.memory_space<vmem>>) dst(%dma_wait3A_378 : memref<256xi32, #tpu.memory_space<vmem_shared>>)
      tpu.yield
    }) : () -> ()
    %barrier3A_135 = arith.constant 0 : index
    tpu.barrier barrier_id(%barrier3A_135)
    %eq3A_136 = arith.constant 0 : i32
    %eq3A_137 = arith.cmpi eq, %arg1, %eq3A_136 : i32
    %and3A_138 = arith.andi %eq3A_137, %eq3A_0 : i1
    %convert_element_type3A_139 = arith.extui %and3A_138 : i1 to i32
    %cond3A_140 = arith.constant 0 : i32
    %cond3A_141 = arith.cmpi ne, %convert_element_type3A_139, %cond3A_140 : i32
    scf.if %cond3A_141 {
      %run_scoped3A_368 = arith.constant 1 : i32
      "tpu.region"() ({
        %run_scoped3A_394 = tpu.sem_alloc : memref<!tpu.dma_semaphore, #tpu.memory_space<semaphore_mem>>
        %dma_start3A = arith.constant 0 : i32
        %dma_start3A_395 = arith.constant 0 : i32
        %dma_start3A_396 = tpu.memref_slice %arg13[%run_scoped3A_368, %dma_start3A, %dma_start3A_395] : memref<4x16x256xi32, #tpu.memory_space<vmem_shared>> -> memref<1x16x256xi32, #tpu.memory_space<vmem_shared>>
        %dma_start3A_397 = tpu.memref_squeeze %dma_start3A_396 : memref<1x16x256xi32, #tpu.memory_space<vmem_shared>> -> memref<16x256xi32, #tpu.memory_space<vmem_shared>>
        %dma_start3A_398 = arith.constant 0 : i32
        %dma_start3A_399 = arith.constant 0 : i32
        %dma_start3A_400 = tpu.memref_slice %arg13[%run_scoped3A_368, %dma_start3A_398, %dma_start3A_399] : memref<4x16x256xi32, #tpu.memory_space<vmem_shared>> -> memref<1x16x256xi32, #tpu.memory_space<vmem_shared>>
        %dma_start3A_401 = tpu.memref_squeeze %dma_start3A_400 : memref<1x16x256xi32, #tpu.memory_space<vmem_shared>> -> memref<16x256xi32, #tpu.memory_space<vmem_shared>>
        tpu.enqueue_dma source(%dma_start3A_401 : memref<16x256xi32, #tpu.memory_space<vmem_shared>>) target(%arg8 : memref<16x256xi32, #tpu.memory_space<vmem>>) target_semaphore(%run_scoped3A_394 : memref<!tpu.dma_semaphore, #tpu.memory_space<semaphore_mem>>)
        %dma_wait3A = arith.constant 0 : i32
        %dma_wait3A_402 = arith.constant 0 : i32
        %dma_wait3A_403 = tpu.memref_slice %arg13[%run_scoped3A_368, %dma_wait3A, %dma_wait3A_402] : memref<4x16x256xi32, #tpu.memory_space<vmem_shared>> -> memref<1x16x256xi32, #tpu.memory_space<vmem_shared>>
        %dma_wait3A_404 = tpu.memref_squeeze %dma_wait3A_403 : memref<1x16x256xi32, #tpu.memory_space<vmem_shared>> -> memref<16x256xi32, #tpu.memory_space<vmem_shared>>
        %dma_wait3A_405 = arith.constant 0 : i32
        %dma_wait3A_406 = arith.constant 0 : i32
        %dma_wait3A_407 = tpu.memref_slice %arg13[%run_scoped3A_368, %dma_wait3A_405, %dma_wait3A_406] : memref<4x16x256xi32, #tpu.memory_space<vmem_shared>> -> memref<1x16x256xi32, #tpu.memory_space<vmem_shared>>
        %dma_wait3A_408 = tpu.memref_squeeze %dma_wait3A_407 : memref<1x16x256xi32, #tpu.memory_space<vmem_shared>> -> memref<16x256xi32, #tpu.memory_space<vmem_shared>>
        tpu.wait_dma2 semaphore(%run_scoped3A_394 : memref<!tpu.dma_semaphore, #tpu.memory_space<semaphore_mem>>) src(%dma_wait3A_408 : memref<16x256xi32, #tpu.memory_space<vmem_shared>>) dst(%arg8 : memref<16x256xi32, #tpu.memory_space<vmem>>)
        tpu.yield
      }) : () -> ()
      %scan3A = arith.constant 0 : i32
      %scan3A_369 = arith.constant -1 : i32
      %scan3A_370 = arith.constant 0 : i32
      %scan3A_371 = arith.constant 0 : i32
      %scan3A_372 = arith.constant 16 : i32
      %scan3A_373 = arith.addi %scan3A_371, %scan3A_372 : i32
      %scan3A_374 = arith.constant 1 : i32
      %scan3A_375:3 = scf.for %scan3A_394 = %scan3A_371 to %scan3A_373 step %scan3A_374 iter_args(%scan3A_395 = %scan3A, %scan3A_396 = %scan3A_369, %scan3A_397 = %scan3A_370) -> (i32, i32, i32)  : i32 {
        %mul3A_398 = arith.constant 16 : i32
        %mul3A_399 = arith.muli %scan3A_394, %mul3A_398 : i32
        %get3A_400 = arith.constant 0 : i32
        %get3A_401 = arith.index_cast %get3A_400 : i32 to index
        %get3A_402 = arith.index_cast %mul3A_399 : i32 to index
        %get3A_403 = tpu.vector_load %arg8[%get3A_401, %get3A_402] {strides = array<i32>} : memref<16x256xi32, #tpu.memory_space<vmem>>, vector<16xi32>,
        %add3A_404 = arith.addi %broadcast_in_dim3A_1, %get3A_403 : vector<16xi32>
        %mul3A_405 = arith.constant 16 : i32
        %mul3A_406 = arith.muli %scan3A_394, %mul3A_405 : i32
        %get3A_407 = arith.constant 1 : i32
        %get3A_408 = arith.index_cast %get3A_407 : i32 to index
        %get3A_409 = arith.index_cast %mul3A_406 : i32 to index
        %get3A_410 = tpu.vector_load %arg8[%get3A_408, %get3A_409] {strides = array<i32>} : memref<16x256xi32, #tpu.memory_space<vmem>>, vector<16xi32>,
        %add3A_411 = arith.addi %add3A_404, %get3A_410 : vector<16xi32>
        %mul3A_412 = arith.constant 16 : i32
        %mul3A_413 = arith.muli %scan3A_394, %mul3A_412 : i32
        %get3A_414 = arith.constant 2 : i32
        %get3A_415 = arith.index_cast %get3A_414 : i32 to index
        %get3A_416 = arith.index_cast %mul3A_413 : i32 to index
        %get3A_417 = tpu.vector_load %arg8[%get3A_415, %get3A_416] {strides = array<i32>} : memref<16x256xi32, #tpu.memory_space<vmem>>, vector<16xi32>,
        %add3A_418 = arith.addi %add3A_411, %get3A_417 : vector<16xi32>
        %mul3A_419 = arith.constant 16 : i32
        %mul3A_420 = arith.muli %scan3A_394, %mul3A_419 : i32
        %get3A_421 = arith.constant 3 : i32
        %get3A_422 = arith.index_cast %get3A_421 : i32 to index
        %get3A_423 = arith.index_cast %mul3A_420 : i32 to index
        %get3A_424 = tpu.vector_load %arg8[%get3A_422, %get3A_423] {strides = array<i32>} : memref<16x256xi32, #tpu.memory_space<vmem>>, vector<16xi32>,
        %add3A_425 = arith.addi %add3A_418, %get3A_424 : vector<16xi32>
        %mul3A_426 = arith.constant 16 : i32
        %mul3A_427 = arith.muli %scan3A_394, %mul3A_426 : i32
        %get3A_428 = arith.constant 4 : i32
        %get3A_429 = arith.index_cast %get3A_428 : i32 to index
        %get3A_430 = arith.index_cast %mul3A_427 : i32 to index
        %get3A_431 = tpu.vector_load %arg8[%get3A_429, %get3A_430] {strides = array<i32>} : memref<16x256xi32, #tpu.memory_space<vmem>>, vector<16xi32>,
        %add3A_432 = arith.addi %add3A_425, %get3A_431 : vector<16xi32>
        %mul3A_433 = arith.constant 16 : i32
        %mul3A_434 = arith.muli %scan3A_394, %mul3A_433 : i32
        %get3A_435 = arith.constant 5 : i32
        %get3A_436 = arith.index_cast %get3A_435 : i32 to index
        %get3A_437 = arith.index_cast %mul3A_434 : i32 to index
        %get3A_438 = tpu.vector_load %arg8[%get3A_436, %get3A_437] {strides = array<i32>} : memref<16x256xi32, #tpu.memory_space<vmem>>, vector<16xi32>,
        %add3A_439 = arith.addi %add3A_432, %get3A_438 : vector<16xi32>
        %mul3A_440 = arith.constant 16 : i32
        %mul3A_441 = arith.muli %scan3A_394, %mul3A_440 : i32
        %get3A_442 = arith.constant 6 : i32
        %get3A_443 = arith.index_cast %get3A_442 : i32 to index
        %get3A_444 = arith.index_cast %mul3A_441 : i32 to index
        %get3A_445 = tpu.vector_load %arg8[%get3A_443, %get3A_444] {strides = array<i32>} : memref<16x256xi32, #tpu.memory_space<vmem>>, vector<16xi32>,
        %add3A_446 = arith.addi %add3A_439, %get3A_445 : vector<16xi32>
        %mul3A_447 = arith.constant 16 : i32
        %mul3A_448 = arith.muli %scan3A_394, %mul3A_447 : i32
        %get3A_449 = arith.constant 7 : i32
        %get3A_450 = arith.index_cast %get3A_449 : i32 to index
        %get3A_451 = arith.index_cast %mul3A_448 : i32 to index
        %get3A_452 = tpu.vector_load %arg8[%get3A_450, %get3A_451] {strides = array<i32>} : memref<16x256xi32, #tpu.memory_space<vmem>>, vector<16xi32>,
        %add3A_453 = arith.addi %add3A_446, %get3A_452 : vector<16xi32>
        %mul3A_454 = arith.constant 16 : i32
        %mul3A_455 = arith.muli %scan3A_394, %mul3A_454 : i32
        %get3A_456 = arith.constant 8 : i32
        %get3A_457 = arith.index_cast %get3A_456 : i32 to index
        %get3A_458 = arith.index_cast %mul3A_455 : i32 to index
        %get3A_459 = tpu.vector_load %arg8[%get3A_457, %get3A_458] {strides = array<i32>} : memref<16x256xi32, #tpu.memory_space<vmem>>, vector<16xi32>,
        %add3A_460 = arith.addi %add3A_453, %get3A_459 : vector<16xi32>
        %mul3A_461 = arith.constant 16 : i32
        %mul3A_462 = arith.muli %scan3A_394, %mul3A_461 : i32
        %get3A_463 = arith.constant 9 : i32
        %get3A_464 = arith.index_cast %get3A_463 : i32 to index
        %get3A_465 = arith.index_cast %mul3A_462 : i32 to index
        %get3A_466 = tpu.vector_load %arg8[%get3A_464, %get3A_465] {strides = array<i32>} : memref<16x256xi32, #tpu.memory_space<vmem>>, vector<16xi32>,
        %add3A_467 = arith.addi %add3A_460, %get3A_466 : vector<16xi32>
        %mul3A_468 = arith.constant 16 : i32
        %mul3A_469 = arith.muli %scan3A_394, %mul3A_468 : i32
        %get3A_470 = arith.constant 10 : i32
        %get3A_471 = arith.index_cast %get3A_470 : i32 to index
        %get3A_472 = arith.index_cast %mul3A_469 : i32 to index
        %get3A_473 = tpu.vector_load %arg8[%get3A_471, %get3A_472] {strides = array<i32>} : memref<16x256xi32, #tpu.memory_space<vmem>>, vector<16xi32>,
        %add3A_474 = arith.addi %add3A_467, %get3A_473 : vector<16xi32>
        %mul3A_475 = arith.constant 16 : i32
        %mul3A_476 = arith.muli %scan3A_394, %mul3A_475 : i32
        %get3A_477 = arith.constant 11 : i32
        %get3A_478 = arith.index_cast %get3A_477 : i32 to index
        %get3A_479 = arith.index_cast %mul3A_476 : i32 to index
        %get3A_480 = tpu.vector_load %arg8[%get3A_478, %get3A_479] {strides = array<i32>} : memref<16x256xi32, #tpu.memory_space<vmem>>, vector<16xi32>,
        %add3A_481 = arith.addi %add3A_474, %get3A_480 : vector<16xi32>
        %mul3A_482 = arith.constant 16 : i32
        %mul3A_483 = arith.muli %scan3A_394, %mul3A_482 : i32
        %get3A_484 = arith.constant 12 : i32
        %get3A_485 = arith.index_cast %get3A_484 : i32 to index
        %get3A_486 = arith.index_cast %mul3A_483 : i32 to index
        %get3A_487 = tpu.vector_load %arg8[%get3A_485, %get3A_486] {strides = array<i32>} : memref<16x256xi32, #tpu.memory_space<vmem>>, vector<16xi32>,
        %add3A_488 = arith.addi %add3A_481, %get3A_487 : vector<16xi32>
        %mul3A_489 = arith.constant 16 : i32
        %mul3A_490 = arith.muli %scan3A_394, %mul3A_489 : i32
        %get3A_491 = arith.constant 13 : i32
        %get3A_492 = arith.index_cast %get3A_491 : i32 to index
        %get3A_493 = arith.index_cast %mul3A_490 : i32 to index
        %get3A_494 = tpu.vector_load %arg8[%get3A_492, %get3A_493] {strides = array<i32>} : memref<16x256xi32, #tpu.memory_space<vmem>>, vector<16xi32>,
        %add3A_495 = arith.addi %add3A_488, %get3A_494 : vector<16xi32>
        %mul3A_496 = arith.constant 16 : i32
        %mul3A_497 = arith.muli %scan3A_394, %mul3A_496 : i32
        %get3A_498 = arith.constant 14 : i32
        %get3A_499 = arith.index_cast %get3A_498 : i32 to index
        %get3A_500 = arith.index_cast %mul3A_497 : i32 to index
        %get3A_501 = tpu.vector_load %arg8[%get3A_499, %get3A_500] {strides = array<i32>} : memref<16x256xi32, #tpu.memory_space<vmem>>, vector<16xi32>,
        %add3A_502 = arith.addi %add3A_495, %get3A_501 : vector<16xi32>
        %mul3A_503 = arith.constant 16 : i32
        %mul3A_504 = arith.muli %scan3A_394, %mul3A_503 : i32
        %get3A_505 = arith.constant 15 : i32
        %get3A_506 = arith.index_cast %get3A_505 : i32 to index
        %get3A_507 = arith.index_cast %mul3A_504 : i32 to index
        %get3A_508 = tpu.vector_load %arg8[%get3A_506, %get3A_507] {strides = array<i32>} : memref<16x256xi32, #tpu.memory_space<vmem>>, vector<16xi32>,
        %add3A_509 = arith.addi %add3A_502, %get3A_508 : vector<16xi32>
        %broadcast_in_dim3A_510 = arith.constant true
        %broadcast_in_dim3A_511 = vector.broadcast %broadcast_in_dim3A_510 : i1 to vector<16xi1>
        %masked_cumsum3A = tpu.scan <sum>, %add3A_509 masked %broadcast_in_dim3A_511 : vector<16xi32>, vector<16xi1> -> vector<16xi32>
        %reduce_sum3A_512 = arith.constant true
        %reduce_sum3A_513 = vector.broadcast %reduce_sum3A_512 : i1 to vector<16xi1>
        %reduce_sum3A_514 = tpu.scan <sum>, %add3A_509 masked %reduce_sum3A_513 : vector<16xi32>, vector<16xi1> -> vector<16xi32>
        %reduce_sum3A_515 = vector.extract %reduce_sum3A_514[15] : i32 from vector<16xi32>
        %add3A_516 = vector.broadcast %scan3A_395 : i32 to vector<16xi32>
        %add3A_517 = arith.addi %add3A_516, %masked_cumsum3A : vector<16xi32>
        %ge3A = vector.broadcast %reduce_sum3A_87 : i32 to vector<16xi32>
        %ge3A_518 = arith.cmpi sge, %add3A_517, %ge3A : vector<16xi32>
        %all_reduce_ffs3A = tpu.all_reduce %ge3A_518 {dim = 0 : i64, kind = #tpu.reduction_kind<find_first_set>} : vector<16xi1> -> vector<16xi32>
        %reduce_max3A = arith.constant true
        %reduce_max3A_519 = vector.broadcast %reduce_max3A : i1 to vector<16xi1>
        %reduce_max3A_520 = arith.constant -2147483648 : i32
        %reduce_max3A_521 = vector.broadcast %reduce_max3A_520 : i32 to vector<16xi32>
        %reduce_max3A_522 = arith.xori %all_reduce_ffs3A, %reduce_max3A_521 : vector<16xi32>
        %reduce_max3A_523 = tpu.scan <max>, %reduce_max3A_522 masked %reduce_max3A_519 : vector<16xi32>, vector<16xi1> -> vector<16xi32>
        %reduce_max3A_524 = arith.xori %reduce_max3A_523, %reduce_max3A_521 : vector<16xi32>
        %reduce_max3A_525 = vector.extract %reduce_max3A_524[15] : i32 from vector<16xi32>
        %lt3A = arith.constant 0 : i32
        %lt3A_526 = arith.cmpi slt, %scan3A_396, %lt3A : i32
        %lt3A_527 = arith.constant 16 : i32
        %lt3A_528 = arith.cmpi slt, %reduce_max3A_525, %lt3A_527 : i32
        %and3A_529 = arith.andi %lt3A_526, %lt3A_528 : i1
        %lt3A_530 = vector.broadcast %reduce_max3A_525 : i32 to vector<16xi32>
        %lt3A_531 = arith.cmpi slt, %iota3A, %lt3A_530 : vector<16xi32>
        %jit3A_532 = arith.constant 0 : i32
        %broadcast_in_dim3A_533 = vector.broadcast %jit3A_532 : i32 to vector<16xi32>
        %select_n3A_534 = arith.select %lt3A_531, %add3A_509, %broadcast_in_dim3A_533 : vector<16xi1>, vector<16xi32>
        %reduce_sum3A_535 = arith.constant true
        %reduce_sum3A_536 = vector.broadcast %reduce_sum3A_535 : i1 to vector<16xi1>
        %reduce_sum3A_537 = tpu.scan <sum>, %select_n3A_534 masked %reduce_sum3A_536 : vector<16xi32>, vector<16xi1> -> vector<16xi32>
        %reduce_sum3A_538 = vector.extract %reduce_sum3A_537[15] : i32 from vector<16xi32>
        %mul3A_539 = arith.constant 16 : i32
        %mul3A_540 = arith.muli %scan3A_394, %mul3A_539 : i32
        %add3A_541 = arith.addi %mul3A_540, %reduce_max3A_525 : i32
        %select_n3A_542 = arith.select %and3A_529, %add3A_541, %scan3A_396 : i32
        %add3A_543 = arith.addi %scan3A_395, %reduce_sum3A_538 : i32
        %select_n3A_544 = arith.select %and3A_529, %add3A_543, %scan3A_397 : i32
        %add3A_545 = arith.addi %scan3A_395, %reduce_sum3A_515 : i32
        scf.yield %add3A_545, %select_n3A_542, %select_n3A_544 : i32, i32, i32
      }
      %scan3A_376 = arith.constant 16 : i32
      %eq3A_377 = arith.constant 0 : i32
      %eq3A_378 = vector.broadcast %eq3A_377 : i32 to vector<16xi32>
      %eq3A_379 = arith.cmpi eq, %iota3A, %eq3A_378 : vector<16xi32>
      %mul3A_380 = arith.constant 256 : i32
      %mul3A_381 = arith.muli %reduce_sum3A_77, %mul3A_380 : i32
      %add3A = arith.addi %mul3A_381, %scan3A_375#1 : i32
      %eq3A_382 = arith.constant 1 : i32
      %eq3A_383 = vector.broadcast %eq3A_382 : i32 to vector<16xi32>
      %eq3A_384 = arith.cmpi eq, %iota3A, %eq3A_383 : vector<16xi32>
      %sub3A = arith.subi %reduce_sum3A_87, %scan3A_375#2 : i32
      %jit3A_385 = arith.constant 0 : i32
      %broadcast_in_dim3A_386 = vector.broadcast %sub3A : i32 to vector<16xi32>
      %broadcast_in_dim3A_387 = vector.broadcast %jit3A_385 : i32 to vector<16xi32>
      %select_n3A_388 = arith.select %eq3A_384, %broadcast_in_dim3A_386, %broadcast_in_dim3A_387 : vector<16xi1>, vector<16xi32>
      %broadcast_in_dim3A_389 = vector.broadcast %add3A : i32 to vector<16xi32>
      %select_n3A_390 = arith.select %eq3A_379, %broadcast_in_dim3A_389, %select_n3A_388 : vector<16xi1>, vector<16xi32>
      %swap3A_391 = arith.constant 0 : index
      %swap3A_392 = tpu.vector_load %arg9[%swap3A_391] {strides = array<i32>} : memref<16xi32, #tpu.memory_space<vmem>>, vector<16xi32>,
      tpu.vector_store %arg9[%swap3A_391], %select_n3A_390 {strides = array<i32>} : memref<16xi32, #tpu.memory_space<vmem>>, vector<16xi32>,
      %run_scoped3A_393 = arith.constant 1 : i32
      "tpu.region"() ({
        %run_scoped3A_394 = tpu.sem_alloc : memref<!tpu.dma_semaphore, #tpu.memory_space<semaphore_mem>>
        %dma_start3A = arith.constant 0 : i32
        %dma_start3A_395 = tpu.memref_slice %arg14[%run_scoped3A_393, %dma_start3A] : memref<4x16xi32, #tpu.memory_space<vmem_shared>> -> memref<1x16xi32, #tpu.memory_space<vmem_shared>>
        %dma_start3A_396 = tpu.memref_squeeze %dma_start3A_395 : memref<1x16xi32, #tpu.memory_space<vmem_shared>> -> memref<16xi32, #tpu.memory_space<vmem_shared>>
        %dma_start3A_397 = arith.constant 0 : i32
        %dma_start3A_398 = tpu.memref_slice %arg14[%run_scoped3A_393, %dma_start3A_397] : memref<4x16xi32, #tpu.memory_space<vmem_shared>> -> memref<1x16xi32, #tpu.memory_space<vmem_shared>>
        %dma_start3A_399 = tpu.memref_squeeze %dma_start3A_398 : memref<1x16xi32, #tpu.memory_space<vmem_shared>> -> memref<16xi32, #tpu.memory_space<vmem_shared>>
        tpu.enqueue_dma source(%arg9 : memref<16xi32, #tpu.memory_space<vmem>>) target(%dma_start3A_399 : memref<16xi32, #tpu.memory_space<vmem_shared>>) target_semaphore(%run_scoped3A_394 : memref<!tpu.dma_semaphore, #tpu.memory_space<semaphore_mem>>)
        %dma_wait3A = arith.constant 0 : i32
        %dma_wait3A_400 = tpu.memref_slice %arg14[%run_scoped3A_393, %dma_wait3A] : memref<4x16xi32, #tpu.memory_space<vmem_shared>> -> memref<1x16xi32, #tpu.memory_space<vmem_shared>>
        %dma_wait3A_401 = tpu.memref_squeeze %dma_wait3A_400 : memref<1x16xi32, #tpu.memory_space<vmem_shared>> -> memref<16xi32, #tpu.memory_space<vmem_shared>>
        %dma_wait3A_402 = arith.constant 0 : i32
        %dma_wait3A_403 = tpu.memref_slice %arg14[%run_scoped3A_393, %dma_wait3A_402] : memref<4x16xi32, #tpu.memory_space<vmem_shared>> -> memref<1x16xi32, #tpu.memory_space<vmem_shared>>
        %dma_wait3A_404 = tpu.memref_squeeze %dma_wait3A_403 : memref<1x16xi32, #tpu.memory_space<vmem_shared>> -> memref<16xi32, #tpu.memory_space<vmem_shared>>
        tpu.wait_dma2 semaphore(%run_scoped3A_394 : memref<!tpu.dma_semaphore, #tpu.memory_space<semaphore_mem>>) src(%arg9 : memref<16xi32, #tpu.memory_space<vmem>>) dst(%dma_wait3A_404 : memref<16xi32, #tpu.memory_space<vmem_shared>>)
        tpu.yield
      }) : () -> ()
    } else {
    }
    %barrier3A_142 = arith.constant 0 : index
    tpu.barrier barrier_id(%barrier3A_142)
    %run_scoped3A_143 = arith.constant 1 : i32
    "tpu.region"() ({
      %run_scoped3A_368 = tpu.sem_alloc : memref<!tpu.dma_semaphore, #tpu.memory_space<semaphore_mem>>
      %dma_start3A = arith.constant 0 : i32
      %dma_start3A_369 = tpu.memref_slice %arg14[%run_scoped3A_143, %dma_start3A] : memref<4x16xi32, #tpu.memory_space<vmem_shared>> -> memref<1x16xi32, #tpu.memory_space<vmem_shared>>
      %dma_start3A_370 = tpu.memref_squeeze %dma_start3A_369 : memref<1x16xi32, #tpu.memory_space<vmem_shared>> -> memref<16xi32, #tpu.memory_space<vmem_shared>>
      %dma_start3A_371 = arith.constant 0 : i32
      %dma_start3A_372 = tpu.memref_slice %arg14[%run_scoped3A_143, %dma_start3A_371] : memref<4x16xi32, #tpu.memory_space<vmem_shared>> -> memref<1x16xi32, #tpu.memory_space<vmem_shared>>
      %dma_start3A_373 = tpu.memref_squeeze %dma_start3A_372 : memref<1x16xi32, #tpu.memory_space<vmem_shared>> -> memref<16xi32, #tpu.memory_space<vmem_shared>>
      tpu.enqueue_dma source(%dma_start3A_373 : memref<16xi32, #tpu.memory_space<vmem_shared>>) target(%arg9 : memref<16xi32, #tpu.memory_space<vmem>>) target_semaphore(%run_scoped3A_368 : memref<!tpu.dma_semaphore, #tpu.memory_space<semaphore_mem>>)
      %dma_wait3A = arith.constant 0 : i32
      %dma_wait3A_374 = tpu.memref_slice %arg14[%run_scoped3A_143, %dma_wait3A] : memref<4x16xi32, #tpu.memory_space<vmem_shared>> -> memref<1x16xi32, #tpu.memory_space<vmem_shared>>
      %dma_wait3A_375 = tpu.memref_squeeze %dma_wait3A_374 : memref<1x16xi32, #tpu.memory_space<vmem_shared>> -> memref<16xi32, #tpu.memory_space<vmem_shared>>
      %dma_wait3A_376 = arith.constant 0 : i32
      %dma_wait3A_377 = tpu.memref_slice %arg14[%run_scoped3A_143, %dma_wait3A_376] : memref<4x16xi32, #tpu.memory_space<vmem_shared>> -> memref<1x16xi32, #tpu.memory_space<vmem_shared>>
      %dma_wait3A_378 = tpu.memref_squeeze %dma_wait3A_377 : memref<1x16xi32, #tpu.memory_space<vmem_shared>> -> memref<16xi32, #tpu.memory_space<vmem_shared>>
      tpu.wait_dma2 semaphore(%run_scoped3A_368 : memref<!tpu.dma_semaphore, #tpu.memory_space<semaphore_mem>>) src(%dma_wait3A_378 : memref<16xi32, #tpu.memory_space<vmem_shared>>) dst(%arg9 : memref<16xi32, #tpu.memory_space<vmem>>)
      tpu.yield
    }) : () -> ()
    %get3A_144 = arith.constant 0 : index
    %get3A_145 = tpu.vector_load %arg9[%get3A_144] {strides = array<i32>} : memref<16xi32, #tpu.memory_space<vmem>>, vector<16xi32>,
    %eq3A_146 = arith.constant 0 : i32
    %eq3A_147 = vector.broadcast %eq3A_146 : i32 to vector<16xi32>
    %eq3A_148 = arith.cmpi eq, %iota3A, %eq3A_147 : vector<16xi32>
    %jit3A_149 = arith.constant 0 : i32
    %broadcast_in_dim3A_150 = vector.broadcast %jit3A_149 : i32 to vector<16xi32>
    %select_n3A_151 = arith.select %eq3A_148, %get3A_145, %broadcast_in_dim3A_150 : vector<16xi1>, vector<16xi32>
    %reduce_sum3A_152 = arith.constant true
    %reduce_sum3A_153 = vector.broadcast %reduce_sum3A_152 : i1 to vector<16xi1>
    %reduce_sum3A_154 = tpu.scan <sum>, %select_n3A_151 masked %reduce_sum3A_153 : vector<16xi32>, vector<16xi1> -> vector<16xi32>
    %reduce_sum3A_155 = vector.extract %reduce_sum3A_154[15] : i32 from vector<16xi32>
    %eq3A_156 = arith.constant 1 : i32
    %eq3A_157 = vector.broadcast %eq3A_156 : i32 to vector<16xi32>
    %eq3A_158 = arith.cmpi eq, %iota3A, %eq3A_157 : vector<16xi32>
    %jit3A_159 = arith.constant 0 : i32
    %broadcast_in_dim3A_160 = vector.broadcast %jit3A_159 : i32 to vector<16xi32>
    %select_n3A_161 = arith.select %eq3A_158, %get3A_145, %broadcast_in_dim3A_160 : vector<16xi1>, vector<16xi32>
    %reduce_sum3A_162 = arith.constant true
    %reduce_sum3A_163 = vector.broadcast %reduce_sum3A_162 : i1 to vector<16xi1>
    %reduce_sum3A_164 = tpu.scan <sum>, %select_n3A_161 masked %reduce_sum3A_163 : vector<16xi32>, vector<16xi1> -> vector<16xi32>
    %reduce_sum3A_165 = vector.extract %reduce_sum3A_164[15] : i32 from vector<16xi32>
    %jit3A_166 = arith.constant 256 : i32
    %jit3A_167 = arith.constant 0 : i32
    %select_n3A_168 = arith.select %eq3A_0, %jit3A_166, %jit3A_167 : i32
    %while3A_169 = arith.constant 0 : i32
    %while3A_170 = arith.constant 0 : i32
    %while3A_171 = arith.subi %select_n3A_168, %while3A_170 : i32
    %while3A_172 = arith.addi %while3A_170, %while3A_171 : i32
    %while3A_173 = arith.constant 1 : i32
    %while3A_174 = arith.divsi %while3A_171, %while3A_173 : i32
    %while3A_175 = arith.muli %while3A_174, %while3A_173 : i32
    %while3A_176 = arith.addi %while3A_170, %while3A_175 : i32
    %while3A_177 = arith.constant 1 : i32
    scf.for %while3A_368 = %while3A_170 to %while3A_176 step %while3A_177  : i32 {
      %mul3A_369 = arith.constant 16 : i32
      %mul3A_370 = arith.muli %while3A_368, %mul3A_369 : i32
      %swap3A_371 = arith.index_cast %mul3A_370 : i32 to index
      %swap3A_372 = tpu.vector_load %arg6[%swap3A_371] {strides = array<i32>} : memref<4096xi32, #tpu.memory_space<vmem>>, vector<16xi32>,
      tpu.vector_store %arg6[%swap3A_371], %broadcast_in_dim3A_1 {strides = array<i32>} : memref<4096xi32, #tpu.memory_space<vmem>>, vector<16xi32>,
    }
    %while3A_178 = arith.constant 1 : i32
    scf.for %while3A_368 = %while3A_176 to %while3A_172 step %while3A_178  : i32 {
      %mul3A_369 = arith.constant 16 : i32
      %mul3A_370 = arith.muli %while3A_368, %mul3A_369 : i32
      %swap3A_371 = arith.index_cast %mul3A_370 : i32 to index
      %swap3A_372 = tpu.vector_load %arg6[%swap3A_371] {strides = array<i32>} : memref<4096xi32, #tpu.memory_space<vmem>>, vector<16xi32>,
      tpu.vector_store %arg6[%swap3A_371], %broadcast_in_dim3A_1 {strides = array<i32>} : memref<4096xi32, #tpu.memory_space<vmem>>, vector<16xi32>,
    }
    %mul3A_179 = arith.constant 256 : i32
    %mul3A_180 = vector.broadcast %mul3A_179 : i32 to vector<16xi32>
    %mul3A_181 = arith.muli %iota3A, %mul3A_180 : vector<16xi32>
    %broadcast_in_dim3A_182 = arith.constant 8 : i32
    %broadcast_in_dim3A_183 = vector.broadcast %broadcast_in_dim3A_182 : i32 to vector<16xi32>
    %broadcast_in_dim3A_184 = arith.constant 16 : i32
    %broadcast_in_dim3A_185 = vector.broadcast %broadcast_in_dim3A_184 : i32 to vector<16xi32>
    %jit3A_186 = arith.constant 64 : i32
    %jit3A_187 = arith.constant 0 : i32
    %select_n3A_188 = arith.select %eq3A_0, %jit3A_186, %jit3A_187 : i32
    %while3A_189 = arith.constant 0 : i32
    %while3A_190 = arith.constant 0 : i32
    %while3A_191 = arith.subi %select_n3A_188, %while3A_190 : i32
    %while3A_192 = arith.addi %while3A_190, %while3A_191 : i32
    %while3A_193 = arith.constant 1 : i32
    %while3A_194 = arith.divsi %while3A_191, %while3A_193 : i32
    %while3A_195 = arith.muli %while3A_194, %while3A_193 : i32
    %while3A_196 = arith.addi %while3A_190, %while3A_195 : i32
    %while3A_197 = arith.constant 1 : i32
    scf.for %while3A_368 = %while3A_190 to %while3A_196 step %while3A_197  : i32 {
      %mul3A_369 = arith.constant 16 : i32
      %mul3A_370 = arith.muli %while3A_368, %mul3A_369 : i32
      %get3A_371 = arith.index_cast %mul3A_370 : i32 to index
      %get3A_372 = tpu.vector_load %arg5[%get3A_371] {strides = array<i32>} : memref<1024xi32, #tpu.memory_space<vmem>>, vector<16xi32>,
      %shift_right_logical3A = arith.shrui %get3A_372, %broadcast_in_dim3A_183 : vector<16xi32>
      %and3A_373 = arith.constant 255 : i32
      %and3A_374 = vector.broadcast %and3A_373 : i32 to vector<16xi32>
      %and3A_375 = arith.andi %shift_right_logical3A, %and3A_374 : vector<16xi32>
      %shift_right_logical3A_376 = arith.shrui %get3A_372, %broadcast_in_dim3A_185 : vector<16xi32>
      %eq3A_377 = vector.broadcast %reduce_sum3A_155 : i32 to vector<16xi32>
      %eq3A_378 = arith.cmpi eq, %shift_right_logical3A_376, %eq3A_377 : vector<16xi32>
      %add3A = arith.addi %mul3A_181, %and3A_375 : vector<16xi32>
      tpu.vector_store_idx %arg6[%add3A], %broadcast_in_dim3A_3 masked %eq3A_378 {add = true} : memref<4096xi32, #tpu.memory_space<vmem>>[vector<16xi32>], vector<16xi32>, vector<16xi1>
    }
    %while3A_198 = arith.constant 1 : i32
    scf.for %while3A_368 = %while3A_196 to %while3A_192 step %while3A_198  : i32 {
      %mul3A_369 = arith.constant 16 : i32
      %mul3A_370 = arith.muli %while3A_368, %mul3A_369 : i32
      %get3A_371 = arith.index_cast %mul3A_370 : i32 to index
      %get3A_372 = tpu.vector_load %arg5[%get3A_371] {strides = array<i32>} : memref<1024xi32, #tpu.memory_space<vmem>>, vector<16xi32>,
      %shift_right_logical3A = arith.shrui %get3A_372, %broadcast_in_dim3A_183 : vector<16xi32>
      %and3A_373 = arith.constant 255 : i32
      %and3A_374 = vector.broadcast %and3A_373 : i32 to vector<16xi32>
      %and3A_375 = arith.andi %shift_right_logical3A, %and3A_374 : vector<16xi32>
      %shift_right_logical3A_376 = arith.shrui %get3A_372, %broadcast_in_dim3A_185 : vector<16xi32>
      %eq3A_377 = vector.broadcast %reduce_sum3A_155 : i32 to vector<16xi32>
      %eq3A_378 = arith.cmpi eq, %shift_right_logical3A_376, %eq3A_377 : vector<16xi32>
      %add3A = arith.addi %mul3A_181, %and3A_375 : vector<16xi32>
      tpu.vector_store_idx %arg6[%add3A], %broadcast_in_dim3A_3 masked %eq3A_378 {add = true} : memref<4096xi32, #tpu.memory_space<vmem>>[vector<16xi32>], vector<16xi32>, vector<16xi1>
    }
    %jit3A_199 = arith.constant 16 : i32
    %jit3A_200 = arith.constant 0 : i32
    %select_n3A_201 = arith.select %eq3A_0, %jit3A_199, %jit3A_200 : i32
    %while3A_202 = arith.constant 0 : i32
    %while3A_203 = arith.constant 0 : i32
    %while3A_204 = arith.subi %select_n3A_201, %while3A_203 : i32
    %while3A_205 = arith.addi %while3A_203, %while3A_204 : i32
    %while3A_206 = arith.constant 1 : i32
    %while3A_207 = arith.divsi %while3A_204, %while3A_206 : i32
    %while3A_208 = arith.muli %while3A_207, %while3A_206 : i32
    %while3A_209 = arith.addi %while3A_203, %while3A_208 : i32
    %while3A_210 = arith.constant 1 : i32
    scf.for %while3A_368 = %while3A_203 to %while3A_209 step %while3A_210  : i32 {
      %mul3A_369 = arith.constant 16 : i32
      %mul3A_370 = arith.muli %while3A_368, %mul3A_369 : i32
      %add3A = arith.constant 0 : i32
      %add3A_371 = arith.addi %add3A, %mul3A_370 : i32
      %get3A_372 = arith.index_cast %add3A_371 : i32 to index
      %get3A_373 = tpu.vector_load %arg6[%get3A_372] {strides = array<i32>} : memref<4096xi32, #tpu.memory_space<vmem>>, vector<16xi32>,
      %add3A_374 = arith.addi %broadcast_in_dim3A_1, %get3A_373 : vector<16xi32>
      %mul3A_375 = arith.constant 16 : i32
      %mul3A_376 = arith.muli %while3A_368, %mul3A_375 : i32
      %add3A_377 = arith.constant 256 : i32
      %add3A_378 = arith.addi %add3A_377, %mul3A_376 : i32
      %get3A_379 = arith.index_cast %add3A_378 : i32 to index
      %get3A_380 = tpu.vector_load %arg6[%get3A_379] {strides = array<i32>} : memref<4096xi32, #tpu.memory_space<vmem>>, vector<16xi32>,
      %add3A_381 = arith.addi %add3A_374, %get3A_380 : vector<16xi32>
      %mul3A_382 = arith.constant 16 : i32
      %mul3A_383 = arith.muli %while3A_368, %mul3A_382 : i32
      %add3A_384 = arith.constant 512 : i32
      %add3A_385 = arith.addi %add3A_384, %mul3A_383 : i32
      %get3A_386 = arith.index_cast %add3A_385 : i32 to index
      %get3A_387 = tpu.vector_load %arg6[%get3A_386] {strides = array<i32>} : memref<4096xi32, #tpu.memory_space<vmem>>, vector<16xi32>,
      %add3A_388 = arith.addi %add3A_381, %get3A_387 : vector<16xi32>
      %mul3A_389 = arith.constant 16 : i32
      %mul3A_390 = arith.muli %while3A_368, %mul3A_389 : i32
      %add3A_391 = arith.constant 768 : i32
      %add3A_392 = arith.addi %add3A_391, %mul3A_390 : i32
      %get3A_393 = arith.index_cast %add3A_392 : i32 to index
      %get3A_394 = tpu.vector_load %arg6[%get3A_393] {strides = array<i32>} : memref<4096xi32, #tpu.memory_space<vmem>>, vector<16xi32>,
      %add3A_395 = arith.addi %add3A_388, %get3A_394 : vector<16xi32>
      %mul3A_396 = arith.constant 16 : i32
      %mul3A_397 = arith.muli %while3A_368, %mul3A_396 : i32
      %add3A_398 = arith.constant 1024 : i32
      %add3A_399 = arith.addi %add3A_398, %mul3A_397 : i32
      %get3A_400 = arith.index_cast %add3A_399 : i32 to index
      %get3A_401 = tpu.vector_load %arg6[%get3A_400] {strides = array<i32>} : memref<4096xi32, #tpu.memory_space<vmem>>, vector<16xi32>,
      %add3A_402 = arith.addi %add3A_395, %get3A_401 : vector<16xi32>
      %mul3A_403 = arith.constant 16 : i32
      %mul3A_404 = arith.muli %while3A_368, %mul3A_403 : i32
      %add3A_405 = arith.constant 1280 : i32
      %add3A_406 = arith.addi %add3A_405, %mul3A_404 : i32
      %get3A_407 = arith.index_cast %add3A_406 : i32 to index
      %get3A_408 = tpu.vector_load %arg6[%get3A_407] {strides = array<i32>} : memref<4096xi32, #tpu.memory_space<vmem>>, vector<16xi32>,
      %add3A_409 = arith.addi %add3A_402, %get3A_408 : vector<16xi32>
      %mul3A_410 = arith.constant 16 : i32
      %mul3A_411 = arith.muli %while3A_368, %mul3A_410 : i32
      %add3A_412 = arith.constant 1536 : i32
      %add3A_413 = arith.addi %add3A_412, %mul3A_411 : i32
      %get3A_414 = arith.index_cast %add3A_413 : i32 to index
      %get3A_415 = tpu.vector_load %arg6[%get3A_414] {strides = array<i32>} : memref<4096xi32, #tpu.memory_space<vmem>>, vector<16xi32>,
      %add3A_416 = arith.addi %add3A_409, %get3A_415 : vector<16xi32>
      %mul3A_417 = arith.constant 16 : i32
      %mul3A_418 = arith.muli %while3A_368, %mul3A_417 : i32
      %add3A_419 = arith.constant 1792 : i32
      %add3A_420 = arith.addi %add3A_419, %mul3A_418 : i32
      %get3A_421 = arith.index_cast %add3A_420 : i32 to index
      %get3A_422 = tpu.vector_load %arg6[%get3A_421] {strides = array<i32>} : memref<4096xi32, #tpu.memory_space<vmem>>, vector<16xi32>,
      %add3A_423 = arith.addi %add3A_416, %get3A_422 : vector<16xi32>
      %mul3A_424 = arith.constant 16 : i32
      %mul3A_425 = arith.muli %while3A_368, %mul3A_424 : i32
      %add3A_426 = arith.constant 2048 : i32
      %add3A_427 = arith.addi %add3A_426, %mul3A_425 : i32
      %get3A_428 = arith.index_cast %add3A_427 : i32 to index
      %get3A_429 = tpu.vector_load %arg6[%get3A_428] {strides = array<i32>} : memref<4096xi32, #tpu.memory_space<vmem>>, vector<16xi32>,
      %add3A_430 = arith.addi %add3A_423, %get3A_429 : vector<16xi32>
      %mul3A_431 = arith.constant 16 : i32
      %mul3A_432 = arith.muli %while3A_368, %mul3A_431 : i32
      %add3A_433 = arith.constant 2304 : i32
      %add3A_434 = arith.addi %add3A_433, %mul3A_432 : i32
      %get3A_435 = arith.index_cast %add3A_434 : i32 to index
      %get3A_436 = tpu.vector_load %arg6[%get3A_435] {strides = array<i32>} : memref<4096xi32, #tpu.memory_space<vmem>>, vector<16xi32>,
      %add3A_437 = arith.addi %add3A_430, %get3A_436 : vector<16xi32>
      %mul3A_438 = arith.constant 16 : i32
      %mul3A_439 = arith.muli %while3A_368, %mul3A_438 : i32
      %add3A_440 = arith.constant 2560 : i32
      %add3A_441 = arith.addi %add3A_440, %mul3A_439 : i32
      %get3A_442 = arith.index_cast %add3A_441 : i32 to index
      %get3A_443 = tpu.vector_load %arg6[%get3A_442] {strides = array<i32>} : memref<4096xi32, #tpu.memory_space<vmem>>, vector<16xi32>,
      %add3A_444 = arith.addi %add3A_437, %get3A_443 : vector<16xi32>
      %mul3A_445 = arith.constant 16 : i32
      %mul3A_446 = arith.muli %while3A_368, %mul3A_445 : i32
      %add3A_447 = arith.constant 2816 : i32
      %add3A_448 = arith.addi %add3A_447, %mul3A_446 : i32
      %get3A_449 = arith.index_cast %add3A_448 : i32 to index
      %get3A_450 = tpu.vector_load %arg6[%get3A_449] {strides = array<i32>} : memref<4096xi32, #tpu.memory_space<vmem>>, vector<16xi32>,
      %add3A_451 = arith.addi %add3A_444, %get3A_450 : vector<16xi32>
      %mul3A_452 = arith.constant 16 : i32
      %mul3A_453 = arith.muli %while3A_368, %mul3A_452 : i32
      %add3A_454 = arith.constant 3072 : i32
      %add3A_455 = arith.addi %add3A_454, %mul3A_453 : i32
      %get3A_456 = arith.index_cast %add3A_455 : i32 to index
      %get3A_457 = tpu.vector_load %arg6[%get3A_456] {strides = array<i32>} : memref<4096xi32, #tpu.memory_space<vmem>>, vector<16xi32>,
      %add3A_458 = arith.addi %add3A_451, %get3A_457 : vector<16xi32>
      %mul3A_459 = arith.constant 16 : i32
      %mul3A_460 = arith.muli %while3A_368, %mul3A_459 : i32
      %add3A_461 = arith.constant 3328 : i32
      %add3A_462 = arith.addi %add3A_461, %mul3A_460 : i32
      %get3A_463 = arith.index_cast %add3A_462 : i32 to index
      %get3A_464 = tpu.vector_load %arg6[%get3A_463] {strides = array<i32>} : memref<4096xi32, #tpu.memory_space<vmem>>, vector<16xi32>,
      %add3A_465 = arith.addi %add3A_458, %get3A_464 : vector<16xi32>
      %mul3A_466 = arith.constant 16 : i32
      %mul3A_467 = arith.muli %while3A_368, %mul3A_466 : i32
      %add3A_468 = arith.constant 3584 : i32
      %add3A_469 = arith.addi %add3A_468, %mul3A_467 : i32
      %get3A_470 = arith.index_cast %add3A_469 : i32 to index
      %get3A_471 = tpu.vector_load %arg6[%get3A_470] {strides = array<i32>} : memref<4096xi32, #tpu.memory_space<vmem>>, vector<16xi32>,
      %add3A_472 = arith.addi %add3A_465, %get3A_471 : vector<16xi32>
      %mul3A_473 = arith.constant 16 : i32
      %mul3A_474 = arith.muli %while3A_368, %mul3A_473 : i32
      %add3A_475 = arith.constant 3840 : i32
      %add3A_476 = arith.addi %add3A_475, %mul3A_474 : i32
      %get3A_477 = arith.index_cast %add3A_476 : i32 to index
      %get3A_478 = tpu.vector_load %arg6[%get3A_477] {strides = array<i32>} : memref<4096xi32, #tpu.memory_space<vmem>>, vector<16xi32>,
      %add3A_479 = arith.addi %add3A_472, %get3A_478 : vector<16xi32>
      %mul3A_480 = arith.constant 16 : i32
      %mul3A_481 = arith.muli %while3A_368, %mul3A_480 : i32
      %swap3A_482 = arith.index_cast %mul3A_481 : i32 to index
      %swap3A_483 = tpu.vector_load %arg7[%swap3A_482] {strides = array<i32>} : memref<256xi32, #tpu.memory_space<vmem>>, vector<16xi32>,
      tpu.vector_store %arg7[%swap3A_482], %add3A_479 {strides = array<i32>} : memref<256xi32, #tpu.memory_space<vmem>>, vector<16xi32>,
    }
    %while3A_211 = arith.constant 1 : i32
    scf.for %while3A_368 = %while3A_209 to %while3A_205 step %while3A_211  : i32 {
      %mul3A_369 = arith.constant 16 : i32
      %mul3A_370 = arith.muli %while3A_368, %mul3A_369 : i32
      %add3A = arith.constant 0 : i32
      %add3A_371 = arith.addi %add3A, %mul3A_370 : i32
      %get3A_372 = arith.index_cast %add3A_371 : i32 to index
      %get3A_373 = tpu.vector_load %arg6[%get3A_372] {strides = array<i32>} : memref<4096xi32, #tpu.memory_space<vmem>>, vector<16xi32>,
      %add3A_374 = arith.addi %broadcast_in_dim3A_1, %get3A_373 : vector<16xi32>
      %mul3A_375 = arith.constant 16 : i32
      %mul3A_376 = arith.muli %while3A_368, %mul3A_375 : i32
      %add3A_377 = arith.constant 256 : i32
      %add3A_378 = arith.addi %add3A_377, %mul3A_376 : i32
      %get3A_379 = arith.index_cast %add3A_378 : i32 to index
      %get3A_380 = tpu.vector_load %arg6[%get3A_379] {strides = array<i32>} : memref<4096xi32, #tpu.memory_space<vmem>>, vector<16xi32>,
      %add3A_381 = arith.addi %add3A_374, %get3A_380 : vector<16xi32>
      %mul3A_382 = arith.constant 16 : i32
      %mul3A_383 = arith.muli %while3A_368, %mul3A_382 : i32
      %add3A_384 = arith.constant 512 : i32
      %add3A_385 = arith.addi %add3A_384, %mul3A_383 : i32
      %get3A_386 = arith.index_cast %add3A_385 : i32 to index
      %get3A_387 = tpu.vector_load %arg6[%get3A_386] {strides = array<i32>} : memref<4096xi32, #tpu.memory_space<vmem>>, vector<16xi32>,
      %add3A_388 = arith.addi %add3A_381, %get3A_387 : vector<16xi32>
      %mul3A_389 = arith.constant 16 : i32
      %mul3A_390 = arith.muli %while3A_368, %mul3A_389 : i32
      %add3A_391 = arith.constant 768 : i32
      %add3A_392 = arith.addi %add3A_391, %mul3A_390 : i32
      %get3A_393 = arith.index_cast %add3A_392 : i32 to index
      %get3A_394 = tpu.vector_load %arg6[%get3A_393] {strides = array<i32>} : memref<4096xi32, #tpu.memory_space<vmem>>, vector<16xi32>,
      %add3A_395 = arith.addi %add3A_388, %get3A_394 : vector<16xi32>
      %mul3A_396 = arith.constant 16 : i32
      %mul3A_397 = arith.muli %while3A_368, %mul3A_396 : i32
      %add3A_398 = arith.constant 1024 : i32
      %add3A_399 = arith.addi %add3A_398, %mul3A_397 : i32
      %get3A_400 = arith.index_cast %add3A_399 : i32 to index
      %get3A_401 = tpu.vector_load %arg6[%get3A_400] {strides = array<i32>} : memref<4096xi32, #tpu.memory_space<vmem>>, vector<16xi32>,
      %add3A_402 = arith.addi %add3A_395, %get3A_401 : vector<16xi32>
      %mul3A_403 = arith.constant 16 : i32
      %mul3A_404 = arith.muli %while3A_368, %mul3A_403 : i32
      %add3A_405 = arith.constant 1280 : i32
      %add3A_406 = arith.addi %add3A_405, %mul3A_404 : i32
      %get3A_407 = arith.index_cast %add3A_406 : i32 to index
      %get3A_408 = tpu.vector_load %arg6[%get3A_407] {strides = array<i32>} : memref<4096xi32, #tpu.memory_space<vmem>>, vector<16xi32>,
      %add3A_409 = arith.addi %add3A_402, %get3A_408 : vector<16xi32>
      %mul3A_410 = arith.constant 16 : i32
      %mul3A_411 = arith.muli %while3A_368, %mul3A_410 : i32
      %add3A_412 = arith.constant 1536 : i32
      %add3A_413 = arith.addi %add3A_412, %mul3A_411 : i32
      %get3A_414 = arith.index_cast %add3A_413 : i32 to index
      %get3A_415 = tpu.vector_load %arg6[%get3A_414] {strides = array<i32>} : memref<4096xi32, #tpu.memory_space<vmem>>, vector<16xi32>,
      %add3A_416 = arith.addi %add3A_409, %get3A_415 : vector<16xi32>
      %mul3A_417 = arith.constant 16 : i32
      %mul3A_418 = arith.muli %while3A_368, %mul3A_417 : i32
      %add3A_419 = arith.constant 1792 : i32
      %add3A_420 = arith.addi %add3A_419, %mul3A_418 : i32
      %get3A_421 = arith.index_cast %add3A_420 : i32 to index
      %get3A_422 = tpu.vector_load %arg6[%get3A_421] {strides = array<i32>} : memref<4096xi32, #tpu.memory_space<vmem>>, vector<16xi32>,
      %add3A_423 = arith.addi %add3A_416, %get3A_422 : vector<16xi32>
      %mul3A_424 = arith.constant 16 : i32
      %mul3A_425 = arith.muli %while3A_368, %mul3A_424 : i32
      %add3A_426 = arith.constant 2048 : i32
      %add3A_427 = arith.addi %add3A_426, %mul3A_425 : i32
      %get3A_428 = arith.index_cast %add3A_427 : i32 to index
      %get3A_429 = tpu.vector_load %arg6[%get3A_428] {strides = array<i32>} : memref<4096xi32, #tpu.memory_space<vmem>>, vector<16xi32>,
      %add3A_430 = arith.addi %add3A_423, %get3A_429 : vector<16xi32>
      %mul3A_431 = arith.constant 16 : i32
      %mul3A_432 = arith.muli %while3A_368, %mul3A_431 : i32
      %add3A_433 = arith.constant 2304 : i32
      %add3A_434 = arith.addi %add3A_433, %mul3A_432 : i32
      %get3A_435 = arith.index_cast %add3A_434 : i32 to index
      %get3A_436 = tpu.vector_load %arg6[%get3A_435] {strides = array<i32>} : memref<4096xi32, #tpu.memory_space<vmem>>, vector<16xi32>,
      %add3A_437 = arith.addi %add3A_430, %get3A_436 : vector<16xi32>
      %mul3A_438 = arith.constant 16 : i32
      %mul3A_439 = arith.muli %while3A_368, %mul3A_438 : i32
      %add3A_440 = arith.constant 2560 : i32
      %add3A_441 = arith.addi %add3A_440, %mul3A_439 : i32
      %get3A_442 = arith.index_cast %add3A_441 : i32 to index
      %get3A_443 = tpu.vector_load %arg6[%get3A_442] {strides = array<i32>} : memref<4096xi32, #tpu.memory_space<vmem>>, vector<16xi32>,
      %add3A_444 = arith.addi %add3A_437, %get3A_443 : vector<16xi32>
      %mul3A_445 = arith.constant 16 : i32
      %mul3A_446 = arith.muli %while3A_368, %mul3A_445 : i32
      %add3A_447 = arith.constant 2816 : i32
      %add3A_448 = arith.addi %add3A_447, %mul3A_446 : i32
      %get3A_449 = arith.index_cast %add3A_448 : i32 to index
      %get3A_450 = tpu.vector_load %arg6[%get3A_449] {strides = array<i32>} : memref<4096xi32, #tpu.memory_space<vmem>>, vector<16xi32>,
      %add3A_451 = arith.addi %add3A_444, %get3A_450 : vector<16xi32>
      %mul3A_452 = arith.constant 16 : i32
      %mul3A_453 = arith.muli %while3A_368, %mul3A_452 : i32
      %add3A_454 = arith.constant 3072 : i32
      %add3A_455 = arith.addi %add3A_454, %mul3A_453 : i32
      %get3A_456 = arith.index_cast %add3A_455 : i32 to index
      %get3A_457 = tpu.vector_load %arg6[%get3A_456] {strides = array<i32>} : memref<4096xi32, #tpu.memory_space<vmem>>, vector<16xi32>,
      %add3A_458 = arith.addi %add3A_451, %get3A_457 : vector<16xi32>
      %mul3A_459 = arith.constant 16 : i32
      %mul3A_460 = arith.muli %while3A_368, %mul3A_459 : i32
      %add3A_461 = arith.constant 3328 : i32
      %add3A_462 = arith.addi %add3A_461, %mul3A_460 : i32
      %get3A_463 = arith.index_cast %add3A_462 : i32 to index
      %get3A_464 = tpu.vector_load %arg6[%get3A_463] {strides = array<i32>} : memref<4096xi32, #tpu.memory_space<vmem>>, vector<16xi32>,
      %add3A_465 = arith.addi %add3A_458, %get3A_464 : vector<16xi32>
      %mul3A_466 = arith.constant 16 : i32
      %mul3A_467 = arith.muli %while3A_368, %mul3A_466 : i32
      %add3A_468 = arith.constant 3584 : i32
      %add3A_469 = arith.addi %add3A_468, %mul3A_467 : i32
      %get3A_470 = arith.index_cast %add3A_469 : i32 to index
      %get3A_471 = tpu.vector_load %arg6[%get3A_470] {strides = array<i32>} : memref<4096xi32, #tpu.memory_space<vmem>>, vector<16xi32>,
      %add3A_472 = arith.addi %add3A_465, %get3A_471 : vector<16xi32>
      %mul3A_473 = arith.constant 16 : i32
      %mul3A_474 = arith.muli %while3A_368, %mul3A_473 : i32
      %add3A_475 = arith.constant 3840 : i32
      %add3A_476 = arith.addi %add3A_475, %mul3A_474 : i32
      %get3A_477 = arith.index_cast %add3A_476 : i32 to index
      %get3A_478 = tpu.vector_load %arg6[%get3A_477] {strides = array<i32>} : memref<4096xi32, #tpu.memory_space<vmem>>, vector<16xi32>,
      %add3A_479 = arith.addi %add3A_472, %get3A_478 : vector<16xi32>
      %mul3A_480 = arith.constant 16 : i32
      %mul3A_481 = arith.muli %while3A_368, %mul3A_480 : i32
      %swap3A_482 = arith.index_cast %mul3A_481 : i32 to index
      %swap3A_483 = tpu.vector_load %arg7[%swap3A_482] {strides = array<i32>} : memref<256xi32, #tpu.memory_space<vmem>>, vector<16xi32>,
      tpu.vector_store %arg7[%swap3A_482], %add3A_479 {strides = array<i32>} : memref<256xi32, #tpu.memory_space<vmem>>, vector<16xi32>,
    }
    %run_scoped3A_212 = arith.constant 2 : i32
    "tpu.region"() ({
      %run_scoped3A_368 = tpu.sem_alloc : memref<!tpu.dma_semaphore, #tpu.memory_space<semaphore_mem>>
      %dma_start3A = arith.constant 0 : i32
      %dma_start3A_369 = tpu.memref_slice %arg13[%run_scoped3A_212, %arg1, %dma_start3A] : memref<4x16x256xi32, #tpu.memory_space<vmem_shared>> -> memref<1x1x256xi32, #tpu.memory_space<vmem_shared>>
      %dma_start3A_370 = tpu.memref_squeeze %dma_start3A_369 : memref<1x1x256xi32, #tpu.memory_space<vmem_shared>> -> memref<256xi32, #tpu.memory_space<vmem_shared>>
      %dma_start3A_371 = arith.constant 0 : i32
      %dma_start3A_372 = tpu.memref_slice %arg13[%run_scoped3A_212, %arg1, %dma_start3A_371] : memref<4x16x256xi32, #tpu.memory_space<vmem_shared>> -> memref<1x1x256xi32, #tpu.memory_space<vmem_shared>>
      %dma_start3A_373 = tpu.memref_squeeze %dma_start3A_372 : memref<1x1x256xi32, #tpu.memory_space<vmem_shared>> -> memref<256xi32, #tpu.memory_space<vmem_shared>>
      tpu.enqueue_dma source(%arg7 : memref<256xi32, #tpu.memory_space<vmem>>) target(%dma_start3A_373 : memref<256xi32, #tpu.memory_space<vmem_shared>>) target_semaphore(%run_scoped3A_368 : memref<!tpu.dma_semaphore, #tpu.memory_space<semaphore_mem>>)
      %dma_wait3A = arith.constant 0 : i32
      %dma_wait3A_374 = tpu.memref_slice %arg13[%run_scoped3A_212, %arg1, %dma_wait3A] : memref<4x16x256xi32, #tpu.memory_space<vmem_shared>> -> memref<1x1x256xi32, #tpu.memory_space<vmem_shared>>
      %dma_wait3A_375 = tpu.memref_squeeze %dma_wait3A_374 : memref<1x1x256xi32, #tpu.memory_space<vmem_shared>> -> memref<256xi32, #tpu.memory_space<vmem_shared>>
      %dma_wait3A_376 = arith.constant 0 : i32
      %dma_wait3A_377 = tpu.memref_slice %arg13[%run_scoped3A_212, %arg1, %dma_wait3A_376] : memref<4x16x256xi32, #tpu.memory_space<vmem_shared>> -> memref<1x1x256xi32, #tpu.memory_space<vmem_shared>>
      %dma_wait3A_378 = tpu.memref_squeeze %dma_wait3A_377 : memref<1x1x256xi32, #tpu.memory_space<vmem_shared>> -> memref<256xi32, #tpu.memory_space<vmem_shared>>
      tpu.wait_dma2 semaphore(%run_scoped3A_368 : memref<!tpu.dma_semaphore, #tpu.memory_space<semaphore_mem>>) src(%arg7 : memref<256xi32, #tpu.memory_space<vmem>>) dst(%dma_wait3A_378 : memref<256xi32, #tpu.memory_space<vmem_shared>>)
      tpu.yield
    }) : () -> ()
    %barrier3A_213 = arith.constant 0 : index
    tpu.barrier barrier_id(%barrier3A_213)
    %eq3A_214 = arith.constant 0 : i32
    %eq3A_215 = arith.cmpi eq, %arg1, %eq3A_214 : i32
    %and3A_216 = arith.andi %eq3A_215, %eq3A_0 : i1
    %convert_element_type3A_217 = arith.extui %and3A_216 : i1 to i32
    %cond3A_218 = arith.constant 0 : i32
    %cond3A_219 = arith.cmpi ne, %convert_element_type3A_217, %cond3A_218 : i32
    scf.if %cond3A_219 {
      %run_scoped3A_368 = arith.constant 2 : i32
      "tpu.region"() ({
        %run_scoped3A_394 = tpu.sem_alloc : memref<!tpu.dma_semaphore, #tpu.memory_space<semaphore_mem>>
        %dma_start3A = arith.constant 0 : i32
        %dma_start3A_395 = arith.constant 0 : i32
        %dma_start3A_396 = tpu.memref_slice %arg13[%run_scoped3A_368, %dma_start3A, %dma_start3A_395] : memref<4x16x256xi32, #tpu.memory_space<vmem_shared>> -> memref<1x16x256xi32, #tpu.memory_space<vmem_shared>>
        %dma_start3A_397 = tpu.memref_squeeze %dma_start3A_396 : memref<1x16x256xi32, #tpu.memory_space<vmem_shared>> -> memref<16x256xi32, #tpu.memory_space<vmem_shared>>
        %dma_start3A_398 = arith.constant 0 : i32
        %dma_start3A_399 = arith.constant 0 : i32
        %dma_start3A_400 = tpu.memref_slice %arg13[%run_scoped3A_368, %dma_start3A_398, %dma_start3A_399] : memref<4x16x256xi32, #tpu.memory_space<vmem_shared>> -> memref<1x16x256xi32, #tpu.memory_space<vmem_shared>>
        %dma_start3A_401 = tpu.memref_squeeze %dma_start3A_400 : memref<1x16x256xi32, #tpu.memory_space<vmem_shared>> -> memref<16x256xi32, #tpu.memory_space<vmem_shared>>
        tpu.enqueue_dma source(%dma_start3A_401 : memref<16x256xi32, #tpu.memory_space<vmem_shared>>) target(%arg8 : memref<16x256xi32, #tpu.memory_space<vmem>>) target_semaphore(%run_scoped3A_394 : memref<!tpu.dma_semaphore, #tpu.memory_space<semaphore_mem>>)
        %dma_wait3A = arith.constant 0 : i32
        %dma_wait3A_402 = arith.constant 0 : i32
        %dma_wait3A_403 = tpu.memref_slice %arg13[%run_scoped3A_368, %dma_wait3A, %dma_wait3A_402] : memref<4x16x256xi32, #tpu.memory_space<vmem_shared>> -> memref<1x16x256xi32, #tpu.memory_space<vmem_shared>>
        %dma_wait3A_404 = tpu.memref_squeeze %dma_wait3A_403 : memref<1x16x256xi32, #tpu.memory_space<vmem_shared>> -> memref<16x256xi32, #tpu.memory_space<vmem_shared>>
        %dma_wait3A_405 = arith.constant 0 : i32
        %dma_wait3A_406 = arith.constant 0 : i32
        %dma_wait3A_407 = tpu.memref_slice %arg13[%run_scoped3A_368, %dma_wait3A_405, %dma_wait3A_406] : memref<4x16x256xi32, #tpu.memory_space<vmem_shared>> -> memref<1x16x256xi32, #tpu.memory_space<vmem_shared>>
        %dma_wait3A_408 = tpu.memref_squeeze %dma_wait3A_407 : memref<1x16x256xi32, #tpu.memory_space<vmem_shared>> -> memref<16x256xi32, #tpu.memory_space<vmem_shared>>
        tpu.wait_dma2 semaphore(%run_scoped3A_394 : memref<!tpu.dma_semaphore, #tpu.memory_space<semaphore_mem>>) src(%dma_wait3A_408 : memref<16x256xi32, #tpu.memory_space<vmem_shared>>) dst(%arg8 : memref<16x256xi32, #tpu.memory_space<vmem>>)
        tpu.yield
      }) : () -> ()
      %scan3A = arith.constant 0 : i32
      %scan3A_369 = arith.constant -1 : i32
      %scan3A_370 = arith.constant 0 : i32
      %scan3A_371 = arith.constant 0 : i32
      %scan3A_372 = arith.constant 16 : i32
      %scan3A_373 = arith.addi %scan3A_371, %scan3A_372 : i32
      %scan3A_374 = arith.constant 1 : i32
      %scan3A_375:3 = scf.for %scan3A_394 = %scan3A_371 to %scan3A_373 step %scan3A_374 iter_args(%scan3A_395 = %scan3A, %scan3A_396 = %scan3A_369, %scan3A_397 = %scan3A_370) -> (i32, i32, i32)  : i32 {
        %mul3A_398 = arith.constant 16 : i32
        %mul3A_399 = arith.muli %scan3A_394, %mul3A_398 : i32
        %get3A_400 = arith.constant 0 : i32
        %get3A_401 = arith.index_cast %get3A_400 : i32 to index
        %get3A_402 = arith.index_cast %mul3A_399 : i32 to index
        %get3A_403 = tpu.vector_load %arg8[%get3A_401, %get3A_402] {strides = array<i32>} : memref<16x256xi32, #tpu.memory_space<vmem>>, vector<16xi32>,
        %add3A_404 = arith.addi %broadcast_in_dim3A_1, %get3A_403 : vector<16xi32>
        %mul3A_405 = arith.constant 16 : i32
        %mul3A_406 = arith.muli %scan3A_394, %mul3A_405 : i32
        %get3A_407 = arith.constant 1 : i32
        %get3A_408 = arith.index_cast %get3A_407 : i32 to index
        %get3A_409 = arith.index_cast %mul3A_406 : i32 to index
        %get3A_410 = tpu.vector_load %arg8[%get3A_408, %get3A_409] {strides = array<i32>} : memref<16x256xi32, #tpu.memory_space<vmem>>, vector<16xi32>,
        %add3A_411 = arith.addi %add3A_404, %get3A_410 : vector<16xi32>
        %mul3A_412 = arith.constant 16 : i32
        %mul3A_413 = arith.muli %scan3A_394, %mul3A_412 : i32
        %get3A_414 = arith.constant 2 : i32
        %get3A_415 = arith.index_cast %get3A_414 : i32 to index
        %get3A_416 = arith.index_cast %mul3A_413 : i32 to index
        %get3A_417 = tpu.vector_load %arg8[%get3A_415, %get3A_416] {strides = array<i32>} : memref<16x256xi32, #tpu.memory_space<vmem>>, vector<16xi32>,
        %add3A_418 = arith.addi %add3A_411, %get3A_417 : vector<16xi32>
        %mul3A_419 = arith.constant 16 : i32
        %mul3A_420 = arith.muli %scan3A_394, %mul3A_419 : i32
        %get3A_421 = arith.constant 3 : i32
        %get3A_422 = arith.index_cast %get3A_421 : i32 to index
        %get3A_423 = arith.index_cast %mul3A_420 : i32 to index
        %get3A_424 = tpu.vector_load %arg8[%get3A_422, %get3A_423] {strides = array<i32>} : memref<16x256xi32, #tpu.memory_space<vmem>>, vector<16xi32>,
        %add3A_425 = arith.addi %add3A_418, %get3A_424 : vector<16xi32>
        %mul3A_426 = arith.constant 16 : i32
        %mul3A_427 = arith.muli %scan3A_394, %mul3A_426 : i32
        %get3A_428 = arith.constant 4 : i32
        %get3A_429 = arith.index_cast %get3A_428 : i32 to index
        %get3A_430 = arith.index_cast %mul3A_427 : i32 to index
        %get3A_431 = tpu.vector_load %arg8[%get3A_429, %get3A_430] {strides = array<i32>} : memref<16x256xi32, #tpu.memory_space<vmem>>, vector<16xi32>,
        %add3A_432 = arith.addi %add3A_425, %get3A_431 : vector<16xi32>
        %mul3A_433 = arith.constant 16 : i32
        %mul3A_434 = arith.muli %scan3A_394, %mul3A_433 : i32
        %get3A_435 = arith.constant 5 : i32
        %get3A_436 = arith.index_cast %get3A_435 : i32 to index
        %get3A_437 = arith.index_cast %mul3A_434 : i32 to index
        %get3A_438 = tpu.vector_load %arg8[%get3A_436, %get3A_437] {strides = array<i32>} : memref<16x256xi32, #tpu.memory_space<vmem>>, vector<16xi32>,
        %add3A_439 = arith.addi %add3A_432, %get3A_438 : vector<16xi32>
        %mul3A_440 = arith.constant 16 : i32
        %mul3A_441 = arith.muli %scan3A_394, %mul3A_440 : i32
        %get3A_442 = arith.constant 6 : i32
        %get3A_443 = arith.index_cast %get3A_442 : i32 to index
        %get3A_444 = arith.index_cast %mul3A_441 : i32 to index
        %get3A_445 = tpu.vector_load %arg8[%get3A_443, %get3A_444] {strides = array<i32>} : memref<16x256xi32, #tpu.memory_space<vmem>>, vector<16xi32>,
        %add3A_446 = arith.addi %add3A_439, %get3A_445 : vector<16xi32>
        %mul3A_447 = arith.constant 16 : i32
        %mul3A_448 = arith.muli %scan3A_394, %mul3A_447 : i32
        %get3A_449 = arith.constant 7 : i32
        %get3A_450 = arith.index_cast %get3A_449 : i32 to index
        %get3A_451 = arith.index_cast %mul3A_448 : i32 to index
        %get3A_452 = tpu.vector_load %arg8[%get3A_450, %get3A_451] {strides = array<i32>} : memref<16x256xi32, #tpu.memory_space<vmem>>, vector<16xi32>,
        %add3A_453 = arith.addi %add3A_446, %get3A_452 : vector<16xi32>
        %mul3A_454 = arith.constant 16 : i32
        %mul3A_455 = arith.muli %scan3A_394, %mul3A_454 : i32
        %get3A_456 = arith.constant 8 : i32
        %get3A_457 = arith.index_cast %get3A_456 : i32 to index
        %get3A_458 = arith.index_cast %mul3A_455 : i32 to index
        %get3A_459 = tpu.vector_load %arg8[%get3A_457, %get3A_458] {strides = array<i32>} : memref<16x256xi32, #tpu.memory_space<vmem>>, vector<16xi32>,
        %add3A_460 = arith.addi %add3A_453, %get3A_459 : vector<16xi32>
        %mul3A_461 = arith.constant 16 : i32
        %mul3A_462 = arith.muli %scan3A_394, %mul3A_461 : i32
        %get3A_463 = arith.constant 9 : i32
        %get3A_464 = arith.index_cast %get3A_463 : i32 to index
        %get3A_465 = arith.index_cast %mul3A_462 : i32 to index
        %get3A_466 = tpu.vector_load %arg8[%get3A_464, %get3A_465] {strides = array<i32>} : memref<16x256xi32, #tpu.memory_space<vmem>>, vector<16xi32>,
        %add3A_467 = arith.addi %add3A_460, %get3A_466 : vector<16xi32>
        %mul3A_468 = arith.constant 16 : i32
        %mul3A_469 = arith.muli %scan3A_394, %mul3A_468 : i32
        %get3A_470 = arith.constant 10 : i32
        %get3A_471 = arith.index_cast %get3A_470 : i32 to index
        %get3A_472 = arith.index_cast %mul3A_469 : i32 to index
        %get3A_473 = tpu.vector_load %arg8[%get3A_471, %get3A_472] {strides = array<i32>} : memref<16x256xi32, #tpu.memory_space<vmem>>, vector<16xi32>,
        %add3A_474 = arith.addi %add3A_467, %get3A_473 : vector<16xi32>
        %mul3A_475 = arith.constant 16 : i32
        %mul3A_476 = arith.muli %scan3A_394, %mul3A_475 : i32
        %get3A_477 = arith.constant 11 : i32
        %get3A_478 = arith.index_cast %get3A_477 : i32 to index
        %get3A_479 = arith.index_cast %mul3A_476 : i32 to index
        %get3A_480 = tpu.vector_load %arg8[%get3A_478, %get3A_479] {strides = array<i32>} : memref<16x256xi32, #tpu.memory_space<vmem>>, vector<16xi32>,
        %add3A_481 = arith.addi %add3A_474, %get3A_480 : vector<16xi32>
        %mul3A_482 = arith.constant 16 : i32
        %mul3A_483 = arith.muli %scan3A_394, %mul3A_482 : i32
        %get3A_484 = arith.constant 12 : i32
        %get3A_485 = arith.index_cast %get3A_484 : i32 to index
        %get3A_486 = arith.index_cast %mul3A_483 : i32 to index
        %get3A_487 = tpu.vector_load %arg8[%get3A_485, %get3A_486] {strides = array<i32>} : memref<16x256xi32, #tpu.memory_space<vmem>>, vector<16xi32>,
        %add3A_488 = arith.addi %add3A_481, %get3A_487 : vector<16xi32>
        %mul3A_489 = arith.constant 16 : i32
        %mul3A_490 = arith.muli %scan3A_394, %mul3A_489 : i32
        %get3A_491 = arith.constant 13 : i32
        %get3A_492 = arith.index_cast %get3A_491 : i32 to index
        %get3A_493 = arith.index_cast %mul3A_490 : i32 to index
        %get3A_494 = tpu.vector_load %arg8[%get3A_492, %get3A_493] {strides = array<i32>} : memref<16x256xi32, #tpu.memory_space<vmem>>, vector<16xi32>,
        %add3A_495 = arith.addi %add3A_488, %get3A_494 : vector<16xi32>
        %mul3A_496 = arith.constant 16 : i32
        %mul3A_497 = arith.muli %scan3A_394, %mul3A_496 : i32
        %get3A_498 = arith.constant 14 : i32
        %get3A_499 = arith.index_cast %get3A_498 : i32 to index
        %get3A_500 = arith.index_cast %mul3A_497 : i32 to index
        %get3A_501 = tpu.vector_load %arg8[%get3A_499, %get3A_500] {strides = array<i32>} : memref<16x256xi32, #tpu.memory_space<vmem>>, vector<16xi32>,
        %add3A_502 = arith.addi %add3A_495, %get3A_501 : vector<16xi32>
        %mul3A_503 = arith.constant 16 : i32
        %mul3A_504 = arith.muli %scan3A_394, %mul3A_503 : i32
        %get3A_505 = arith.constant 15 : i32
        %get3A_506 = arith.index_cast %get3A_505 : i32 to index
        %get3A_507 = arith.index_cast %mul3A_504 : i32 to index
        %get3A_508 = tpu.vector_load %arg8[%get3A_506, %get3A_507] {strides = array<i32>} : memref<16x256xi32, #tpu.memory_space<vmem>>, vector<16xi32>,
        %add3A_509 = arith.addi %add3A_502, %get3A_508 : vector<16xi32>
        %broadcast_in_dim3A_510 = arith.constant true
        %broadcast_in_dim3A_511 = vector.broadcast %broadcast_in_dim3A_510 : i1 to vector<16xi1>
        %masked_cumsum3A = tpu.scan <sum>, %add3A_509 masked %broadcast_in_dim3A_511 : vector<16xi32>, vector<16xi1> -> vector<16xi32>
        %reduce_sum3A_512 = arith.constant true
        %reduce_sum3A_513 = vector.broadcast %reduce_sum3A_512 : i1 to vector<16xi1>
        %reduce_sum3A_514 = tpu.scan <sum>, %add3A_509 masked %reduce_sum3A_513 : vector<16xi32>, vector<16xi1> -> vector<16xi32>
        %reduce_sum3A_515 = vector.extract %reduce_sum3A_514[15] : i32 from vector<16xi32>
        %add3A_516 = vector.broadcast %scan3A_395 : i32 to vector<16xi32>
        %add3A_517 = arith.addi %add3A_516, %masked_cumsum3A : vector<16xi32>
        %ge3A = vector.broadcast %reduce_sum3A_165 : i32 to vector<16xi32>
        %ge3A_518 = arith.cmpi sge, %add3A_517, %ge3A : vector<16xi32>
        %all_reduce_ffs3A = tpu.all_reduce %ge3A_518 {dim = 0 : i64, kind = #tpu.reduction_kind<find_first_set>} : vector<16xi1> -> vector<16xi32>
        %reduce_max3A = arith.constant true
        %reduce_max3A_519 = vector.broadcast %reduce_max3A : i1 to vector<16xi1>
        %reduce_max3A_520 = arith.constant -2147483648 : i32
        %reduce_max3A_521 = vector.broadcast %reduce_max3A_520 : i32 to vector<16xi32>
        %reduce_max3A_522 = arith.xori %all_reduce_ffs3A, %reduce_max3A_521 : vector<16xi32>
        %reduce_max3A_523 = tpu.scan <max>, %reduce_max3A_522 masked %reduce_max3A_519 : vector<16xi32>, vector<16xi1> -> vector<16xi32>
        %reduce_max3A_524 = arith.xori %reduce_max3A_523, %reduce_max3A_521 : vector<16xi32>
        %reduce_max3A_525 = vector.extract %reduce_max3A_524[15] : i32 from vector<16xi32>
        %lt3A = arith.constant 0 : i32
        %lt3A_526 = arith.cmpi slt, %scan3A_396, %lt3A : i32
        %lt3A_527 = arith.constant 16 : i32
        %lt3A_528 = arith.cmpi slt, %reduce_max3A_525, %lt3A_527 : i32
        %and3A_529 = arith.andi %lt3A_526, %lt3A_528 : i1
        %lt3A_530 = vector.broadcast %reduce_max3A_525 : i32 to vector<16xi32>
        %lt3A_531 = arith.cmpi slt, %iota3A, %lt3A_530 : vector<16xi32>
        %jit3A_532 = arith.constant 0 : i32
        %broadcast_in_dim3A_533 = vector.broadcast %jit3A_532 : i32 to vector<16xi32>
        %select_n3A_534 = arith.select %lt3A_531, %add3A_509, %broadcast_in_dim3A_533 : vector<16xi1>, vector<16xi32>
        %reduce_sum3A_535 = arith.constant true
        %reduce_sum3A_536 = vector.broadcast %reduce_sum3A_535 : i1 to vector<16xi1>
        %reduce_sum3A_537 = tpu.scan <sum>, %select_n3A_534 masked %reduce_sum3A_536 : vector<16xi32>, vector<16xi1> -> vector<16xi32>
        %reduce_sum3A_538 = vector.extract %reduce_sum3A_537[15] : i32 from vector<16xi32>
        %mul3A_539 = arith.constant 16 : i32
        %mul3A_540 = arith.muli %scan3A_394, %mul3A_539 : i32
        %add3A_541 = arith.addi %mul3A_540, %reduce_max3A_525 : i32
        %select_n3A_542 = arith.select %and3A_529, %add3A_541, %scan3A_396 : i32
        %add3A_543 = arith.addi %scan3A_395, %reduce_sum3A_538 : i32
        %select_n3A_544 = arith.select %and3A_529, %add3A_543, %scan3A_397 : i32
        %add3A_545 = arith.addi %scan3A_395, %reduce_sum3A_515 : i32
        scf.yield %add3A_545, %select_n3A_542, %select_n3A_544 : i32, i32, i32
      }
      %scan3A_376 = arith.constant 16 : i32
      %eq3A_377 = arith.constant 0 : i32
      %eq3A_378 = vector.broadcast %eq3A_377 : i32 to vector<16xi32>
      %eq3A_379 = arith.cmpi eq, %iota3A, %eq3A_378 : vector<16xi32>
      %mul3A_380 = arith.constant 256 : i32
      %mul3A_381 = arith.muli %reduce_sum3A_155, %mul3A_380 : i32
      %add3A = arith.addi %mul3A_381, %scan3A_375#1 : i32
      %eq3A_382 = arith.constant 1 : i32
      %eq3A_383 = vector.broadcast %eq3A_382 : i32 to vector<16xi32>
      %eq3A_384 = arith.cmpi eq, %iota3A, %eq3A_383 : vector<16xi32>
      %sub3A = arith.subi %reduce_sum3A_165, %scan3A_375#2 : i32
      %jit3A_385 = arith.constant 0 : i32
      %broadcast_in_dim3A_386 = vector.broadcast %sub3A : i32 to vector<16xi32>
      %broadcast_in_dim3A_387 = vector.broadcast %jit3A_385 : i32 to vector<16xi32>
      %select_n3A_388 = arith.select %eq3A_384, %broadcast_in_dim3A_386, %broadcast_in_dim3A_387 : vector<16xi1>, vector<16xi32>
      %broadcast_in_dim3A_389 = vector.broadcast %add3A : i32 to vector<16xi32>
      %select_n3A_390 = arith.select %eq3A_379, %broadcast_in_dim3A_389, %select_n3A_388 : vector<16xi1>, vector<16xi32>
      %swap3A_391 = arith.constant 0 : index
      %swap3A_392 = tpu.vector_load %arg9[%swap3A_391] {strides = array<i32>} : memref<16xi32, #tpu.memory_space<vmem>>, vector<16xi32>,
      tpu.vector_store %arg9[%swap3A_391], %select_n3A_390 {strides = array<i32>} : memref<16xi32, #tpu.memory_space<vmem>>, vector<16xi32>,
      %run_scoped3A_393 = arith.constant 2 : i32
      "tpu.region"() ({
        %run_scoped3A_394 = tpu.sem_alloc : memref<!tpu.dma_semaphore, #tpu.memory_space<semaphore_mem>>
        %dma_start3A = arith.constant 0 : i32
        %dma_start3A_395 = tpu.memref_slice %arg14[%run_scoped3A_393, %dma_start3A] : memref<4x16xi32, #tpu.memory_space<vmem_shared>> -> memref<1x16xi32, #tpu.memory_space<vmem_shared>>
        %dma_start3A_396 = tpu.memref_squeeze %dma_start3A_395 : memref<1x16xi32, #tpu.memory_space<vmem_shared>> -> memref<16xi32, #tpu.memory_space<vmem_shared>>
        %dma_start3A_397 = arith.constant 0 : i32
        %dma_start3A_398 = tpu.memref_slice %arg14[%run_scoped3A_393, %dma_start3A_397] : memref<4x16xi32, #tpu.memory_space<vmem_shared>> -> memref<1x16xi32, #tpu.memory_space<vmem_shared>>
        %dma_start3A_399 = tpu.memref_squeeze %dma_start3A_398 : memref<1x16xi32, #tpu.memory_space<vmem_shared>> -> memref<16xi32, #tpu.memory_space<vmem_shared>>
        tpu.enqueue_dma source(%arg9 : memref<16xi32, #tpu.memory_space<vmem>>) target(%dma_start3A_399 : memref<16xi32, #tpu.memory_space<vmem_shared>>) target_semaphore(%run_scoped3A_394 : memref<!tpu.dma_semaphore, #tpu.memory_space<semaphore_mem>>)
        %dma_wait3A = arith.constant 0 : i32
        %dma_wait3A_400 = tpu.memref_slice %arg14[%run_scoped3A_393, %dma_wait3A] : memref<4x16xi32, #tpu.memory_space<vmem_shared>> -> memref<1x16xi32, #tpu.memory_space<vmem_shared>>
        %dma_wait3A_401 = tpu.memref_squeeze %dma_wait3A_400 : memref<1x16xi32, #tpu.memory_space<vmem_shared>> -> memref<16xi32, #tpu.memory_space<vmem_shared>>
        %dma_wait3A_402 = arith.constant 0 : i32
        %dma_wait3A_403 = tpu.memref_slice %arg14[%run_scoped3A_393, %dma_wait3A_402] : memref<4x16xi32, #tpu.memory_space<vmem_shared>> -> memref<1x16xi32, #tpu.memory_space<vmem_shared>>
        %dma_wait3A_404 = tpu.memref_squeeze %dma_wait3A_403 : memref<1x16xi32, #tpu.memory_space<vmem_shared>> -> memref<16xi32, #tpu.memory_space<vmem_shared>>
        tpu.wait_dma2 semaphore(%run_scoped3A_394 : memref<!tpu.dma_semaphore, #tpu.memory_space<semaphore_mem>>) src(%arg9 : memref<16xi32, #tpu.memory_space<vmem>>) dst(%dma_wait3A_404 : memref<16xi32, #tpu.memory_space<vmem_shared>>)
        tpu.yield
      }) : () -> ()
    } else {
    }
    %barrier3A_220 = arith.constant 0 : index
    tpu.barrier barrier_id(%barrier3A_220)
    %run_scoped3A_221 = arith.constant 2 : i32
    "tpu.region"() ({
      %run_scoped3A_368 = tpu.sem_alloc : memref<!tpu.dma_semaphore, #tpu.memory_space<semaphore_mem>>
      %dma_start3A = arith.constant 0 : i32
      %dma_start3A_369 = tpu.memref_slice %arg14[%run_scoped3A_221, %dma_start3A] : memref<4x16xi32, #tpu.memory_space<vmem_shared>> -> memref<1x16xi32, #tpu.memory_space<vmem_shared>>
      %dma_start3A_370 = tpu.memref_squeeze %dma_start3A_369 : memref<1x16xi32, #tpu.memory_space<vmem_shared>> -> memref<16xi32, #tpu.memory_space<vmem_shared>>
      %dma_start3A_371 = arith.constant 0 : i32
      %dma_start3A_372 = tpu.memref_slice %arg14[%run_scoped3A_221, %dma_start3A_371] : memref<4x16xi32, #tpu.memory_space<vmem_shared>> -> memref<1x16xi32, #tpu.memory_space<vmem_shared>>
      %dma_start3A_373 = tpu.memref_squeeze %dma_start3A_372 : memref<1x16xi32, #tpu.memory_space<vmem_shared>> -> memref<16xi32, #tpu.memory_space<vmem_shared>>
      tpu.enqueue_dma source(%dma_start3A_373 : memref<16xi32, #tpu.memory_space<vmem_shared>>) target(%arg9 : memref<16xi32, #tpu.memory_space<vmem>>) target_semaphore(%run_scoped3A_368 : memref<!tpu.dma_semaphore, #tpu.memory_space<semaphore_mem>>)
      %dma_wait3A = arith.constant 0 : i32
      %dma_wait3A_374 = tpu.memref_slice %arg14[%run_scoped3A_221, %dma_wait3A] : memref<4x16xi32, #tpu.memory_space<vmem_shared>> -> memref<1x16xi32, #tpu.memory_space<vmem_shared>>
      %dma_wait3A_375 = tpu.memref_squeeze %dma_wait3A_374 : memref<1x16xi32, #tpu.memory_space<vmem_shared>> -> memref<16xi32, #tpu.memory_space<vmem_shared>>
      %dma_wait3A_376 = arith.constant 0 : i32
      %dma_wait3A_377 = tpu.memref_slice %arg14[%run_scoped3A_221, %dma_wait3A_376] : memref<4x16xi32, #tpu.memory_space<vmem_shared>> -> memref<1x16xi32, #tpu.memory_space<vmem_shared>>
      %dma_wait3A_378 = tpu.memref_squeeze %dma_wait3A_377 : memref<1x16xi32, #tpu.memory_space<vmem_shared>> -> memref<16xi32, #tpu.memory_space<vmem_shared>>
      tpu.wait_dma2 semaphore(%run_scoped3A_368 : memref<!tpu.dma_semaphore, #tpu.memory_space<semaphore_mem>>) src(%dma_wait3A_378 : memref<16xi32, #tpu.memory_space<vmem_shared>>) dst(%arg9 : memref<16xi32, #tpu.memory_space<vmem>>)
      tpu.yield
    }) : () -> ()
    %get3A_222 = arith.constant 0 : index
    %get3A_223 = tpu.vector_load %arg9[%get3A_222] {strides = array<i32>} : memref<16xi32, #tpu.memory_space<vmem>>, vector<16xi32>,
    %eq3A_224 = arith.constant 0 : i32
    %eq3A_225 = vector.broadcast %eq3A_224 : i32 to vector<16xi32>
    %eq3A_226 = arith.cmpi eq, %iota3A, %eq3A_225 : vector<16xi32>
    %jit3A_227 = arith.constant 0 : i32
    %broadcast_in_dim3A_228 = vector.broadcast %jit3A_227 : i32 to vector<16xi32>
    %select_n3A_229 = arith.select %eq3A_226, %get3A_223, %broadcast_in_dim3A_228 : vector<16xi1>, vector<16xi32>
    %reduce_sum3A_230 = arith.constant true
    %reduce_sum3A_231 = vector.broadcast %reduce_sum3A_230 : i1 to vector<16xi1>
    %reduce_sum3A_232 = tpu.scan <sum>, %select_n3A_229 masked %reduce_sum3A_231 : vector<16xi32>, vector<16xi1> -> vector<16xi32>
    %reduce_sum3A_233 = vector.extract %reduce_sum3A_232[15] : i32 from vector<16xi32>
    %eq3A_234 = arith.constant 1 : i32
    %eq3A_235 = vector.broadcast %eq3A_234 : i32 to vector<16xi32>
    %eq3A_236 = arith.cmpi eq, %iota3A, %eq3A_235 : vector<16xi32>
    %jit3A_237 = arith.constant 0 : i32
    %broadcast_in_dim3A_238 = vector.broadcast %jit3A_237 : i32 to vector<16xi32>
    %select_n3A_239 = arith.select %eq3A_236, %get3A_223, %broadcast_in_dim3A_238 : vector<16xi1>, vector<16xi32>
    %reduce_sum3A_240 = arith.constant true
    %reduce_sum3A_241 = vector.broadcast %reduce_sum3A_240 : i1 to vector<16xi1>
    %reduce_sum3A_242 = tpu.scan <sum>, %select_n3A_239 masked %reduce_sum3A_241 : vector<16xi32>, vector<16xi1> -> vector<16xi32>
    %reduce_sum3A_243 = vector.extract %reduce_sum3A_242[15] : i32 from vector<16xi32>
    %jit3A_244 = arith.constant 256 : i32
    %jit3A_245 = arith.constant 0 : i32
    %select_n3A_246 = arith.select %eq3A_0, %jit3A_244, %jit3A_245 : i32
    %while3A_247 = arith.constant 0 : i32
    %while3A_248 = arith.constant 0 : i32
    %while3A_249 = arith.subi %select_n3A_246, %while3A_248 : i32
    %while3A_250 = arith.addi %while3A_248, %while3A_249 : i32
    %while3A_251 = arith.constant 1 : i32
    %while3A_252 = arith.divsi %while3A_249, %while3A_251 : i32
    %while3A_253 = arith.muli %while3A_252, %while3A_251 : i32
    %while3A_254 = arith.addi %while3A_248, %while3A_253 : i32
    %while3A_255 = arith.constant 1 : i32
    scf.for %while3A_368 = %while3A_248 to %while3A_254 step %while3A_255  : i32 {
      %mul3A_369 = arith.constant 16 : i32
      %mul3A_370 = arith.muli %while3A_368, %mul3A_369 : i32
      %swap3A_371 = arith.index_cast %mul3A_370 : i32 to index
      %swap3A_372 = tpu.vector_load %arg6[%swap3A_371] {strides = array<i32>} : memref<4096xi32, #tpu.memory_space<vmem>>, vector<16xi32>,
      tpu.vector_store %arg6[%swap3A_371], %broadcast_in_dim3A_1 {strides = array<i32>} : memref<4096xi32, #tpu.memory_space<vmem>>, vector<16xi32>,
    }
    %while3A_256 = arith.constant 1 : i32
    scf.for %while3A_368 = %while3A_254 to %while3A_250 step %while3A_256  : i32 {
      %mul3A_369 = arith.constant 16 : i32
      %mul3A_370 = arith.muli %while3A_368, %mul3A_369 : i32
      %swap3A_371 = arith.index_cast %mul3A_370 : i32 to index
      %swap3A_372 = tpu.vector_load %arg6[%swap3A_371] {strides = array<i32>} : memref<4096xi32, #tpu.memory_space<vmem>>, vector<16xi32>,
      tpu.vector_store %arg6[%swap3A_371], %broadcast_in_dim3A_1 {strides = array<i32>} : memref<4096xi32, #tpu.memory_space<vmem>>, vector<16xi32>,
    }
    %mul3A_257 = arith.constant 256 : i32
    %mul3A_258 = vector.broadcast %mul3A_257 : i32 to vector<16xi32>
    %mul3A_259 = arith.muli %iota3A, %mul3A_258 : vector<16xi32>
    %broadcast_in_dim3A_260 = arith.constant 0 : i32
    %broadcast_in_dim3A_261 = vector.broadcast %broadcast_in_dim3A_260 : i32 to vector<16xi32>
    %broadcast_in_dim3A_262 = arith.constant 8 : i32
    %broadcast_in_dim3A_263 = vector.broadcast %broadcast_in_dim3A_262 : i32 to vector<16xi32>
    %jit3A_264 = arith.constant 64 : i32
    %jit3A_265 = arith.constant 0 : i32
    %select_n3A_266 = arith.select %eq3A_0, %jit3A_264, %jit3A_265 : i32
    %while3A_267 = arith.constant 0 : i32
    %while3A_268 = arith.constant 0 : i32
    %while3A_269 = arith.subi %select_n3A_266, %while3A_268 : i32
    %while3A_270 = arith.addi %while3A_268, %while3A_269 : i32
    %while3A_271 = arith.constant 1 : i32
    %while3A_272 = arith.divsi %while3A_269, %while3A_271 : i32
    %while3A_273 = arith.muli %while3A_272, %while3A_271 : i32
    %while3A_274 = arith.addi %while3A_268, %while3A_273 : i32
    %while3A_275 = arith.constant 1 : i32
    scf.for %while3A_368 = %while3A_268 to %while3A_274 step %while3A_275  : i32 {
      %mul3A_369 = arith.constant 16 : i32
      %mul3A_370 = arith.muli %while3A_368, %mul3A_369 : i32
      %get3A_371 = arith.index_cast %mul3A_370 : i32 to index
      %get3A_372 = tpu.vector_load %arg5[%get3A_371] {strides = array<i32>} : memref<1024xi32, #tpu.memory_space<vmem>>, vector<16xi32>,
      %shift_right_logical3A = arith.shrui %get3A_372, %broadcast_in_dim3A_261 : vector<16xi32>
      %and3A_373 = arith.constant 255 : i32
      %and3A_374 = vector.broadcast %and3A_373 : i32 to vector<16xi32>
      %and3A_375 = arith.andi %shift_right_logical3A, %and3A_374 : vector<16xi32>
      %shift_right_logical3A_376 = arith.shrui %get3A_372, %broadcast_in_dim3A_263 : vector<16xi32>
      %eq3A_377 = vector.broadcast %reduce_sum3A_233 : i32 to vector<16xi32>
      %eq3A_378 = arith.cmpi eq, %shift_right_logical3A_376, %eq3A_377 : vector<16xi32>
      %add3A = arith.addi %mul3A_259, %and3A_375 : vector<16xi32>
      tpu.vector_store_idx %arg6[%add3A], %broadcast_in_dim3A_3 masked %eq3A_378 {add = true} : memref<4096xi32, #tpu.memory_space<vmem>>[vector<16xi32>], vector<16xi32>, vector<16xi1>
    }
    %while3A_276 = arith.constant 1 : i32
    scf.for %while3A_368 = %while3A_274 to %while3A_270 step %while3A_276  : i32 {
      %mul3A_369 = arith.constant 16 : i32
      %mul3A_370 = arith.muli %while3A_368, %mul3A_369 : i32
      %get3A_371 = arith.index_cast %mul3A_370 : i32 to index
      %get3A_372 = tpu.vector_load %arg5[%get3A_371] {strides = array<i32>} : memref<1024xi32, #tpu.memory_space<vmem>>, vector<16xi32>,
      %shift_right_logical3A = arith.shrui %get3A_372, %broadcast_in_dim3A_261 : vector<16xi32>
      %and3A_373 = arith.constant 255 : i32
      %and3A_374 = vector.broadcast %and3A_373 : i32 to vector<16xi32>
      %and3A_375 = arith.andi %shift_right_logical3A, %and3A_374 : vector<16xi32>
      %shift_right_logical3A_376 = arith.shrui %get3A_372, %broadcast_in_dim3A_263 : vector<16xi32>
      %eq3A_377 = vector.broadcast %reduce_sum3A_233 : i32 to vector<16xi32>
      %eq3A_378 = arith.cmpi eq, %shift_right_logical3A_376, %eq3A_377 : vector<16xi32>
      %add3A = arith.addi %mul3A_259, %and3A_375 : vector<16xi32>
      tpu.vector_store_idx %arg6[%add3A], %broadcast_in_dim3A_3 masked %eq3A_378 {add = true} : memref<4096xi32, #tpu.memory_space<vmem>>[vector<16xi32>], vector<16xi32>, vector<16xi1>
    }
    %jit3A_277 = arith.constant 16 : i32
    %jit3A_278 = arith.constant 0 : i32
    %select_n3A_279 = arith.select %eq3A_0, %jit3A_277, %jit3A_278 : i32
    %while3A_280 = arith.constant 0 : i32
    %while3A_281 = arith.constant 0 : i32
    %while3A_282 = arith.subi %select_n3A_279, %while3A_281 : i32
    %while3A_283 = arith.addi %while3A_281, %while3A_282 : i32
    %while3A_284 = arith.constant 1 : i32
    %while3A_285 = arith.divsi %while3A_282, %while3A_284 : i32
    %while3A_286 = arith.muli %while3A_285, %while3A_284 : i32
    %while3A_287 = arith.addi %while3A_281, %while3A_286 : i32
    %while3A_288 = arith.constant 1 : i32
    scf.for %while3A_368 = %while3A_281 to %while3A_287 step %while3A_288  : i32 {
      %mul3A_369 = arith.constant 16 : i32
      %mul3A_370 = arith.muli %while3A_368, %mul3A_369 : i32
      %add3A = arith.constant 0 : i32
      %add3A_371 = arith.addi %add3A, %mul3A_370 : i32
      %get3A_372 = arith.index_cast %add3A_371 : i32 to index
      %get3A_373 = tpu.vector_load %arg6[%get3A_372] {strides = array<i32>} : memref<4096xi32, #tpu.memory_space<vmem>>, vector<16xi32>,
      %add3A_374 = arith.addi %broadcast_in_dim3A_1, %get3A_373 : vector<16xi32>
      %mul3A_375 = arith.constant 16 : i32
      %mul3A_376 = arith.muli %while3A_368, %mul3A_375 : i32
      %add3A_377 = arith.constant 256 : i32
      %add3A_378 = arith.addi %add3A_377, %mul3A_376 : i32
      %get3A_379 = arith.index_cast %add3A_378 : i32 to index
      %get3A_380 = tpu.vector_load %arg6[%get3A_379] {strides = array<i32>} : memref<4096xi32, #tpu.memory_space<vmem>>, vector<16xi32>,
      %add3A_381 = arith.addi %add3A_374, %get3A_380 : vector<16xi32>
      %mul3A_382 = arith.constant 16 : i32
      %mul3A_383 = arith.muli %while3A_368, %mul3A_382 : i32
      %add3A_384 = arith.constant 512 : i32
      %add3A_385 = arith.addi %add3A_384, %mul3A_383 : i32
      %get3A_386 = arith.index_cast %add3A_385 : i32 to index
      %get3A_387 = tpu.vector_load %arg6[%get3A_386] {strides = array<i32>} : memref<4096xi32, #tpu.memory_space<vmem>>, vector<16xi32>,
      %add3A_388 = arith.addi %add3A_381, %get3A_387 : vector<16xi32>
      %mul3A_389 = arith.constant 16 : i32
      %mul3A_390 = arith.muli %while3A_368, %mul3A_389 : i32
      %add3A_391 = arith.constant 768 : i32
      %add3A_392 = arith.addi %add3A_391, %mul3A_390 : i32
      %get3A_393 = arith.index_cast %add3A_392 : i32 to index
      %get3A_394 = tpu.vector_load %arg6[%get3A_393] {strides = array<i32>} : memref<4096xi32, #tpu.memory_space<vmem>>, vector<16xi32>,
      %add3A_395 = arith.addi %add3A_388, %get3A_394 : vector<16xi32>
      %mul3A_396 = arith.constant 16 : i32
      %mul3A_397 = arith.muli %while3A_368, %mul3A_396 : i32
      %add3A_398 = arith.constant 1024 : i32
      %add3A_399 = arith.addi %add3A_398, %mul3A_397 : i32
      %get3A_400 = arith.index_cast %add3A_399 : i32 to index
      %get3A_401 = tpu.vector_load %arg6[%get3A_400] {strides = array<i32>} : memref<4096xi32, #tpu.memory_space<vmem>>, vector<16xi32>,
      %add3A_402 = arith.addi %add3A_395, %get3A_401 : vector<16xi32>
      %mul3A_403 = arith.constant 16 : i32
      %mul3A_404 = arith.muli %while3A_368, %mul3A_403 : i32
      %add3A_405 = arith.constant 1280 : i32
      %add3A_406 = arith.addi %add3A_405, %mul3A_404 : i32
      %get3A_407 = arith.index_cast %add3A_406 : i32 to index
      %get3A_408 = tpu.vector_load %arg6[%get3A_407] {strides = array<i32>} : memref<4096xi32, #tpu.memory_space<vmem>>, vector<16xi32>,
      %add3A_409 = arith.addi %add3A_402, %get3A_408 : vector<16xi32>
      %mul3A_410 = arith.constant 16 : i32
      %mul3A_411 = arith.muli %while3A_368, %mul3A_410 : i32
      %add3A_412 = arith.constant 1536 : i32
      %add3A_413 = arith.addi %add3A_412, %mul3A_411 : i32
      %get3A_414 = arith.index_cast %add3A_413 : i32 to index
      %get3A_415 = tpu.vector_load %arg6[%get3A_414] {strides = array<i32>} : memref<4096xi32, #tpu.memory_space<vmem>>, vector<16xi32>,
      %add3A_416 = arith.addi %add3A_409, %get3A_415 : vector<16xi32>
      %mul3A_417 = arith.constant 16 : i32
      %mul3A_418 = arith.muli %while3A_368, %mul3A_417 : i32
      %add3A_419 = arith.constant 1792 : i32
      %add3A_420 = arith.addi %add3A_419, %mul3A_418 : i32
      %get3A_421 = arith.index_cast %add3A_420 : i32 to index
      %get3A_422 = tpu.vector_load %arg6[%get3A_421] {strides = array<i32>} : memref<4096xi32, #tpu.memory_space<vmem>>, vector<16xi32>,
      %add3A_423 = arith.addi %add3A_416, %get3A_422 : vector<16xi32>
      %mul3A_424 = arith.constant 16 : i32
      %mul3A_425 = arith.muli %while3A_368, %mul3A_424 : i32
      %add3A_426 = arith.constant 2048 : i32
      %add3A_427 = arith.addi %add3A_426, %mul3A_425 : i32
      %get3A_428 = arith.index_cast %add3A_427 : i32 to index
      %get3A_429 = tpu.vector_load %arg6[%get3A_428] {strides = array<i32>} : memref<4096xi32, #tpu.memory_space<vmem>>, vector<16xi32>,
      %add3A_430 = arith.addi %add3A_423, %get3A_429 : vector<16xi32>
      %mul3A_431 = arith.constant 16 : i32
      %mul3A_432 = arith.muli %while3A_368, %mul3A_431 : i32
      %add3A_433 = arith.constant 2304 : i32
      %add3A_434 = arith.addi %add3A_433, %mul3A_432 : i32
      %get3A_435 = arith.index_cast %add3A_434 : i32 to index
      %get3A_436 = tpu.vector_load %arg6[%get3A_435] {strides = array<i32>} : memref<4096xi32, #tpu.memory_space<vmem>>, vector<16xi32>,
      %add3A_437 = arith.addi %add3A_430, %get3A_436 : vector<16xi32>
      %mul3A_438 = arith.constant 16 : i32
      %mul3A_439 = arith.muli %while3A_368, %mul3A_438 : i32
      %add3A_440 = arith.constant 2560 : i32
      %add3A_441 = arith.addi %add3A_440, %mul3A_439 : i32
      %get3A_442 = arith.index_cast %add3A_441 : i32 to index
      %get3A_443 = tpu.vector_load %arg6[%get3A_442] {strides = array<i32>} : memref<4096xi32, #tpu.memory_space<vmem>>, vector<16xi32>,
      %add3A_444 = arith.addi %add3A_437, %get3A_443 : vector<16xi32>
      %mul3A_445 = arith.constant 16 : i32
      %mul3A_446 = arith.muli %while3A_368, %mul3A_445 : i32
      %add3A_447 = arith.constant 2816 : i32
      %add3A_448 = arith.addi %add3A_447, %mul3A_446 : i32
      %get3A_449 = arith.index_cast %add3A_448 : i32 to index
      %get3A_450 = tpu.vector_load %arg6[%get3A_449] {strides = array<i32>} : memref<4096xi32, #tpu.memory_space<vmem>>, vector<16xi32>,
      %add3A_451 = arith.addi %add3A_444, %get3A_450 : vector<16xi32>
      %mul3A_452 = arith.constant 16 : i32
      %mul3A_453 = arith.muli %while3A_368, %mul3A_452 : i32
      %add3A_454 = arith.constant 3072 : i32
      %add3A_455 = arith.addi %add3A_454, %mul3A_453 : i32
      %get3A_456 = arith.index_cast %add3A_455 : i32 to index
      %get3A_457 = tpu.vector_load %arg6[%get3A_456] {strides = array<i32>} : memref<4096xi32, #tpu.memory_space<vmem>>, vector<16xi32>,
      %add3A_458 = arith.addi %add3A_451, %get3A_457 : vector<16xi32>
      %mul3A_459 = arith.constant 16 : i32
      %mul3A_460 = arith.muli %while3A_368, %mul3A_459 : i32
      %add3A_461 = arith.constant 3328 : i32
      %add3A_462 = arith.addi %add3A_461, %mul3A_460 : i32
      %get3A_463 = arith.index_cast %add3A_462 : i32 to index
      %get3A_464 = tpu.vector_load %arg6[%get3A_463] {strides = array<i32>} : memref<4096xi32, #tpu.memory_space<vmem>>, vector<16xi32>,
      %add3A_465 = arith.addi %add3A_458, %get3A_464 : vector<16xi32>
      %mul3A_466 = arith.constant 16 : i32
      %mul3A_467 = arith.muli %while3A_368, %mul3A_466 : i32
      %add3A_468 = arith.constant 3584 : i32
      %add3A_469 = arith.addi %add3A_468, %mul3A_467 : i32
      %get3A_470 = arith.index_cast %add3A_469 : i32 to index
      %get3A_471 = tpu.vector_load %arg6[%get3A_470] {strides = array<i32>} : memref<4096xi32, #tpu.memory_space<vmem>>, vector<16xi32>,
      %add3A_472 = arith.addi %add3A_465, %get3A_471 : vector<16xi32>
      %mul3A_473 = arith.constant 16 : i32
      %mul3A_474 = arith.muli %while3A_368, %mul3A_473 : i32
      %add3A_475 = arith.constant 3840 : i32
      %add3A_476 = arith.addi %add3A_475, %mul3A_474 : i32
      %get3A_477 = arith.index_cast %add3A_476 : i32 to index
      %get3A_478 = tpu.vector_load %arg6[%get3A_477] {strides = array<i32>} : memref<4096xi32, #tpu.memory_space<vmem>>, vector<16xi32>,
      %add3A_479 = arith.addi %add3A_472, %get3A_478 : vector<16xi32>
      %mul3A_480 = arith.constant 16 : i32
      %mul3A_481 = arith.muli %while3A_368, %mul3A_480 : i32
      %swap3A_482 = arith.index_cast %mul3A_481 : i32 to index
      %swap3A_483 = tpu.vector_load %arg7[%swap3A_482] {strides = array<i32>} : memref<256xi32, #tpu.memory_space<vmem>>, vector<16xi32>,
      tpu.vector_store %arg7[%swap3A_482], %add3A_479 {strides = array<i32>} : memref<256xi32, #tpu.memory_space<vmem>>, vector<16xi32>,
    }
    %while3A_289 = arith.constant 1 : i32
    scf.for %while3A_368 = %while3A_287 to %while3A_283 step %while3A_289  : i32 {
      %mul3A_369 = arith.constant 16 : i32
      %mul3A_370 = arith.muli %while3A_368, %mul3A_369 : i32
      %add3A = arith.constant 0 : i32
      %add3A_371 = arith.addi %add3A, %mul3A_370 : i32
      %get3A_372 = arith.index_cast %add3A_371 : i32 to index
      %get3A_373 = tpu.vector_load %arg6[%get3A_372] {strides = array<i32>} : memref<4096xi32, #tpu.memory_space<vmem>>, vector<16xi32>,
      %add3A_374 = arith.addi %broadcast_in_dim3A_1, %get3A_373 : vector<16xi32>
      %mul3A_375 = arith.constant 16 : i32
      %mul3A_376 = arith.muli %while3A_368, %mul3A_375 : i32
      %add3A_377 = arith.constant 256 : i32
      %add3A_378 = arith.addi %add3A_377, %mul3A_376 : i32
      %get3A_379 = arith.index_cast %add3A_378 : i32 to index
      %get3A_380 = tpu.vector_load %arg6[%get3A_379] {strides = array<i32>} : memref<4096xi32, #tpu.memory_space<vmem>>, vector<16xi32>,
      %add3A_381 = arith.addi %add3A_374, %get3A_380 : vector<16xi32>
      %mul3A_382 = arith.constant 16 : i32
      %mul3A_383 = arith.muli %while3A_368, %mul3A_382 : i32
      %add3A_384 = arith.constant 512 : i32
      %add3A_385 = arith.addi %add3A_384, %mul3A_383 : i32
      %get3A_386 = arith.index_cast %add3A_385 : i32 to index
      %get3A_387 = tpu.vector_load %arg6[%get3A_386] {strides = array<i32>} : memref<4096xi32, #tpu.memory_space<vmem>>, vector<16xi32>,
      %add3A_388 = arith.addi %add3A_381, %get3A_387 : vector<16xi32>
      %mul3A_389 = arith.constant 16 : i32
      %mul3A_390 = arith.muli %while3A_368, %mul3A_389 : i32
      %add3A_391 = arith.constant 768 : i32
      %add3A_392 = arith.addi %add3A_391, %mul3A_390 : i32
      %get3A_393 = arith.index_cast %add3A_392 : i32 to index
      %get3A_394 = tpu.vector_load %arg6[%get3A_393] {strides = array<i32>} : memref<4096xi32, #tpu.memory_space<vmem>>, vector<16xi32>,
      %add3A_395 = arith.addi %add3A_388, %get3A_394 : vector<16xi32>
      %mul3A_396 = arith.constant 16 : i32
      %mul3A_397 = arith.muli %while3A_368, %mul3A_396 : i32
      %add3A_398 = arith.constant 1024 : i32
      %add3A_399 = arith.addi %add3A_398, %mul3A_397 : i32
      %get3A_400 = arith.index_cast %add3A_399 : i32 to index
      %get3A_401 = tpu.vector_load %arg6[%get3A_400] {strides = array<i32>} : memref<4096xi32, #tpu.memory_space<vmem>>, vector<16xi32>,
      %add3A_402 = arith.addi %add3A_395, %get3A_401 : vector<16xi32>
      %mul3A_403 = arith.constant 16 : i32
      %mul3A_404 = arith.muli %while3A_368, %mul3A_403 : i32
      %add3A_405 = arith.constant 1280 : i32
      %add3A_406 = arith.addi %add3A_405, %mul3A_404 : i32
      %get3A_407 = arith.index_cast %add3A_406 : i32 to index
      %get3A_408 = tpu.vector_load %arg6[%get3A_407] {strides = array<i32>} : memref<4096xi32, #tpu.memory_space<vmem>>, vector<16xi32>,
      %add3A_409 = arith.addi %add3A_402, %get3A_408 : vector<16xi32>
      %mul3A_410 = arith.constant 16 : i32
      %mul3A_411 = arith.muli %while3A_368, %mul3A_410 : i32
      %add3A_412 = arith.constant 1536 : i32
      %add3A_413 = arith.addi %add3A_412, %mul3A_411 : i32
      %get3A_414 = arith.index_cast %add3A_413 : i32 to index
      %get3A_415 = tpu.vector_load %arg6[%get3A_414] {strides = array<i32>} : memref<4096xi32, #tpu.memory_space<vmem>>, vector<16xi32>,
      %add3A_416 = arith.addi %add3A_409, %get3A_415 : vector<16xi32>
      %mul3A_417 = arith.constant 16 : i32
      %mul3A_418 = arith.muli %while3A_368, %mul3A_417 : i32
      %add3A_419 = arith.constant 1792 : i32
      %add3A_420 = arith.addi %add3A_419, %mul3A_418 : i32
      %get3A_421 = arith.index_cast %add3A_420 : i32 to index
      %get3A_422 = tpu.vector_load %arg6[%get3A_421] {strides = array<i32>} : memref<4096xi32, #tpu.memory_space<vmem>>, vector<16xi32>,
      %add3A_423 = arith.addi %add3A_416, %get3A_422 : vector<16xi32>
      %mul3A_424 = arith.constant 16 : i32
      %mul3A_425 = arith.muli %while3A_368, %mul3A_424 : i32
      %add3A_426 = arith.constant 2048 : i32
      %add3A_427 = arith.addi %add3A_426, %mul3A_425 : i32
      %get3A_428 = arith.index_cast %add3A_427 : i32 to index
      %get3A_429 = tpu.vector_load %arg6[%get3A_428] {strides = array<i32>} : memref<4096xi32, #tpu.memory_space<vmem>>, vector<16xi32>,
      %add3A_430 = arith.addi %add3A_423, %get3A_429 : vector<16xi32>
      %mul3A_431 = arith.constant 16 : i32
      %mul3A_432 = arith.muli %while3A_368, %mul3A_431 : i32
      %add3A_433 = arith.constant 2304 : i32
      %add3A_434 = arith.addi %add3A_433, %mul3A_432 : i32
      %get3A_435 = arith.index_cast %add3A_434 : i32 to index
      %get3A_436 = tpu.vector_load %arg6[%get3A_435] {strides = array<i32>} : memref<4096xi32, #tpu.memory_space<vmem>>, vector<16xi32>,
      %add3A_437 = arith.addi %add3A_430, %get3A_436 : vector<16xi32>
      %mul3A_438 = arith.constant 16 : i32
      %mul3A_439 = arith.muli %while3A_368, %mul3A_438 : i32
      %add3A_440 = arith.constant 2560 : i32
      %add3A_441 = arith.addi %add3A_440, %mul3A_439 : i32
      %get3A_442 = arith.index_cast %add3A_441 : i32 to index
      %get3A_443 = tpu.vector_load %arg6[%get3A_442] {strides = array<i32>} : memref<4096xi32, #tpu.memory_space<vmem>>, vector<16xi32>,
      %add3A_444 = arith.addi %add3A_437, %get3A_443 : vector<16xi32>
      %mul3A_445 = arith.constant 16 : i32
      %mul3A_446 = arith.muli %while3A_368, %mul3A_445 : i32
      %add3A_447 = arith.constant 2816 : i32
      %add3A_448 = arith.addi %add3A_447, %mul3A_446 : i32
      %get3A_449 = arith.index_cast %add3A_448 : i32 to index
      %get3A_450 = tpu.vector_load %arg6[%get3A_449] {strides = array<i32>} : memref<4096xi32, #tpu.memory_space<vmem>>, vector<16xi32>,
      %add3A_451 = arith.addi %add3A_444, %get3A_450 : vector<16xi32>
      %mul3A_452 = arith.constant 16 : i32
      %mul3A_453 = arith.muli %while3A_368, %mul3A_452 : i32
      %add3A_454 = arith.constant 3072 : i32
      %add3A_455 = arith.addi %add3A_454, %mul3A_453 : i32
      %get3A_456 = arith.index_cast %add3A_455 : i32 to index
      %get3A_457 = tpu.vector_load %arg6[%get3A_456] {strides = array<i32>} : memref<4096xi32, #tpu.memory_space<vmem>>, vector<16xi32>,
      %add3A_458 = arith.addi %add3A_451, %get3A_457 : vector<16xi32>
      %mul3A_459 = arith.constant 16 : i32
      %mul3A_460 = arith.muli %while3A_368, %mul3A_459 : i32
      %add3A_461 = arith.constant 3328 : i32
      %add3A_462 = arith.addi %add3A_461, %mul3A_460 : i32
      %get3A_463 = arith.index_cast %add3A_462 : i32 to index
      %get3A_464 = tpu.vector_load %arg6[%get3A_463] {strides = array<i32>} : memref<4096xi32, #tpu.memory_space<vmem>>, vector<16xi32>,
      %add3A_465 = arith.addi %add3A_458, %get3A_464 : vector<16xi32>
      %mul3A_466 = arith.constant 16 : i32
      %mul3A_467 = arith.muli %while3A_368, %mul3A_466 : i32
      %add3A_468 = arith.constant 3584 : i32
      %add3A_469 = arith.addi %add3A_468, %mul3A_467 : i32
      %get3A_470 = arith.index_cast %add3A_469 : i32 to index
      %get3A_471 = tpu.vector_load %arg6[%get3A_470] {strides = array<i32>} : memref<4096xi32, #tpu.memory_space<vmem>>, vector<16xi32>,
      %add3A_472 = arith.addi %add3A_465, %get3A_471 : vector<16xi32>
      %mul3A_473 = arith.constant 16 : i32
      %mul3A_474 = arith.muli %while3A_368, %mul3A_473 : i32
      %add3A_475 = arith.constant 3840 : i32
      %add3A_476 = arith.addi %add3A_475, %mul3A_474 : i32
      %get3A_477 = arith.index_cast %add3A_476 : i32 to index
      %get3A_478 = tpu.vector_load %arg6[%get3A_477] {strides = array<i32>} : memref<4096xi32, #tpu.memory_space<vmem>>, vector<16xi32>,
      %add3A_479 = arith.addi %add3A_472, %get3A_478 : vector<16xi32>
      %mul3A_480 = arith.constant 16 : i32
      %mul3A_481 = arith.muli %while3A_368, %mul3A_480 : i32
      %swap3A_482 = arith.index_cast %mul3A_481 : i32 to index
      %swap3A_483 = tpu.vector_load %arg7[%swap3A_482] {strides = array<i32>} : memref<256xi32, #tpu.memory_space<vmem>>, vector<16xi32>,
      tpu.vector_store %arg7[%swap3A_482], %add3A_479 {strides = array<i32>} : memref<256xi32, #tpu.memory_space<vmem>>, vector<16xi32>,
    }
    %run_scoped3A_290 = arith.constant 3 : i32
    "tpu.region"() ({
      %run_scoped3A_368 = tpu.sem_alloc : memref<!tpu.dma_semaphore, #tpu.memory_space<semaphore_mem>>
      %dma_start3A = arith.constant 0 : i32
      %dma_start3A_369 = tpu.memref_slice %arg13[%run_scoped3A_290, %arg1, %dma_start3A] : memref<4x16x256xi32, #tpu.memory_space<vmem_shared>> -> memref<1x1x256xi32, #tpu.memory_space<vmem_shared>>
      %dma_start3A_370 = tpu.memref_squeeze %dma_start3A_369 : memref<1x1x256xi32, #tpu.memory_space<vmem_shared>> -> memref<256xi32, #tpu.memory_space<vmem_shared>>
      %dma_start3A_371 = arith.constant 0 : i32
      %dma_start3A_372 = tpu.memref_slice %arg13[%run_scoped3A_290, %arg1, %dma_start3A_371] : memref<4x16x256xi32, #tpu.memory_space<vmem_shared>> -> memref<1x1x256xi32, #tpu.memory_space<vmem_shared>>
      %dma_start3A_373 = tpu.memref_squeeze %dma_start3A_372 : memref<1x1x256xi32, #tpu.memory_space<vmem_shared>> -> memref<256xi32, #tpu.memory_space<vmem_shared>>
      tpu.enqueue_dma source(%arg7 : memref<256xi32, #tpu.memory_space<vmem>>) target(%dma_start3A_373 : memref<256xi32, #tpu.memory_space<vmem_shared>>) target_semaphore(%run_scoped3A_368 : memref<!tpu.dma_semaphore, #tpu.memory_space<semaphore_mem>>)
      %dma_wait3A = arith.constant 0 : i32
      %dma_wait3A_374 = tpu.memref_slice %arg13[%run_scoped3A_290, %arg1, %dma_wait3A] : memref<4x16x256xi32, #tpu.memory_space<vmem_shared>> -> memref<1x1x256xi32, #tpu.memory_space<vmem_shared>>
      %dma_wait3A_375 = tpu.memref_squeeze %dma_wait3A_374 : memref<1x1x256xi32, #tpu.memory_space<vmem_shared>> -> memref<256xi32, #tpu.memory_space<vmem_shared>>
      %dma_wait3A_376 = arith.constant 0 : i32
      %dma_wait3A_377 = tpu.memref_slice %arg13[%run_scoped3A_290, %arg1, %dma_wait3A_376] : memref<4x16x256xi32, #tpu.memory_space<vmem_shared>> -> memref<1x1x256xi32, #tpu.memory_space<vmem_shared>>
      %dma_wait3A_378 = tpu.memref_squeeze %dma_wait3A_377 : memref<1x1x256xi32, #tpu.memory_space<vmem_shared>> -> memref<256xi32, #tpu.memory_space<vmem_shared>>
      tpu.wait_dma2 semaphore(%run_scoped3A_368 : memref<!tpu.dma_semaphore, #tpu.memory_space<semaphore_mem>>) src(%arg7 : memref<256xi32, #tpu.memory_space<vmem>>) dst(%dma_wait3A_378 : memref<256xi32, #tpu.memory_space<vmem_shared>>)
      tpu.yield
    }) : () -> ()
    %barrier3A_291 = arith.constant 0 : index
    tpu.barrier barrier_id(%barrier3A_291)
    %eq3A_292 = arith.constant 0 : i32
    %eq3A_293 = arith.cmpi eq, %arg1, %eq3A_292 : i32
    %and3A_294 = arith.andi %eq3A_293, %eq3A_0 : i1
    %convert_element_type3A_295 = arith.extui %and3A_294 : i1 to i32
    %cond3A_296 = arith.constant 0 : i32
    %cond3A_297 = arith.cmpi ne, %convert_element_type3A_295, %cond3A_296 : i32
    scf.if %cond3A_297 {
      %run_scoped3A_368 = arith.constant 3 : i32
      "tpu.region"() ({
        %run_scoped3A_394 = tpu.sem_alloc : memref<!tpu.dma_semaphore, #tpu.memory_space<semaphore_mem>>
        %dma_start3A = arith.constant 0 : i32
        %dma_start3A_395 = arith.constant 0 : i32
        %dma_start3A_396 = tpu.memref_slice %arg13[%run_scoped3A_368, %dma_start3A, %dma_start3A_395] : memref<4x16x256xi32, #tpu.memory_space<vmem_shared>> -> memref<1x16x256xi32, #tpu.memory_space<vmem_shared>>
        %dma_start3A_397 = tpu.memref_squeeze %dma_start3A_396 : memref<1x16x256xi32, #tpu.memory_space<vmem_shared>> -> memref<16x256xi32, #tpu.memory_space<vmem_shared>>
        %dma_start3A_398 = arith.constant 0 : i32
        %dma_start3A_399 = arith.constant 0 : i32
        %dma_start3A_400 = tpu.memref_slice %arg13[%run_scoped3A_368, %dma_start3A_398, %dma_start3A_399] : memref<4x16x256xi32, #tpu.memory_space<vmem_shared>> -> memref<1x16x256xi32, #tpu.memory_space<vmem_shared>>
        %dma_start3A_401 = tpu.memref_squeeze %dma_start3A_400 : memref<1x16x256xi32, #tpu.memory_space<vmem_shared>> -> memref<16x256xi32, #tpu.memory_space<vmem_shared>>
        tpu.enqueue_dma source(%dma_start3A_401 : memref<16x256xi32, #tpu.memory_space<vmem_shared>>) target(%arg8 : memref<16x256xi32, #tpu.memory_space<vmem>>) target_semaphore(%run_scoped3A_394 : memref<!tpu.dma_semaphore, #tpu.memory_space<semaphore_mem>>)
        %dma_wait3A = arith.constant 0 : i32
        %dma_wait3A_402 = arith.constant 0 : i32
        %dma_wait3A_403 = tpu.memref_slice %arg13[%run_scoped3A_368, %dma_wait3A, %dma_wait3A_402] : memref<4x16x256xi32, #tpu.memory_space<vmem_shared>> -> memref<1x16x256xi32, #tpu.memory_space<vmem_shared>>
        %dma_wait3A_404 = tpu.memref_squeeze %dma_wait3A_403 : memref<1x16x256xi32, #tpu.memory_space<vmem_shared>> -> memref<16x256xi32, #tpu.memory_space<vmem_shared>>
        %dma_wait3A_405 = arith.constant 0 : i32
        %dma_wait3A_406 = arith.constant 0 : i32
        %dma_wait3A_407 = tpu.memref_slice %arg13[%run_scoped3A_368, %dma_wait3A_405, %dma_wait3A_406] : memref<4x16x256xi32, #tpu.memory_space<vmem_shared>> -> memref<1x16x256xi32, #tpu.memory_space<vmem_shared>>
        %dma_wait3A_408 = tpu.memref_squeeze %dma_wait3A_407 : memref<1x16x256xi32, #tpu.memory_space<vmem_shared>> -> memref<16x256xi32, #tpu.memory_space<vmem_shared>>
        tpu.wait_dma2 semaphore(%run_scoped3A_394 : memref<!tpu.dma_semaphore, #tpu.memory_space<semaphore_mem>>) src(%dma_wait3A_408 : memref<16x256xi32, #tpu.memory_space<vmem_shared>>) dst(%arg8 : memref<16x256xi32, #tpu.memory_space<vmem>>)
        tpu.yield
      }) : () -> ()
      %scan3A = arith.constant 0 : i32
      %scan3A_369 = arith.constant -1 : i32
      %scan3A_370 = arith.constant 0 : i32
      %scan3A_371 = arith.constant 0 : i32
      %scan3A_372 = arith.constant 16 : i32
      %scan3A_373 = arith.addi %scan3A_371, %scan3A_372 : i32
      %scan3A_374 = arith.constant 1 : i32
      %scan3A_375:3 = scf.for %scan3A_394 = %scan3A_371 to %scan3A_373 step %scan3A_374 iter_args(%scan3A_395 = %scan3A, %scan3A_396 = %scan3A_369, %scan3A_397 = %scan3A_370) -> (i32, i32, i32)  : i32 {
        %mul3A_398 = arith.constant 16 : i32
        %mul3A_399 = arith.muli %scan3A_394, %mul3A_398 : i32
        %get3A_400 = arith.constant 0 : i32
        %get3A_401 = arith.index_cast %get3A_400 : i32 to index
        %get3A_402 = arith.index_cast %mul3A_399 : i32 to index
        %get3A_403 = tpu.vector_load %arg8[%get3A_401, %get3A_402] {strides = array<i32>} : memref<16x256xi32, #tpu.memory_space<vmem>>, vector<16xi32>,
        %add3A_404 = arith.addi %broadcast_in_dim3A_1, %get3A_403 : vector<16xi32>
        %mul3A_405 = arith.constant 16 : i32
        %mul3A_406 = arith.muli %scan3A_394, %mul3A_405 : i32
        %get3A_407 = arith.constant 1 : i32
        %get3A_408 = arith.index_cast %get3A_407 : i32 to index
        %get3A_409 = arith.index_cast %mul3A_406 : i32 to index
        %get3A_410 = tpu.vector_load %arg8[%get3A_408, %get3A_409] {strides = array<i32>} : memref<16x256xi32, #tpu.memory_space<vmem>>, vector<16xi32>,
        %add3A_411 = arith.addi %add3A_404, %get3A_410 : vector<16xi32>
        %mul3A_412 = arith.constant 16 : i32
        %mul3A_413 = arith.muli %scan3A_394, %mul3A_412 : i32
        %get3A_414 = arith.constant 2 : i32
        %get3A_415 = arith.index_cast %get3A_414 : i32 to index
        %get3A_416 = arith.index_cast %mul3A_413 : i32 to index
        %get3A_417 = tpu.vector_load %arg8[%get3A_415, %get3A_416] {strides = array<i32>} : memref<16x256xi32, #tpu.memory_space<vmem>>, vector<16xi32>,
        %add3A_418 = arith.addi %add3A_411, %get3A_417 : vector<16xi32>
        %mul3A_419 = arith.constant 16 : i32
        %mul3A_420 = arith.muli %scan3A_394, %mul3A_419 : i32
        %get3A_421 = arith.constant 3 : i32
        %get3A_422 = arith.index_cast %get3A_421 : i32 to index
        %get3A_423 = arith.index_cast %mul3A_420 : i32 to index
        %get3A_424 = tpu.vector_load %arg8[%get3A_422, %get3A_423] {strides = array<i32>} : memref<16x256xi32, #tpu.memory_space<vmem>>, vector<16xi32>,
        %add3A_425 = arith.addi %add3A_418, %get3A_424 : vector<16xi32>
        %mul3A_426 = arith.constant 16 : i32
        %mul3A_427 = arith.muli %scan3A_394, %mul3A_426 : i32
        %get3A_428 = arith.constant 4 : i32
        %get3A_429 = arith.index_cast %get3A_428 : i32 to index
        %get3A_430 = arith.index_cast %mul3A_427 : i32 to index
        %get3A_431 = tpu.vector_load %arg8[%get3A_429, %get3A_430] {strides = array<i32>} : memref<16x256xi32, #tpu.memory_space<vmem>>, vector<16xi32>,
        %add3A_432 = arith.addi %add3A_425, %get3A_431 : vector<16xi32>
        %mul3A_433 = arith.constant 16 : i32
        %mul3A_434 = arith.muli %scan3A_394, %mul3A_433 : i32
        %get3A_435 = arith.constant 5 : i32
        %get3A_436 = arith.index_cast %get3A_435 : i32 to index
        %get3A_437 = arith.index_cast %mul3A_434 : i32 to index
        %get3A_438 = tpu.vector_load %arg8[%get3A_436, %get3A_437] {strides = array<i32>} : memref<16x256xi32, #tpu.memory_space<vmem>>, vector<16xi32>,
        %add3A_439 = arith.addi %add3A_432, %get3A_438 : vector<16xi32>
        %mul3A_440 = arith.constant 16 : i32
        %mul3A_441 = arith.muli %scan3A_394, %mul3A_440 : i32
        %get3A_442 = arith.constant 6 : i32
        %get3A_443 = arith.index_cast %get3A_442 : i32 to index
        %get3A_444 = arith.index_cast %mul3A_441 : i32 to index
        %get3A_445 = tpu.vector_load %arg8[%get3A_443, %get3A_444] {strides = array<i32>} : memref<16x256xi32, #tpu.memory_space<vmem>>, vector<16xi32>,
        %add3A_446 = arith.addi %add3A_439, %get3A_445 : vector<16xi32>
        %mul3A_447 = arith.constant 16 : i32
        %mul3A_448 = arith.muli %scan3A_394, %mul3A_447 : i32
        %get3A_449 = arith.constant 7 : i32
        %get3A_450 = arith.index_cast %get3A_449 : i32 to index
        %get3A_451 = arith.index_cast %mul3A_448 : i32 to index
        %get3A_452 = tpu.vector_load %arg8[%get3A_450, %get3A_451] {strides = array<i32>} : memref<16x256xi32, #tpu.memory_space<vmem>>, vector<16xi32>,
        %add3A_453 = arith.addi %add3A_446, %get3A_452 : vector<16xi32>
        %mul3A_454 = arith.constant 16 : i32
        %mul3A_455 = arith.muli %scan3A_394, %mul3A_454 : i32
        %get3A_456 = arith.constant 8 : i32
        %get3A_457 = arith.index_cast %get3A_456 : i32 to index
        %get3A_458 = arith.index_cast %mul3A_455 : i32 to index
        %get3A_459 = tpu.vector_load %arg8[%get3A_457, %get3A_458] {strides = array<i32>} : memref<16x256xi32, #tpu.memory_space<vmem>>, vector<16xi32>,
        %add3A_460 = arith.addi %add3A_453, %get3A_459 : vector<16xi32>
        %mul3A_461 = arith.constant 16 : i32
        %mul3A_462 = arith.muli %scan3A_394, %mul3A_461 : i32
        %get3A_463 = arith.constant 9 : i32
        %get3A_464 = arith.index_cast %get3A_463 : i32 to index
        %get3A_465 = arith.index_cast %mul3A_462 : i32 to index
        %get3A_466 = tpu.vector_load %arg8[%get3A_464, %get3A_465] {strides = array<i32>} : memref<16x256xi32, #tpu.memory_space<vmem>>, vector<16xi32>,
        %add3A_467 = arith.addi %add3A_460, %get3A_466 : vector<16xi32>
        %mul3A_468 = arith.constant 16 : i32
        %mul3A_469 = arith.muli %scan3A_394, %mul3A_468 : i32
        %get3A_470 = arith.constant 10 : i32
        %get3A_471 = arith.index_cast %get3A_470 : i32 to index
        %get3A_472 = arith.index_cast %mul3A_469 : i32 to index
        %get3A_473 = tpu.vector_load %arg8[%get3A_471, %get3A_472] {strides = array<i32>} : memref<16x256xi32, #tpu.memory_space<vmem>>, vector<16xi32>,
        %add3A_474 = arith.addi %add3A_467, %get3A_473 : vector<16xi32>
        %mul3A_475 = arith.constant 16 : i32
        %mul3A_476 = arith.muli %scan3A_394, %mul3A_475 : i32
        %get3A_477 = arith.constant 11 : i32
        %get3A_478 = arith.index_cast %get3A_477 : i32 to index
        %get3A_479 = arith.index_cast %mul3A_476 : i32 to index
        %get3A_480 = tpu.vector_load %arg8[%get3A_478, %get3A_479] {strides = array<i32>} : memref<16x256xi32, #tpu.memory_space<vmem>>, vector<16xi32>,
        %add3A_481 = arith.addi %add3A_474, %get3A_480 : vector<16xi32>
        %mul3A_482 = arith.constant 16 : i32
        %mul3A_483 = arith.muli %scan3A_394, %mul3A_482 : i32
        %get3A_484 = arith.constant 12 : i32
        %get3A_485 = arith.index_cast %get3A_484 : i32 to index
        %get3A_486 = arith.index_cast %mul3A_483 : i32 to index
        %get3A_487 = tpu.vector_load %arg8[%get3A_485, %get3A_486] {strides = array<i32>} : memref<16x256xi32, #tpu.memory_space<vmem>>, vector<16xi32>,
        %add3A_488 = arith.addi %add3A_481, %get3A_487 : vector<16xi32>
        %mul3A_489 = arith.constant 16 : i32
        %mul3A_490 = arith.muli %scan3A_394, %mul3A_489 : i32
        %get3A_491 = arith.constant 13 : i32
        %get3A_492 = arith.index_cast %get3A_491 : i32 to index
        %get3A_493 = arith.index_cast %mul3A_490 : i32 to index
        %get3A_494 = tpu.vector_load %arg8[%get3A_492, %get3A_493] {strides = array<i32>} : memref<16x256xi32, #tpu.memory_space<vmem>>, vector<16xi32>,
        %add3A_495 = arith.addi %add3A_488, %get3A_494 : vector<16xi32>
        %mul3A_496 = arith.constant 16 : i32
        %mul3A_497 = arith.muli %scan3A_394, %mul3A_496 : i32
        %get3A_498 = arith.constant 14 : i32
        %get3A_499 = arith.index_cast %get3A_498 : i32 to index
        %get3A_500 = arith.index_cast %mul3A_497 : i32 to index
        %get3A_501 = tpu.vector_load %arg8[%get3A_499, %get3A_500] {strides = array<i32>} : memref<16x256xi32, #tpu.memory_space<vmem>>, vector<16xi32>,
        %add3A_502 = arith.addi %add3A_495, %get3A_501 : vector<16xi32>
        %mul3A_503 = arith.constant 16 : i32
        %mul3A_504 = arith.muli %scan3A_394, %mul3A_503 : i32
        %get3A_505 = arith.constant 15 : i32
        %get3A_506 = arith.index_cast %get3A_505 : i32 to index
        %get3A_507 = arith.index_cast %mul3A_504 : i32 to index
        %get3A_508 = tpu.vector_load %arg8[%get3A_506, %get3A_507] {strides = array<i32>} : memref<16x256xi32, #tpu.memory_space<vmem>>, vector<16xi32>,
        %add3A_509 = arith.addi %add3A_502, %get3A_508 : vector<16xi32>
        %broadcast_in_dim3A_510 = arith.constant true
        %broadcast_in_dim3A_511 = vector.broadcast %broadcast_in_dim3A_510 : i1 to vector<16xi1>
        %masked_cumsum3A = tpu.scan <sum>, %add3A_509 masked %broadcast_in_dim3A_511 : vector<16xi32>, vector<16xi1> -> vector<16xi32>
        %reduce_sum3A_512 = arith.constant true
        %reduce_sum3A_513 = vector.broadcast %reduce_sum3A_512 : i1 to vector<16xi1>
        %reduce_sum3A_514 = tpu.scan <sum>, %add3A_509 masked %reduce_sum3A_513 : vector<16xi32>, vector<16xi1> -> vector<16xi32>
        %reduce_sum3A_515 = vector.extract %reduce_sum3A_514[15] : i32 from vector<16xi32>
        %add3A_516 = vector.broadcast %scan3A_395 : i32 to vector<16xi32>
        %add3A_517 = arith.addi %add3A_516, %masked_cumsum3A : vector<16xi32>
        %ge3A = vector.broadcast %reduce_sum3A_243 : i32 to vector<16xi32>
        %ge3A_518 = arith.cmpi sge, %add3A_517, %ge3A : vector<16xi32>
        %all_reduce_ffs3A = tpu.all_reduce %ge3A_518 {dim = 0 : i64, kind = #tpu.reduction_kind<find_first_set>} : vector<16xi1> -> vector<16xi32>
        %reduce_max3A = arith.constant true
        %reduce_max3A_519 = vector.broadcast %reduce_max3A : i1 to vector<16xi1>
        %reduce_max3A_520 = arith.constant -2147483648 : i32
        %reduce_max3A_521 = vector.broadcast %reduce_max3A_520 : i32 to vector<16xi32>
        %reduce_max3A_522 = arith.xori %all_reduce_ffs3A, %reduce_max3A_521 : vector<16xi32>
        %reduce_max3A_523 = tpu.scan <max>, %reduce_max3A_522 masked %reduce_max3A_519 : vector<16xi32>, vector<16xi1> -> vector<16xi32>
        %reduce_max3A_524 = arith.xori %reduce_max3A_523, %reduce_max3A_521 : vector<16xi32>
        %reduce_max3A_525 = vector.extract %reduce_max3A_524[15] : i32 from vector<16xi32>
        %lt3A = arith.constant 0 : i32
        %lt3A_526 = arith.cmpi slt, %scan3A_396, %lt3A : i32
        %lt3A_527 = arith.constant 16 : i32
        %lt3A_528 = arith.cmpi slt, %reduce_max3A_525, %lt3A_527 : i32
        %and3A_529 = arith.andi %lt3A_526, %lt3A_528 : i1
        %lt3A_530 = vector.broadcast %reduce_max3A_525 : i32 to vector<16xi32>
        %lt3A_531 = arith.cmpi slt, %iota3A, %lt3A_530 : vector<16xi32>
        %jit3A_532 = arith.constant 0 : i32
        %broadcast_in_dim3A_533 = vector.broadcast %jit3A_532 : i32 to vector<16xi32>
        %select_n3A_534 = arith.select %lt3A_531, %add3A_509, %broadcast_in_dim3A_533 : vector<16xi1>, vector<16xi32>
        %reduce_sum3A_535 = arith.constant true
        %reduce_sum3A_536 = vector.broadcast %reduce_sum3A_535 : i1 to vector<16xi1>
        %reduce_sum3A_537 = tpu.scan <sum>, %select_n3A_534 masked %reduce_sum3A_536 : vector<16xi32>, vector<16xi1> -> vector<16xi32>
        %reduce_sum3A_538 = vector.extract %reduce_sum3A_537[15] : i32 from vector<16xi32>
        %mul3A_539 = arith.constant 16 : i32
        %mul3A_540 = arith.muli %scan3A_394, %mul3A_539 : i32
        %add3A_541 = arith.addi %mul3A_540, %reduce_max3A_525 : i32
        %select_n3A_542 = arith.select %and3A_529, %add3A_541, %scan3A_396 : i32
        %add3A_543 = arith.addi %scan3A_395, %reduce_sum3A_538 : i32
        %select_n3A_544 = arith.select %and3A_529, %add3A_543, %scan3A_397 : i32
        %add3A_545 = arith.addi %scan3A_395, %reduce_sum3A_515 : i32
        scf.yield %add3A_545, %select_n3A_542, %select_n3A_544 : i32, i32, i32
      }
      %scan3A_376 = arith.constant 16 : i32
      %eq3A_377 = arith.constant 0 : i32
      %eq3A_378 = vector.broadcast %eq3A_377 : i32 to vector<16xi32>
      %eq3A_379 = arith.cmpi eq, %iota3A, %eq3A_378 : vector<16xi32>
      %mul3A_380 = arith.constant 256 : i32
      %mul3A_381 = arith.muli %reduce_sum3A_233, %mul3A_380 : i32
      %add3A = arith.addi %mul3A_381, %scan3A_375#1 : i32
      %eq3A_382 = arith.constant 1 : i32
      %eq3A_383 = vector.broadcast %eq3A_382 : i32 to vector<16xi32>
      %eq3A_384 = arith.cmpi eq, %iota3A, %eq3A_383 : vector<16xi32>
      %sub3A = arith.subi %reduce_sum3A_243, %scan3A_375#2 : i32
      %jit3A_385 = arith.constant 0 : i32
      %broadcast_in_dim3A_386 = vector.broadcast %sub3A : i32 to vector<16xi32>
      %broadcast_in_dim3A_387 = vector.broadcast %jit3A_385 : i32 to vector<16xi32>
      %select_n3A_388 = arith.select %eq3A_384, %broadcast_in_dim3A_386, %broadcast_in_dim3A_387 : vector<16xi1>, vector<16xi32>
      %broadcast_in_dim3A_389 = vector.broadcast %add3A : i32 to vector<16xi32>
      %select_n3A_390 = arith.select %eq3A_379, %broadcast_in_dim3A_389, %select_n3A_388 : vector<16xi1>, vector<16xi32>
      %swap3A_391 = arith.constant 0 : index
      %swap3A_392 = tpu.vector_load %arg9[%swap3A_391] {strides = array<i32>} : memref<16xi32, #tpu.memory_space<vmem>>, vector<16xi32>,
      tpu.vector_store %arg9[%swap3A_391], %select_n3A_390 {strides = array<i32>} : memref<16xi32, #tpu.memory_space<vmem>>, vector<16xi32>,
      %run_scoped3A_393 = arith.constant 3 : i32
      "tpu.region"() ({
        %run_scoped3A_394 = tpu.sem_alloc : memref<!tpu.dma_semaphore, #tpu.memory_space<semaphore_mem>>
        %dma_start3A = arith.constant 0 : i32
        %dma_start3A_395 = tpu.memref_slice %arg14[%run_scoped3A_393, %dma_start3A] : memref<4x16xi32, #tpu.memory_space<vmem_shared>> -> memref<1x16xi32, #tpu.memory_space<vmem_shared>>
        %dma_start3A_396 = tpu.memref_squeeze %dma_start3A_395 : memref<1x16xi32, #tpu.memory_space<vmem_shared>> -> memref<16xi32, #tpu.memory_space<vmem_shared>>
        %dma_start3A_397 = arith.constant 0 : i32
        %dma_start3A_398 = tpu.memref_slice %arg14[%run_scoped3A_393, %dma_start3A_397] : memref<4x16xi32, #tpu.memory_space<vmem_shared>> -> memref<1x16xi32, #tpu.memory_space<vmem_shared>>
        %dma_start3A_399 = tpu.memref_squeeze %dma_start3A_398 : memref<1x16xi32, #tpu.memory_space<vmem_shared>> -> memref<16xi32, #tpu.memory_space<vmem_shared>>
        tpu.enqueue_dma source(%arg9 : memref<16xi32, #tpu.memory_space<vmem>>) target(%dma_start3A_399 : memref<16xi32, #tpu.memory_space<vmem_shared>>) target_semaphore(%run_scoped3A_394 : memref<!tpu.dma_semaphore, #tpu.memory_space<semaphore_mem>>)
        %dma_wait3A = arith.constant 0 : i32
        %dma_wait3A_400 = tpu.memref_slice %arg14[%run_scoped3A_393, %dma_wait3A] : memref<4x16xi32, #tpu.memory_space<vmem_shared>> -> memref<1x16xi32, #tpu.memory_space<vmem_shared>>
        %dma_wait3A_401 = tpu.memref_squeeze %dma_wait3A_400 : memref<1x16xi32, #tpu.memory_space<vmem_shared>> -> memref<16xi32, #tpu.memory_space<vmem_shared>>
        %dma_wait3A_402 = arith.constant 0 : i32
        %dma_wait3A_403 = tpu.memref_slice %arg14[%run_scoped3A_393, %dma_wait3A_402] : memref<4x16xi32, #tpu.memory_space<vmem_shared>> -> memref<1x16xi32, #tpu.memory_space<vmem_shared>>
        %dma_wait3A_404 = tpu.memref_squeeze %dma_wait3A_403 : memref<1x16xi32, #tpu.memory_space<vmem_shared>> -> memref<16xi32, #tpu.memory_space<vmem_shared>>
        tpu.wait_dma2 semaphore(%run_scoped3A_394 : memref<!tpu.dma_semaphore, #tpu.memory_space<semaphore_mem>>) src(%arg9 : memref<16xi32, #tpu.memory_space<vmem>>) dst(%dma_wait3A_404 : memref<16xi32, #tpu.memory_space<vmem_shared>>)
        tpu.yield
      }) : () -> ()
    } else {
    }
    %barrier3A_298 = arith.constant 0 : index
    tpu.barrier barrier_id(%barrier3A_298)
    %run_scoped3A_299 = arith.constant 3 : i32
    "tpu.region"() ({
      %run_scoped3A_368 = tpu.sem_alloc : memref<!tpu.dma_semaphore, #tpu.memory_space<semaphore_mem>>
      %dma_start3A = arith.constant 0 : i32
      %dma_start3A_369 = tpu.memref_slice %arg14[%run_scoped3A_299, %dma_start3A] : memref<4x16xi32, #tpu.memory_space<vmem_shared>> -> memref<1x16xi32, #tpu.memory_space<vmem_shared>>
      %dma_start3A_370 = tpu.memref_squeeze %dma_start3A_369 : memref<1x16xi32, #tpu.memory_space<vmem_shared>> -> memref<16xi32, #tpu.memory_space<vmem_shared>>
      %dma_start3A_371 = arith.constant 0 : i32
      %dma_start3A_372 = tpu.memref_slice %arg14[%run_scoped3A_299, %dma_start3A_371] : memref<4x16xi32, #tpu.memory_space<vmem_shared>> -> memref<1x16xi32, #tpu.memory_space<vmem_shared>>
      %dma_start3A_373 = tpu.memref_squeeze %dma_start3A_372 : memref<1x16xi32, #tpu.memory_space<vmem_shared>> -> memref<16xi32, #tpu.memory_space<vmem_shared>>
      tpu.enqueue_dma source(%dma_start3A_373 : memref<16xi32, #tpu.memory_space<vmem_shared>>) target(%arg9 : memref<16xi32, #tpu.memory_space<vmem>>) target_semaphore(%run_scoped3A_368 : memref<!tpu.dma_semaphore, #tpu.memory_space<semaphore_mem>>)
      %dma_wait3A = arith.constant 0 : i32
      %dma_wait3A_374 = tpu.memref_slice %arg14[%run_scoped3A_299, %dma_wait3A] : memref<4x16xi32, #tpu.memory_space<vmem_shared>> -> memref<1x16xi32, #tpu.memory_space<vmem_shared>>
      %dma_wait3A_375 = tpu.memref_squeeze %dma_wait3A_374 : memref<1x16xi32, #tpu.memory_space<vmem_shared>> -> memref<16xi32, #tpu.memory_space<vmem_shared>>
      %dma_wait3A_376 = arith.constant 0 : i32
      %dma_wait3A_377 = tpu.memref_slice %arg14[%run_scoped3A_299, %dma_wait3A_376] : memref<4x16xi32, #tpu.memory_space<vmem_shared>> -> memref<1x16xi32, #tpu.memory_space<vmem_shared>>
      %dma_wait3A_378 = tpu.memref_squeeze %dma_wait3A_377 : memref<1x16xi32, #tpu.memory_space<vmem_shared>> -> memref<16xi32, #tpu.memory_space<vmem_shared>>
      tpu.wait_dma2 semaphore(%run_scoped3A_368 : memref<!tpu.dma_semaphore, #tpu.memory_space<semaphore_mem>>) src(%dma_wait3A_378 : memref<16xi32, #tpu.memory_space<vmem_shared>>) dst(%arg9 : memref<16xi32, #tpu.memory_space<vmem>>)
      tpu.yield
    }) : () -> ()
    %get3A_300 = arith.constant 0 : index
    %get3A_301 = tpu.vector_load %arg9[%get3A_300] {strides = array<i32>} : memref<16xi32, #tpu.memory_space<vmem>>, vector<16xi32>,
    %eq3A_302 = arith.constant 0 : i32
    %eq3A_303 = vector.broadcast %eq3A_302 : i32 to vector<16xi32>
    %eq3A_304 = arith.cmpi eq, %iota3A, %eq3A_303 : vector<16xi32>
    %jit3A_305 = arith.constant 0 : i32
    %broadcast_in_dim3A_306 = vector.broadcast %jit3A_305 : i32 to vector<16xi32>
    %select_n3A_307 = arith.select %eq3A_304, %get3A_301, %broadcast_in_dim3A_306 : vector<16xi1>, vector<16xi32>
    %reduce_sum3A_308 = arith.constant true
    %reduce_sum3A_309 = vector.broadcast %reduce_sum3A_308 : i1 to vector<16xi1>
    %reduce_sum3A_310 = tpu.scan <sum>, %select_n3A_307 masked %reduce_sum3A_309 : vector<16xi32>, vector<16xi1> -> vector<16xi32>
    %reduce_sum3A_311 = vector.extract %reduce_sum3A_310[15] : i32 from vector<16xi32>
    %eq3A_312 = arith.constant 1 : i32
    %eq3A_313 = vector.broadcast %eq3A_312 : i32 to vector<16xi32>
    %eq3A_314 = arith.cmpi eq, %iota3A, %eq3A_313 : vector<16xi32>
    %jit3A_315 = arith.constant 0 : i32
    %broadcast_in_dim3A_316 = vector.broadcast %jit3A_315 : i32 to vector<16xi32>
    %select_n3A_317 = arith.select %eq3A_314, %get3A_301, %broadcast_in_dim3A_316 : vector<16xi1>, vector<16xi32>
    %reduce_sum3A_318 = arith.constant true
    %reduce_sum3A_319 = vector.broadcast %reduce_sum3A_318 : i1 to vector<16xi1>
    %reduce_sum3A_320 = tpu.scan <sum>, %select_n3A_317 masked %reduce_sum3A_319 : vector<16xi32>, vector<16xi1> -> vector<16xi32>
    %reduce_sum3A_321 = vector.extract %reduce_sum3A_320[15] : i32 from vector<16xi32>
    %xor3A = arith.constant -2147483648 : i32
    %xor3A_322 = arith.xori %reduce_sum3A_311, %xor3A : i32
    %jit3A_323 = arith.constant 64 : i32
    %jit3A_324 = arith.constant 0 : i32
    %select_n3A_325 = arith.select %eq3A_0, %jit3A_323, %jit3A_324 : i32
    %broadcast_in_dim3A_326 = arith.constant 0.000000e+00 : f32
    %broadcast_in_dim3A_327 = vector.broadcast %broadcast_in_dim3A_326 : f32 to vector<16xf32>
    %while3A_328 = arith.constant 0 : i32
    %while3A_329 = arith.subi %select_n3A_325, %while3A_328 : i32
    %while3A_330 = arith.addi %while3A_328, %while3A_329 : i32
    %while3A_331 = arith.constant 1 : i32
    %while3A_332 = arith.divsi %while3A_329, %while3A_331 : i32
    %while3A_333 = arith.muli %while3A_332, %while3A_331 : i32
    %while3A_334 = arith.addi %while3A_328, %while3A_333 : i32
    %while3A_335 = arith.constant 1 : i32
    %while3A_336:2 = scf.for %while3A_368 = %while3A_328 to %while3A_334 step %while3A_335 iter_args(%while3A_369 = %broadcast_in_dim3A_327, %while3A_370 = %broadcast_in_dim3A_1) -> (vector<16xf32>, vector<16xi32>)  : i32 {
      %mul3A_371 = arith.constant 16 : i32
      %mul3A_372 = arith.muli %while3A_368, %mul3A_371 : i32
      %get3A_373 = arith.index_cast %mul3A_372 : i32 to index
      %get3A_374 = tpu.vector_load %arg5[%get3A_373] {strides = array<i32>} : memref<1024xi32, #tpu.memory_space<vmem>>, vector<16xi32>,
      %mul3A_375 = arith.constant 16 : i32
      %mul3A_376 = arith.muli %while3A_368, %mul3A_375 : i32
      %get3A_377 = arith.index_cast %mul3A_376 : i32 to index
      %get3A_378 = tpu.vector_load %arg4[%get3A_377] {strides = array<i32>} : memref<1024xf32, #tpu.memory_space<vmem>>, vector<16xf32>,
      %xor3A_379 = arith.constant -2147483648 : i32
      %xor3A_380 = vector.broadcast %xor3A_379 : i32 to vector<16xi32>
      %xor3A_381 = arith.xori %get3A_374, %xor3A_380 : vector<16xi32>
      %lt3A = vector.broadcast %xor3A_322 : i32 to vector<16xi32>
      %lt3A_382 = arith.cmpi slt, %xor3A_381, %lt3A : vector<16xi32>
      %jit3A_383 = arith.constant 0.000000e+00 : f32
      %broadcast_in_dim3A_384 = vector.broadcast %jit3A_383 : f32 to vector<16xf32>
      %select_n3A_385 = arith.select %lt3A_382, %get3A_378, %broadcast_in_dim3A_384 : vector<16xi1>, vector<16xf32>
      %add3A = arith.addf %while3A_369, %select_n3A_385 : vector<16xf32>
      %eq3A_386 = arith.constant 0.000000e+00 : f32
      %eq3A_387 = vector.broadcast %eq3A_386 : f32 to vector<16xf32>
      %eq3A_388 = arith.cmpf oeq, %get3A_378, %eq3A_387 : vector<16xf32>
      %and3A_389 = arith.andi %lt3A_382, %eq3A_388 : vector<16xi1>
      %jit3A_390 = arith.constant 1 : i32
      %jit3A_391 = arith.constant 0 : i32
      %broadcast_in_dim3A_392 = vector.broadcast %jit3A_390 : i32 to vector<16xi32>
      %broadcast_in_dim3A_393 = vector.broadcast %jit3A_391 : i32 to vector<16xi32>
      %select_n3A_394 = arith.select %and3A_389, %broadcast_in_dim3A_392, %broadcast_in_dim3A_393 : vector<16xi1>, vector<16xi32>
      %add3A_395 = arith.addi %while3A_370, %select_n3A_394 : vector<16xi32>
      scf.yield %add3A, %add3A_395 : vector<16xf32>, vector<16xi32>
    }
    %while3A_337 = arith.constant 1 : i32
    %while3A_338:2 = scf.for %while3A_368 = %while3A_334 to %while3A_330 step %while3A_337 iter_args(%while3A_369 = %while3A_336#0, %while3A_370 = %while3A_336#1) -> (vector<16xf32>, vector<16xi32>)  : i32 {
      %mul3A_371 = arith.constant 16 : i32
      %mul3A_372 = arith.muli %while3A_368, %mul3A_371 : i32
      %get3A_373 = arith.index_cast %mul3A_372 : i32 to index
      %get3A_374 = tpu.vector_load %arg5[%get3A_373] {strides = array<i32>} : memref<1024xi32, #tpu.memory_space<vmem>>, vector<16xi32>,
      %mul3A_375 = arith.constant 16 : i32
      %mul3A_376 = arith.muli %while3A_368, %mul3A_375 : i32
      %get3A_377 = arith.index_cast %mul3A_376 : i32 to index
      %get3A_378 = tpu.vector_load %arg4[%get3A_377] {strides = array<i32>} : memref<1024xf32, #tpu.memory_space<vmem>>, vector<16xf32>,
      %xor3A_379 = arith.constant -2147483648 : i32
      %xor3A_380 = vector.broadcast %xor3A_379 : i32 to vector<16xi32>
      %xor3A_381 = arith.xori %get3A_374, %xor3A_380 : vector<16xi32>
      %lt3A = vector.broadcast %xor3A_322 : i32 to vector<16xi32>
      %lt3A_382 = arith.cmpi slt, %xor3A_381, %lt3A : vector<16xi32>
      %jit3A_383 = arith.constant 0.000000e+00 : f32
      %broadcast_in_dim3A_384 = vector.broadcast %jit3A_383 : f32 to vector<16xf32>
      %select_n3A_385 = arith.select %lt3A_382, %get3A_378, %broadcast_in_dim3A_384 : vector<16xi1>, vector<16xf32>
      %add3A = arith.addf %while3A_369, %select_n3A_385 : vector<16xf32>
      %eq3A_386 = arith.constant 0.000000e+00 : f32
      %eq3A_387 = vector.broadcast %eq3A_386 : f32 to vector<16xf32>
      %eq3A_388 = arith.cmpf oeq, %get3A_378, %eq3A_387 : vector<16xf32>
      %and3A_389 = arith.andi %lt3A_382, %eq3A_388 : vector<16xi1>
      %jit3A_390 = arith.constant 1 : i32
      %jit3A_391 = arith.constant 0 : i32
      %broadcast_in_dim3A_392 = vector.broadcast %jit3A_390 : i32 to vector<16xi32>
      %broadcast_in_dim3A_393 = vector.broadcast %jit3A_391 : i32 to vector<16xi32>
      %select_n3A_394 = arith.select %and3A_389, %broadcast_in_dim3A_392, %broadcast_in_dim3A_393 : vector<16xi1>, vector<16xi32>
      %add3A_395 = arith.addi %while3A_370, %select_n3A_394 : vector<16xi32>
      scf.yield %add3A, %add3A_395 : vector<16xf32>, vector<16xi32>
    }
    %reduce_sum3A_339 = arith.constant true
    %reduce_sum3A_340 = vector.broadcast %reduce_sum3A_339 : i1 to vector<16xi1>
    %reduce_sum3A_341 = tpu.scan <sum>, %while3A_338#0 masked %reduce_sum3A_340 : vector<16xf32>, vector<16xi1> -> vector<16xf32>
    %reduce_sum3A_342 = vector.extract %reduce_sum3A_341[15] : f32 from vector<16xf32>
    %reduce_sum3A_343 = arith.constant true
    %reduce_sum3A_344 = vector.broadcast %reduce_sum3A_343 : i1 to vector<16xi1>
    %reduce_sum3A_345 = tpu.scan <sum>, %while3A_338#1 masked %reduce_sum3A_344 : vector<16xi32>, vector<16xi1> -> vector<16xi32>
    %reduce_sum3A_346 = vector.extract %reduce_sum3A_345[15] : i32 from vector<16xi32>
    %convert_element_type3A_347 = arith.sitofp %reduce_sum3A_346 : i32 to f32
    %eq3A_348 = arith.constant 0 : i32
    %eq3A_349 = vector.broadcast %eq3A_348 : i32 to vector<16xi32>
    %eq3A_350 = arith.cmpi eq, %iota3A, %eq3A_349 : vector<16xi32>
    %eq3A_351 = arith.constant 1 : i32
    %eq3A_352 = vector.broadcast %eq3A_351 : i32 to vector<16xi32>
    %eq3A_353 = arith.cmpi eq, %iota3A, %eq3A_352 : vector<16xi32>
    %jit3A_354 = arith.constant 0.000000e+00 : f32
    %broadcast_in_dim3A_355 = vector.broadcast %convert_element_type3A_347 : f32 to vector<16xf32>
    %broadcast_in_dim3A_356 = vector.broadcast %jit3A_354 : f32 to vector<16xf32>
    %select_n3A_357 = arith.select %eq3A_353, %broadcast_in_dim3A_355, %broadcast_in_dim3A_356 : vector<16xi1>, vector<16xf32>
    %broadcast_in_dim3A_358 = vector.broadcast %reduce_sum3A_342 : f32 to vector<16xf32>
    %select_n3A_359 = arith.select %eq3A_350, %broadcast_in_dim3A_358, %select_n3A_357 : vector<16xi1>, vector<16xf32>
    %swap3A = arith.constant 0 : index
    %swap3A_360 = tpu.vector_load %arg10[%swap3A] {strides = array<i32>} : memref<16xf32, #tpu.memory_space<vmem>>, vector<16xf32>,
    tpu.vector_store %arg10[%swap3A], %select_n3A_359 {strides = array<i32>} : memref<16xf32, #tpu.memory_space<vmem>>, vector<16xf32>,
    "tpu.region"() ({
      %run_scoped3A_368 = tpu.sem_alloc : memref<!tpu.dma_semaphore, #tpu.memory_space<semaphore_mem>>
      %dma_start3A = arith.constant 0 : i32
      %dma_start3A_369 = tpu.memref_slice %arg15[%arg1, %dma_start3A] : memref<16x16xf32, #tpu.memory_space<vmem_shared>> -> memref<1x16xf32, #tpu.memory_space<vmem_shared>>
      %dma_start3A_370 = tpu.memref_squeeze %dma_start3A_369 : memref<1x16xf32, #tpu.memory_space<vmem_shared>> -> memref<16xf32, #tpu.memory_space<vmem_shared>>
      %dma_start3A_371 = arith.constant 0 : i32
      %dma_start3A_372 = tpu.memref_slice %arg15[%arg1, %dma_start3A_371] : memref<16x16xf32, #tpu.memory_space<vmem_shared>> -> memref<1x16xf32, #tpu.memory_space<vmem_shared>>
      %dma_start3A_373 = tpu.memref_squeeze %dma_start3A_372 : memref<1x16xf32, #tpu.memory_space<vmem_shared>> -> memref<16xf32, #tpu.memory_space<vmem_shared>>
      tpu.enqueue_dma source(%arg10 : memref<16xf32, #tpu.memory_space<vmem>>) target(%dma_start3A_373 : memref<16xf32, #tpu.memory_space<vmem_shared>>) target_semaphore(%run_scoped3A_368 : memref<!tpu.dma_semaphore, #tpu.memory_space<semaphore_mem>>)
      %dma_wait3A = arith.constant 0 : i32
      %dma_wait3A_374 = tpu.memref_slice %arg15[%arg1, %dma_wait3A] : memref<16x16xf32, #tpu.memory_space<vmem_shared>> -> memref<1x16xf32, #tpu.memory_space<vmem_shared>>
      %dma_wait3A_375 = tpu.memref_squeeze %dma_wait3A_374 : memref<1x16xf32, #tpu.memory_space<vmem_shared>> -> memref<16xf32, #tpu.memory_space<vmem_shared>>
      %dma_wait3A_376 = arith.constant 0 : i32
      %dma_wait3A_377 = tpu.memref_slice %arg15[%arg1, %dma_wait3A_376] : memref<16x16xf32, #tpu.memory_space<vmem_shared>> -> memref<1x16xf32, #tpu.memory_space<vmem_shared>>
      %dma_wait3A_378 = tpu.memref_squeeze %dma_wait3A_377 : memref<1x16xf32, #tpu.memory_space<vmem_shared>> -> memref<16xf32, #tpu.memory_space<vmem_shared>>
      tpu.wait_dma2 semaphore(%run_scoped3A_368 : memref<!tpu.dma_semaphore, #tpu.memory_space<semaphore_mem>>) src(%arg10 : memref<16xf32, #tpu.memory_space<vmem>>) dst(%dma_wait3A_378 : memref<16xf32, #tpu.memory_space<vmem_shared>>)
      tpu.yield
    }) : () -> ()
    %barrier3A_361 = arith.constant 0 : index
    tpu.barrier barrier_id(%barrier3A_361)
    %eq3A_362 = arith.constant 0 : i32
    %eq3A_363 = arith.cmpi eq, %arg1, %eq3A_362 : i32
    %and3A_364 = arith.andi %eq3A_363, %eq3A_0 : i1
    %convert_element_type3A_365 = arith.extui %and3A_364 : i1 to i32
    %cond3A_366 = arith.constant 0 : i32
    %cond3A_367 = arith.cmpi ne, %convert_element_type3A_365, %cond3A_366 : i32
    scf.if %cond3A_367 {
      "tpu.region"() ({
        %run_scoped3A_497 = tpu.sem_alloc : memref<!tpu.dma_semaphore, #tpu.memory_space<semaphore_mem>>
        tpu.enqueue_dma source(%arg15 : memref<16x16xf32, #tpu.memory_space<vmem_shared>>) target(%arg11 : memref<16x16xf32, #tpu.memory_space<vmem>>) target_semaphore(%run_scoped3A_497 : memref<!tpu.dma_semaphore, #tpu.memory_space<semaphore_mem>>)
        tpu.wait_dma2 semaphore(%run_scoped3A_497 : memref<!tpu.dma_semaphore, #tpu.memory_space<semaphore_mem>>) src(%arg15 : memref<16x16xf32, #tpu.memory_space<vmem_shared>>) dst(%arg11 : memref<16x16xf32, #tpu.memory_space<vmem>>)
        tpu.yield
      }) : () -> ()
      %broadcast_in_dim3A_368 = arith.constant 0.000000e+00 : f32
      %broadcast_in_dim3A_369 = vector.broadcast %broadcast_in_dim3A_368 : f32 to vector<16xf32>
      %get3A_370 = arith.constant 0 : i32
      %get3A_371 = arith.index_cast %get3A_370 : i32 to index
      %get3A_372 = arith.constant 0 : index
      %get3A_373 = tpu.vector_load %arg11[%get3A_371, %get3A_372] {strides = array<i32>} : memref<16x16xf32, #tpu.memory_space<vmem>>, vector<16xf32>,
      %add3A = arith.addf %broadcast_in_dim3A_369, %get3A_373 : vector<16xf32>
      %get3A_374 = arith.constant 1 : i32
      %get3A_375 = arith.index_cast %get3A_374 : i32 to index
      %get3A_376 = arith.constant 0 : index
      %get3A_377 = tpu.vector_load %arg11[%get3A_375, %get3A_376] {strides = array<i32>} : memref<16x16xf32, #tpu.memory_space<vmem>>, vector<16xf32>,
      %add3A_378 = arith.addf %add3A, %get3A_377 : vector<16xf32>
      %get3A_379 = arith.constant 2 : i32
      %get3A_380 = arith.index_cast %get3A_379 : i32 to index
      %get3A_381 = arith.constant 0 : index
      %get3A_382 = tpu.vector_load %arg11[%get3A_380, %get3A_381] {strides = array<i32>} : memref<16x16xf32, #tpu.memory_space<vmem>>, vector<16xf32>,
      %add3A_383 = arith.addf %add3A_378, %get3A_382 : vector<16xf32>
      %get3A_384 = arith.constant 3 : i32
      %get3A_385 = arith.index_cast %get3A_384 : i32 to index
      %get3A_386 = arith.constant 0 : index
      %get3A_387 = tpu.vector_load %arg11[%get3A_385, %get3A_386] {strides = array<i32>} : memref<16x16xf32, #tpu.memory_space<vmem>>, vector<16xf32>,
      %add3A_388 = arith.addf %add3A_383, %get3A_387 : vector<16xf32>
      %get3A_389 = arith.constant 4 : i32
      %get3A_390 = arith.index_cast %get3A_389 : i32 to index
      %get3A_391 = arith.constant 0 : index
      %get3A_392 = tpu.vector_load %arg11[%get3A_390, %get3A_391] {strides = array<i32>} : memref<16x16xf32, #tpu.memory_space<vmem>>, vector<16xf32>,
      %add3A_393 = arith.addf %add3A_388, %get3A_392 : vector<16xf32>
      %get3A_394 = arith.constant 5 : i32
      %get3A_395 = arith.index_cast %get3A_394 : i32 to index
      %get3A_396 = arith.constant 0 : index
      %get3A_397 = tpu.vector_load %arg11[%get3A_395, %get3A_396] {strides = array<i32>} : memref<16x16xf32, #tpu.memory_space<vmem>>, vector<16xf32>,
      %add3A_398 = arith.addf %add3A_393, %get3A_397 : vector<16xf32>
      %get3A_399 = arith.constant 6 : i32
      %get3A_400 = arith.index_cast %get3A_399 : i32 to index
      %get3A_401 = arith.constant 0 : index
      %get3A_402 = tpu.vector_load %arg11[%get3A_400, %get3A_401] {strides = array<i32>} : memref<16x16xf32, #tpu.memory_space<vmem>>, vector<16xf32>,
      %add3A_403 = arith.addf %add3A_398, %get3A_402 : vector<16xf32>
      %get3A_404 = arith.constant 7 : i32
      %get3A_405 = arith.index_cast %get3A_404 : i32 to index
      %get3A_406 = arith.constant 0 : index
      %get3A_407 = tpu.vector_load %arg11[%get3A_405, %get3A_406] {strides = array<i32>} : memref<16x16xf32, #tpu.memory_space<vmem>>, vector<16xf32>,
      %add3A_408 = arith.addf %add3A_403, %get3A_407 : vector<16xf32>
      %get3A_409 = arith.constant 8 : i32
      %get3A_410 = arith.index_cast %get3A_409 : i32 to index
      %get3A_411 = arith.constant 0 : index
      %get3A_412 = tpu.vector_load %arg11[%get3A_410, %get3A_411] {strides = array<i32>} : memref<16x16xf32, #tpu.memory_space<vmem>>, vector<16xf32>,
      %add3A_413 = arith.addf %add3A_408, %get3A_412 : vector<16xf32>
      %get3A_414 = arith.constant 9 : i32
      %get3A_415 = arith.index_cast %get3A_414 : i32 to index
      %get3A_416 = arith.constant 0 : index
      %get3A_417 = tpu.vector_load %arg11[%get3A_415, %get3A_416] {strides = array<i32>} : memref<16x16xf32, #tpu.memory_space<vmem>>, vector<16xf32>,
      %add3A_418 = arith.addf %add3A_413, %get3A_417 : vector<16xf32>
      %get3A_419 = arith.constant 10 : i32
      %get3A_420 = arith.index_cast %get3A_419 : i32 to index
      %get3A_421 = arith.constant 0 : index
      %get3A_422 = tpu.vector_load %arg11[%get3A_420, %get3A_421] {strides = array<i32>} : memref<16x16xf32, #tpu.memory_space<vmem>>, vector<16xf32>,
      %add3A_423 = arith.addf %add3A_418, %get3A_422 : vector<16xf32>
      %get3A_424 = arith.constant 11 : i32
      %get3A_425 = arith.index_cast %get3A_424 : i32 to index
      %get3A_426 = arith.constant 0 : index
      %get3A_427 = tpu.vector_load %arg11[%get3A_425, %get3A_426] {strides = array<i32>} : memref<16x16xf32, #tpu.memory_space<vmem>>, vector<16xf32>,
      %add3A_428 = arith.addf %add3A_423, %get3A_427 : vector<16xf32>
      %get3A_429 = arith.constant 12 : i32
      %get3A_430 = arith.index_cast %get3A_429 : i32 to index
      %get3A_431 = arith.constant 0 : index
      %get3A_432 = tpu.vector_load %arg11[%get3A_430, %get3A_431] {strides = array<i32>} : memref<16x16xf32, #tpu.memory_space<vmem>>, vector<16xf32>,
      %add3A_433 = arith.addf %add3A_428, %get3A_432 : vector<16xf32>
      %get3A_434 = arith.constant 13 : i32
      %get3A_435 = arith.index_cast %get3A_434 : i32 to index
      %get3A_436 = arith.constant 0 : index
      %get3A_437 = tpu.vector_load %arg11[%get3A_435, %get3A_436] {strides = array<i32>} : memref<16x16xf32, #tpu.memory_space<vmem>>, vector<16xf32>,
      %add3A_438 = arith.addf %add3A_433, %get3A_437 : vector<16xf32>
      %get3A_439 = arith.constant 14 : i32
      %get3A_440 = arith.index_cast %get3A_439 : i32 to index
      %get3A_441 = arith.constant 0 : index
      %get3A_442 = tpu.vector_load %arg11[%get3A_440, %get3A_441] {strides = array<i32>} : memref<16x16xf32, #tpu.memory_space<vmem>>, vector<16xf32>,
      %add3A_443 = arith.addf %add3A_438, %get3A_442 : vector<16xf32>
      %get3A_444 = arith.constant 15 : i32
      %get3A_445 = arith.index_cast %get3A_444 : i32 to index
      %get3A_446 = arith.constant 0 : index
      %get3A_447 = tpu.vector_load %arg11[%get3A_445, %get3A_446] {strides = array<i32>} : memref<16x16xf32, #tpu.memory_space<vmem>>, vector<16xf32>,
      %add3A_448 = arith.addf %add3A_443, %get3A_447 : vector<16xf32>
      %eq3A_449 = arith.constant 0 : i32
      %eq3A_450 = vector.broadcast %eq3A_449 : i32 to vector<16xi32>
      %eq3A_451 = arith.cmpi eq, %iota3A, %eq3A_450 : vector<16xi32>
      %jit3A_452 = arith.constant 0.000000e+00 : f32
      %broadcast_in_dim3A_453 = vector.broadcast %jit3A_452 : f32 to vector<16xf32>
      %select_n3A_454 = arith.select %eq3A_451, %add3A_448, %broadcast_in_dim3A_453 : vector<16xi1>, vector<16xf32>
      %reduce_sum3A_455 = arith.constant true
      %reduce_sum3A_456 = vector.broadcast %reduce_sum3A_455 : i1 to vector<16xi1>
      %reduce_sum3A_457 = tpu.scan <sum>, %select_n3A_454 masked %reduce_sum3A_456 : vector<16xf32>, vector<16xi1> -> vector<16xf32>
      %reduce_sum3A_458 = vector.extract %reduce_sum3A_457[15] : f32 from vector<16xf32>
      %eq3A_459 = arith.constant 1 : i32
      %eq3A_460 = vector.broadcast %eq3A_459 : i32 to vector<16xi32>
      %eq3A_461 = arith.cmpi eq, %iota3A, %eq3A_460 : vector<16xi32>
      %jit3A_462 = arith.constant 0.000000e+00 : f32
      %broadcast_in_dim3A_463 = vector.broadcast %jit3A_462 : f32 to vector<16xf32>
      %select_n3A_464 = arith.select %eq3A_461, %add3A_448, %broadcast_in_dim3A_463 : vector<16xi1>, vector<16xf32>
      %reduce_sum3A_465 = arith.constant true
      %reduce_sum3A_466 = vector.broadcast %reduce_sum3A_465 : i1 to vector<16xi1>
      %reduce_sum3A_467 = tpu.scan <sum>, %select_n3A_464 masked %reduce_sum3A_466 : vector<16xf32>, vector<16xi1> -> vector<16xf32>
      %reduce_sum3A_468 = vector.extract %reduce_sum3A_467[15] : f32 from vector<16xf32>
      %broadcast_in_dim3A_469 = arith.constant 1 : i32
      %broadcast_in_dim3A_470 = vector.broadcast %broadcast_in_dim3A_469 : i32 to vector<16xi32>
      %mul3A_471 = vector.broadcast %reduce_sum3A_311 : i32 to vector<16xi32>
      %mul3A_472 = arith.muli %broadcast_in_dim3A_470, %mul3A_471 : vector<16xi32>
      %lt3A = arith.constant 0 : i32
      %lt3A_473 = vector.broadcast %lt3A : i32 to vector<16xi32>
      %lt3A_474 = arith.cmpi slt, %mul3A_472, %lt3A_473 : vector<16xi32>
      %xor3A_475 = arith.constant -2147483648 : i32
      %xor3A_476 = vector.broadcast %xor3A_475 : i32 to vector<16xi32>
      %xor3A_477 = arith.xori %mul3A_472, %xor3A_476 : vector<16xi32>
      %not3A = arith.constant dense<-1> : vector<16xi32>
      %not3A_478 = arith.xori %mul3A_472, %not3A : vector<16xi32>
      %select_n3A_479 = arith.select %lt3A_474, %xor3A_477, %not3A_478 : vector<16xi1>, vector<16xi32>
      %bitcast_convert_type3A = tpu.bitcast %select_n3A_479 : vector<16xi32> -> vector<16xf32>
      %convert_element_type3A_480 = arith.sitofp %reduce_sum3A_321 : i32 to f32
      %mul3A_481 = vector.broadcast %convert_element_type3A_480 : f32 to vector<16xf32>
      %mul3A_482 = arith.mulf %bitcast_convert_type3A, %mul3A_481 : vector<16xf32>
      %add3A_483 = vector.broadcast %reduce_sum3A_458 : f32 to vector<16xf32>
      %add3A_484 = arith.addf %add3A_483, %mul3A_482 : vector<16xf32>
      %sub3A = arith.constant 1.638000e+03 : f32
      %sub3A_485 = arith.subf %sub3A, %reduce_sum3A_468 : f32
      %eq3A_486 = arith.constant 0.000000e+00 : f32
      %eq3A_487 = vector.broadcast %eq3A_486 : f32 to vector<16xf32>
      %eq3A_488 = arith.cmpf oeq, %bitcast_convert_type3A, %eq3A_487 : vector<16xf32>
      %jit3A_489 = arith.constant 0.000000e+00 : f32
      %broadcast_in_dim3A_490 = vector.broadcast %convert_element_type3A_480 : f32 to vector<16xf32>
      %broadcast_in_dim3A_491 = vector.broadcast %jit3A_489 : f32 to vector<16xf32>
      %select_n3A_492 = arith.select %eq3A_488, %broadcast_in_dim3A_490, %broadcast_in_dim3A_491 : vector<16xi1>, vector<16xf32>
      %sub3A_493 = vector.broadcast %sub3A_485 : f32 to vector<16xf32>
      %sub3A_494 = arith.subf %sub3A_493, %select_n3A_492 : vector<16xf32>
      %div3A = arith.divf %add3A_484, %sub3A_494 : vector<16xf32>
      %swap3A_495 = arith.constant 0 : index
      %swap3A_496 = tpu.vector_load %arg12[%swap3A_495] {strides = array<i32>} : memref<16xf32, #tpu.memory_space<vmem>>, vector<16xf32>,
      tpu.vector_store %arg12[%swap3A_495], %div3A {strides = array<i32>} : memref<16xf32, #tpu.memory_space<vmem>>, vector<16xf32>,
      "tpu.region"() ({
        %run_scoped3A_497 = tpu.sem_alloc : memref<!tpu.dma_semaphore, #tpu.memory_space<semaphore_mem>>
        tpu.enqueue_dma source(%arg12 : memref<16xf32, #tpu.memory_space<vmem>>) target(%arg3 : memref<16xf32, #tpu.memory_space<hbm>>) target_semaphore(%run_scoped3A_497 : memref<!tpu.dma_semaphore, #tpu.memory_space<semaphore_mem>>)
        tpu.wait_dma2 semaphore(%run_scoped3A_497 : memref<!tpu.dma_semaphore, #tpu.memory_space<semaphore_mem>>) src(%arg12 : memref<16xf32, #tpu.memory_space<vmem>>) dst(%arg3 : memref<16xf32, #tpu.memory_space<hbm>>)
        tpu.yield
      }) : () -> ()
    } else {
    }
    return
  }
}

</mosaic_0001>

<sc_bundles>
// kernel: kernel.3.cloned.1.call-start
scs
__scs_entry_jumppad:
0x0: {  	(pc) =	sbr.rel $0x88, $3  }
0x1: {  	(tag) =	ssettag $0x0;
	lr =	simm.s32 $0x1  }
0x2: {  	[smem:$0x3FA0] =	sst lr;
	_ =	strace $0xD0000000  }
0x3: {  	_ = 	snop  }
0x4: {  	_ = 	snop  }
0x5: {  	_ = 	snop  }
0x6: {  	_ = 	snop  }
0x7: {  	_ = 	snop  }
__scs_overlays_trampoline_lowered:
0x8: {  	[smem:$0x3FAF] =	sst s0  }
0x9: {  	[smem:$0x3FB0] =	sst s1  }
0xa: {  	[smem:$0x3FB1] =	sst s2  }
0xb: {  	[smem:$0x3FB2] =	sst s3  }
0xc: {  	[smem:$0x3FB3] =	sst s4  }
0xd: {  	[smem:$0x3FB4] =	sst s5  }
0xe: {  	[smem:$0x3FB5] =	sst s6  }
0xf: {  	[smem:$0x3FB6] =	sst s7  }
0x10: {  	[smem:$0x3FB7] =	sst s8  }
0x11: {  	[smem:$0x3FB8] =	sst s9;
	s0 =	simm.s32 @!p0 $0x0  }
0x12: {  	s1 =	sld [smem:$0x3F9E];
	s0 =	simm.s32 @p0 $0x1  }
0x13: {  	[smem:$0x3FB9] =	sst s0;
	s0 =	simm.s32 @!p1 $0x0  }
0x14: {  	s2 =	sld [smem:$0x3F9D];
	s0 =	simm.s32 @p1 $0x1  }
0x15: {  	[smem:$0x3FBA] =	sst s0;
	s0 =	simm.s32 @!p2 $0x0  }
0x16: {  	s3 =	sld [smem:$0x3FDB];
	s0 =	simm.s32 @p2 $0x1  }
0x17: {  	s4 =	simm.s32 $0x1BF5;
	[smem:$0x3FBC] =	sst s0  }
0x18: {  	s0 =	sld [smem:$0x3F9F];
	_ =	swait.ge [sflag:s4], $0x0  }
0x19: {  	s7 =	sld [smem:$0x3FA0]  }
0x1a: {  	s8 =	sadd.s32 $0xFFFFE003, lr  }
0x1b: {  	s9 =	sadd.s32 $0xFFFFFEF7, lr;
	s5 =	simm.s32 $0xFFFFFFFF;
	p2 =	slt.u32 s8, $0xFFFFF086  }
0x1c: {  	p1 =	slt.u32 s9, $0xF7A;
	s5 =	simm.s32 @!p2 $0x0  }
0x1d: {  	s5 =	simm.s32 @p1 $0x1;
	p0 =	seq.s32 s7, s2  }
0x1e: {  	s7 =	smul.u32 @!p0 $0xF7A, s2;
	p2 =	seq.s32 @!p0 s5, $0x0  }
0x1f: {  	s9 =	smul.u32 $0xF7A, s1;
	s8 =	simm.s32 @!p0 $0x1BF5;
	p2 =	por !p2, p0  }
0x20: {  	[sflag:s8] =	ssyncset.s32 @!p0 $0xFFFFF086;
	s6 =	sadd.s32 @!p0 s3, s7;
	s7 =	simm.s32 @!p0 $0x108  }
0x21: {  	s3 =	sadd.s32 s3, s9;
	s6 =	sadd.s32 @!p0 $0x88, s6;
	s7 =	simm.s32 @p2 $0x1082  }
0x22: {  	[simem:s7], [sflag:s8] =	dma.local @!p0 [hbm:s6], $0xF7A  }
0x23: {  	s9 =	sor.u32 $0xD0000000, s2;
	s6 =	simm.s32 $0x108;
	_ =	swait.ge @!p0 [sflag:s8], $0x0  }
0x24: {  	s3 =	sadd.s32 $0x88, s3;
	s6 =	simm.s32 @!p1 $0x1082;
	[sflag:s4] =	ssyncset.s32 $0xFFFFF086  }
0x25: {  	[simem:s6], [sflag:s4] =	dma.local [hbm:s3], $0xF7A  }
0x26: {  	[smem:$0x3FA0] =	sst s1;
	(tag) =	ssettag s2;
	_ =	strace s9  }
0x27: {  	s1 =	sld [smem:$0x3FB0]  }
0x28: {  	s2 =	sld [smem:$0x3FB1]  }
0x29: {  	s4 =	sld [smem:$0x3FB3]  }
0x2a: {  	p0 =	seq.s32 s5, $0x0;
	s5 =	sld [smem:$0x3FB4]  }
0x2b: {  	s6 =	sld [smem:$0x3FB5]  }
0x2c: {  	s7 =	sld [smem:$0x3FB6]  }
0x2d: {  	s3 =	simm.s32 $0x108;
	s8 =	sld [smem:$0x3FB7]  }
0x2e: {  	s3 =	simm.s32 @!p0 $0x1082;
	s9 =	sld [smem:$0x3FB8]  }
0x2f: {  	lr =	sadd.s32 s0, s3;
	s0 =	sld [smem:$0x3FAF]  }
0x30: {  	s3 =	sld [smem:$0x3FB2]  }
0x31: {  	[smem:$0x3FBB] =	sst s10  }
0x32: {  	s10 =	sld [smem:$0x3FB9];
	_ =	sdelay $0x3  }
0x33: {  	p0 =	seq.s32 s10, $0x1;
	s10 =	sld [smem:$0x3FBB];
	_ =	sdelay $0x3  }
0x34: {  	[smem:$0x3FBB] =	sst s10  }
0x35: {  	s10 =	sld [smem:$0x3FBA];
	_ =	sdelay $0x3  }
0x36: {  	p1 =	seq.s32 s10, $0x1;
	s10 =	sld [smem:$0x3FBB];
	_ =	sdelay $0x3  }
0x37: {  	[smem:$0x3FBB] =	sst s10  }
0x38: {  	s10 =	sld [smem:$0x3FBC]  }
0x39: {  	_ = 	snop;
	(pc) =	sbr.ind lr, $3  }
0x3a: {  	_ = 	snop  }
0x3b: {  	_ = 	snop  }
0x3c: {  	p2 =	seq.s32 s10, $0x1;
	s10 =	sld [smem:$0x3FBB]  }
0x3d: {  	_ =	shalt  }
0x3e: {  	_ =	shalt  }
0x3f: {  	_ =	shalt  }
0x40: {  	_ =	shalt  }
0x41: {  	_ =	shalt  }
0x42: {  	_ =	shalt  }
0x43: {  	_ =	shalt  }
0x44: {  	_ =	shalt  }
0x45: {  	_ =	shalt  }
0x46: {  	_ =	shalt  }
0x47: {  	_ =	shalt  }
0x48: {  	_ =	shalt  }
0x49: {  	_ =	shalt  }
0x4a: {  	_ =	shalt  }
0x4b: {  	_ =	shalt  }
0x4c: {  	_ =	shalt  }
0x4d: {  	_ =	shalt  }
0x4e: {  	_ =	shalt  }
0x4f: {  	_ =	shalt  }
0x50: {  	_ =	shalt  }
0x51: {  	_ =	shalt  }
0x52: {  	_ =	shalt  }
0x53: {  	_ =	shalt  }
0x54: {  	_ =	shalt  }
0x55: {  	_ =	shalt  }
0x56: {  	_ =	shalt  }
0x57: {  	_ =	shalt  }
0x58: {  	_ =	shalt  }
0x59: {  	_ =	shalt  }
0x5a: {  	_ =	shalt  }
0x5b: {  	_ =	shalt  }
0x5c: {  	_ =	shalt  }
0x5d: {  	_ =	shalt  }
0x5e: {  	_ =	shalt  }
0x5f: {  	_ =	shalt  }
0x60: {  	_ =	shalt  }
0x61: {  	_ =	shalt  }
0x62: {  	_ =	shalt  }
0x63: {  	_ =	shalt  }
0x64: {  	_ =	shalt  }
0x65: {  	_ =	shalt  }
0x66: {  	_ =	shalt  }
0x67: {  	_ =	shalt  }
0x68: {  	_ =	shalt  }
0x69: {  	_ =	shalt  }
0x6a: {  	_ =	shalt  }
0x6b: {  	_ =	shalt  }
0x6c: {  	_ =	shalt  }
0x6d: {  	_ =	shalt  }
0x6e: {  	_ =	shalt  }
0x6f: {  	_ =	shalt  }
0x70: {  	_ =	shalt  }
0x71: {  	_ =	shalt  }
0x72: {  	_ =	shalt  }
0x73: {  	_ =	shalt  }
0x74: {  	_ =	shalt  }
0x75: {  	_ =	shalt  }
0x76: {  	_ =	shalt  }
0x77: {  	_ =	shalt  }
0x78: {  	_ =	shalt  }
0x79: {  	_ =	shalt  }
0x7a: {  	_ =	shalt  }
0x7b: {  	_ =	shalt  }
0x7c: {  	_ =	shalt  }
0x7d: {  	_ =	shalt  }
0x7e: {  	_ =	shalt  }
0x7f: {  	_ =	shalt  }
0x80: {  	_ =	shalt  }
0x81: {  	_ =	shalt  }
0x82: {  	_ =	shalt  }
0x83: {  	_ =	shalt  }
0x84: {  	_ =	shalt  }
0x85: {  	_ =	shalt  }
0x86: {  	_ =	shalt  }
0x87: {  	_ =	shalt  }
.Lfunc_end0:
.L_simem_size_0:
called_computation_lowered:
.L_overlay_start_0:
0x88: {  	s2 =	sld [smem:$0x3FD9]  }
0x89: {  	s3 =	sld [smem:$0x3FFE];
	_ =	sdelay $0x1  }
0x8a: {  	s1 =	srdreg.scid  }
0x8b: {  	s0 =	sand.u32 $0x1, s1  }
0x8c: {  	s18 =	sshll.u32 s0, $0xA;
	s2 =	sadd.s32 s3, s2  }
0x8d: {  	s2 =	sadd.s32 s2, s18  }
0x8e: {  	[smem:$0x3FC7] =	sst s2  }
0x8f: {  	_ = 	snop  }
0x90: {  	s2 =	sld [smem:$0x3FC9]  }
0x91: {  	s19 =	sld [smem:$0x3FD0];
	(tm) =	ssettm $0x1  }
0x92: {  	s4 =	sld [smem:$0x3FFB];
	_ =	sdelay $0x3  }
0x93: {  	_ =	strace s4  }
0x94: {  	s4 =	sld [smem:$0x3FFC];
	_ =	sdelay $0x3  }
0x95: {  	_ =	strace s4  }
0x96: {  	s4 =	sld [smem:$0x3FFD];
	_ =	sdelay $0x3  }
0x97: {  	_ =	strace s4  }
0x98: {  	_ =	strace $0x8FFFFFFF  }
0x99: {  	s20 =	sld [smem:$0x3FDB];
	_ =	sdelay $0x1  }
0x9a: {  	s5 =	simm.s32 $_scs_section_size  }
0x9b: {  	s6 =	simm.s32 $_size__tile_overlayer_lowered;
	s7 =	simm.s32 $_tile_overlayer_lowered  }
0x9c: {  	s23 =	simm.s32 $0x1BFF;
	s22 =	sshll.u32 s7, $0x1;
	s4 =	sadd.s32 s5, s20  }
0x9d: {  	s8 =	simm.s32 $0x0;
	s21 =	sshll.u32 s6, $0x1;
	s6 =	sadd.s32 s22, s4  }
0x9e: {  	[timem:s8], [sflag:s23] =	dma.local [hbm:s6], s21  }
0x9f: {  	_ =	swait.ge [sflag:s23], s21  }
0xa0: {  	s5 =	ssub.s32 $0x0, s21;
	[sflag:s23] =	ssyncset.done $0x0  }
0xa1: {  	[sflag:s23] =	ssyncadd.s32 s5;
	_ =	sdelay $0x1  }
0xa2: {  	s24 =	simm.s32 $0x1B8B  }
0xa3: {  	_ =	swait.ge [sflag:s24], $0x1  }
0xa4: {  	[sflag:s24] =	ssyncset.done $0x0  }
0xa5: {  	s25 =	simm.s32 $0x1B8E;
	[sflag:s24] =	ssyncadd.s32 $0xFFFFFFFF  }
0xa6: {  	s26 =	simm.s32 $execute0_lowered;
	[smem:$0x3FD2] =	sst s25  }
0xa7: {  	s5 =	sshll.u32 s26, $0x1;
	_ =	strace $0x80000046;
	[dreg:$0x1] =	wrdreg $0xFFFFFFFF  }
0xa8: {  	s28 =	simm.s32 $_size_execute0_lowered;
	s4 =	sadd.s32 s4, s5;
	[dreg:$0x0] =	wrdreg $0x0  }
0xa9: {  	s5 =	sshll.u32 s28, $0x1;
	[dreg:$0x2] =	wrdreg s4  }
0xaa: {  	[dreg:$0x3] =	wrdreg s5  }
0xab: {  	[dreg:$0x4] =	wrdreg $0xC0  }
0xac: {  	_ =	task [dreg:s8], $0x5FFFF  }
0xad: {  	[dreg:$0x1] =	wrdreg $0xFFFFFFFF  }
0xae: {  	[dreg:$0x0] =	wrdreg $0x60  }
0xaf: {  	[dreg:$0x2] =	wrdreg s2  }
0xb0: {  	[dreg:$0x3] =	wrdreg s19  }
0xb1: {  	[dreg:$0x4] =	wrdreg $0x36800  }
0xb2: {  	[dreg:$0x5] =	wrdreg $0x36880  }
0xb3: {  	[dreg:$0x6] =	wrdreg $0x32800  }
0xb4: {  	[dreg:$0x7] =	wrdreg $0x9  }
0xb5: {  	_ =	task.clear_ibuf [dreg:s8], $0x8FFFF;
	_ =	strace $0x90000046  }
0xb6: {  	s29 =	simm.s32 $0x9;
	_ =	strace $0x80000048  }
0xb7: {  	_ =	swait.ge [sflag:s29], $0x1  }
0xb8: {  	[sflag:s29] =	ssyncadd.s32 $0xFFFFFFFF  }
0xb9: {  	_ =	strace $0x90000048  }
0xba: {  	_ =	sfence  }
0xbb: {  	s30 =	sld [smem:$0x0];
	_ =	sdelay $0x2  }
0xbc: {  	s31 =	sshll.u32 s1, $0xD;
	s1 =	sshrl.u32 s1, $0x2  }
0xbd: {  	s3 =	sand.u32 $0x4000, s31;
	s1 =	sadd.s32 s1, s30  }
0xbe: {  	s0 =	sor.u32 s3, s0;
	s1 =	sshll.u32 s1, $0x11  }
0xbf: {  	s0 =	sor.u32 s1, s0  }
0xc0: {  	s0 =	sadd.s32 $0x8F2B, s0  }
0xc1: {  	[sflag:s0] =	ssyncadd.remote.s32 $0x1  }
0xc2: {  	_ =	sfence.sel $0xFFFF  }
0xc3: {  	[dreg:$0x0] =	wrdreg $0xFFFFFFFF;
	(pc) =	sbr.abs _section_cstart, $3  }
0xc4: {  	[dreg:$0x1] =	wrdreg $0xFFFFFFFF  }
0xc5: {  	_ =	task.clear_ibuf [dreg:s8], $0x2FFFF;
	_ =	strace $0x9FFFFFFF  }
0xc6: {  	(tm) =	ssettm $0x7FFFFFFF  }
0xc7: {  	_ =	shalt  }
tec
execute0_lowered:
.L_overlay_start_1:
0x0: {  	(tag) =	ssettag $0x1  }
0x1: {  	s0 =	rddreg [dreg:$0x0]  }
0x2: {  	s6 =	rddreg [dreg:$0x2]  }
0x3: {  	s7 =	rddreg [dreg:$0x3]  }
0x4: {  	s8 =	rddreg [dreg:$0x4]  }
0x5: {  	s2 =	simm.s32 $0x0;
	s1 =	srdreg.scid;
	s9 =	stileid.u32  }
0x6: {  	[smem:$0x7FF] =	sst s2;
	s1 =	sand.u32 $0x1, s1;
	s3 =	sshll.u32 s9, $0x8  }
0x7: {  	s5 =	sshll.u32 s9, $0x7;
	s23 =	sadd.s32 $0x1000, s8;
	s24 =	sadd.s32 $0x80, s6  }
0x8: {  	s26 =	sadd.s32 $0x2000, s8;
	_ =	strace $0x80000047;
	[dreg:$0x9] =	wrdreg s23  }
0x9: {  	s28 =	sadd.s32 $0x100, s6;
	s29 =	sadd.s32 $0x3000, s8;
	[dreg:$0xa] =	wrdreg s24  }
0xa: {  	s30 =	sadd.s32 $0x180, s6;
	s6 =	simm.s32 $0x1;
	[dreg:$0xc] =	wrdreg s26  }
0xb: {  	s20 =	ssub.s32 $0x2, s1;
	s3 =	sand.u32 $0x800, s3;
	[dreg:$0xd] =	wrdreg s28  }
0xc: {  	s21 =	sand.u32 $0x380, s5;
	s0 =	sadd.s32 s0, s5;
	[dreg:$0xf] =	wrdreg s29  }
0xd: {  	s22 =	sor.u32 s1, s9;
	[dreg:$0x10] =	wrdreg s30;
	s31 =	sadd.s32 s5, s7  }
0xe: {  	p0 =	sne.s32 s1, $0x0;
	s5 =	simm.s32 $0x80;
	s7 =	simm.s32 $0x400  }
0xf: {  	p2 =	seq.s32 s1, $0x0;
	s3 =	sadd.s32 s3, s8;
	[dreg:$0x6] =	wrdreg s0  }
0x10: {  	s4 =	sshrl.u32 s20, $0x1;
	[dreg:$0x11] =	wrdreg s31;
	s3 =	sadd.s32 s21, s3  }
0x11: {  	s2 =	ssub.s32 s20, s4;
	s4 =	sadd.s32 $0x1000, s3;
	[dreg:$0x7] =	wrdreg s3  }
.Ltmp0:
0x12: {  	s25 =	sadd.s32 $0x2000, s3;
	[dreg:$0x8] =	wrdreg s4;
	(pc) =	sbr.rel .LBB2_1-.Ltmp0, $4  }
0x13: {  	s9 =	simm.s32 $0x2900;
	s2 =	smax.u32 s2, $0x1;
	[dreg:$0xb] =	wrdreg s25  }
0x14: {  	v0 =	vlaneseq.u32;
	v1 =	vimm.s32 $0x0;
	v3 =	vimm.s32 $0x1;
	s3 =	sadd.s32 $0x3000, s3;
	[dreg:$0x12] =	wrdreg s2;
	s2 =	simm.s32 @!p0 $0x0  }
0x15: {  	vm0 =	vcmask $0x300;
	vm1 =	vcmask $0x704;
	vm2 =	vmmov $0x1;
	p1 =	sne.s32 s22, $0x0;
	[dreg:$0xe] =	wrdreg s3;
	s2 =	simm.s32 @p0 $0x1  }
0x16: {  	vm3 =	vcmask $0x308;
	v4 =	vimm.s32 $0x80000000;
	v2 =	vmul.u32 $0x100, v0;
	s8 =	simm.s32 $0x1800;
	s3 =	simm.s32 $0x0;
	[smem:$0x7FD] =	sst s2  }
.LBB2_58:
0x17: {  	s3 =	sadd.s32 $0x1, s3;
	s0 =	rddreg [dreg:$0x12]  }
0x18: {  	p0 =	sne.s32 s3, s0  }
.Ltmp1:
0x19: {  	_ = 	snop;
	(pc) =	sbr.rel @!p0 .LBB2_59-.Ltmp1, $1  }
0x1a: {  	_ =	sdelay $0x3  }
.LBB2_1:
0x1b: {  	[dreg:$0x13] =	wrdreg s3  }
0x1c: {  	s0 =	simm.s32 $0x0;
	s1 =	rddreg [dreg:$0x6]  }
0x1d: {  	[tilespmem:s0], [sflag:$0x1] =	stream.linear.gather [hbm4b:s1+s0], $0x400, $0x38;
	[tilespmem:$0x3698] =	vst v63  }
0x1e: {  	_ =	swait.ge [sflag:s6], $0x400  }
0x1f: {  	s31 =	sld [smem:$0x7FD];
	_ =	sdelay $0x2  }
0x20: {  	p0 =	seq.s32 s31, $0x1  }
.Ltmp2:
0x21: {  	_ = 	snop;
	(pc) =	sbr.rel @p0 .LBB2_11-.Ltmp2, $3  }
0x22: {  	_ =	sdelay $0x1  }
0x23: {  	[sflag:s6] =	ssyncset.done $0x0  }
0x24: {  	[sflag:s6] =	ssyncadd.s32 $0xFFFFFC00  }
0x25: {  	s0 =	simm.s32 $0x0  }
0x26: {  	s1 =	simm.s32 $0x40;
	v5 =	vld [tilespmem:s0+$0x0]  }
.LBB2_3:
0x27: {  	_ =	sdelay $0x1  }
0x28: {  	p3 =	sne.s32 s1, $0xFC0  }
.Ltmp3:
0x29: {  	_ = 	snop;
	(pc) =	sbr.rel @p3 .LBB2_3-.Ltmp3, $4  }
0x2a: {  	v6 =	vshra.s32 v5, $0x1F  }
0x2b: {  	v7 =	vmov v5;
	v6 =	vor.u32 $0x80000000, v6  }
0x2c: {  	s2 =	sshra.s32 s1, $0x2;
	v6 =	vxor.u32 v7, v6  }
0x2d: {  	s1 =	sadd.s32 $0x40, s1;
	v5 =	vld [tilespmem:s2+$0x0];
	[tilespmem:s0+$0x400] =	vst v6;
	s0 =	smov.u32 s2  }
0x2e: {  	_ =	sdelay $0x3  }
0x2f: {  	v6 =	vshra.s32 v5, $0x1F  }
0x30: {  	v6 =	vor.u32 $0x80000000, v6  }
0x31: {  	v5 =	vxor.u32 v5, v6  }
0x32: {  	s1 =	simm.s32 $0x40;
	s2 =	simm.s32 $0x0;
	[tilespmem:s0+$0x400] =	vst v5;
	s0 =	simm.s32 $0x0  }
.LBB2_5:
0x33: {  	p3 =	sne.s32 s1, $0x3FC0;
	[tilespmem:s2+$0x800] =	vst v1;
	s2 =	smov.u32 s1;
	s1 =	sadd.s32 $0x40, s1  }
.Ltmp4:
0x34: {  	(pc) =	sbr.rel @p3 .LBB2_5-.Ltmp4, $2  }
0x35: {  	_ =	sdelay $0x2  }
0x36: {  	s2 =	sshra.s32 s2, $0x2  }
0x37: {  	[tilespmem:s2+$0x800] =	vst v1  }
.LBB2_7:
0x38: {  	s1 =	sshra.s32 s0, $0x2  }
0x39: {  	v5 =	vld [tilespmem:s1+$0x400];
	_ =	sdelay $0x4  }
0x3a: {  	v5 =	vshrl.u32 v5, $0x18  }
0x3b: {  	v6 =	vand.u32 $0x80, v5  }
0x3c: {  	v5 =	vand.u32 $0x7F, v5;
	v6 =	vor.u32 v2, v6  }
0x3d: {  	p3 =	sne.s32 s0, $0xFC0;
	v5 =	vor.u32 v5, v6  }
.Ltmp5:
0x3e: {  	_ = 	snop;
	(pc) =	sbr.rel @p3 .LBB2_7-.Ltmp5, $3  }
0x3f: {  	_ =	sdelay $0x1  }
0x40: {  	s1 =	simm.s32 $0x800  }
0x41: {  	s0 =	sadd.s32 $0x40, s0;
	[tilespmem:v5+s1+$0x0] =	vst.idx.add.s32.msk $0xffff, v3  }
0x42: {  	s0 =	simm.s32 $0x0  }
0x43: {  	v6 =	vld [tilespmem:s1+$0x0];
	s0 =	sand.u32 $0xFFFFFFF0, s0  }
0x44: {  	v5 =	vld [tilespmem:s0+$0x900]  }
0x45: {  	v7 =	vld [tilespmem:s0+$0xA00]  }
0x46: {  	v8 =	vld [tilespmem:s0+$0xB00]  }
0x47: {  	v9 =	vld [tilespmem:s0+$0xC00]  }
0x48: {  	v10 =	vld [tilespmem:s0+$0xD00]  }
0x49: {  	v5 =	vadd.s32 v6, v5;
	v6 =	vld [tilespmem:s0+$0xE00]  }
0x4a: {  	v5 =	vadd.s32 v7, v5;
	v7 =	vld [tilespmem:s0+$0xF00]  }
0x4b: {  	v58 =	vld [tilespmem:s0+$0x1000];
	v5 =	vadd.s32 v8, v5  }
0x4c: {  	v59 =	vld [tilespmem:s0+$0x1100];
	v5 =	vadd.s32 v9, v5  }
0x4d: {  	v60 =	vld [tilespmem:s0+$0x1200];
	v5 =	vadd.s32 v10, v5  }
0x4e: {  	v5 =	vadd.s32 v6, v5;
	v6 =	vld [tilespmem:s0+$0x1300]  }
0x4f: {  	v5 =	vadd.s32 v7, v5;
	v7 =	vld [tilespmem:s0+$0x1400]  }
0x50: {  	v61 =	vld [tilespmem:s0+$0x1500];
	v5 =	vadd.s32 v58, v5  }
0x51: {  	v62 =	vld [tilespmem:s0+$0x1600];
	v5 =	vadd.s32 v59, v5  }
0x52: {  	v63 =	vld [tilespmem:s0+$0x1700];
	v5 =	vadd.s32 v60, v5  }
0x53: {  	v5 =	vadd.s32 v6, v5  }
0x54: {  	v5 =	vadd.s32 v7, v5  }
0x55: {  	v5 =	vadd.s32 v61, v5  }
0x56: {  	v5 =	vadd.s32 v62, v5  }
0x57: {  	s31 =	simm.s32 $0x10;
	s0 =	simm.s32 $0x1800;
	v5 =	vadd.s32 v63, v5  }
0x58: {  	s1 =	sand.u32 $0xFFFFFFF0, s31;
	[tilespmem:s0+$0x0] =	vst v5  }
0x59: {  	s3 =	simm.s32 $0x20;
	s2 =	simm.s32 $0x810;
	v5 =	vld [tilespmem:s1+$0x900]  }
.LBB2_9:
0x5a: {  	p3 =	sne.s32 s3, $0xF0;
	v6 =	vld [tilespmem:s2+$0x0]  }
0x5b: {  	v7 =	vld [tilespmem:s1+$0xA00]  }
0x5c: {  	v8 =	vld [tilespmem:s1+$0xB00]  }
0x5d: {  	v9 =	vld [tilespmem:s1+$0xC00]  }
0x5e: {  	v10 =	vld [tilespmem:s1+$0xD00]  }
0x5f: {  	v5 =	vadd.s32 v6, v5;
	v6 =	vld [tilespmem:s1+$0xE00]  }
0x60: {  	v5 =	vadd.s32 v7, v5;
	v7 =	vld [tilespmem:s1+$0xF00]  }
0x61: {  	v5 =	vadd.s32 v8, v5;
	v8 =	vld [tilespmem:s1+$0x1000]  }
0x62: {  	v5 =	vadd.s32 v9, v5;
	v9 =	vld [tilespmem:s1+$0x1100]  }
0x63: {  	v5 =	vadd.s32 v10, v5;
	v10 =	vld [tilespmem:s1+$0x1200]  }
0x64: {  	v5 =	vadd.s32 v6, v5;
	v6 =	vld [tilespmem:s1+$0x1300]  }
0x65: {  	v5 =	vadd.s32 v7, v5;
	v7 =	vld [tilespmem:s1+$0x1400]  }
0x66: {  	v5 =	vadd.s32 v8, v5;
	v8 =	vld [tilespmem:s1+$0x1500]  }
0x67: {  	v5 =	vadd.s32 v9, v5;
	v9 =	vld [tilespmem:s1+$0x1600]  }
0x68: {  	v5 =	vadd.s32 v10, v5;
	v10 =	vld [tilespmem:s1+$0x1700]  }
0x69: {  	v5 =	vadd.s32 v6, v5  }
0x6a: {  	v5 =	vadd.s32 v7, v5  }
.Ltmp6:
0x6b: {  	v5 =	vadd.s32 v8, v5;
	(pc) =	sbr.rel @p3 .LBB2_9-.Ltmp6, $4  }
0x6c: {  	v5 =	vadd.s32 v9, v5  }
0x6d: {  	s0 =	sadd.s32 $0x10, s0;
	v5 =	vadd.s32 v10, v5  }
0x6e: {  	s1 =	sand.u32 $0xFFFFFFF0, s3;
	[tilespmem:s0+$0x0] =	vst v5  }
0x6f: {  	s2 =	sadd.s32 $0x10, s2;
	s3 =	sadd.s32 $0x10, s3;
	v5 =	vld [tilespmem:s1+$0x900]  }
0x70: {  	v6 =	vld [tilespmem:s2+$0x0]  }
0x71: {  	v7 =	vld [tilespmem:s1+$0xA00]  }
0x72: {  	v8 =	vld [tilespmem:s1+$0xB00]  }
0x73: {  	v9 =	vld [tilespmem:s1+$0xC00]  }
0x74: {  	v10 =	vld [tilespmem:s1+$0xD00]  }
0x75: {  	v5 =	vadd.s32 v6, v5;
	v6 =	vld [tilespmem:s1+$0xE00]  }
0x76: {  	v5 =	vadd.s32 v7, v5;
	v7 =	vld [tilespmem:s1+$0xF00]  }
0x77: {  	v58 =	vld [tilespmem:s1+$0x1000];
	v5 =	vadd.s32 v8, v5  }
0x78: {  	v59 =	vld [tilespmem:s1+$0x1100];
	v5 =	vadd.s32 v9, v5  }
0x79: {  	v60 =	vld [tilespmem:s1+$0x1200];
	v5 =	vadd.s32 v10, v5  }
0x7a: {  	v5 =	vadd.s32 v6, v5;
	v6 =	vld [tilespmem:s1+$0x1300]  }
0x7b: {  	v5 =	vadd.s32 v7, v5;
	v7 =	vld [tilespmem:s1+$0x1400]  }
0x7c: {  	v61 =	vld [tilespmem:s1+$0x1500];
	v5 =	vadd.s32 v58, v5  }
0x7d: {  	v62 =	vld [tilespmem:s1+$0x1600];
	v5 =	vadd.s32 v59, v5  }
0x7e: {  	v63 =	vld [tilespmem:s1+$0x1700];
	v5 =	vadd.s32 v60, v5  }
0x7f: {  	v5 =	vadd.s32 v6, v5  }
0x80: {  	v5 =	vadd.s32 v7, v5  }
0x81: {  	v5 =	vadd.s32 v61, v5  }
0x82: {  	v5 =	vadd.s32 v62, v5  }
0x83: {  	s0 =	sadd.s32 $0x10, s0;
	v5 =	vadd.s32 v63, v5  }
0x84: {  	[tilespmem:s0+$0x0] =	vst v5  }
.LBB2_11:
0x85: {  	s0 =	rddreg [dreg:$0x7]  }
0x86: {  	[spmem:s0] =	stream.strided.scatter [tilespmem:s8], [sflag:$0x1], $0x100, s7, s5, $0x38;
	[tilespmem:$0x3698] =	vst v63  }
.Ltmp7:
0x87: {  	_ =	swait.ge [sflag:s6], $0x100;
	(pc) =	sbr.rel @p1 .LBB2_15-.Ltmp7, $3  }
0x88: {  	[sflag:s6] =	ssyncset.done $0x0  }
0x89: {  	[sflag:s6] =	ssyncadd.s32 $0xFFFFFF00  }
0x8a: {  	[bflag:$0x0] =	sbarrier.arrive $0xFFFF;
	_ =	sdelay $0x1  }
0x8b: {  	s0 =	rddreg [dreg:$0x4];
	s1 =	simm.s32 $0x1900  }
0x8c: {  	[tilespmem:s1], [sflag:$0x1] =	stream.linear.gather [spmem:s0], $0x1000, $0x38;
	[tilespmem:$0x3698] =	vst v63  }
0x8d: {  	s0 =	simm.s32 $0x0;
	_ =	swait.ge [sflag:s6], $0x1000  }
0x8e: {  	s13 =	sand.u32 $0x70, s0;
	s2 =	sand.u32 $0x400, s0;
	[sflag:s6] =	ssyncset.done $0x0  }
0x8f: {  	s2 =	sor.u32 s13, s2;
	[sflag:s6] =	ssyncadd.s32 $0xFFFFF000  }
0x90: {  	v5 =	vld [tilespmem:s2+$0x1900]  }
0x91: {  	v6 =	vld [tilespmem:s2+$0x1980]  }
0x92: {  	v7 =	vld [tilespmem:s2+$0x1A00]  }
0x93: {  	v8 =	vld [tilespmem:s2+$0x1A80]  }
0x94: {  	v9 =	vld [tilespmem:s2+$0x1B00]  }
0x95: {  	s14 =	sor.u32 s0, s0;
	v10 =	vld [tilespmem:s2+$0x1B80]  }
0x96: {  	s1 =	sor.u32 $0x380, s14;
	v5 =	vadd.s32 v5, v6;
	v6 =	vld [tilespmem:s2+$0x1C00]  }
0x97: {  	v5 =	vadd.s32 v7, v5;
	v7 =	vld [tilespmem:s1+$0x1900]  }
0x98: {  	s3 =	simm.s32 $0x80;
	s1 =	simm.s32 $0x10;
	v5 =	vadd.s32 v8, v5;
	v8 =	vld [tilespmem:s2+$0x2100]  }
0x99: {  	s5 =	sand.u32 $0x400, s3;
	s4 =	sand.u32 $0x70, s1;
	v5 =	vadd.s32 v9, v5;
	v9 =	vld [tilespmem:s2+$0x2180]  }
0x9a: {  	s4 =	sor.u32 s4, s5;
	v5 =	vadd.s32 v10, v5;
	v10 =	vld [tilespmem:s2+$0x2200]  }
0x9b: {  	v11 =	vld [tilespmem:s4+$0x1900]  }
0x9c: {  	v5 =	vadd.s32 v6, v5;
	v6 =	vld [tilespmem:s2+$0x2280]  }
0x9d: {  	v5 =	vadd.s32 v7, v5;
	v7 =	vld [tilespmem:s2+$0x2300]  }
0x9e: {  	v5 =	vadd.s32 v8, v5;
	v8 =	vld [tilespmem:s2+$0x2380]  }
0x9f: {  	v5 =	vadd.s32 v9, v5;
	v9 =	vld [tilespmem:s2+$0x2400]  }
0xa0: {  	v5 =	vadd.s32 v10, v5;
	v10 =	vld [tilespmem:s2+$0x2480]  }
0xa1: {  	v5 =	vadd.s32 v6, v5;
	v6 =	vld [tilespmem:s4+$0x1980]  }
0xa2: {  	v12 =	vld [tilespmem:s4+$0x1A00];
	v5 =	vadd.s32 v7, v5  }
0xa3: {  	v5 =	vadd.s32 v8, v5;
	v8 =	vld [tilespmem:s4+$0x1A80]  }
0xa4: {  	v5 =	vadd.s32 v9, v5;
	v9 =	vld [tilespmem:s4+$0x1B00]  }
0xa5: {  	s15 =	sor.u32 s3, s1;
	v7 =	vadd.s32 v10, v5;
	v5 =	vld [tilespmem:s4+$0x1B80]  }
0xa6: {  	s2 =	sor.u32 $0x380, s15;
	v10 =	vld [tilespmem:s4+$0x1C00];
	(xrf0) =	vadd.scan.msk.s32 $0xffff, v7;
	v6 =	vadd.s32 v11, v6  }
0xa7: {  	v11 =	vld [tilespmem:s2+$0x1900];
	v6 =	vadd.s32 v12, v6  }
0xa8: {  	v6 =	vadd.s32 v8, v6;
	v8 =	vld [tilespmem:s4+$0x2100]  }
0xa9: {  	v6 =	vadd.s32 v9, v6;
	v9 =	vld [tilespmem:s4+$0x2180]  }
0xaa: {  	v5 =	vadd.s32 v5, v6;
	v6 =	vld [tilespmem:s4+$0x2200]  }
0xab: {  	v5 =	vadd.s32 v10, v5;
	v10 =	vld [tilespmem:s4+$0x2280]  }
0xac: {  	v12, _, _ =	vpop (xrf0);
	v5 =	vadd.s32 v11, v5;
	v11 =	vld [tilespmem:s4+$0x2300]  }
0xad: {  	(v2sf) =	vpush v12, $0xF;
	v5 =	vadd.s32 v8, v5;
	v8 =	vld [tilespmem:s4+$0x2380]  }
0xae: {  	s16 =	simm.s32 $0x100;
	s5 =	simm.s32 $0x20;
	v5 =	vadd.s32 v9, v5;
	v9 =	vld [tilespmem:s4+$0x2400]  }
0xaf: {  	s18 =	sand.u32 $0x400, s16;
	s17 =	sand.u32 $0x70, s5;
	v12 =	vadd.s32 s0, v12;
	v5 =	vadd.s32 v6, v5;
	v6 =	vld [tilespmem:s4+$0x2480]  }
0xb0: {  	s3 =	sor.u32 s17, s18;
	vm4 =	vgt.s32 v12, $0x665;
	v5 =	vadd.s32 v10, v5  }
0xb1: {  	v13 =	vld [tilespmem:s3+$0x1980];
	v10 =	vmctz.xlane vm4;
	v5 =	vadd.s32 v11, v5  }
0xb2: {  	v12 =	vld [tilespmem:s3+$0x1900];
	v5 =	vadd.s32 v8, v5  }
0xb3: {  	v11 =	vld [tilespmem:s3+$0x1A00];
	v8 =	vxor.u32 $0x80000000, v10;
	v5 =	vadd.s32 v9, v5  }
0xb4: {  	v10 =	vld [tilespmem:s3+$0x1A80];
	(xrf0) =	vmax.scan.msk.u32 $0xffff, v8;
	v6 =	vadd.s32 v6, v5  }
0xb5: {  	v8 =	vld [tilespmem:s3+$0x1B00];
	(xrf0) =	vadd.scan.msk.s32 $0xffff, v6  }
0xb6: {  	s2 =	sor.u32 s16, s5;
	v5 =	vld [tilespmem:s3+$0x1B80]  }
0xb7: {  	s2 =	sor.u32 $0x380, s2;
	v9 =	vld [tilespmem:s3+$0x1C00];
	v12 =	vadd.s32 v12, v13  }
0xb8: {  	v13 =	vld [tilespmem:s2+$0x1900];
	v11 =	vadd.s32 v11, v12  }
0xb9: {  	v12 =	vld [tilespmem:s3+$0x2100];
	v10 =	vadd.s32 v10, v11  }
0xba: {  	v11 =	vld [tilespmem:s3+$0x2180];
	v8 =	vadd.s32 v8, v10;
	v14, _, _ =	vpop (xrf0)  }
0xbb: {  	v10 =	vld [tilespmem:s3+$0x2200];
	v5 =	vadd.s32 v5, v8;
	(v2sf) =	vpush v14, $0xF;
	v14, _, _ =	vpop (xrf0)  }
0xbc: {  	v8 =	vld [tilespmem:s3+$0x2280];
	v5 =	vadd.s32 v9, v5;
	s19 =	spop (v2sf);
	(v2sf) =	vpush v14, $0xF  }
0xbd: {  	v9 =	vld [tilespmem:s3+$0x2300];
	v5 =	vadd.s32 v13, v5  }
0xbe: {  	v13 =	vld [tilespmem:s3+$0x2380];
	v5 =	vadd.s32 v12, v5  }
0xbf: {  	v12 =	vld [tilespmem:s3+$0x2400];
	s28 =	sadd.s32 $0x0, s19;
	v5 =	vadd.s32 v11, v5  }
0xc0: {  	s29 =	simm.s32 $0x30;
	s20 =	simm.s32 $0x180;
	v11 =	vld [tilespmem:s3+$0x2480];
	v14 =	vadd.s32 s28, v14;
	v5 =	vadd.s32 v10, v5  }
0xc1: {  	s21 =	sand.u32 $0x70, s29;
	s22 =	sand.u32 $0x400, s20;
	vm4 =	vgt.s32 v14, $0x665;
	v5 =	vadd.s32 v8, v5  }
0xc2: {  	s8 =	sor.u32 s21, s22;
	v14 =	vmctz.xlane vm4;
	v5 =	vadd.s32 v9, v5  }
0xc3: {  	v10 =	vld [tilespmem:s8+$0x1900];
	v5 =	vadd.s32 v13, v5  }
0xc4: {  	v8 =	vld [tilespmem:s8+$0x1980];
	v14 =	vxor.u32 $0x80000000, v14;
	v5 =	vadd.s32 v12, v5  }
0xc5: {  	v9 =	vld [tilespmem:s8+$0x1A00];
	(xrf0) =	vmax.scan.msk.u32 $0xffff, v14;
	v5 =	vadd.s32 v11, v5  }
0xc6: {  	v13 =	vld [tilespmem:s8+$0x1A80];
	(xrf0) =	vadd.scan.msk.s32 $0xffff, v5  }
0xc7: {  	v12 =	vld [tilespmem:s8+$0x1B00];
	_ =	sdelay $0x1  }
0xc8: {  	s2 =	sor.u32 s20, s29;
	v11 =	vld [tilespmem:s8+$0x1B80];
	v8 =	vadd.s32 v10, v8  }
0xc9: {  	s2 =	sor.u32 $0x380, s2;
	v14 =	vld [tilespmem:s8+$0x1C00];
	v8 =	vadd.s32 v9, v8;
	s23 =	spop (v2sf)  }
0xca: {  	v15 =	vld [tilespmem:s2+$0x1900];
	v8 =	vadd.s32 v13, v8;
	v17, _, _ =	vpop (xrf0);
	s25 =	spop (v2sf)  }
0xcb: {  	v16 =	vld [tilespmem:s8+$0x2100];
	v8 =	vadd.s32 v12, v8;
	v12, _, _ =	vpop (xrf0);
	s6 =	sadd.s32 s28, s25  }
0xcc: {  	v10 =	vld [tilespmem:s8+$0x2180];
	(v2sf) =	vpush v17, $0xF;
	s9 =	sxor.u32 $0x80000000, s23;
	v18 =	vadd.s32 s6, v12  }
0xcd: {  	v9 =	vld [tilespmem:s8+$0x2200];
	v8 =	vadd.s32 v11, v8;
	v19 =	vmov s9;
	vm4 =	vgt.s32 v18, $0x665  }
0xce: {  	v13 =	vld [tilespmem:s8+$0x2280];
	v8 =	vadd.s32 v14, v8;
	v18 =	vmctz.xlane vm4;
	vm4 =	vgt.s32 v19, v0  }
0xcf: {  	v61 =	vld [tilespmem:s8+$0x2300];
	v8 =	vadd.s32 v15, v8;
	(v2sf) =	vpush v12, $0xF;
	v7 =	vnsel vm4, $0x0, v7  }
0xd0: {  	s7 =	simm.s32 $0x200;
	s4 =	simm.s32 $0x40;
	v11 =	vld [tilespmem:s8+$0x2380];
	v8 =	vadd.s32 v16, v8;
	(xrf0) =	vadd.scan.msk.s32 $0xffff, v7  }
0xd1: {  	s10 =	sand.u32 $0x400, s7;
	s26 =	sand.u32 $0x70, s4;
	v14 =	vld [tilespmem:s8+$0x2400];
	v7 =	vadd.s32 v10, v8  }
0xd2: {  	s24 =	sor.u32 s26, s10;
	v15 =	vld [tilespmem:s8+$0x2480];
	v7 =	vadd.s32 v9, v7  }
0xd3: {  	v62 =	vld [tilespmem:s24+$0x1900];
	v7 =	vadd.s32 v13, v7  }
0xd4: {  	v10 =	vld [tilespmem:s24+$0x1980];
	v8 =	vxor.u32 $0x80000000, v18;
	v7 =	vadd.s32 v61, v7  }
0xd5: {  	v63 =	vld [tilespmem:s24+$0x1A00];
	(xrf0) =	vmax.scan.msk.u32 $0xffff, v8;
	v7 =	vadd.s32 v11, v7  }
0xd6: {  	p3 =	por $0x1, $0x1;
	s31 =	simm.s32 $0x60;
	v13 =	vld [tilespmem:s24+$0x1A80];
	v7 =	vadd.s32 v14, v7;
	v14, _, _ =	vpop (xrf0)  }
0xd7: {  	s16 =	simm.s32 $0x0;
	s30 =	sor.u32 s7, s4;
	s10 =	simm.s32 $0x50;
	v8 =	vld [tilespmem:s24+$0x1B00];
	v7 =	vadd.s32 v15, v7;
	(v2sf) =	vpush v14, $0xF  }
0xd8: {  	s3 =	simm.s32 $0xFFFFFFFF;
	s2 =	sadd.s32 $0x0, s23;
	p4 =	slt.s32 s9, $0x10;
	v9 =	vld [tilespmem:s24+$0x1B80];
	(xrf0) =	vadd.scan.msk.s32 $0xffff, v7  }
0xd9: {  	s8 =	sor.u32 $0x380, s30;
	s2 =	sadd.s32 $0x80000000, s2;
	p3 =	por !p3, !p4;
	v11 =	vld [tilespmem:s24+$0x1C00];
	v10 =	vadd.s32 v62, v10  }
0xda: {  	s9 =	simm.s32 $0x70;
	p3 =	por !p3, !p3;
	v12 =	vld [tilespmem:s8+$0x1900];
	s13 =	smov.u32 s6;
	v10 =	vadd.s32 v63, v10  }
0xdb: {  	s3 =	smov.u32 @p3 s2;
	p3 =	por p3, p3;
	v13 =	vadd.s32 v13, v10;
	v10 =	vld [tilespmem:s24+$0x2100];
	v14, _, _ =	vpop (xrf0);
	s2 =	spop (v2sf)  }
.LBB2_13:
0xdc: {  	p4 =	sne.s32 s9, $0xF0;
	v8 =	vadd.s32 v8, v13;
	v13 =	vld [tilespmem:s24+$0x2180];
	(v2sf) =	vpush v14, $0xF;
	s8 =	sxor.u32 $0x80000000, s2  }
0xdd: {  	p5 =	slt.s32 s3, $0x0;
	v8 =	vadd.s32 v9, v8;
	v9 =	vld [tilespmem:s24+$0x2200];
	p6 =	slt.s32 s8, $0x10;
	v14 =	vmov s8  }
0xde: {  	s1 =	sadd.s32 s1, s2;
	v8 =	vadd.s32 v11, v8;
	v11 =	vld [tilespmem:s24+$0x2280];
	v15, _, _ =	vpop (xrf0);
	s8 =	spop (v2sf);
	p5 =	por !p5, !p6;
	vm4 =	vgt.s32 v14, v0  }
0xdf: {  	s1 =	sadd.s32 $0x80000000, s1;
	v8 =	vadd.s32 v12, v8;
	v12 =	vld [tilespmem:s24+$0x2300];
	(v2sf) =	vpush v15, $0xF;
	s6 =	sadd.s32 s6, s8;
	p5 =	por !p5, !p5;
	v14 =	vnsel vm4, $0x0, v6;
	v6 =	vmovc v5;
	v5 =	vmovc v7  }
0xe0: {  	s7 =	sadd.s32 $0x80, s7;
	v7 =	vadd.s32 v10, v8;
	v8 =	vld [tilespmem:s24+$0x2380];
	v10 =	vadd.s32 s6, v15;
	s3 =	smov.u32 @p5 s1;
	(xrf0) =	vadd.scan.msk.s32 $0xffff, v14;
	s1 =	smov.u32 s5  }
0xe1: {  	s2 =	sand.u32 $0x70, s10;
	s8 =	sand.u32 $0x400, s7;
	s5 =	smov.u32 s29;
	v7 =	vadd.s32 v13, v7;
	v13 =	vld [tilespmem:s24+$0x2400];
	vm4 =	vgt.s32 v10, $0x665  }
0xe2: {  	s29 =	smov.u32 s4;
	s4 =	smov.u32 s10;
	v7 =	vadd.s32 v9, v7;
	v9 =	vld [tilespmem:s24+$0x2480];
	s24 =	sor.u32 s2, s8;
	v10 =	vmctz.xlane vm4  }
0xe3: {  	s10 =	smov.u32 s31;
	s31 =	smov.u32 s9;
	v14 =	vld [tilespmem:s24+$0x1900];
	v7 =	vadd.s32 v11, v7  }
0xe4: {  	v11 =	vld [tilespmem:s24+$0x1980];
	v7 =	vadd.s32 v12, v7;
	v10 =	vxor.u32 $0x80000000, v10  }
0xe5: {  	v12 =	vld [tilespmem:s24+$0x1A00];
	v7 =	vadd.s32 v8, v7;
	(xrf0) =	vmax.scan.msk.u32 $0xffff, v10  }
0xe6: {  	v10 =	vld [tilespmem:s24+$0x1A80];
	v7 =	vadd.s32 v13, v7;
	v13, _, _ =	vpop (xrf0);
	s2 =	spop (v2sf)  }
.Ltmp8:
0xe7: {  	v8 =	vld [tilespmem:s24+$0x1B00];
	v7 =	vadd.s32 v9, v7;
	(v2sf) =	vpush v13, $0xF;
	s2 =	sadd.s32 s16, s2;
	s16 =	smov.u32 s28;
	(pc) =	sbr.rel @p4 .LBB2_13-.Ltmp8, $4  }
0xe8: {  	s8 =	sor.u32 s7, s4;
	s28 =	smov.u32 s13;
	v9 =	vld [tilespmem:s24+$0x1B80];
	(xrf0) =	vadd.scan.msk.s32 $0xffff, v7;
	s0 =	smov.u32 @p3 s2  }
0xe9: {  	s13 =	smov.u32 s6;
	s2 =	sor.u32 $0x380, s8;
	p3 =	por p5, p5;
	v13 =	vadd.s32 v14, v11;
	v11 =	vld [tilespmem:s24+$0x1C00]  }
0xea: {  	v13 =	vadd.s32 v12, v13;
	v12 =	vld [tilespmem:s2+$0x1900]  }
0xeb: {  	s9 =	sadd.s32 $0x10, s9;
	v13 =	vadd.s32 v10, v13;
	v10 =	vld [tilespmem:s24+$0x2100];
	v14, _, _ =	vpop (xrf0);
	s2 =	spop (v2sf)  }
0xec: {  	v15 =	vld [tilespmem:s24+$0x2180]  }
0xed: {  	v16 =	vld [tilespmem:s24+$0x2200]  }
0xee: {  	v17 =	vld [tilespmem:s24+$0x2280]  }
0xef: {  	v8 =	vadd.s32 v8, v13;
	v55 =	vld [tilespmem:s24+$0x2300]  }
0xf0: {  	(v2sf) =	vpush v14, $0xF;
	v57 =	vld [tilespmem:s24+$0x2380];
	s11 =	sadd.s32 $0x80, s7;
	v8 =	vadd.s32 v9, v8;
	v56, _, _ =	vpop (xrf0)  }
0xf1: {  	s19 =	sand.u32 $0x70, s10;
	v58 =	vld [tilespmem:s24+$0x2400];
	s8 =	sand.u32 $0x400, s11;
	v8 =	vadd.s32 v11, v8;
	(v2sf) =	vpush v56, $0xF  }
0xf2: {  	v59 =	vld [tilespmem:s24+$0x2480];
	s8 =	sor.u32 s19, s8;
	v8 =	vadd.s32 v12, v8  }
0xf3: {  	s20 =	spop (v2sf);
	v60 =	vld [tilespmem:s8+$0x1900];
	v8 =	vadd.s32 v10, v8  }
0xf4: {  	s7 =	sadd.s32 s6, s20;
	v61 =	vld [tilespmem:s8+$0x1980];
	v8 =	vadd.s32 v15, v8  }
0xf5: {  	s21 =	sxor.u32 $0x80000000, s2;
	v62 =	vld [tilespmem:s8+$0x1A00];
	v9 =	vadd.s32 s7, v56;
	v8 =	vadd.s32 v16, v8  }
0xf6: {  	v18 =	vmov s21;
	v63 =	vld [tilespmem:s8+$0x1A80];
	vm4 =	vgt.s32 v9, $0x665;
	v8 =	vadd.s32 v17, v8  }
0xf7: {  	v21 =	vld [tilespmem:s8+$0x1B00];
	v20 =	vmctz.xlane vm4;
	vm4 =	vgt.s32 v18, v0;
	v8 =	vadd.s32 v55, v8  }
0xf8: {  	s9 =	sor.u32 s11, s10;
	v22 =	vld [tilespmem:s8+$0x1B80];
	v6 =	vnsel vm4, $0x0, v6;
	v8 =	vadd.s32 v57, v8  }
0xf9: {  	s9 =	sor.u32 $0x380, s9;
	v24 =	vld [tilespmem:s8+$0x1C00];
	(xrf0) =	vadd.scan.msk.s32 $0xffff, v6;
	v23 =	vxor.u32 $0x80000000, v20;
	v10 =	vadd.s32 v60, v61;
	v6 =	vadd.s32 v58, v8  }
0xfa: {  	v26 =	vld [tilespmem:s9+$0x1900];
	(xrf0) =	vmax.scan.msk.u32 $0xffff, v23;
	v25 =	vadd.s32 v62, v10;
	v6 =	vadd.s32 v59, v6  }
0xfb: {  	v27 =	vld [tilespmem:s8+$0x2100];
	v8 =	vadd.s32 v63, v25;
	(xrf0) =	vadd.scan.msk.s32 $0xffff, v6  }
0xfc: {  	v28 =	vld [tilespmem:s8+$0x2180];
	v8 =	vadd.s32 v21, v8  }
0xfd: {  	v29 =	vld [tilespmem:s8+$0x2200];
	v8 =	vadd.s32 v22, v8  }
0xfe: {  	v30 =	vld [tilespmem:s8+$0x2280];
	s22 =	spop (v2sf);
	v8 =	vadd.s32 v24, v8  }
0xff: {  	v32 =	vld [tilespmem:s8+$0x2300];
	v31, _, _ =	vpop (xrf0);
	v8 =	vadd.s32 v26, v8;
	s12 =	spop (v2sf)  }
0x100: {  	v34 =	vld [tilespmem:s8+$0x2380];
	(v2sf) =	vpush v31, $0xF;
	v33, _, _ =	vpop (xrf0);
	v8 =	vadd.s32 v27, v8;
	s14 =	spop (v2sf)  }
0x101: {  	s11 =	sadd.s32 $0x80, s11;
	v36 =	vld [tilespmem:s8+$0x2400];
	(v2sf) =	vpush v33, $0xF;
	v8 =	vadd.s32 v28, v8;
	v35, _, _ =	vpop (xrf0);
	s24 =	sadd.s32 s7, s14  }
0x102: {  	s23 =	sand.u32 $0x70, s31;
	s15 =	sand.u32 $0x400, s11;
	v37 =	vld [tilespmem:s8+$0x2480];
	s26 =	sxor.u32 $0x80000000, s12;
	v8 =	vadd.s32 v29, v8;
	(v2sf) =	vpush v35, $0xF;
	v14 =	vadd.s32 s24, v35  }
0x103: {  	s25 =	sor.u32 s23, s15;
	v38 =	vmov s26;
	v8 =	vadd.s32 v30, v8;
	vm4 =	vgt.s32 v14, $0x665  }
0x104: {  	v40 =	vld [tilespmem:s25+$0x1900];
	v8 =	vadd.s32 v32, v8;
	v39 =	vmctz.xlane vm4;
	vm4 =	vgt.s32 v38, v0  }
0x105: {  	v41 =	vld [tilespmem:s25+$0x1980];
	v8 =	vadd.s32 v34, v8;
	v5 =	vnsel vm4, $0x0, v5  }
0x106: {  	v42 =	vld [tilespmem:s25+$0x1A00];
	v8 =	vadd.s32 v36, v8;
	(xrf0) =	vadd.scan.msk.s32 $0xffff, v5;
	v5 =	vxor.u32 $0x80000000, v39  }
0x107: {  	v8 =	vadd.s32 v37, v8;
	(xrf0) =	vmax.scan.msk.u32 $0xffff, v5;
	v5 =	vld [tilespmem:s25+$0x1A80]  }
0x108: {  	v43 =	vld [tilespmem:s25+$0x1B00];
	(xrf0) =	vadd.scan.msk.s32 $0xffff, v8  }
0x109: {  	s11 =	sor.u32 s11, s31;
	v44 =	vld [tilespmem:s25+$0x1B80]  }
0x10a: {  	s11 =	sor.u32 $0x380, s11;
	v45 =	vld [tilespmem:s25+$0x1C00];
	v10 =	vadd.s32 v40, v41  }
0x10b: {  	v46 =	vld [tilespmem:s11+$0x1900];
	v9 =	vadd.s32 v42, v10  }
0x10c: {  	v48 =	vld [tilespmem:s25+$0x2100];
	v47, _, _ =	vpop (xrf0);
	v5 =	vadd.s32 v5, v9  }
0x10d: {  	v50 =	vld [tilespmem:s25+$0x2180];
	(v2sf) =	vpush v47, $0xF;
	v49, _, _ =	vpop (xrf0);
	v5 =	vadd.s32 v43, v5  }
0x10e: {  	v51 =	vld [tilespmem:s25+$0x2200];
	(v2sf) =	vpush v49, $0xF;
	v5 =	vadd.s32 v44, v5;
	v52, _, _ =	vpop (xrf0)  }
0x10f: {  	v53 =	vld [tilespmem:s25+$0x2280];
	s18 =	spop (v2sf);
	v5 =	vadd.s32 v45, v5;
	(v2sf) =	vpush v52, $0xF  }
0x110: {  	v54 =	vld [tilespmem:s25+$0x2300];
	s11 =	spop (v2sf);
	v5 =	vadd.s32 v46, v5  }
0x111: {  	v55 =	vld [tilespmem:s25+$0x2380];
	s30 =	spop (v2sf);
	v5 =	vadd.s32 v48, v5  }
0x112: {  	v56 =	vld [tilespmem:s25+$0x2400];
	s15 =	sadd.s32 s24, s30;
	v5 =	vadd.s32 v50, v5  }
0x113: {  	v57 =	vld [tilespmem:s25+$0x2480];
	s17 =	sxor.u32 $0x80000000, s11;
	v14 =	vadd.s32 s15, v52;
	v5 =	vadd.s32 v51, v5  }
0x114: {  	v58 =	vmov s17;
	vm4 =	vgt.s32 v14, $0x665;
	v5 =	vadd.s32 v53, v5  }
0x115: {  	v59 =	vmctz.xlane vm4;
	vm4 =	vgt.s32 v58, v0;
	v5 =	vadd.s32 v54, v5  }
0x116: {  	v7 =	vnsel vm4, $0x0, v7;
	v5 =	vadd.s32 v55, v5  }
0x117: {  	(xrf0) =	vadd.scan.msk.s32 $0xffff, v7;
	v7 =	vxor.u32 $0x80000000, v59;
	v5 =	vadd.s32 v56, v5  }
0x118: {  	(xrf0) =	vmax.scan.msk.u32 $0xffff, v7;
	v5 =	vadd.s32 v57, v5  }
0x119: {  	(xrf0) =	vadd.scan.msk.s32 $0xffff, v5;
	_ =	sdelay $0x2  }
0x11a: {  	s14 =	spop (v2sf)  }
0x11b: {  	[dreg:$0x1a] =	wrdreg s21;
	v7, _, _ =	vpop (xrf0);
	s21 =	spop (v2sf)  }
0x11c: {  	v60, _, _ =	vpop (xrf0);
	s6 =	spop (v2sf)  }
0x11d: {  	v61, _, _ =	vpop (xrf0);
	s8 =	sadd.s32 s15, s6  }
0x11e: {  	s23 =	sxor.u32 $0x80000000, s21;
	v62 =	vadd.s32 s8, v61  }
0x11f: {  	v63 =	vmov s23;
	vm4 =	vgt.s32 v62, $0x665  }
0x120: {  	v11 =	vmctz.xlane vm4;
	vm4 =	vgt.s32 v63, v0  }
0x121: {  	v6 =	vnsel vm4, $0x0, v6  }
0x122: {  	(xrf0) =	vadd.scan.msk.s32 $0xffff, v6;
	v6 =	vxor.u32 $0x80000000, v11  }
0x123: {  	(xrf0) =	vmax.scan.msk.u32 $0xffff, v6;
	_ =	sdelay $0x2  }
0x124: {  	(v2sf) =	vpush v7, $0xF  }
0x125: {  	(v2sf) =	vpush v60, $0xF  }
0x126: {  	(v2sf) =	vpush v61, $0xF;
	v6, _, _ =	vpop (xrf0)  }
0x127: {  	(v2sf) =	vpush v6, $0xF;
	v6, _, _ =	vpop (xrf0)  }
0x128: {  	(v2sf) =	vpush v6, $0xF;
	_ =	sdelay $0xa  }
0x129: {  	s25 =	spop (v2sf)  }
0x12a: {  	s30 =	spop (v2sf)  }
0x12b: {  	s19 =	spop (v2sf)  }
0x12c: {  	[dreg:$0x1b] =	wrdreg s22;
	s22 =	spop (v2sf)  }
0x12d: {  	s20 =	sxor.u32 $0x80000000, s30;
	s19 =	spop (v2sf)  }
0x12e: {  	v6 =	vmov s20;
	s6 =	sxor.u32 $0x80000000, s19  }
0x12f: {  	vm4 =	vgt.s32 v6, v0;
	v6 =	vmov s6  }
0x130: {  	s9 =	rddreg [dreg:$0x1a];
	v7 =	vnsel vm4, $0x0, v8;
	vm4 =	vgt.s32 v6, v0  }
0x131: {  	p5 =	slt.s32 s3, $0x0;
	p4 =	slt.s32 s9, $0x10;
	(xrf0) =	vadd.scan.msk.s32 $0xffff, v7;
	v5 =	vnsel vm4, $0x0, v5  }
0x132: {  	s1 =	sadd.s32 s1, s2;
	p4 =	por !p5, !p4;
	(xrf0) =	vadd.scan.msk.s32 $0xffff, v5  }
0x133: {  	s1 =	sadd.s32 $0x80000000, s1;
	p4 =	por !p4, !p4  }
0x134: {  	s3 =	smov.u32 @p4 s1  }
0x135: {  	p6 =	slt.s32 s3, $0x0;
	p0 =	slt.s32 s26, $0x10  }
0x136: {  	s9 =	sadd.s32 s5, s12;
	p5 =	por !p6, !p0  }
0x137: {  	s1 =	sadd.s32 $0x80000000, s9;
	p5 =	por !p5, !p5;
	v5, _, _ =	vpop (xrf0)  }
0x138: {  	s3 =	smov.u32 @p5 s1;
	(v2sf) =	vpush v5, $0xF;
	v5, _, _ =	vpop (xrf0)  }
0x139: {  	p4 =	por p4, p4;
	p0 =	slt.s32 s3, $0x0;
	p6 =	slt.s32 s17, $0x10;
	(v2sf) =	vpush v5, $0xF  }
0x13a: {  	s12 =	sadd.s32 s29, s11;
	s17 =	rddreg [dreg:$0x1b];
	p0 =	por !p0, !p6  }
0x13b: {  	s1 =	sadd.s32 $0x80000000, s12;
	s2 =	sadd.s32 s16, s17;
	p6 =	por !p0, !p0  }
0x13c: {  	s0 =	smov.u32 @p3 s2;
	s3 =	smov.u32 @p6 s1;
	s1 =	sadd.s32 s28, s18  }
0x13d: {  	p3 =	slt.s32 s3, $0x0;
	s0 =	smov.u32 @p4 s1;
	p0 =	slt.s32 s23, $0x10  }
0x13e: {  	s1 =	sadd.s32 s13, s14;
	s23 =	sadd.s32 s4, s21;
	p0 =	por !p3, !p0  }
0x13f: {  	s2 =	sadd.s32 $0x80000000, s23;
	p3 =	por !p0, !p0;
	p0 =	por p5, p5  }
0x140: {  	s3 =	smov.u32 @p3 s2;
	s0 =	smov.u32 @p0 s1  }
0x141: {  	p4 =	slt.s32 s3, $0x0;
	s1 =	sadd.s32 s7, s25;
	p5 =	slt.s32 s20, $0x10  }
0x142: {  	s26 =	sadd.s32 s10, s30;
	p5 =	por !p4, !p5;
	p4 =	por p6, p6  }
0x143: {  	s0 =	smov.u32 @p4 s1;
	p0 =	por !p5, !p5;
	s1 =	sadd.s32 $0x80000000, s26  }
0x144: {  	p3 =	por p3, p3;
	s3 =	smov.u32 @p0 s1;
	p0 =	por p0, p0  }
0x145: {  	p5 =	slt.s32 s3, $0x0;
	s1 =	sadd.s32 s24, s22;
	p6 =	slt.s32 s6, $0x10  }
0x146: {  	s0 =	smov.u32 @p3 s1;
	s28 =	sadd.s32 s31, s19;
	p3 =	por !p5, !p6  }
0x147: {  	s1 =	sadd.s32 $0x80000000, s28;
	p3 =	por !p3, !p3;
	s29 =	spop (v2sf)  }
0x148: {  	s3 =	smov.u32 @p3 s1;
	s1 =	sadd.s32 s15, s29;
	s30 =	spop (v2sf)  }
0x149: {  	s0 =	smov.u32 @p0 s1;
	p0 =	por p3, p3;
	s1 =	sadd.s32 s8, s30  }
0x14a: {  	v5 =	vmov s3;
	s0 =	smov.u32 @p0 s1  }
0x14b: {  	v5 =	vnsel vm0, $0x0, v5;
	s0 =	ssub.s32 $0x666, s0  }
0x14c: {  	v5 =	vsel vm1, s0, v5  }
0x14d: {  	s9 =	simm.s32 $0x2900;
	s31 =	rddreg [dreg:$0x2];
	s6 =	simm.s32 $0x1;
	[tilespmem:$0x2900] =	vst v5  }
0x14e: {  	[spmem:s31] =	stream.linear.scatter [tilespmem:s9], [sflag:$0x1], $0x80, $0x38;
	[tilespmem:$0x3698] =	vst v63  }
0x14f: {  	_ =	swait.ge [sflag:s6], $0x80  }
0x150: {  	s5 =	simm.s32 $0x80;
	[sflag:s6] =	ssyncset.done $0x0  }
0x151: {  	s7 =	simm.s32 $0x400;
	s8 =	simm.s32 $0x1800;
	[sflag:s6] =	ssyncadd.s32 $0xFFFFFF80  }
.LBB2_15:
0x152: {  	[bflag:$0x0] =	sbarrier.arrive $0xFFFF  }
0x153: {  	s0 =	rddreg [dreg:$0x2]  }
0x154: {  	[tilespmem:s9], [sflag:$0x1] =	stream.linear.gather [spmem:s0], $0x80, $0x38;
	[tilespmem:$0x3698] =	vst v63  }
0x155: {  	_ =	swait.ge [sflag:s6], $0x80  }
0x156: {  	[sflag:s6] =	ssyncset.done $0x0  }
0x157: {  	[sflag:s6] =	ssyncadd.s32 $0xFFFFFF80  }
0x158: {  	v5 =	vld [tilespmem:$0x2900];
	_ =	sdelay $0x4  }
0x159: {  	v6 =	vnsel vm2, $0x0, v5  }
0x15a: {  	v5 =	vsel vm3, $0x0, v5;
	(xrf0) =	vadd.scan.msk.s32 $0xffff, v6  }
0x15b: {  	(xrf0) =	vadd.scan.msk.s32 $0xffff, v5;
	_ =	sdelay $0x4  }
0x15c: {  	v6, _, _ =	vpop (xrf0)  }
0x15d: {  	(v2sf) =	vpush v6, $0xF;
	v5, _, _ =	vpop (xrf0)  }
0x15e: {  	(v2sf) =	vpush v5, $0xF;
	_ =	sdelay $0xa  }
.Ltmp9:
0x15f: {  	_ = 	snop;
	(pc) =	sbr.rel @!p2 .LBB2_23-.Ltmp9, $3  }
0x160: {  	_ =	sdelay $0x1  }
0x161: {  	s11 =	spop (v2sf)  }
0x162: {  	s10 =	spop (v2sf)  }
0x163: {  	s1 =	simm.s32 $0x40;
	s2 =	simm.s32 $0x0  }
.LBB2_17:
0x164: {  	p0 =	seq.s32 s1, $0x3FC0;
	[tilespmem:s2+$0x800] =	vst v1;
	s2 =	smov.u32 s1;
	s1 =	sadd.s32 $0x40, s1  }
.Ltmp10:
0x165: {  	(pc) =	sbr.rel @!p0 .LBB2_17-.Ltmp10, $2  }
0x166: {  	_ =	sdelay $0x2  }
0x167: {  	s2 =	sshra.s32 s2, $0x2  }
0x168: {  	[tilespmem:s2+$0x800] =	vst v1;
	v6 =	vbroadcast v6, $0xF;
	s1 =	simm.s32 $0x0;
	s2 =	simm.s32 $0x0  }
.LBB2_19:
0x169: {  	s3 =	sshra.s32 s2, $0x2  }
0x16a: {  	v7 =	vld [tilespmem:s3+$0x400];
	_ =	sdelay $0x4  }
0x16b: {  	v8 =	vshrl.u32 v7, $0x10;
	v7 =	vshrl.u32 v7, $0x18  }
0x16c: {  	vm4 =	veq.s32 v7, v6;
	v7 =	vand.u32 $0xFF, v8  }
0x16d: {  	p0 =	sne.s32 s2, $0xFC0;
	v7 =	vor.u32 v2, v7  }
.Ltmp11:
0x16e: {  	_ = 	snop;
	(pc) =	sbr.rel @p0 .LBB2_19-.Ltmp11, $3  }
0x16f: {  	_ =	sdelay $0x1  }
0x170: {  	s3 =	simm.s32 $0x800  }
0x171: {  	s2 =	sadd.s32 $0x40, s2;
	[tilespmem:v7+s3+$0x0] =	vst.idx.add.s32.msk vm4, v3  }
0x172: {  	s1 =	sand.u32 $0xFFFFFFF0, s1;
	v7 =	vld [tilespmem:s3+$0x0]  }
0x173: {  	v6 =	vld [tilespmem:s1+$0x900]  }
0x174: {  	v8 =	vld [tilespmem:s1+$0xA00]  }
0x175: {  	v9 =	vld [tilespmem:s1+$0xB00]  }
0x176: {  	v10 =	vld [tilespmem:s1+$0xC00]  }
0x177: {  	v11 =	vld [tilespmem:s1+$0xD00]  }
0x178: {  	v6 =	vadd.s32 v7, v6;
	v7 =	vld [tilespmem:s1+$0xE00]  }
0x179: {  	v6 =	vadd.s32 v8, v6;
	v8 =	vld [tilespmem:s1+$0xF00]  }
0x17a: {  	v58 =	vld [tilespmem:s1+$0x1000];
	v6 =	vadd.s32 v9, v6  }
0x17b: {  	v59 =	vld [tilespmem:s1+$0x1100];
	v6 =	vadd.s32 v10, v6  }
0x17c: {  	v60 =	vld [tilespmem:s1+$0x1200];
	v6 =	vadd.s32 v11, v6  }
0x17d: {  	v6 =	vadd.s32 v7, v6;
	v7 =	vld [tilespmem:s1+$0x1300]  }
0x17e: {  	v6 =	vadd.s32 v8, v6;
	v8 =	vld [tilespmem:s1+$0x1400]  }
0x17f: {  	v61 =	vld [tilespmem:s1+$0x1500];
	v6 =	vadd.s32 v58, v6  }
0x180: {  	v62 =	vld [tilespmem:s1+$0x1600];
	v6 =	vadd.s32 v59, v6  }
0x181: {  	v63 =	vld [tilespmem:s1+$0x1700];
	v6 =	vadd.s32 v60, v6  }
0x182: {  	v6 =	vadd.s32 v7, v6  }
0x183: {  	v6 =	vadd.s32 v8, v6  }
0x184: {  	v6 =	vadd.s32 v61, v6  }
0x185: {  	v6 =	vadd.s32 v62, v6  }
0x186: {  	s2 =	simm.s32 $0x10;
	s1 =	simm.s32 $0x1800;
	v6 =	vadd.s32 v63, v6  }
0x187: {  	s2 =	sand.u32 $0xFFFFFFF0, s2;
	[tilespmem:s1+$0x0] =	vst v6  }
0x188: {  	s4 =	simm.s32 $0x20;
	s3 =	simm.s32 $0x810;
	v6 =	vld [tilespmem:s2+$0x900]  }
.LBB2_21:
0x189: {  	p3 =	sne.s32 s4, $0xF0;
	v7 =	vld [tilespmem:s3+$0x0]  }
0x18a: {  	v8 =	vld [tilespmem:s2+$0xA00]  }
0x18b: {  	v9 =	vld [tilespmem:s2+$0xB00]  }
0x18c: {  	v10 =	vld [tilespmem:s2+$0xC00]  }
0x18d: {  	v11 =	vld [tilespmem:s2+$0xD00]  }
0x18e: {  	v6 =	vadd.s32 v7, v6;
	v7 =	vld [tilespmem:s2+$0xE00]  }
0x18f: {  	v6 =	vadd.s32 v8, v6;
	v8 =	vld [tilespmem:s2+$0xF00]  }
0x190: {  	v6 =	vadd.s32 v9, v6;
	v9 =	vld [tilespmem:s2+$0x1000]  }
0x191: {  	v6 =	vadd.s32 v10, v6;
	v10 =	vld [tilespmem:s2+$0x1100]  }
0x192: {  	v6 =	vadd.s32 v11, v6;
	v11 =	vld [tilespmem:s2+$0x1200]  }
0x193: {  	v6 =	vadd.s32 v7, v6;
	v7 =	vld [tilespmem:s2+$0x1300]  }
0x194: {  	v6 =	vadd.s32 v8, v6;
	v8 =	vld [tilespmem:s2+$0x1400]  }
0x195: {  	v6 =	vadd.s32 v9, v6;
	v9 =	vld [tilespmem:s2+$0x1500]  }
0x196: {  	v6 =	vadd.s32 v10, v6;
	v10 =	vld [tilespmem:s2+$0x1600]  }
0x197: {  	v6 =	vadd.s32 v11, v6;
	v11 =	vld [tilespmem:s2+$0x1700]  }
0x198: {  	v6 =	vadd.s32 v7, v6  }
0x199: {  	v6 =	vadd.s32 v8, v6  }
.Ltmp12:
0x19a: {  	v6 =	vadd.s32 v9, v6;
	(pc) =	sbr.rel @p3 .LBB2_21-.Ltmp12, $4  }
0x19b: {  	v6 =	vadd.s32 v10, v6  }
0x19c: {  	s1 =	sadd.s32 $0x10, s1;
	v6 =	vadd.s32 v11, v6  }
0x19d: {  	s2 =	sand.u32 $0xFFFFFFF0, s4;
	[tilespmem:s1+$0x0] =	vst v6  }
0x19e: {  	s3 =	sadd.s32 $0x10, s3;
	s4 =	sadd.s32 $0x10, s4;
	v6 =	vld [tilespmem:s2+$0x900]  }
0x19f: {  	v7 =	vld [tilespmem:s3+$0x0]  }
0x1a0: {  	v8 =	vld [tilespmem:s2+$0xA00]  }
0x1a1: {  	v9 =	vld [tilespmem:s2+$0xB00]  }
0x1a2: {  	v10 =	vld [tilespmem:s2+$0xC00]  }
0x1a3: {  	v11 =	vld [tilespmem:s2+$0xD00]  }
0x1a4: {  	v6 =	vadd.s32 v7, v6;
	v7 =	vld [tilespmem:s2+$0xE00]  }
0x1a5: {  	v56 =	vld [tilespmem:s2+$0xF00];
	v6 =	vadd.s32 v8, v6  }
0x1a6: {  	v57 =	vld [tilespmem:s2+$0x1000];
	v6 =	vadd.s32 v9, v6  }
0x1a7: {  	v58 =	vld [tilespmem:s2+$0x1100];
	v6 =	vadd.s32 v10, v6  }
0x1a8: {  	v59 =	vld [tilespmem:s2+$0x1200];
	v6 =	vadd.s32 v11, v6  }
0x1a9: {  	v6 =	vadd.s32 v7, v6;
	v7 =	vld [tilespmem:s2+$0x1300]  }
0x1aa: {  	v60 =	vld [tilespmem:s2+$0x1400];
	v6 =	vadd.s32 v56, v6  }
0x1ab: {  	v61 =	vld [tilespmem:s2+$0x1500];
	v6 =	vadd.s32 v57, v6  }
0x1ac: {  	v62 =	vld [tilespmem:s2+$0x1600];
	v6 =	vadd.s32 v58, v6  }
0x1ad: {  	v63 =	vld [tilespmem:s2+$0x1700];
	v6 =	vadd.s32 v59, v6  }
0x1ae: {  	v6 =	vadd.s32 v7, v6  }
0x1af: {  	v6 =	vadd.s32 v60, v6  }
0x1b0: {  	v6 =	vadd.s32 v61, v6  }
0x1b1: {  	v6 =	vadd.s32 v62, v6  }
0x1b2: {  	s1 =	sadd.s32 $0x10, s1;
	v6 =	vadd.s32 v63, v6  }
0x1b3: {  	[tilespmem:s1+$0x0] =	vst v6  }
.LBB2_23:
0x1b4: {  	s0 =	rddreg [dreg:$0x8]  }
0x1b5: {  	[spmem:s0] =	stream.strided.scatter [tilespmem:s8], [sflag:$0x1], $0x100, s7, s5, $0x38;
	[tilespmem:$0x3698] =	vst v63  }
.Ltmp13:
0x1b6: {  	_ =	swait.ge [sflag:s6], $0x100;
	(pc) =	sbr.rel @p1 .LBB2_27-.Ltmp13, $3  }
0x1b7: {  	[sflag:s6] =	ssyncset.done $0x0  }
0x1b8: {  	[sflag:s6] =	ssyncadd.s32 $0xFFFFFF00  }
0x1b9: {  	[bflag:$0x0] =	sbarrier.arrive $0xFFFF;
	_ =	sdelay $0x1  }
0x1ba: {  	[dreg:$0x17] =	wrdreg s11  }
0x1bb: {  	[dreg:$0x14] =	wrdreg s10  }
0x1bc: {  	s0 =	rddreg [dreg:$0x9];
	s1 =	simm.s32 $0x1900  }
0x1bd: {  	[tilespmem:s1], [sflag:$0x1] =	stream.linear.gather [spmem:s0], $0x1000, $0x38;
	[tilespmem:$0x3698] =	vst v63  }
0x1be: {  	s5 =	simm.s32 $0x0;
	_ =	swait.ge [sflag:s6], $0x1000  }
0x1bf: {  	s15 =	sand.u32 $0x70, s5;
	s2 =	sand.u32 $0x400, s5;
	[sflag:s6] =	ssyncset.done $0x0  }
0x1c0: {  	s2 =	sor.u32 s15, s2;
	[sflag:s6] =	ssyncadd.s32 $0xFFFFF000  }
0x1c1: {  	v6 =	vld [tilespmem:s2+$0x1900]  }
0x1c2: {  	v7 =	vld [tilespmem:s2+$0x1980]  }
0x1c3: {  	v8 =	vld [tilespmem:s2+$0x1A00]  }
0x1c4: {  	v9 =	vld [tilespmem:s2+$0x1A80]  }
0x1c5: {  	v10 =	vld [tilespmem:s2+$0x1B00]  }
0x1c6: {  	s16 =	sor.u32 s5, s5;
	v11 =	vld [tilespmem:s2+$0x1B80]  }
0x1c7: {  	s1 =	sor.u32 $0x380, s16;
	v6 =	vadd.s32 v6, v7;
	v7 =	vld [tilespmem:s2+$0x1C00]  }
0x1c8: {  	v6 =	vadd.s32 v8, v6;
	v8 =	vld [tilespmem:s1+$0x1900]  }
0x1c9: {  	s3 =	simm.s32 $0x80;
	s1 =	simm.s32 $0x10;
	v6 =	vadd.s32 v9, v6;
	v9 =	vld [tilespmem:s2+$0x2100]  }
0x1ca: {  	s17 =	sand.u32 $0x400, s3;
	s4 =	sand.u32 $0x70, s1;
	v6 =	vadd.s32 v10, v6;
	v10 =	vld [tilespmem:s2+$0x2180]  }
0x1cb: {  	s4 =	sor.u32 s4, s17;
	v6 =	vadd.s32 v11, v6;
	v11 =	vld [tilespmem:s2+$0x2200]  }
0x1cc: {  	v12 =	vld [tilespmem:s4+$0x1900]  }
0x1cd: {  	v6 =	vadd.s32 v7, v6;
	v7 =	vld [tilespmem:s2+$0x2280]  }
0x1ce: {  	v6 =	vadd.s32 v8, v6;
	v8 =	vld [tilespmem:s2+$0x2300]  }
0x1cf: {  	v6 =	vadd.s32 v9, v6;
	v9 =	vld [tilespmem:s2+$0x2380]  }
0x1d0: {  	v6 =	vadd.s32 v10, v6;
	v10 =	vld [tilespmem:s2+$0x2400]  }
0x1d1: {  	v6 =	vadd.s32 v11, v6;
	v11 =	vld [tilespmem:s2+$0x2480]  }
0x1d2: {  	v6 =	vadd.s32 v7, v6;
	v7 =	vld [tilespmem:s4+$0x1980]  }
0x1d3: {  	v13 =	vld [tilespmem:s4+$0x1A00];
	v6 =	vadd.s32 v8, v6  }
0x1d4: {  	v6 =	vadd.s32 v9, v6;
	v9 =	vld [tilespmem:s4+$0x1A80]  }
0x1d5: {  	v6 =	vadd.s32 v10, v6;
	v10 =	vld [tilespmem:s4+$0x1B00]  }
0x1d6: {  	s18 =	sor.u32 s3, s1;
	v8 =	vadd.s32 v11, v6;
	v6 =	vld [tilespmem:s4+$0x1B80]  }
0x1d7: {  	s2 =	sor.u32 $0x380, s18;
	v11 =	vld [tilespmem:s4+$0x1C00];
	(xrf0) =	vadd.scan.msk.s32 $0xffff, v8;
	v7 =	vadd.s32 v12, v7  }
0x1d8: {  	v12 =	vld [tilespmem:s2+$0x1900];
	v7 =	vadd.s32 v13, v7  }
0x1d9: {  	v7 =	vadd.s32 v9, v7;
	v9 =	vld [tilespmem:s4+$0x2100]  }
0x1da: {  	v7 =	vadd.s32 v10, v7;
	v10 =	vld [tilespmem:s4+$0x2180]  }
0x1db: {  	v6 =	vadd.s32 v6, v7;
	v7 =	vld [tilespmem:s4+$0x2200]  }
0x1dc: {  	v6 =	vadd.s32 v11, v6;
	v11 =	vld [tilespmem:s4+$0x2280]  }
0x1dd: {  	v13, _, _ =	vpop (xrf0);
	v6 =	vadd.s32 v12, v6;
	v12 =	vld [tilespmem:s4+$0x2300]  }
0x1de: {  	(v2sf) =	vpush v13, $0xF;
	v6 =	vadd.s32 v9, v6;
	v9 =	vld [tilespmem:s4+$0x2380]  }
0x1df: {  	s28 =	simm.s32 $0x20;
	s19 =	simm.s32 $0x100;
	v5 =	vbroadcast v5, $0xF;
	v6 =	vadd.s32 v10, v6;
	v10 =	vld [tilespmem:s4+$0x2400]  }
0x1e0: {  	s20 =	sand.u32 $0x70, s28;
	s21 =	sand.u32 $0x400, s19;
	v13 =	vadd.s32 s5, v13;
	v6 =	vadd.s32 v7, v6;
	v7 =	vld [tilespmem:s4+$0x2480]  }
0x1e1: {  	s6 =	sor.u32 s20, s21;
	vm4 =	vge.s32 v13, v5;
	v6 =	vadd.s32 v11, v6  }
0x1e2: {  	v14 =	vld [tilespmem:s6+$0x1980];
	v11 =	vmctz.xlane vm4;
	v6 =	vadd.s32 v12, v6  }
0x1e3: {  	v13 =	vld [tilespmem:s6+$0x1900];
	v6 =	vadd.s32 v9, v6  }
0x1e4: {  	v12 =	vld [tilespmem:s6+$0x1A00];
	v9 =	vxor.u32 $0x80000000, v11;
	v6 =	vadd.s32 v10, v6  }
0x1e5: {  	v11 =	vld [tilespmem:s6+$0x1A80];
	(xrf0) =	vmax.scan.msk.u32 $0xffff, v9;
	v7 =	vadd.s32 v7, v6  }
0x1e6: {  	v9 =	vld [tilespmem:s6+$0x1B00];
	(xrf0) =	vadd.scan.msk.s32 $0xffff, v7  }
0x1e7: {  	s2 =	sor.u32 s19, s28;
	v6 =	vld [tilespmem:s6+$0x1B80]  }
0x1e8: {  	s2 =	sor.u32 $0x380, s2;
	v10 =	vld [tilespmem:s6+$0x1C00];
	v13 =	vadd.s32 v13, v14  }
0x1e9: {  	v14 =	vld [tilespmem:s2+$0x1900];
	v12 =	vadd.s32 v12, v13  }
0x1ea: {  	v13 =	vld [tilespmem:s6+$0x2100];
	v11 =	vadd.s32 v11, v12  }
0x1eb: {  	v12 =	vld [tilespmem:s6+$0x2180];
	v9 =	vadd.s32 v9, v11;
	v15, _, _ =	vpop (xrf0)  }
0x1ec: {  	v11 =	vld [tilespmem:s6+$0x2200];
	v6 =	vadd.s32 v6, v9;
	(v2sf) =	vpush v15, $0xF;
	v15, _, _ =	vpop (xrf0)  }
0x1ed: {  	v9 =	vld [tilespmem:s6+$0x2280];
	v6 =	vadd.s32 v10, v6;
	s22 =	spop (v2sf);
	(v2sf) =	vpush v15, $0xF  }
0x1ee: {  	v10 =	vld [tilespmem:s6+$0x2300];
	v6 =	vadd.s32 v14, v6  }
0x1ef: {  	v14 =	vld [tilespmem:s6+$0x2380];
	v6 =	vadd.s32 v13, v6  }
0x1f0: {  	v13 =	vld [tilespmem:s6+$0x2400];
	s29 =	sadd.s32 $0x0, s22;
	v6 =	vadd.s32 v12, v6  }
0x1f1: {  	s23 =	simm.s32 $0x180;
	s3 =	simm.s32 $0x30;
	v12 =	vld [tilespmem:s6+$0x2480];
	v15 =	vadd.s32 s29, v15;
	v6 =	vadd.s32 v11, v6  }
0x1f2: {  	s7 =	sand.u32 $0x400, s23;
	s24 =	sand.u32 $0x70, s3;
	vm4 =	vge.s32 v15, v5;
	v6 =	vadd.s32 v9, v6  }
0x1f3: {  	s4 =	sor.u32 s24, s7;
	v15 =	vmctz.xlane vm4;
	v6 =	vadd.s32 v10, v6  }
0x1f4: {  	v11 =	vld [tilespmem:s4+$0x1900];
	v6 =	vadd.s32 v14, v6  }
0x1f5: {  	v9 =	vld [tilespmem:s4+$0x1980];
	v15 =	vxor.u32 $0x80000000, v15;
	v6 =	vadd.s32 v13, v6  }
0x1f6: {  	v10 =	vld [tilespmem:s4+$0x1A00];
	(xrf0) =	vmax.scan.msk.u32 $0xffff, v15;
	v6 =	vadd.s32 v12, v6  }
0x1f7: {  	v14 =	vld [tilespmem:s4+$0x1A80];
	(xrf0) =	vadd.scan.msk.s32 $0xffff, v6  }
0x1f8: {  	v13 =	vld [tilespmem:s4+$0x1B00];
	_ =	sdelay $0x1  }
0x1f9: {  	s2 =	sor.u32 s23, s3;
	v12 =	vld [tilespmem:s4+$0x1B80];
	v9 =	vadd.s32 v11, v9  }
0x1fa: {  	s2 =	sor.u32 $0x380, s2;
	v15 =	vld [tilespmem:s4+$0x1C00];
	v9 =	vadd.s32 v10, v9;
	s25 =	spop (v2sf)  }
0x1fb: {  	v16 =	vld [tilespmem:s2+$0x1900];
	v9 =	vadd.s32 v14, v9;
	v18, _, _ =	vpop (xrf0);
	s26 =	spop (v2sf)  }
0x1fc: {  	v17 =	vld [tilespmem:s4+$0x2100];
	v9 =	vadd.s32 v13, v9;
	v13, _, _ =	vpop (xrf0);
	s24 =	sadd.s32 s29, s26  }
0x1fd: {  	v11 =	vld [tilespmem:s4+$0x2180];
	(v2sf) =	vpush v18, $0xF;
	s30 =	sxor.u32 $0x80000000, s25;
	v19 =	vadd.s32 s24, v13  }
0x1fe: {  	v10 =	vld [tilespmem:s4+$0x2200];
	v9 =	vadd.s32 v12, v9;
	v20 =	vmov s30;
	vm4 =	vge.s32 v19, v5  }
0x1ff: {  	v14 =	vld [tilespmem:s4+$0x2280];
	v9 =	vadd.s32 v15, v9;
	v19 =	vmctz.xlane vm4;
	vm4 =	vgt.s32 v20, v0  }
0x200: {  	v62 =	vld [tilespmem:s4+$0x2300];
	v9 =	vadd.s32 v16, v9;
	(v2sf) =	vpush v13, $0xF;
	v8 =	vnsel vm4, $0x0, v8  }
0x201: {  	s10 =	simm.s32 $0x40;
	s7 =	simm.s32 $0x200;
	v12 =	vld [tilespmem:s4+$0x2380];
	v9 =	vadd.s32 v17, v9;
	(xrf0) =	vadd.scan.msk.s32 $0xffff, v8  }
0x202: {  	s8 =	sand.u32 $0x70, s10;
	s9 =	sand.u32 $0x400, s7;
	v15 =	vld [tilespmem:s4+$0x2400];
	v8 =	vadd.s32 v11, v9  }
0x203: {  	s9 =	sor.u32 s8, s9;
	v16 =	vld [tilespmem:s4+$0x2480];
	v8 =	vadd.s32 v10, v8  }
0x204: {  	v17 =	vld [tilespmem:s9+$0x1900];
	v8 =	vadd.s32 v14, v8  }
0x205: {  	v11 =	vld [tilespmem:s9+$0x1980];
	v9 =	vxor.u32 $0x80000000, v19;
	v8 =	vadd.s32 v62, v8  }
0x206: {  	v63 =	vld [tilespmem:s9+$0x1A00];
	(xrf0) =	vmax.scan.msk.u32 $0xffff, v9;
	v8 =	vadd.s32 v12, v8  }
0x207: {  	s13 =	simm.s32 $0x50;
	p0 =	por $0x1, $0x1;
	v14 =	vld [tilespmem:s9+$0x1A80];
	v8 =	vadd.s32 v15, v8;
	v15, _, _ =	vpop (xrf0)  }
0x208: {  	s12 =	simm.s32 $0x70;
	s16 =	simm.s32 $0x60;
	s31 =	sor.u32 s7, s10;
	v9 =	vld [tilespmem:s9+$0x1B00];
	v8 =	vadd.s32 v16, v8;
	(v2sf) =	vpush v15, $0xF  }
0x209: {  	s6 =	sor.u32 $0x380, s31;
	s2 =	sadd.s32 $0x0, s25;
	p3 =	slt.s32 s30, $0x10;
	v10 =	vld [tilespmem:s9+$0x1B80];
	(xrf0) =	vadd.scan.msk.s32 $0xffff, v8  }
0x20a: {  	s4 =	simm.s32 $0xFFFFFFFF;
	s2 =	sadd.s32 $0x80000000, s2;
	p0 =	por !p0, !p3;
	v12 =	vld [tilespmem:s9+$0x1C00];
	v11 =	vadd.s32 v17, v11  }
0x20b: {  	p0 =	por !p0, !p0;
	v13 =	vld [tilespmem:s6+$0x1900];
	s6 =	simm.s32 $0x0;
	s26 =	smov.u32 s24;
	v11 =	vadd.s32 v63, v11  }
0x20c: {  	s4 =	smov.u32 @p0 s2;
	p3 =	por p0, p0;
	v14 =	vadd.s32 v14, v11;
	v11 =	vld [tilespmem:s9+$0x2100];
	v15, _, _ =	vpop (xrf0);
	s2 =	spop (v2sf)  }
.LBB2_25:
0x20d: {  	p4 =	sne.s32 s12, $0xF0;
	v9 =	vadd.s32 v9, v14;
	v14 =	vld [tilespmem:s9+$0x2180];
	(v2sf) =	vpush v15, $0xF;
	s8 =	sxor.u32 $0x80000000, s2  }
0x20e: {  	p0 =	slt.s32 s4, $0x0;
	v9 =	vadd.s32 v10, v9;
	v10 =	vld [tilespmem:s9+$0x2200];
	p5 =	slt.s32 s8, $0x10;
	v15 =	vmov s8  }
0x20f: {  	s1 =	sadd.s32 s1, s2;
	v9 =	vadd.s32 v12, v9;
	v12 =	vld [tilespmem:s9+$0x2280];
	v16, _, _ =	vpop (xrf0);
	s8 =	spop (v2sf);
	p0 =	por !p0, !p5;
	vm4 =	vgt.s32 v15, v0  }
0x210: {  	s1 =	sadd.s32 $0x80000000, s1;
	v9 =	vadd.s32 v13, v9;
	v13 =	vld [tilespmem:s9+$0x2300];
	(v2sf) =	vpush v16, $0xF;
	s24 =	sadd.s32 s24, s8;
	p5 =	por !p0, !p0;
	v15 =	vnsel vm4, $0x0, v7;
	v7 =	vmovc v6;
	v6 =	vmovc v8  }
0x211: {  	s7 =	sadd.s32 $0x80, s7;
	v8 =	vadd.s32 v11, v9;
	v9 =	vld [tilespmem:s9+$0x2380];
	v11 =	vadd.s32 s24, v16;
	s4 =	smov.u32 @p5 s1;
	(xrf0) =	vadd.scan.msk.s32 $0xffff, v15;
	s1 =	smov.u32 s28  }
0x212: {  	s2 =	sand.u32 $0x70, s13;
	s8 =	sand.u32 $0x400, s7;
	s28 =	smov.u32 s3;
	v8 =	vadd.s32 v14, v8;
	v14 =	vld [tilespmem:s9+$0x2400];
	vm4 =	vge.s32 v11, v5  }
0x213: {  	s3 =	smov.u32 s10;
	s10 =	smov.u32 s13;
	v8 =	vadd.s32 v10, v8;
	v10 =	vld [tilespmem:s9+$0x2480];
	s9 =	sor.u32 s2, s8;
	v11 =	vmctz.xlane vm4  }
0x214: {  	s13 =	smov.u32 s16;
	s16 =	smov.u32 s12;
	v15 =	vld [tilespmem:s9+$0x1900];
	v8 =	vadd.s32 v12, v8  }
0x215: {  	v12 =	vld [tilespmem:s9+$0x1980];
	v8 =	vadd.s32 v13, v8;
	v11 =	vxor.u32 $0x80000000, v11  }
0x216: {  	v13 =	vld [tilespmem:s9+$0x1A00];
	v8 =	vadd.s32 v9, v8;
	(xrf0) =	vmax.scan.msk.u32 $0xffff, v11  }
0x217: {  	v11 =	vld [tilespmem:s9+$0x1A80];
	v8 =	vadd.s32 v14, v8;
	v14, _, _ =	vpop (xrf0);
	s2 =	spop (v2sf)  }
.Ltmp14:
0x218: {  	v9 =	vld [tilespmem:s9+$0x1B00];
	v8 =	vadd.s32 v10, v8;
	(v2sf) =	vpush v14, $0xF;
	s2 =	sadd.s32 s6, s2;
	s6 =	smov.u32 s29;
	(pc) =	sbr.rel @p4 .LBB2_25-.Ltmp14, $4  }
0x219: {  	s8 =	sor.u32 s7, s10;
	s29 =	smov.u32 s26;
	v10 =	vld [tilespmem:s9+$0x1B80];
	(xrf0) =	vadd.scan.msk.s32 $0xffff, v8;
	s5 =	smov.u32 @p3 s2  }
0x21a: {  	s26 =	smov.u32 s24;
	s2 =	sor.u32 $0x380, s8;
	p3 =	por p5, p5;
	v14 =	vadd.s32 v15, v12;
	v12 =	vld [tilespmem:s9+$0x1C00]  }
0x21b: {  	v14 =	vadd.s32 v13, v14;
	v13 =	vld [tilespmem:s2+$0x1900]  }
0x21c: {  	s12 =	sadd.s32 $0x10, s12;
	v14 =	vadd.s32 v11, v14;
	v11 =	vld [tilespmem:s9+$0x2100];
	v15, _, _ =	vpop (xrf0);
	s2 =	spop (v2sf)  }
0x21d: {  	v16 =	vld [tilespmem:s9+$0x2180]  }
0x21e: {  	v17 =	vld [tilespmem:s9+$0x2200]  }
0x21f: {  	v18 =	vld [tilespmem:s9+$0x2280]  }
0x220: {  	v9 =	vadd.s32 v9, v14;
	v54 =	vld [tilespmem:s9+$0x2300]  }
0x221: {  	(v2sf) =	vpush v15, $0xF;
	v56 =	vld [tilespmem:s9+$0x2380];
	s11 =	sadd.s32 $0x80, s7;
	v9 =	vadd.s32 v10, v9;
	v55, _, _ =	vpop (xrf0)  }
0x222: {  	s22 =	sand.u32 $0x70, s13;
	v57 =	vld [tilespmem:s9+$0x2400];
	s8 =	sand.u32 $0x400, s11;
	v9 =	vadd.s32 v12, v9;
	(v2sf) =	vpush v55, $0xF  }
0x223: {  	v58 =	vld [tilespmem:s9+$0x2480];
	s8 =	sor.u32 s22, s8;
	v9 =	vadd.s32 v13, v9  }
0x224: {  	s23 =	spop (v2sf);
	v59 =	vld [tilespmem:s8+$0x1900];
	v9 =	vadd.s32 v11, v9  }
0x225: {  	s24 =	sadd.s32 s24, s23;
	v60 =	vld [tilespmem:s8+$0x1980];
	v9 =	vadd.s32 v16, v9  }
0x226: {  	s12 =	sxor.u32 $0x80000000, s2;
	v61 =	vld [tilespmem:s8+$0x1A00];
	v10 =	vadd.s32 s24, v55;
	v9 =	vadd.s32 v17, v9  }
0x227: {  	v19 =	vmov s12;
	v62 =	vld [tilespmem:s8+$0x1A80];
	vm4 =	vge.s32 v10, v5;
	v9 =	vadd.s32 v18, v9  }
0x228: {  	v63 =	vmctz.xlane vm4;
	vm4 =	vgt.s32 v19, v0;
	v19 =	vld [tilespmem:s8+$0x1B00];
	v9 =	vadd.s32 v54, v9  }
0x229: {  	s25 =	sor.u32 s11, s13;
	v20 =	vld [tilespmem:s8+$0x1B80];
	v7 =	vnsel vm4, $0x0, v7;
	v9 =	vadd.s32 v56, v9  }
0x22a: {  	s7 =	sor.u32 $0x380, s25;
	v22 =	vld [tilespmem:s8+$0x1C00];
	(xrf0) =	vadd.scan.msk.s32 $0xffff, v7;
	v21 =	vxor.u32 $0x80000000, v63;
	v11 =	vadd.s32 v59, v60;
	v7 =	vadd.s32 v57, v9  }
0x22b: {  	v24 =	vld [tilespmem:s7+$0x1900];
	(xrf0) =	vmax.scan.msk.u32 $0xffff, v21;
	v23 =	vadd.s32 v61, v11;
	v7 =	vadd.s32 v58, v7  }
0x22c: {  	v25 =	vld [tilespmem:s8+$0x2100];
	v9 =	vadd.s32 v62, v23;
	(xrf0) =	vadd.scan.msk.s32 $0xffff, v7  }
0x22d: {  	v26 =	vld [tilespmem:s8+$0x2180];
	v9 =	vadd.s32 v19, v9  }
0x22e: {  	v27 =	vld [tilespmem:s8+$0x2200];
	v9 =	vadd.s32 v20, v9  }
0x22f: {  	v28 =	vld [tilespmem:s8+$0x2280];
	s0 =	spop (v2sf);
	v9 =	vadd.s32 v22, v9  }
0x230: {  	v30 =	vld [tilespmem:s8+$0x2300];
	v29, _, _ =	vpop (xrf0);
	v9 =	vadd.s32 v24, v9;
	s15 =	spop (v2sf)  }
0x231: {  	v32 =	vld [tilespmem:s8+$0x2380];
	(v2sf) =	vpush v29, $0xF;
	v31, _, _ =	vpop (xrf0);
	v9 =	vadd.s32 v25, v9;
	s30 =	spop (v2sf)  }
0x232: {  	s11 =	sadd.s32 $0x80, s11;
	v34 =	vld [tilespmem:s8+$0x2400];
	(v2sf) =	vpush v31, $0xF;
	v9 =	vadd.s32 v26, v9;
	v33, _, _ =	vpop (xrf0);
	s9 =	sadd.s32 s24, s30  }
0x233: {  	s14 =	sand.u32 $0x70, s16;
	s17 =	sand.u32 $0x400, s11;
	v35 =	vld [tilespmem:s8+$0x2480];
	s19 =	sxor.u32 $0x80000000, s15;
	v9 =	vadd.s32 v27, v9;
	(v2sf) =	vpush v33, $0xF;
	v15 =	vadd.s32 s9, v33  }
0x234: {  	s31 =	sor.u32 s14, s17;
	v36 =	vmov s19;
	v9 =	vadd.s32 v28, v9;
	vm4 =	vge.s32 v15, v5  }
0x235: {  	v38 =	vld [tilespmem:s31+$0x1900];
	v9 =	vadd.s32 v30, v9;
	v37 =	vmctz.xlane vm4;
	vm4 =	vgt.s32 v36, v0  }
0x236: {  	v39 =	vld [tilespmem:s31+$0x1980];
	v9 =	vadd.s32 v32, v9;
	v6 =	vnsel vm4, $0x0, v6  }
0x237: {  	v40 =	vld [tilespmem:s31+$0x1A00];
	v9 =	vadd.s32 v34, v9;
	(xrf0) =	vadd.scan.msk.s32 $0xffff, v6;
	v6 =	vxor.u32 $0x80000000, v37  }
0x238: {  	v9 =	vadd.s32 v35, v9;
	(xrf0) =	vmax.scan.msk.u32 $0xffff, v6;
	v6 =	vld [tilespmem:s31+$0x1A80]  }
0x239: {  	v41 =	vld [tilespmem:s31+$0x1B00];
	(xrf0) =	vadd.scan.msk.s32 $0xffff, v9  }
0x23a: {  	s11 =	sor.u32 s11, s16;
	v42 =	vld [tilespmem:s31+$0x1B80]  }
0x23b: {  	s11 =	sor.u32 $0x380, s11;
	v43 =	vld [tilespmem:s31+$0x1C00];
	v11 =	vadd.s32 v38, v39  }
0x23c: {  	v44 =	vld [tilespmem:s11+$0x1900];
	v10 =	vadd.s32 v40, v11  }
0x23d: {  	v46 =	vld [tilespmem:s31+$0x2100];
	v45, _, _ =	vpop (xrf0);
	v6 =	vadd.s32 v6, v10  }
0x23e: {  	v48 =	vld [tilespmem:s31+$0x2180];
	(v2sf) =	vpush v45, $0xF;
	v47, _, _ =	vpop (xrf0);
	v6 =	vadd.s32 v41, v6  }
0x23f: {  	v49 =	vld [tilespmem:s31+$0x2200];
	(v2sf) =	vpush v47, $0xF;
	v6 =	vadd.s32 v42, v6;
	v50, _, _ =	vpop (xrf0)  }
0x240: {  	v51 =	vld [tilespmem:s31+$0x2280];
	s11 =	spop (v2sf);
	v6 =	vadd.s32 v43, v6;
	(v2sf) =	vpush v50, $0xF  }
0x241: {  	v52 =	vld [tilespmem:s31+$0x2300];
	s14 =	spop (v2sf);
	v6 =	vadd.s32 v44, v6  }
0x242: {  	v53 =	vld [tilespmem:s31+$0x2380];
	[dreg:$0x1c] =	wrdreg s0;
	s0 =	spop (v2sf);
	v6 =	vadd.s32 v46, v6  }
0x243: {  	v54 =	vld [tilespmem:s31+$0x2400];
	s18 =	sadd.s32 s9, s0;
	v6 =	vadd.s32 v48, v6  }
0x244: {  	v55 =	vld [tilespmem:s31+$0x2480];
	s21 =	sxor.u32 $0x80000000, s14;
	v15 =	vadd.s32 s18, v50;
	v6 =	vadd.s32 v49, v6  }
0x245: {  	v56 =	vmov s21;
	vm4 =	vge.s32 v15, v5;
	v6 =	vadd.s32 v51, v6  }
0x246: {  	v57 =	vmctz.xlane vm4;
	vm4 =	vgt.s32 v56, v0;
	v6 =	vadd.s32 v52, v6  }
0x247: {  	v8 =	vnsel vm4, $0x0, v8;
	v6 =	vadd.s32 v53, v6  }
0x248: {  	(xrf0) =	vadd.scan.msk.s32 $0xffff, v8;
	v58 =	vxor.u32 $0x80000000, v57;
	v6 =	vadd.s32 v54, v6  }
0x249: {  	(xrf0) =	vmax.scan.msk.u32 $0xffff, v58;
	v6 =	vadd.s32 v55, v6  }
0x24a: {  	(xrf0) =	vadd.scan.msk.s32 $0xffff, v6;
	_ =	sdelay $0x2  }
0x24b: {  	s17 =	spop (v2sf)  }
0x24c: {  	v59, _, _ =	vpop (xrf0);
	s22 =	spop (v2sf)  }
0x24d: {  	v60, _, _ =	vpop (xrf0);
	s7 =	spop (v2sf)  }
0x24e: {  	v61, _, _ =	vpop (xrf0);
	s8 =	sadd.s32 s18, s7  }
0x24f: {  	s20 =	sxor.u32 $0x80000000, s22;
	v62 =	vadd.s32 s8, v61  }
0x250: {  	v63 =	vmov s20;
	vm4 =	vge.s32 v62, v5  }
0x251: {  	v5 =	vmctz.xlane vm4;
	vm4 =	vgt.s32 v63, v0  }
0x252: {  	v7 =	vnsel vm4, $0x0, v7  }
0x253: {  	(xrf0) =	vadd.scan.msk.s32 $0xffff, v7;
	v5 =	vxor.u32 $0x80000000, v5  }
0x254: {  	(xrf0) =	vmax.scan.msk.u32 $0xffff, v5;
	_ =	sdelay $0x2  }
0x255: {  	(v2sf) =	vpush v59, $0xF  }
0x256: {  	(v2sf) =	vpush v60, $0xF  }
0x257: {  	(v2sf) =	vpush v61, $0xF;
	v5, _, _ =	vpop (xrf0)  }
0x258: {  	(v2sf) =	vpush v5, $0xF;
	v5, _, _ =	vpop (xrf0)  }
0x259: {  	(v2sf) =	vpush v5, $0xF;
	_ =	sdelay $0xa  }
0x25a: {  	s25 =	spop (v2sf)  }
0x25b: {  	s30 =	spop (v2sf)  }
0x25c: {  	s23 =	spop (v2sf)  }
0x25d: {  	s7 =	spop (v2sf)  }
0x25e: {  	s31 =	sxor.u32 $0x80000000, s30;
	s23 =	spop (v2sf)  }
0x25f: {  	v5 =	vmov s31;
	s0 =	sxor.u32 $0x80000000, s23  }
0x260: {  	vm4 =	vgt.s32 v5, v0;
	v7 =	vmov s0  }
0x261: {  	p4 =	slt.s32 s4, $0x0;
	p0 =	slt.s32 s12, $0x10;
	v5 =	vnsel vm4, $0x0, v9;
	vm4 =	vgt.s32 v7, v0  }
0x262: {  	s1 =	sadd.s32 s1, s2;
	p0 =	por !p4, !p0;
	(xrf0) =	vadd.scan.msk.s32 $0xffff, v5;
	v5 =	vnsel vm4, $0x0, v6  }
0x263: {  	s1 =	sadd.s32 $0x80000000, s1;
	p4 =	por !p0, !p0;
	(xrf0) =	vadd.scan.msk.s32 $0xffff, v5  }
0x264: {  	s4 =	smov.u32 @p4 s1  }
0x265: {  	p5 =	slt.s32 s4, $0x0;
	p6 =	slt.s32 s19, $0x10  }
0x266: {  	s12 =	sadd.s32 s28, s15;
	p0 =	por !p5, !p6  }
0x267: {  	s1 =	sadd.s32 $0x80000000, s12;
	p5 =	por !p0, !p0  }
0x268: {  	s4 =	smov.u32 @p5 s1;
	v5, _, _ =	vpop (xrf0)  }
0x269: {  	p6 =	slt.s32 s4, $0x0;
	p0 =	slt.s32 s21, $0x10;
	(v2sf) =	vpush v5, $0xF;
	v5, _, _ =	vpop (xrf0)  }
0x26a: {  	s19 =	rddreg [dreg:$0x1c];
	s15 =	sadd.s32 s3, s14;
	p0 =	por !p6, !p0;
	(v2sf) =	vpush v5, $0xF  }
0x26b: {  	s2 =	sadd.s32 s6, s19;
	s1 =	sadd.s32 $0x80000000, s15;
	p6 =	por !p0, !p0  }
0x26c: {  	s5 =	smov.u32 @p3 s2;
	s4 =	smov.u32 @p6 s1;
	s1 =	sadd.s32 s29, s11  }
0x26d: {  	s29 =	rddreg [dreg:$0x17];
	p3 =	slt.s32 s4, $0x0;
	p0 =	slt.s32 s20, $0x10  }
0x26e: {  	s21 =	sadd.s32 s10, s22;
	p0 =	por !p3, !p0;
	p3 =	por p4, p4  }
0x26f: {  	s5 =	smov.u32 @p3 s1;
	p3 =	por !p0, !p0;
	s1 =	sadd.s32 $0x80000000, s21  }
0x270: {  	s2 =	sadd.s32 s26, s17;
	p0 =	por p5, p5;
	s4 =	smov.u32 @p3 s1  }
0x271: {  	s5 =	smov.u32 @p0 s2;
	p0 =	slt.s32 s4, $0x0;
	p4 =	slt.s32 s31, $0x10  }
0x272: {  	p5 =	por p6, p6;
	s22 =	sadd.s32 s13, s30;
	p0 =	por !p0, !p4  }
0x273: {  	s2 =	sadd.s32 s24, s25;
	s1 =	sadd.s32 $0x80000000, s22;
	p0 =	por !p0, !p0  }
0x274: {  	p3 =	por p3, p3;
	s5 =	smov.u32 @p5 s2;
	s4 =	smov.u32 @p0 s1  }
0x275: {  	p0 =	por p0, p0;
	p5 =	slt.s32 s4, $0x0;
	p6 =	slt.s32 s0, $0x10  }
0x276: {  	s1 =	sadd.s32 s9, s7;
	s25 =	sadd.s32 s16, s23;
	p6 =	por !p5, !p6  }
0x277: {  	s5 =	smov.u32 @p3 s1;
	s0 =	sadd.s32 $0x80000000, s25;
	p3 =	por !p6, !p6  }
0x278: {  	s1 =	sshll.u32 s29, $0x8;
	s4 =	smov.u32 @p3 s0;
	s26 =	spop (v2sf)  }
0x279: {  	s1 =	sadd.s32 s1, s4;
	s0 =	sadd.s32 s18, s26;
	s28 =	spop (v2sf)  }
0x27a: {  	s5 =	smov.u32 @p0 s0;
	p0 =	por p3, p3;
	s0 =	sadd.s32 s8, s28  }
0x27b: {  	s30 =	rddreg [dreg:$0x14];
	v5 =	vmov s1;
	s5 =	smov.u32 @p0 s0  }
0x27c: {  	v5 =	vnsel vm0, $0x0, v5;
	s0 =	ssub.s32 s30, s5  }
0x27d: {  	v5 =	vsel vm1, s0, v5  }
0x27e: {  	s6 =	simm.s32 $0x1;
	s31 =	rddreg [dreg:$0xa];
	s9 =	simm.s32 $0x2900;
	[tilespmem:$0x2900] =	vst v5  }
0x27f: {  	[spmem:s31] =	stream.linear.scatter [tilespmem:s9], [sflag:$0x1], $0x80, $0x38;
	[tilespmem:$0x3698] =	vst v63  }
0x280: {  	_ =	swait.ge [sflag:s6], $0x80  }
0x281: {  	s7 =	simm.s32 $0x400;
	[sflag:s6] =	ssyncset.done $0x0  }
0x282: {  	s8 =	simm.s32 $0x1800;
	s5 =	simm.s32 $0x80;
	[sflag:s6] =	ssyncadd.s32 $0xFFFFFF80  }
.LBB2_27:
0x283: {  	[bflag:$0x0] =	sbarrier.arrive $0xFFFF  }
0x284: {  	s0 =	rddreg [dreg:$0xa]  }
0x285: {  	[tilespmem:s9], [sflag:$0x1] =	stream.linear.gather [spmem:s0], $0x80, $0x38;
	[tilespmem:$0x3698] =	vst v63  }
0x286: {  	_ =	swait.ge [sflag:s6], $0x80  }
0x287: {  	[sflag:s6] =	ssyncset.done $0x0  }
0x288: {  	[sflag:s6] =	ssyncadd.s32 $0xFFFFFF80  }
0x289: {  	v5 =	vld [tilespmem:$0x2900];
	_ =	sdelay $0x4  }
0x28a: {  	v6 =	vnsel vm2, $0x0, v5  }
0x28b: {  	v5 =	vsel vm3, $0x0, v5;
	(xrf0) =	vadd.scan.msk.s32 $0xffff, v6  }
0x28c: {  	(xrf0) =	vadd.scan.msk.s32 $0xffff, v5;
	_ =	sdelay $0x4  }
0x28d: {  	v6, _, _ =	vpop (xrf0)  }
0x28e: {  	(v2sf) =	vpush v6, $0xF;
	v5, _, _ =	vpop (xrf0)  }
0x28f: {  	(v2sf) =	vpush v5, $0xF;
	_ =	sdelay $0xa  }
.Ltmp15:
0x290: {  	_ = 	snop;
	(pc) =	sbr.rel @!p2 .LBB2_35-.Ltmp15, $3  }
0x291: {  	_ =	sdelay $0x1  }
0x292: {  	s11 =	spop (v2sf)  }
0x293: {  	s10 =	spop (v2sf)  }
0x294: {  	s1 =	simm.s32 $0x40;
	s2 =	simm.s32 $0x0  }
.LBB2_29:
0x295: {  	p0 =	seq.s32 s1, $0x3FC0;
	[tilespmem:s2+$0x800] =	vst v1;
	s2 =	smov.u32 s1;
	s1 =	sadd.s32 $0x40, s1  }
.Ltmp16:
0x296: {  	(pc) =	sbr.rel @!p0 .LBB2_29-.Ltmp16, $2  }
0x297: {  	_ =	sdelay $0x2  }
0x298: {  	s2 =	sshra.s32 s2, $0x2  }
0x299: {  	[tilespmem:s2+$0x800] =	vst v1;
	v6 =	vbroadcast v6, $0xF;
	s1 =	simm.s32 $0x0;
	s2 =	simm.s32 $0x0  }
.LBB2_31:
0x29a: {  	s3 =	sshra.s32 s2, $0x2  }
0x29b: {  	v7 =	vld [tilespmem:s3+$0x400];
	_ =	sdelay $0x4  }
0x29c: {  	v8 =	vshrl.u32 v7, $0x8;
	v7 =	vshrl.u32 v7, $0x10  }
0x29d: {  	vm4 =	veq.s32 v7, v6;
	v7 =	vand.u32 $0xFF, v8  }
0x29e: {  	p0 =	sne.s32 s2, $0xFC0;
	v7 =	vor.u32 v2, v7  }
.Ltmp17:
0x29f: {  	_ = 	snop;
	(pc) =	sbr.rel @p0 .LBB2_31-.Ltmp17, $3  }
0x2a0: {  	_ =	sdelay $0x1  }
0x2a1: {  	s3 =	simm.s32 $0x800  }
0x2a2: {  	s2 =	sadd.s32 $0x40, s2;
	[tilespmem:v7+s3+$0x0] =	vst.idx.add.s32.msk vm4, v3  }
0x2a3: {  	s1 =	sand.u32 $0xFFFFFFF0, s1;
	v7 =	vld [tilespmem:s3+$0x0]  }
0x2a4: {  	v6 =	vld [tilespmem:s1+$0x900]  }
0x2a5: {  	v8 =	vld [tilespmem:s1+$0xA00]  }
0x2a6: {  	v9 =	vld [tilespmem:s1+$0xB00]  }
0x2a7: {  	v10 =	vld [tilespmem:s1+$0xC00]  }
0x2a8: {  	v11 =	vld [tilespmem:s1+$0xD00]  }
0x2a9: {  	v6 =	vadd.s32 v7, v6;
	v7 =	vld [tilespmem:s1+$0xE00]  }
0x2aa: {  	v6 =	vadd.s32 v8, v6;
	v8 =	vld [tilespmem:s1+$0xF00]  }
0x2ab: {  	v58 =	vld [tilespmem:s1+$0x1000];
	v6 =	vadd.s32 v9, v6  }
0x2ac: {  	v59 =	vld [tilespmem:s1+$0x1100];
	v6 =	vadd.s32 v10, v6  }
0x2ad: {  	v60 =	vld [tilespmem:s1+$0x1200];
	v6 =	vadd.s32 v11, v6  }
0x2ae: {  	v6 =	vadd.s32 v7, v6;
	v7 =	vld [tilespmem:s1+$0x1300]  }
0x2af: {  	v6 =	vadd.s32 v8, v6;
	v8 =	vld [tilespmem:s1+$0x1400]  }
0x2b0: {  	v61 =	vld [tilespmem:s1+$0x1500];
	v6 =	vadd.s32 v58, v6  }
0x2b1: {  	v62 =	vld [tilespmem:s1+$0x1600];
	v6 =	vadd.s32 v59, v6  }
0x2b2: {  	v63 =	vld [tilespmem:s1+$0x1700];
	v6 =	vadd.s32 v60, v6  }
0x2b3: {  	v6 =	vadd.s32 v7, v6  }
0x2b4: {  	v6 =	vadd.s32 v8, v6  }
0x2b5: {  	v6 =	vadd.s32 v61, v6  }
0x2b6: {  	v6 =	vadd.s32 v62, v6  }
0x2b7: {  	s2 =	simm.s32 $0x10;
	s1 =	simm.s32 $0x1800;
	v6 =	vadd.s32 v63, v6  }
0x2b8: {  	s2 =	sand.u32 $0xFFFFFFF0, s2;
	[tilespmem:s1+$0x0] =	vst v6  }
0x2b9: {  	s4 =	simm.s32 $0x20;
	s3 =	simm.s32 $0x810;
	v6 =	vld [tilespmem:s2+$0x900]  }
.LBB2_33:
0x2ba: {  	p3 =	sne.s32 s4, $0xF0;
	v7 =	vld [tilespmem:s3+$0x0]  }
0x2bb: {  	v8 =	vld [tilespmem:s2+$0xA00]  }
0x2bc: {  	v9 =	vld [tilespmem:s2+$0xB00]  }
0x2bd: {  	v10 =	vld [tilespmem:s2+$0xC00]  }
0x2be: {  	v11 =	vld [tilespmem:s2+$0xD00]  }
0x2bf: {  	v6 =	vadd.s32 v7, v6;
	v7 =	vld [tilespmem:s2+$0xE00]  }
0x2c0: {  	v6 =	vadd.s32 v8, v6;
	v8 =	vld [tilespmem:s2+$0xF00]  }
0x2c1: {  	v6 =	vadd.s32 v9, v6;
	v9 =	vld [tilespmem:s2+$0x1000]  }
0x2c2: {  	v6 =	vadd.s32 v10, v6;
	v10 =	vld [tilespmem:s2+$0x1100]  }
0x2c3: {  	v6 =	vadd.s32 v11, v6;
	v11 =	vld [tilespmem:s2+$0x1200]  }
0x2c4: {  	v6 =	vadd.s32 v7, v6;
	v7 =	vld [tilespmem:s2+$0x1300]  }
0x2c5: {  	v6 =	vadd.s32 v8, v6;
	v8 =	vld [tilespmem:s2+$0x1400]  }
0x2c6: {  	v6 =	vadd.s32 v9, v6;
	v9 =	vld [tilespmem:s2+$0x1500]  }
0x2c7: {  	v6 =	vadd.s32 v10, v6;
	v10 =	vld [tilespmem:s2+$0x1600]  }
0x2c8: {  	v6 =	vadd.s32 v11, v6;
	v11 =	vld [tilespmem:s2+$0x1700]  }
0x2c9: {  	v6 =	vadd.s32 v7, v6  }
0x2ca: {  	v6 =	vadd.s32 v8, v6  }
.Ltmp18:
0x2cb: {  	v6 =	vadd.s32 v9, v6;
	(pc) =	sbr.rel @p3 .LBB2_33-.Ltmp18, $4  }
0x2cc: {  	v6 =	vadd.s32 v10, v6  }
0x2cd: {  	s1 =	sadd.s32 $0x10, s1;
	v6 =	vadd.s32 v11, v6  }
0x2ce: {  	s2 =	sand.u32 $0xFFFFFFF0, s4;
	[tilespmem:s1+$0x0] =	vst v6  }
0x2cf: {  	s3 =	sadd.s32 $0x10, s3;
	s4 =	sadd.s32 $0x10, s4;
	v6 =	vld [tilespmem:s2+$0x900]  }
0x2d0: {  	v7 =	vld [tilespmem:s3+$0x0]  }
0x2d1: {  	v8 =	vld [tilespmem:s2+$0xA00]  }
0x2d2: {  	v9 =	vld [tilespmem:s2+$0xB00]  }
0x2d3: {  	v10 =	vld [tilespmem:s2+$0xC00]  }
0x2d4: {  	v11 =	vld [tilespmem:s2+$0xD00]  }
0x2d5: {  	v6 =	vadd.s32 v7, v6;
	v7 =	vld [tilespmem:s2+$0xE00]  }
0x2d6: {  	v56 =	vld [tilespmem:s2+$0xF00];
	v6 =	vadd.s32 v8, v6  }
0x2d7: {  	v57 =	vld [tilespmem:s2+$0x1000];
	v6 =	vadd.s32 v9, v6  }
0x2d8: {  	v58 =	vld [tilespmem:s2+$0x1100];
	v6 =	vadd.s32 v10, v6  }
0x2d9: {  	v59 =	vld [tilespmem:s2+$0x1200];
	v6 =	vadd.s32 v11, v6  }
0x2da: {  	v6 =	vadd.s32 v7, v6;
	v7 =	vld [tilespmem:s2+$0x1300]  }
0x2db: {  	v60 =	vld [tilespmem:s2+$0x1400];
	v6 =	vadd.s32 v56, v6  }
0x2dc: {  	v61 =	vld [tilespmem:s2+$0x1500];
	v6 =	vadd.s32 v57, v6  }
0x2dd: {  	v62 =	vld [tilespmem:s2+$0x1600];
	v6 =	vadd.s32 v58, v6  }
0x2de: {  	v63 =	vld [tilespmem:s2+$0x1700];
	v6 =	vadd.s32 v59, v6  }
0x2df: {  	v6 =	vadd.s32 v7, v6  }
0x2e0: {  	v6 =	vadd.s32 v60, v6  }
0x2e1: {  	v6 =	vadd.s32 v61, v6  }
0x2e2: {  	v6 =	vadd.s32 v62, v6  }
0x2e3: {  	s1 =	sadd.s32 $0x10, s1;
	v6 =	vadd.s32 v63, v6  }
0x2e4: {  	[tilespmem:s1+$0x0] =	vst v6  }
.LBB2_35:
0x2e5: {  	s0 =	rddreg [dreg:$0xb]  }
0x2e6: {  	[spmem:s0] =	stream.strided.scatter [tilespmem:s8], [sflag:$0x1], $0x100, s7, s5, $0x38;
	[tilespmem:$0x3698] =	vst v63  }
.Ltmp19:
0x2e7: {  	_ =	swait.ge [sflag:s6], $0x100;
	(pc) =	sbr.rel @p1 .LBB2_39-.Ltmp19, $3  }
0x2e8: {  	[sflag:s6] =	ssyncset.done $0x0  }
0x2e9: {  	[sflag:s6] =	ssyncadd.s32 $0xFFFFFF00  }
0x2ea: {  	[bflag:$0x0] =	sbarrier.arrive $0xFFFF;
	_ =	sdelay $0x1  }
0x2eb: {  	[dreg:$0x18] =	wrdreg s11  }
0x2ec: {  	[dreg:$0x15] =	wrdreg s10  }
0x2ed: {  	s0 =	rddreg [dreg:$0xc];
	s1 =	simm.s32 $0x1900  }
0x2ee: {  	[tilespmem:s1], [sflag:$0x1] =	stream.linear.gather [spmem:s0], $0x1000, $0x38;
	[tilespmem:$0x3698] =	vst v63  }
0x2ef: {  	s5 =	simm.s32 $0x0;
	_ =	swait.ge [sflag:s6], $0x1000  }
0x2f0: {  	s15 =	sand.u32 $0x70, s5;
	s2 =	sand.u32 $0x400, s5;
	[sflag:s6] =	ssyncset.done $0x0  }
0x2f1: {  	s2 =	sor.u32 s15, s2;
	[sflag:s6] =	ssyncadd.s32 $0xFFFFF000  }
0x2f2: {  	v6 =	vld [tilespmem:s2+$0x1900]  }
0x2f3: {  	v7 =	vld [tilespmem:s2+$0x1980]  }
0x2f4: {  	v8 =	vld [tilespmem:s2+$0x1A00]  }
0x2f5: {  	v9 =	vld [tilespmem:s2+$0x1A80]  }
0x2f6: {  	v10 =	vld [tilespmem:s2+$0x1B00]  }
0x2f7: {  	s16 =	sor.u32 s5, s5;
	v11 =	vld [tilespmem:s2+$0x1B80]  }
0x2f8: {  	s1 =	sor.u32 $0x380, s16;
	v6 =	vadd.s32 v6, v7;
	v7 =	vld [tilespmem:s2+$0x1C00]  }
0x2f9: {  	v6 =	vadd.s32 v8, v6;
	v8 =	vld [tilespmem:s1+$0x1900]  }
0x2fa: {  	s3 =	simm.s32 $0x80;
	s1 =	simm.s32 $0x10;
	v6 =	vadd.s32 v9, v6;
	v9 =	vld [tilespmem:s2+$0x2100]  }
0x2fb: {  	s17 =	sand.u32 $0x400, s3;
	s4 =	sand.u32 $0x70, s1;
	v6 =	vadd.s32 v10, v6;
	v10 =	vld [tilespmem:s2+$0x2180]  }
0x2fc: {  	s4 =	sor.u32 s4, s17;
	v6 =	vadd.s32 v11, v6;
	v11 =	vld [tilespmem:s2+$0x2200]  }
0x2fd: {  	v12 =	vld [tilespmem:s4+$0x1900]  }
0x2fe: {  	v6 =	vadd.s32 v7, v6;
	v7 =	vld [tilespmem:s2+$0x2280]  }
0x2ff: {  	v6 =	vadd.s32 v8, v6;
	v8 =	vld [tilespmem:s2+$0x2300]  }
0x300: {  	v6 =	vadd.s32 v9, v6;
	v9 =	vld [tilespmem:s2+$0x2380]  }
0x301: {  	v6 =	vadd.s32 v10, v6;
	v10 =	vld [tilespmem:s2+$0x2400]  }
0x302: {  	v6 =	vadd.s32 v11, v6;
	v11 =	vld [tilespmem:s2+$0x2480]  }
0x303: {  	v6 =	vadd.s32 v7, v6;
	v7 =	vld [tilespmem:s4+$0x1980]  }
0x304: {  	v13 =	vld [tilespmem:s4+$0x1A00];
	v6 =	vadd.s32 v8, v6  }
0x305: {  	v6 =	vadd.s32 v9, v6;
	v9 =	vld [tilespmem:s4+$0x1A80]  }
0x306: {  	v6 =	vadd.s32 v10, v6;
	v10 =	vld [tilespmem:s4+$0x1B00]  }
0x307: {  	s18 =	sor.u32 s3, s1;
	v8 =	vadd.s32 v11, v6;
	v6 =	vld [tilespmem:s4+$0x1B80]  }
0x308: {  	s2 =	sor.u32 $0x380, s18;
	v11 =	vld [tilespmem:s4+$0x1C00];
	(xrf0) =	vadd.scan.msk.s32 $0xffff, v8;
	v7 =	vadd.s32 v12, v7  }
0x309: {  	v12 =	vld [tilespmem:s2+$0x1900];
	v7 =	vadd.s32 v13, v7  }
0x30a: {  	v7 =	vadd.s32 v9, v7;
	v9 =	vld [tilespmem:s4+$0x2100]  }
0x30b: {  	v7 =	vadd.s32 v10, v7;
	v10 =	vld [tilespmem:s4+$0x2180]  }
0x30c: {  	v6 =	vadd.s32 v6, v7;
	v7 =	vld [tilespmem:s4+$0x2200]  }
0x30d: {  	v6 =	vadd.s32 v11, v6;
	v11 =	vld [tilespmem:s4+$0x2280]  }
0x30e: {  	v13, _, _ =	vpop (xrf0);
	v6 =	vadd.s32 v12, v6;
	v12 =	vld [tilespmem:s4+$0x2300]  }
0x30f: {  	(v2sf) =	vpush v13, $0xF;
	v6 =	vadd.s32 v9, v6;
	v9 =	vld [tilespmem:s4+$0x2380]  }
0x310: {  	s28 =	simm.s32 $0x20;
	s19 =	simm.s32 $0x100;
	v5 =	vbroadcast v5, $0xF;
	v6 =	vadd.s32 v10, v6;
	v10 =	vld [tilespmem:s4+$0x2400]  }
0x311: {  	s20 =	sand.u32 $0x70, s28;
	s21 =	sand.u32 $0x400, s19;
	v13 =	vadd.s32 s5, v13;
	v6 =	vadd.s32 v7, v6;
	v7 =	vld [tilespmem:s4+$0x2480]  }
0x312: {  	s6 =	sor.u32 s20, s21;
	vm4 =	vge.s32 v13, v5;
	v6 =	vadd.s32 v11, v6  }
0x313: {  	v14 =	vld [tilespmem:s6+$0x1980];
	v11 =	vmctz.xlane vm4;
	v6 =	vadd.s32 v12, v6  }
0x314: {  	v13 =	vld [tilespmem:s6+$0x1900];
	v6 =	vadd.s32 v9, v6  }
0x315: {  	v12 =	vld [tilespmem:s6+$0x1A00];
	v9 =	vxor.u32 $0x80000000, v11;
	v6 =	vadd.s32 v10, v6  }
0x316: {  	v11 =	vld [tilespmem:s6+$0x1A80];
	(xrf0) =	vmax.scan.msk.u32 $0xffff, v9;
	v7 =	vadd.s32 v7, v6  }
0x317: {  	v9 =	vld [tilespmem:s6+$0x1B00];
	(xrf0) =	vadd.scan.msk.s32 $0xffff, v7  }
0x318: {  	s2 =	sor.u32 s19, s28;
	v6 =	vld [tilespmem:s6+$0x1B80]  }
0x319: {  	s2 =	sor.u32 $0x380, s2;
	v10 =	vld [tilespmem:s6+$0x1C00];
	v13 =	vadd.s32 v13, v14  }
0x31a: {  	v14 =	vld [tilespmem:s2+$0x1900];
	v12 =	vadd.s32 v12, v13  }
0x31b: {  	v13 =	vld [tilespmem:s6+$0x2100];
	v11 =	vadd.s32 v11, v12  }
0x31c: {  	v12 =	vld [tilespmem:s6+$0x2180];
	v9 =	vadd.s32 v9, v11;
	v15, _, _ =	vpop (xrf0)  }
0x31d: {  	v11 =	vld [tilespmem:s6+$0x2200];
	v6 =	vadd.s32 v6, v9;
	(v2sf) =	vpush v15, $0xF;
	v15, _, _ =	vpop (xrf0)  }
0x31e: {  	v9 =	vld [tilespmem:s6+$0x2280];
	v6 =	vadd.s32 v10, v6;
	s22 =	spop (v2sf);
	(v2sf) =	vpush v15, $0xF  }
0x31f: {  	v10 =	vld [tilespmem:s6+$0x2300];
	v6 =	vadd.s32 v14, v6  }
0x320: {  	v14 =	vld [tilespmem:s6+$0x2380];
	v6 =	vadd.s32 v13, v6  }
0x321: {  	v13 =	vld [tilespmem:s6+$0x2400];
	s29 =	sadd.s32 $0x0, s22;
	v6 =	vadd.s32 v12, v6  }
0x322: {  	s23 =	simm.s32 $0x180;
	s3 =	simm.s32 $0x30;
	v12 =	vld [tilespmem:s6+$0x2480];
	v15 =	vadd.s32 s29, v15;
	v6 =	vadd.s32 v11, v6  }
0x323: {  	s7 =	sand.u32 $0x400, s23;
	s24 =	sand.u32 $0x70, s3;
	vm4 =	vge.s32 v15, v5;
	v6 =	vadd.s32 v9, v6  }
0x324: {  	s4 =	sor.u32 s24, s7;
	v15 =	vmctz.xlane vm4;
	v6 =	vadd.s32 v10, v6  }
0x325: {  	v11 =	vld [tilespmem:s4+$0x1900];
	v6 =	vadd.s32 v14, v6  }
0x326: {  	v9 =	vld [tilespmem:s4+$0x1980];
	v15 =	vxor.u32 $0x80000000, v15;
	v6 =	vadd.s32 v13, v6  }
0x327: {  	v10 =	vld [tilespmem:s4+$0x1A00];
	(xrf0) =	vmax.scan.msk.u32 $0xffff, v15;
	v6 =	vadd.s32 v12, v6  }
0x328: {  	v14 =	vld [tilespmem:s4+$0x1A80];
	(xrf0) =	vadd.scan.msk.s32 $0xffff, v6  }
0x329: {  	v13 =	vld [tilespmem:s4+$0x1B00];
	_ =	sdelay $0x1  }
0x32a: {  	s2 =	sor.u32 s23, s3;
	v12 =	vld [tilespmem:s4+$0x1B80];
	v9 =	vadd.s32 v11, v9  }
0x32b: {  	s2 =	sor.u32 $0x380, s2;
	v15 =	vld [tilespmem:s4+$0x1C00];
	v9 =	vadd.s32 v10, v9;
	s25 =	spop (v2sf)  }
0x32c: {  	v16 =	vld [tilespmem:s2+$0x1900];
	v9 =	vadd.s32 v14, v9;
	v18, _, _ =	vpop (xrf0);
	s26 =	spop (v2sf)  }
0x32d: {  	v17 =	vld [tilespmem:s4+$0x2100];
	v9 =	vadd.s32 v13, v9;
	v13, _, _ =	vpop (xrf0);
	s24 =	sadd.s32 s29, s26  }
0x32e: {  	v11 =	vld [tilespmem:s4+$0x2180];
	(v2sf) =	vpush v18, $0xF;
	s30 =	sxor.u32 $0x80000000, s25;
	v19 =	vadd.s32 s24, v13  }
0x32f: {  	v10 =	vld [tilespmem:s4+$0x2200];
	v9 =	vadd.s32 v12, v9;
	v20 =	vmov s30;
	vm4 =	vge.s32 v19, v5  }
0x330: {  	v14 =	vld [tilespmem:s4+$0x2280];
	v9 =	vadd.s32 v15, v9;
	v19 =	vmctz.xlane vm4;
	vm4 =	vgt.s32 v20, v0  }
0x331: {  	v62 =	vld [tilespmem:s4+$0x2300];
	v9 =	vadd.s32 v16, v9;
	(v2sf) =	vpush v13, $0xF;
	v8 =	vnsel vm4, $0x0, v8  }
0x332: {  	s10 =	simm.s32 $0x40;
	s7 =	simm.s32 $0x200;
	v12 =	vld [tilespmem:s4+$0x2380];
	v9 =	vadd.s32 v17, v9;
	(xrf0) =	vadd.scan.msk.s32 $0xffff, v8  }
0x333: {  	s8 =	sand.u32 $0x70, s10;
	s9 =	sand.u32 $0x400, s7;
	v15 =	vld [tilespmem:s4+$0x2400];
	v8 =	vadd.s32 v11, v9  }
0x334: {  	s9 =	sor.u32 s8, s9;
	v16 =	vld [tilespmem:s4+$0x2480];
	v8 =	vadd.s32 v10, v8  }
0x335: {  	v17 =	vld [tilespmem:s9+$0x1900];
	v8 =	vadd.s32 v14, v8  }
0x336: {  	v11 =	vld [tilespmem:s9+$0x1980];
	v9 =	vxor.u32 $0x80000000, v19;
	v8 =	vadd.s32 v62, v8  }
0x337: {  	v63 =	vld [tilespmem:s9+$0x1A00];
	(xrf0) =	vmax.scan.msk.u32 $0xffff, v9;
	v8 =	vadd.s32 v12, v8  }
0x338: {  	s13 =	simm.s32 $0x50;
	p0 =	por $0x1, $0x1;
	v14 =	vld [tilespmem:s9+$0x1A80];
	v8 =	vadd.s32 v15, v8;
	v15, _, _ =	vpop (xrf0)  }
0x339: {  	s12 =	simm.s32 $0x70;
	s16 =	simm.s32 $0x60;
	s31 =	sor.u32 s7, s10;
	v9 =	vld [tilespmem:s9+$0x1B00];
	v8 =	vadd.s32 v16, v8;
	(v2sf) =	vpush v15, $0xF  }
0x33a: {  	s6 =	sor.u32 $0x380, s31;
	s2 =	sadd.s32 $0x0, s25;
	p3 =	slt.s32 s30, $0x10;
	v10 =	vld [tilespmem:s9+$0x1B80];
	(xrf0) =	vadd.scan.msk.s32 $0xffff, v8  }
0x33b: {  	s4 =	simm.s32 $0xFFFFFFFF;
	s2 =	sadd.s32 $0x80000000, s2;
	p0 =	por !p0, !p3;
	v12 =	vld [tilespmem:s9+$0x1C00];
	v11 =	vadd.s32 v17, v11  }
0x33c: {  	p0 =	por !p0, !p0;
	v13 =	vld [tilespmem:s6+$0x1900];
	s6 =	simm.s32 $0x0;
	s26 =	smov.u32 s24;
	v11 =	vadd.s32 v63, v11  }
0x33d: {  	s4 =	smov.u32 @p0 s2;
	p3 =	por p0, p0;
	v14 =	vadd.s32 v14, v11;
	v11 =	vld [tilespmem:s9+$0x2100];
	v15, _, _ =	vpop (xrf0);
	s2 =	spop (v2sf)  }
.LBB2_37:
0x33e: {  	p4 =	sne.s32 s12, $0xF0;
	v9 =	vadd.s32 v9, v14;
	v14 =	vld [tilespmem:s9+$0x2180];
	(v2sf) =	vpush v15, $0xF;
	s8 =	sxor.u32 $0x80000000, s2  }
0x33f: {  	p0 =	slt.s32 s4, $0x0;
	v9 =	vadd.s32 v10, v9;
	v10 =	vld [tilespmem:s9+$0x2200];
	p5 =	slt.s32 s8, $0x10;
	v15 =	vmov s8  }
0x340: {  	s1 =	sadd.s32 s1, s2;
	v9 =	vadd.s32 v12, v9;
	v12 =	vld [tilespmem:s9+$0x2280];
	v16, _, _ =	vpop (xrf0);
	s8 =	spop (v2sf);
	p0 =	por !p0, !p5;
	vm4 =	vgt.s32 v15, v0  }
0x341: {  	s1 =	sadd.s32 $0x80000000, s1;
	v9 =	vadd.s32 v13, v9;
	v13 =	vld [tilespmem:s9+$0x2300];
	(v2sf) =	vpush v16, $0xF;
	s24 =	sadd.s32 s24, s8;
	p5 =	por !p0, !p0;
	v15 =	vnsel vm4, $0x0, v7;
	v7 =	vmovc v6;
	v6 =	vmovc v8  }
0x342: {  	s7 =	sadd.s32 $0x80, s7;
	v8 =	vadd.s32 v11, v9;
	v9 =	vld [tilespmem:s9+$0x2380];
	v11 =	vadd.s32 s24, v16;
	s4 =	smov.u32 @p5 s1;
	(xrf0) =	vadd.scan.msk.s32 $0xffff, v15;
	s1 =	smov.u32 s28  }
0x343: {  	s2 =	sand.u32 $0x70, s13;
	s8 =	sand.u32 $0x400, s7;
	s28 =	smov.u32 s3;
	v8 =	vadd.s32 v14, v8;
	v14 =	vld [tilespmem:s9+$0x2400];
	vm4 =	vge.s32 v11, v5  }
0x344: {  	s3 =	smov.u32 s10;
	s10 =	smov.u32 s13;
	v8 =	vadd.s32 v10, v8;
	v10 =	vld [tilespmem:s9+$0x2480];
	s9 =	sor.u32 s2, s8;
	v11 =	vmctz.xlane vm4  }
0x345: {  	s13 =	smov.u32 s16;
	s16 =	smov.u32 s12;
	v15 =	vld [tilespmem:s9+$0x1900];
	v8 =	vadd.s32 v12, v8  }
0x346: {  	v12 =	vld [tilespmem:s9+$0x1980];
	v8 =	vadd.s32 v13, v8;
	v11 =	vxor.u32 $0x80000000, v11  }
0x347: {  	v13 =	vld [tilespmem:s9+$0x1A00];
	v8 =	vadd.s32 v9, v8;
	(xrf0) =	vmax.scan.msk.u32 $0xffff, v11  }
0x348: {  	v11 =	vld [tilespmem:s9+$0x1A80];
	v8 =	vadd.s32 v14, v8;
	v14, _, _ =	vpop (xrf0);
	s2 =	spop (v2sf)  }
.Ltmp20:
0x349: {  	v9 =	vld [tilespmem:s9+$0x1B00];
	v8 =	vadd.s32 v10, v8;
	(v2sf) =	vpush v14, $0xF;
	s2 =	sadd.s32 s6, s2;
	s6 =	smov.u32 s29;
	(pc) =	sbr.rel @p4 .LBB2_37-.Ltmp20, $4  }
0x34a: {  	s8 =	sor.u32 s7, s10;
	s29 =	smov.u32 s26;
	v10 =	vld [tilespmem:s9+$0x1B80];
	(xrf0) =	vadd.scan.msk.s32 $0xffff, v8;
	s5 =	smov.u32 @p3 s2  }
0x34b: {  	s26 =	smov.u32 s24;
	s2 =	sor.u32 $0x380, s8;
	p3 =	por p5, p5;
	v14 =	vadd.s32 v15, v12;
	v12 =	vld [tilespmem:s9+$0x1C00]  }
0x34c: {  	v14 =	vadd.s32 v13, v14;
	v13 =	vld [tilespmem:s2+$0x1900]  }
0x34d: {  	s12 =	sadd.s32 $0x10, s12;
	v14 =	vadd.s32 v11, v14;
	v11 =	vld [tilespmem:s9+$0x2100];
	v15, _, _ =	vpop (xrf0);
	s2 =	spop (v2sf)  }
0x34e: {  	v16 =	vld [tilespmem:s9+$0x2180]  }
0x34f: {  	v17 =	vld [tilespmem:s9+$0x2200]  }
0x350: {  	v18 =	vld [tilespmem:s9+$0x2280]  }
0x351: {  	v9 =	vadd.s32 v9, v14;
	v54 =	vld [tilespmem:s9+$0x2300]  }
0x352: {  	(v2sf) =	vpush v15, $0xF;
	v56 =	vld [tilespmem:s9+$0x2380];
	s11 =	sadd.s32 $0x80, s7;
	v9 =	vadd.s32 v10, v9;
	v55, _, _ =	vpop (xrf0)  }
0x353: {  	s22 =	sand.u32 $0x70, s13;
	v57 =	vld [tilespmem:s9+$0x2400];
	s8 =	sand.u32 $0x400, s11;
	v9 =	vadd.s32 v12, v9;
	(v2sf) =	vpush v55, $0xF  }
0x354: {  	v58 =	vld [tilespmem:s9+$0x2480];
	s8 =	sor.u32 s22, s8;
	v9 =	vadd.s32 v13, v9  }
0x355: {  	s23 =	spop (v2sf);
	v59 =	vld [tilespmem:s8+$0x1900];
	v9 =	vadd.s32 v11, v9  }
0x356: {  	s24 =	sadd.s32 s24, s23;
	v60 =	vld [tilespmem:s8+$0x1980];
	v9 =	vadd.s32 v16, v9  }
0x357: {  	s12 =	sxor.u32 $0x80000000, s2;
	v61 =	vld [tilespmem:s8+$0x1A00];
	v10 =	vadd.s32 s24, v55;
	v9 =	vadd.s32 v17, v9  }
0x358: {  	v19 =	vmov s12;
	v62 =	vld [tilespmem:s8+$0x1A80];
	vm4 =	vge.s32 v10, v5;
	v9 =	vadd.s32 v18, v9  }
0x359: {  	v63 =	vmctz.xlane vm4;
	vm4 =	vgt.s32 v19, v0;
	v19 =	vld [tilespmem:s8+$0x1B00];
	v9 =	vadd.s32 v54, v9  }
0x35a: {  	s25 =	sor.u32 s11, s13;
	v20 =	vld [tilespmem:s8+$0x1B80];
	v7 =	vnsel vm4, $0x0, v7;
	v9 =	vadd.s32 v56, v9  }
0x35b: {  	s7 =	sor.u32 $0x380, s25;
	v22 =	vld [tilespmem:s8+$0x1C00];
	(xrf0) =	vadd.scan.msk.s32 $0xffff, v7;
	v21 =	vxor.u32 $0x80000000, v63;
	v11 =	vadd.s32 v59, v60;
	v7 =	vadd.s32 v57, v9  }
0x35c: {  	v24 =	vld [tilespmem:s7+$0x1900];
	(xrf0) =	vmax.scan.msk.u32 $0xffff, v21;
	v23 =	vadd.s32 v61, v11;
	v7 =	vadd.s32 v58, v7  }
0x35d: {  	v25 =	vld [tilespmem:s8+$0x2100];
	v9 =	vadd.s32 v62, v23;
	(xrf0) =	vadd.scan.msk.s32 $0xffff, v7  }
0x35e: {  	v26 =	vld [tilespmem:s8+$0x2180];
	v9 =	vadd.s32 v19, v9  }
0x35f: {  	v27 =	vld [tilespmem:s8+$0x2200];
	v9 =	vadd.s32 v20, v9  }
0x360: {  	v28 =	vld [tilespmem:s8+$0x2280];
	s0 =	spop (v2sf);
	v9 =	vadd.s32 v22, v9  }
0x361: {  	v30 =	vld [tilespmem:s8+$0x2300];
	v29, _, _ =	vpop (xrf0);
	v9 =	vadd.s32 v24, v9;
	s15 =	spop (v2sf)  }
0x362: {  	v32 =	vld [tilespmem:s8+$0x2380];
	(v2sf) =	vpush v29, $0xF;
	v31, _, _ =	vpop (xrf0);
	v9 =	vadd.s32 v25, v9;
	s30 =	spop (v2sf)  }
0x363: {  	s11 =	sadd.s32 $0x80, s11;
	v34 =	vld [tilespmem:s8+$0x2400];
	(v2sf) =	vpush v31, $0xF;
	v9 =	vadd.s32 v26, v9;
	v33, _, _ =	vpop (xrf0);
	s9 =	sadd.s32 s24, s30  }
0x364: {  	s14 =	sand.u32 $0x70, s16;
	s17 =	sand.u32 $0x400, s11;
	v35 =	vld [tilespmem:s8+$0x2480];
	s19 =	sxor.u32 $0x80000000, s15;
	v9 =	vadd.s32 v27, v9;
	(v2sf) =	vpush v33, $0xF;
	v15 =	vadd.s32 s9, v33  }
0x365: {  	s31 =	sor.u32 s14, s17;
	v36 =	vmov s19;
	v9 =	vadd.s32 v28, v9;
	vm4 =	vge.s32 v15, v5  }
0x366: {  	v38 =	vld [tilespmem:s31+$0x1900];
	v9 =	vadd.s32 v30, v9;
	v37 =	vmctz.xlane vm4;
	vm4 =	vgt.s32 v36, v0  }
0x367: {  	v39 =	vld [tilespmem:s31+$0x1980];
	v9 =	vadd.s32 v32, v9;
	v6 =	vnsel vm4, $0x0, v6  }
0x368: {  	v40 =	vld [tilespmem:s31+$0x1A00];
	v9 =	vadd.s32 v34, v9;
	(xrf0) =	vadd.scan.msk.s32 $0xffff, v6;
	v6 =	vxor.u32 $0x80000000, v37  }
0x369: {  	v9 =	vadd.s32 v35, v9;
	(xrf0) =	vmax.scan.msk.u32 $0xffff, v6;
	v6 =	vld [tilespmem:s31+$0x1A80]  }
0x36a: {  	v41 =	vld [tilespmem:s31+$0x1B00];
	(xrf0) =	vadd.scan.msk.s32 $0xffff, v9  }
0x36b: {  	s11 =	sor.u32 s11, s16;
	v42 =	vld [tilespmem:s31+$0x1B80]  }
0x36c: {  	s11 =	sor.u32 $0x380, s11;
	v43 =	vld [tilespmem:s31+$0x1C00];
	v11 =	vadd.s32 v38, v39  }
0x36d: {  	v44 =	vld [tilespmem:s11+$0x1900];
	v10 =	vadd.s32 v40, v11  }
0x36e: {  	v46 =	vld [tilespmem:s31+$0x2100];
	v45, _, _ =	vpop (xrf0);
	v6 =	vadd.s32 v6, v10  }
0x36f: {  	v48 =	vld [tilespmem:s31+$0x2180];
	(v2sf) =	vpush v45, $0xF;
	v47, _, _ =	vpop (xrf0);
	v6 =	vadd.s32 v41, v6  }
0x370: {  	v49 =	vld [tilespmem:s31+$0x2200];
	(v2sf) =	vpush v47, $0xF;
	v6 =	vadd.s32 v42, v6;
	v50, _, _ =	vpop (xrf0)  }
0x371: {  	v51 =	vld [tilespmem:s31+$0x2280];
	s11 =	spop (v2sf);
	v6 =	vadd.s32 v43, v6;
	(v2sf) =	vpush v50, $0xF  }
0x372: {  	v52 =	vld [tilespmem:s31+$0x2300];
	s14 =	spop (v2sf);
	v6 =	vadd.s32 v44, v6  }
0x373: {  	v53 =	vld [tilespmem:s31+$0x2380];
	[dreg:$0x1d] =	wrdreg s0;
	s0 =	spop (v2sf);
	v6 =	vadd.s32 v46, v6  }
0x374: {  	v54 =	vld [tilespmem:s31+$0x2400];
	s18 =	sadd.s32 s9, s0;
	v6 =	vadd.s32 v48, v6  }
0x375: {  	v55 =	vld [tilespmem:s31+$0x2480];
	s21 =	sxor.u32 $0x80000000, s14;
	v15 =	vadd.s32 s18, v50;
	v6 =	vadd.s32 v49, v6  }
0x376: {  	v56 =	vmov s21;
	vm4 =	vge.s32 v15, v5;
	v6 =	vadd.s32 v51, v6  }
0x377: {  	v57 =	vmctz.xlane vm4;
	vm4 =	vgt.s32 v56, v0;
	v6 =	vadd.s32 v52, v6  }
0x378: {  	v8 =	vnsel vm4, $0x0, v8;
	v6 =	vadd.s32 v53, v6  }
0x379: {  	(xrf0) =	vadd.scan.msk.s32 $0xffff, v8;
	v58 =	vxor.u32 $0x80000000, v57;
	v6 =	vadd.s32 v54, v6  }
0x37a: {  	(xrf0) =	vmax.scan.msk.u32 $0xffff, v58;
	v6 =	vadd.s32 v55, v6  }
0x37b: {  	(xrf0) =	vadd.scan.msk.s32 $0xffff, v6;
	_ =	sdelay $0x2  }
0x37c: {  	s17 =	spop (v2sf)  }
0x37d: {  	v59, _, _ =	vpop (xrf0);
	s22 =	spop (v2sf)  }
0x37e: {  	v60, _, _ =	vpop (xrf0);
	s7 =	spop (v2sf)  }
0x37f: {  	v61, _, _ =	vpop (xrf0);
	s8 =	sadd.s32 s18, s7  }
0x380: {  	s20 =	sxor.u32 $0x80000000, s22;
	v62 =	vadd.s32 s8, v61  }
0x381: {  	v63 =	vmov s20;
	vm4 =	vge.s32 v62, v5  }
0x382: {  	v5 =	vmctz.xlane vm4;
	vm4 =	vgt.s32 v63, v0  }
0x383: {  	v7 =	vnsel vm4, $0x0, v7  }
0x384: {  	(xrf0) =	vadd.scan.msk.s32 $0xffff, v7;
	v5 =	vxor.u32 $0x80000000, v5  }
0x385: {  	(xrf0) =	vmax.scan.msk.u32 $0xffff, v5;
	_ =	sdelay $0x2  }
0x386: {  	(v2sf) =	vpush v59, $0xF  }
0x387: {  	(v2sf) =	vpush v60, $0xF  }
0x388: {  	(v2sf) =	vpush v61, $0xF;
	v5, _, _ =	vpop (xrf0)  }
0x389: {  	(v2sf) =	vpush v5, $0xF;
	v5, _, _ =	vpop (xrf0)  }
0x38a: {  	(v2sf) =	vpush v5, $0xF;
	_ =	sdelay $0xa  }
0x38b: {  	s25 =	spop (v2sf)  }
0x38c: {  	s30 =	spop (v2sf)  }
0x38d: {  	s23 =	spop (v2sf)  }
0x38e: {  	s7 =	spop (v2sf)  }
0x38f: {  	s31 =	sxor.u32 $0x80000000, s30;
	s23 =	spop (v2sf)  }
0x390: {  	v5 =	vmov s31;
	s0 =	sxor.u32 $0x80000000, s23  }
0x391: {  	vm4 =	vgt.s32 v5, v0;
	v7 =	vmov s0  }
0x392: {  	p4 =	slt.s32 s4, $0x0;
	p0 =	slt.s32 s12, $0x10;
	v5 =	vnsel vm4, $0x0, v9;
	vm4 =	vgt.s32 v7, v0  }
0x393: {  	s1 =	sadd.s32 s1, s2;
	p0 =	por !p4, !p0;
	(xrf0) =	vadd.scan.msk.s32 $0xffff, v5;
	v5 =	vnsel vm4, $0x0, v6  }
0x394: {  	s1 =	sadd.s32 $0x80000000, s1;
	p4 =	por !p0, !p0;
	(xrf0) =	vadd.scan.msk.s32 $0xffff, v5  }
0x395: {  	s4 =	smov.u32 @p4 s1  }
0x396: {  	p5 =	slt.s32 s4, $0x0;
	p6 =	slt.s32 s19, $0x10  }
0x397: {  	s12 =	sadd.s32 s28, s15;
	p0 =	por !p5, !p6  }
0x398: {  	s1 =	sadd.s32 $0x80000000, s12;
	p5 =	por !p0, !p0  }
0x399: {  	s4 =	smov.u32 @p5 s1;
	v5, _, _ =	vpop (xrf0)  }
0x39a: {  	p6 =	slt.s32 s4, $0x0;
	p0 =	slt.s32 s21, $0x10;
	(v2sf) =	vpush v5, $0xF;
	v5, _, _ =	vpop (xrf0)  }
0x39b: {  	s19 =	rddreg [dreg:$0x1d];
	s15 =	sadd.s32 s3, s14;
	p0 =	por !p6, !p0;
	(v2sf) =	vpush v5, $0xF  }
0x39c: {  	s2 =	sadd.s32 s6, s19;
	s1 =	sadd.s32 $0x80000000, s15;
	p6 =	por !p0, !p0  }
0x39d: {  	s5 =	smov.u32 @p3 s2;
	s4 =	smov.u32 @p6 s1;
	s1 =	sadd.s32 s29, s11  }
0x39e: {  	s29 =	rddreg [dreg:$0x18];
	p3 =	slt.s32 s4, $0x0;
	p0 =	slt.s32 s20, $0x10  }
0x39f: {  	s21 =	sadd.s32 s10, s22;
	p0 =	por !p3, !p0;
	p3 =	por p4, p4  }
0x3a0: {  	s5 =	smov.u32 @p3 s1;
	p3 =	por !p0, !p0;
	s1 =	sadd.s32 $0x80000000, s21  }
0x3a1: {  	s2 =	sadd.s32 s26, s17;
	p0 =	por p5, p5;
	s4 =	smov.u32 @p3 s1  }
0x3a2: {  	s5 =	smov.u32 @p0 s2;
	p0 =	slt.s32 s4, $0x0;
	p4 =	slt.s32 s31, $0x10  }
0x3a3: {  	p5 =	por p6, p6;
	s22 =	sadd.s32 s13, s30;
	p0 =	por !p0, !p4  }
0x3a4: {  	s2 =	sadd.s32 s24, s25;
	s1 =	sadd.s32 $0x80000000, s22;
	p0 =	por !p0, !p0  }
0x3a5: {  	p3 =	por p3, p3;
	s5 =	smov.u32 @p5 s2;
	s4 =	smov.u32 @p0 s1  }
0x3a6: {  	p0 =	por p0, p0;
	p5 =	slt.s32 s4, $0x0;
	p6 =	slt.s32 s0, $0x10  }
0x3a7: {  	s1 =	sadd.s32 s9, s7;
	s25 =	sadd.s32 s16, s23;
	p6 =	por !p5, !p6  }
0x3a8: {  	s5 =	smov.u32 @p3 s1;
	s0 =	sadd.s32 $0x80000000, s25;
	p3 =	por !p6, !p6  }
0x3a9: {  	s1 =	sshll.u32 s29, $0x8;
	s4 =	smov.u32 @p3 s0;
	s26 =	spop (v2sf)  }
0x3aa: {  	s1 =	sadd.s32 s1, s4;
	s0 =	sadd.s32 s18, s26;
	s28 =	spop (v2sf)  }
0x3ab: {  	s5 =	smov.u32 @p0 s0;
	p0 =	por p3, p3;
	s0 =	sadd.s32 s8, s28  }
0x3ac: {  	s30 =	rddreg [dreg:$0x15];
	v5 =	vmov s1;
	s5 =	smov.u32 @p0 s0  }
0x3ad: {  	v5 =	vnsel vm0, $0x0, v5;
	s0 =	ssub.s32 s30, s5  }
0x3ae: {  	v5 =	vsel vm1, s0, v5  }
0x3af: {  	s6 =	simm.s32 $0x1;
	s31 =	rddreg [dreg:$0xd];
	s9 =	simm.s32 $0x2900;
	[tilespmem:$0x2900] =	vst v5  }
0x3b0: {  	[spmem:s31] =	stream.linear.scatter [tilespmem:s9], [sflag:$0x1], $0x80, $0x38;
	[tilespmem:$0x3698] =	vst v63  }
0x3b1: {  	_ =	swait.ge [sflag:s6], $0x80  }
0x3b2: {  	s7 =	simm.s32 $0x400;
	[sflag:s6] =	ssyncset.done $0x0  }
0x3b3: {  	s8 =	simm.s32 $0x1800;
	s5 =	simm.s32 $0x80;
	[sflag:s6] =	ssyncadd.s32 $0xFFFFFF80  }
.LBB2_39:
0x3b4: {  	[bflag:$0x0] =	sbarrier.arrive $0xFFFF  }
0x3b5: {  	s0 =	rddreg [dreg:$0xd]  }
0x3b6: {  	[tilespmem:s9], [sflag:$0x1] =	stream.linear.gather [spmem:s0], $0x80, $0x38;
	[tilespmem:$0x3698] =	vst v63  }
0x3b7: {  	_ =	swait.ge [sflag:s6], $0x80  }
0x3b8: {  	[sflag:s6] =	ssyncset.done $0x0  }
0x3b9: {  	[sflag:s6] =	ssyncadd.s32 $0xFFFFFF80  }
0x3ba: {  	v5 =	vld [tilespmem:$0x2900];
	_ =	sdelay $0x4  }
0x3bb: {  	v6 =	vnsel vm2, $0x0, v5  }
0x3bc: {  	v5 =	vsel vm3, $0x0, v5;
	(xrf0) =	vadd.scan.msk.s32 $0xffff, v6  }
0x3bd: {  	(xrf0) =	vadd.scan.msk.s32 $0xffff, v5;
	_ =	sdelay $0x4  }
0x3be: {  	v6, _, _ =	vpop (xrf0)  }
0x3bf: {  	(v2sf) =	vpush v6, $0xF;
	v5, _, _ =	vpop (xrf0)  }
0x3c0: {  	(v2sf) =	vpush v5, $0xF;
	_ =	sdelay $0xa  }
.Ltmp21:
0x3c1: {  	_ = 	snop;
	(pc) =	sbr.rel @!p2 .LBB2_47-.Ltmp21, $3  }
0x3c2: {  	_ =	sdelay $0x1  }
0x3c3: {  	s11 =	spop (v2sf)  }
0x3c4: {  	s10 =	spop (v2sf)  }
0x3c5: {  	s1 =	simm.s32 $0x40;
	s2 =	simm.s32 $0x0  }
.LBB2_41:
0x3c6: {  	p0 =	seq.s32 s1, $0x3FC0;
	[tilespmem:s2+$0x800] =	vst v1;
	s2 =	smov.u32 s1;
	s1 =	sadd.s32 $0x40, s1  }
.Ltmp22:
0x3c7: {  	(pc) =	sbr.rel @!p0 .LBB2_41-.Ltmp22, $2  }
0x3c8: {  	_ =	sdelay $0x2  }
0x3c9: {  	s2 =	sshra.s32 s2, $0x2  }
0x3ca: {  	[tilespmem:s2+$0x800] =	vst v1;
	v6 =	vbroadcast v6, $0xF;
	s1 =	simm.s32 $0x0;
	s2 =	simm.s32 $0x0  }
.LBB2_43:
0x3cb: {  	s3 =	sshra.s32 s2, $0x2  }
0x3cc: {  	v7 =	vld [tilespmem:s3+$0x400];
	_ =	sdelay $0x4  }
0x3cd: {  	v8 =	vshrl.u32 v7, $0x8  }
0x3ce: {  	v7 =	vand.u32 $0xFF, v7;
	vm4 =	veq.s32 v8, v6  }
0x3cf: {  	p0 =	sne.s32 s2, $0xFC0;
	v7 =	vor.u32 v2, v7  }
.Ltmp23:
0x3d0: {  	_ = 	snop;
	(pc) =	sbr.rel @p0 .LBB2_43-.Ltmp23, $3  }
0x3d1: {  	_ =	sdelay $0x1  }
0x3d2: {  	s3 =	simm.s32 $0x800  }
0x3d3: {  	s2 =	sadd.s32 $0x40, s2;
	[tilespmem:v7+s3+$0x0] =	vst.idx.add.s32.msk vm4, v3  }
0x3d4: {  	s1 =	sand.u32 $0xFFFFFFF0, s1;
	v7 =	vld [tilespmem:s3+$0x0]  }
0x3d5: {  	v6 =	vld [tilespmem:s1+$0x900]  }
0x3d6: {  	v8 =	vld [tilespmem:s1+$0xA00]  }
0x3d7: {  	v9 =	vld [tilespmem:s1+$0xB00]  }
0x3d8: {  	v10 =	vld [tilespmem:s1+$0xC00]  }
0x3d9: {  	v11 =	vld [tilespmem:s1+$0xD00]  }
0x3da: {  	v6 =	vadd.s32 v7, v6;
	v7 =	vld [tilespmem:s1+$0xE00]  }
0x3db: {  	v6 =	vadd.s32 v8, v6;
	v8 =	vld [tilespmem:s1+$0xF00]  }
0x3dc: {  	v58 =	vld [tilespmem:s1+$0x1000];
	v6 =	vadd.s32 v9, v6  }
0x3dd: {  	v59 =	vld [tilespmem:s1+$0x1100];
	v6 =	vadd.s32 v10, v6  }
0x3de: {  	v60 =	vld [tilespmem:s1+$0x1200];
	v6 =	vadd.s32 v11, v6  }
0x3df: {  	v6 =	vadd.s32 v7, v6;
	v7 =	vld [tilespmem:s1+$0x1300]  }
0x3e0: {  	v6 =	vadd.s32 v8, v6;
	v8 =	vld [tilespmem:s1+$0x1400]  }
0x3e1: {  	v61 =	vld [tilespmem:s1+$0x1500];
	v6 =	vadd.s32 v58, v6  }
0x3e2: {  	v62 =	vld [tilespmem:s1+$0x1600];
	v6 =	vadd.s32 v59, v6  }
0x3e3: {  	v63 =	vld [tilespmem:s1+$0x1700];
	v6 =	vadd.s32 v60, v6  }
0x3e4: {  	v6 =	vadd.s32 v7, v6  }
0x3e5: {  	v6 =	vadd.s32 v8, v6  }
0x3e6: {  	v6 =	vadd.s32 v61, v6  }
0x3e7: {  	v6 =	vadd.s32 v62, v6  }
0x3e8: {  	s2 =	simm.s32 $0x10;
	s1 =	simm.s32 $0x1800;
	v6 =	vadd.s32 v63, v6  }
0x3e9: {  	s2 =	sand.u32 $0xFFFFFFF0, s2;
	[tilespmem:s1+$0x0] =	vst v6  }
0x3ea: {  	s4 =	simm.s32 $0x20;
	s3 =	simm.s32 $0x810;
	v6 =	vld [tilespmem:s2+$0x900]  }
.LBB2_45:
0x3eb: {  	p3 =	sne.s32 s4, $0xF0;
	v7 =	vld [tilespmem:s3+$0x0]  }
0x3ec: {  	v8 =	vld [tilespmem:s2+$0xA00]  }
0x3ed: {  	v9 =	vld [tilespmem:s2+$0xB00]  }
0x3ee: {  	v10 =	vld [tilespmem:s2+$0xC00]  }
0x3ef: {  	v11 =	vld [tilespmem:s2+$0xD00]  }
0x3f0: {  	v6 =	vadd.s32 v7, v6;
	v7 =	vld [tilespmem:s2+$0xE00]  }
0x3f1: {  	v6 =	vadd.s32 v8, v6;
	v8 =	vld [tilespmem:s2+$0xF00]  }
0x3f2: {  	v6 =	vadd.s32 v9, v6;
	v9 =	vld [tilespmem:s2+$0x1000]  }
0x3f3: {  	v6 =	vadd.s32 v10, v6;
	v10 =	vld [tilespmem:s2+$0x1100]  }
0x3f4: {  	v6 =	vadd.s32 v11, v6;
	v11 =	vld [tilespmem:s2+$0x1200]  }
0x3f5: {  	v6 =	vadd.s32 v7, v6;
	v7 =	vld [tilespmem:s2+$0x1300]  }
0x3f6: {  	v6 =	vadd.s32 v8, v6;
	v8 =	vld [tilespmem:s2+$0x1400]  }
0x3f7: {  	v6 =	vadd.s32 v9, v6;
	v9 =	vld [tilespmem:s2+$0x1500]  }
0x3f8: {  	v6 =	vadd.s32 v10, v6;
	v10 =	vld [tilespmem:s2+$0x1600]  }
0x3f9: {  	v6 =	vadd.s32 v11, v6;
	v11 =	vld [tilespmem:s2+$0x1700]  }
0x3fa: {  	v6 =	vadd.s32 v7, v6  }
0x3fb: {  	v6 =	vadd.s32 v8, v6  }
.Ltmp24:
0x3fc: {  	v6 =	vadd.s32 v9, v6;
	(pc) =	sbr.rel @p3 .LBB2_45-.Ltmp24, $4  }
0x3fd: {  	v6 =	vadd.s32 v10, v6  }
0x3fe: {  	s1 =	sadd.s32 $0x10, s1;
	v6 =	vadd.s32 v11, v6  }
0x3ff: {  	s2 =	sand.u32 $0xFFFFFFF0, s4;
	[tilespmem:s1+$0x0] =	vst v6  }
0x400: {  	s3 =	sadd.s32 $0x10, s3;
	s4 =	sadd.s32 $0x10, s4;
	v6 =	vld [tilespmem:s2+$0x900]  }
0x401: {  	v7 =	vld [tilespmem:s3+$0x0]  }
0x402: {  	v8 =	vld [tilespmem:s2+$0xA00]  }
0x403: {  	v9 =	vld [tilespmem:s2+$0xB00]  }
0x404: {  	v10 =	vld [tilespmem:s2+$0xC00]  }
0x405: {  	v11 =	vld [tilespmem:s2+$0xD00]  }
0x406: {  	v6 =	vadd.s32 v7, v6;
	v7 =	vld [tilespmem:s2+$0xE00]  }
0x407: {  	v56 =	vld [tilespmem:s2+$0xF00];
	v6 =	vadd.s32 v8, v6  }
0x408: {  	v57 =	vld [tilespmem:s2+$0x1000];
	v6 =	vadd.s32 v9, v6  }
0x409: {  	v58 =	vld [tilespmem:s2+$0x1100];
	v6 =	vadd.s32 v10, v6  }
0x40a: {  	v59 =	vld [tilespmem:s2+$0x1200];
	v6 =	vadd.s32 v11, v6  }
0x40b: {  	v6 =	vadd.s32 v7, v6;
	v7 =	vld [tilespmem:s2+$0x1300]  }
0x40c: {  	v60 =	vld [tilespmem:s2+$0x1400];
	v6 =	vadd.s32 v56, v6  }
0x40d: {  	v61 =	vld [tilespmem:s2+$0x1500];
	v6 =	vadd.s32 v57, v6  }
0x40e: {  	v62 =	vld [tilespmem:s2+$0x1600];
	v6 =	vadd.s32 v58, v6  }
0x40f: {  	v63 =	vld [tilespmem:s2+$0x1700];
	v6 =	vadd.s32 v59, v6  }
0x410: {  	v6 =	vadd.s32 v7, v6  }
0x411: {  	v6 =	vadd.s32 v60, v6  }
0x412: {  	v6 =	vadd.s32 v61, v6  }
0x413: {  	v6 =	vadd.s32 v62, v6  }
0x414: {  	s1 =	sadd.s32 $0x10, s1;
	v6 =	vadd.s32 v63, v6  }
0x415: {  	[tilespmem:s1+$0x0] =	vst v6  }
.LBB2_47:
0x416: {  	s0 =	rddreg [dreg:$0xe]  }
0x417: {  	[spmem:s0] =	stream.strided.scatter [tilespmem:s8], [sflag:$0x1], $0x100, s7, s5, $0x38;
	[tilespmem:$0x3698] =	vst v63  }
.Ltmp25:
0x418: {  	_ =	swait.ge [sflag:s6], $0x100;
	(pc) =	sbr.rel @p1 .LBB2_51-.Ltmp25, $3  }
0x419: {  	[sflag:s6] =	ssyncset.done $0x0  }
0x41a: {  	[sflag:s6] =	ssyncadd.s32 $0xFFFFFF00  }
0x41b: {  	[bflag:$0x0] =	sbarrier.arrive $0xFFFF;
	_ =	sdelay $0x1  }
0x41c: {  	[dreg:$0x19] =	wrdreg s11  }
0x41d: {  	[dreg:$0x16] =	wrdreg s10  }
0x41e: {  	s0 =	rddreg [dreg:$0xf];
	s1 =	simm.s32 $0x1900  }
0x41f: {  	[tilespmem:s1], [sflag:$0x1] =	stream.linear.gather [spmem:s0], $0x1000, $0x38;
	[tilespmem:$0x3698] =	vst v63  }
0x420: {  	s5 =	simm.s32 $0x0;
	_ =	swait.ge [sflag:s6], $0x1000  }
0x421: {  	s15 =	sand.u32 $0x70, s5;
	s2 =	sand.u32 $0x400, s5;
	[sflag:s6] =	ssyncset.done $0x0  }
0x422: {  	s2 =	sor.u32 s15, s2;
	[sflag:s6] =	ssyncadd.s32 $0xFFFFF000  }
0x423: {  	v6 =	vld [tilespmem:s2+$0x1900]  }
0x424: {  	v7 =	vld [tilespmem:s2+$0x1980]  }
0x425: {  	v8 =	vld [tilespmem:s2+$0x1A00]  }
0x426: {  	v9 =	vld [tilespmem:s2+$0x1A80]  }
0x427: {  	v10 =	vld [tilespmem:s2+$0x1B00]  }
0x428: {  	s16 =	sor.u32 s5, s5;
	v11 =	vld [tilespmem:s2+$0x1B80]  }
0x429: {  	s1 =	sor.u32 $0x380, s16;
	v6 =	vadd.s32 v6, v7;
	v7 =	vld [tilespmem:s2+$0x1C00]  }
0x42a: {  	v6 =	vadd.s32 v8, v6;
	v8 =	vld [tilespmem:s1+$0x1900]  }
0x42b: {  	s3 =	simm.s32 $0x80;
	s1 =	simm.s32 $0x10;
	v6 =	vadd.s32 v9, v6;
	v9 =	vld [tilespmem:s2+$0x2100]  }
0x42c: {  	s17 =	sand.u32 $0x400, s3;
	s4 =	sand.u32 $0x70, s1;
	v6 =	vadd.s32 v10, v6;
	v10 =	vld [tilespmem:s2+$0x2180]  }
0x42d: {  	s4 =	sor.u32 s4, s17;
	v6 =	vadd.s32 v11, v6;
	v11 =	vld [tilespmem:s2+$0x2200]  }
0x42e: {  	v12 =	vld [tilespmem:s4+$0x1900]  }
0x42f: {  	v6 =	vadd.s32 v7, v6;
	v7 =	vld [tilespmem:s2+$0x2280]  }
0x430: {  	v6 =	vadd.s32 v8, v6;
	v8 =	vld [tilespmem:s2+$0x2300]  }
0x431: {  	v6 =	vadd.s32 v9, v6;
	v9 =	vld [tilespmem:s2+$0x2380]  }
0x432: {  	v6 =	vadd.s32 v10, v6;
	v10 =	vld [tilespmem:s2+$0x2400]  }
0x433: {  	v6 =	vadd.s32 v11, v6;
	v11 =	vld [tilespmem:s2+$0x2480]  }
0x434: {  	v6 =	vadd.s32 v7, v6;
	v7 =	vld [tilespmem:s4+$0x1980]  }
0x435: {  	v13 =	vld [tilespmem:s4+$0x1A00];
	v6 =	vadd.s32 v8, v6  }
0x436: {  	v6 =	vadd.s32 v9, v6;
	v9 =	vld [tilespmem:s4+$0x1A80]  }
0x437: {  	v6 =	vadd.s32 v10, v6;
	v10 =	vld [tilespmem:s4+$0x1B00]  }
0x438: {  	s18 =	sor.u32 s3, s1;
	v8 =	vadd.s32 v11, v6;
	v6 =	vld [tilespmem:s4+$0x1B80]  }
0x439: {  	s2 =	sor.u32 $0x380, s18;
	v11 =	vld [tilespmem:s4+$0x1C00];
	(xrf0) =	vadd.scan.msk.s32 $0xffff, v8;
	v7 =	vadd.s32 v12, v7  }
0x43a: {  	v12 =	vld [tilespmem:s2+$0x1900];
	v7 =	vadd.s32 v13, v7  }
0x43b: {  	v7 =	vadd.s32 v9, v7;
	v9 =	vld [tilespmem:s4+$0x2100]  }
0x43c: {  	v7 =	vadd.s32 v10, v7;
	v10 =	vld [tilespmem:s4+$0x2180]  }
0x43d: {  	v6 =	vadd.s32 v6, v7;
	v7 =	vld [tilespmem:s4+$0x2200]  }
0x43e: {  	v6 =	vadd.s32 v11, v6;
	v11 =	vld [tilespmem:s4+$0x2280]  }
0x43f: {  	v13, _, _ =	vpop (xrf0);
	v6 =	vadd.s32 v12, v6;
	v12 =	vld [tilespmem:s4+$0x2300]  }
0x440: {  	(v2sf) =	vpush v13, $0xF;
	v6 =	vadd.s32 v9, v6;
	v9 =	vld [tilespmem:s4+$0x2380]  }
0x441: {  	s28 =	simm.s32 $0x20;
	s19 =	simm.s32 $0x100;
	v5 =	vbroadcast v5, $0xF;
	v6 =	vadd.s32 v10, v6;
	v10 =	vld [tilespmem:s4+$0x2400]  }
0x442: {  	s20 =	sand.u32 $0x70, s28;
	s21 =	sand.u32 $0x400, s19;
	v13 =	vadd.s32 s5, v13;
	v6 =	vadd.s32 v7, v6;
	v7 =	vld [tilespmem:s4+$0x2480]  }
0x443: {  	s6 =	sor.u32 s20, s21;
	vm4 =	vge.s32 v13, v5;
	v6 =	vadd.s32 v11, v6  }
0x444: {  	v14 =	vld [tilespmem:s6+$0x1980];
	v11 =	vmctz.xlane vm4;
	v6 =	vadd.s32 v12, v6  }
0x445: {  	v13 =	vld [tilespmem:s6+$0x1900];
	v6 =	vadd.s32 v9, v6  }
0x446: {  	v12 =	vld [tilespmem:s6+$0x1A00];
	v9 =	vxor.u32 $0x80000000, v11;
	v6 =	vadd.s32 v10, v6  }
0x447: {  	v11 =	vld [tilespmem:s6+$0x1A80];
	(xrf0) =	vmax.scan.msk.u32 $0xffff, v9;
	v7 =	vadd.s32 v7, v6  }
0x448: {  	v9 =	vld [tilespmem:s6+$0x1B00];
	(xrf0) =	vadd.scan.msk.s32 $0xffff, v7  }
0x449: {  	s2 =	sor.u32 s19, s28;
	v6 =	vld [tilespmem:s6+$0x1B80]  }
0x44a: {  	s2 =	sor.u32 $0x380, s2;
	v10 =	vld [tilespmem:s6+$0x1C00];
	v13 =	vadd.s32 v13, v14  }
0x44b: {  	v14 =	vld [tilespmem:s2+$0x1900];
	v12 =	vadd.s32 v12, v13  }
0x44c: {  	v13 =	vld [tilespmem:s6+$0x2100];
	v11 =	vadd.s32 v11, v12  }
0x44d: {  	v12 =	vld [tilespmem:s6+$0x2180];
	v9 =	vadd.s32 v9, v11;
	v15, _, _ =	vpop (xrf0)  }
0x44e: {  	v11 =	vld [tilespmem:s6+$0x2200];
	v6 =	vadd.s32 v6, v9;
	(v2sf) =	vpush v15, $0xF;
	v15, _, _ =	vpop (xrf0)  }
0x44f: {  	v9 =	vld [tilespmem:s6+$0x2280];
	v6 =	vadd.s32 v10, v6;
	s22 =	spop (v2sf);
	(v2sf) =	vpush v15, $0xF  }
0x450: {  	v10 =	vld [tilespmem:s6+$0x2300];
	v6 =	vadd.s32 v14, v6  }
0x451: {  	v14 =	vld [tilespmem:s6+$0x2380];
	v6 =	vadd.s32 v13, v6  }
0x452: {  	v13 =	vld [tilespmem:s6+$0x2400];
	s29 =	sadd.s32 $0x0, s22;
	v6 =	vadd.s32 v12, v6  }
0x453: {  	s23 =	simm.s32 $0x180;
	s3 =	simm.s32 $0x30;
	v12 =	vld [tilespmem:s6+$0x2480];
	v15 =	vadd.s32 s29, v15;
	v6 =	vadd.s32 v11, v6  }
0x454: {  	s7 =	sand.u32 $0x400, s23;
	s24 =	sand.u32 $0x70, s3;
	vm4 =	vge.s32 v15, v5;
	v6 =	vadd.s32 v9, v6  }
0x455: {  	s4 =	sor.u32 s24, s7;
	v15 =	vmctz.xlane vm4;
	v6 =	vadd.s32 v10, v6  }
0x456: {  	v11 =	vld [tilespmem:s4+$0x1900];
	v6 =	vadd.s32 v14, v6  }
0x457: {  	v9 =	vld [tilespmem:s4+$0x1980];
	v15 =	vxor.u32 $0x80000000, v15;
	v6 =	vadd.s32 v13, v6  }
0x458: {  	v10 =	vld [tilespmem:s4+$0x1A00];
	(xrf0) =	vmax.scan.msk.u32 $0xffff, v15;
	v6 =	vadd.s32 v12, v6  }
0x459: {  	v14 =	vld [tilespmem:s4+$0x1A80];
	(xrf0) =	vadd.scan.msk.s32 $0xffff, v6  }
0x45a: {  	v13 =	vld [tilespmem:s4+$0x1B00];
	_ =	sdelay $0x1  }
0x45b: {  	s2 =	sor.u32 s23, s3;
	v12 =	vld [tilespmem:s4+$0x1B80];
	v9 =	vadd.s32 v11, v9  }
0x45c: {  	s2 =	sor.u32 $0x380, s2;
	v15 =	vld [tilespmem:s4+$0x1C00];
	v9 =	vadd.s32 v10, v9;
	s25 =	spop (v2sf)  }
0x45d: {  	v16 =	vld [tilespmem:s2+$0x1900];
	v9 =	vadd.s32 v14, v9;
	v18, _, _ =	vpop (xrf0);
	s26 =	spop (v2sf)  }
0x45e: {  	v17 =	vld [tilespmem:s4+$0x2100];
	v9 =	vadd.s32 v13, v9;
	v13, _, _ =	vpop (xrf0);
	s24 =	sadd.s32 s29, s26  }
0x45f: {  	v11 =	vld [tilespmem:s4+$0x2180];
	(v2sf) =	vpush v18, $0xF;
	s30 =	sxor.u32 $0x80000000, s25;
	v19 =	vadd.s32 s24, v13  }
0x460: {  	v10 =	vld [tilespmem:s4+$0x2200];
	v9 =	vadd.s32 v12, v9;
	v20 =	vmov s30;
	vm4 =	vge.s32 v19, v5  }
0x461: {  	v14 =	vld [tilespmem:s4+$0x2280];
	v9 =	vadd.s32 v15, v9;
	v19 =	vmctz.xlane vm4;
	vm4 =	vgt.s32 v20, v0  }
0x462: {  	v62 =	vld [tilespmem:s4+$0x2300];
	v9 =	vadd.s32 v16, v9;
	(v2sf) =	vpush v13, $0xF;
	v8 =	vnsel vm4, $0x0, v8  }
0x463: {  	s10 =	simm.s32 $0x40;
	s7 =	simm.s32 $0x200;
	v12 =	vld [tilespmem:s4+$0x2380];
	v9 =	vadd.s32 v17, v9;
	(xrf0) =	vadd.scan.msk.s32 $0xffff, v8  }
0x464: {  	s8 =	sand.u32 $0x70, s10;
	s9 =	sand.u32 $0x400, s7;
	v15 =	vld [tilespmem:s4+$0x2400];
	v8 =	vadd.s32 v11, v9  }
0x465: {  	s9 =	sor.u32 s8, s9;
	v16 =	vld [tilespmem:s4+$0x2480];
	v8 =	vadd.s32 v10, v8  }
0x466: {  	v17 =	vld [tilespmem:s9+$0x1900];
	v8 =	vadd.s32 v14, v8  }
0x467: {  	v11 =	vld [tilespmem:s9+$0x1980];
	v9 =	vxor.u32 $0x80000000, v19;
	v8 =	vadd.s32 v62, v8  }
0x468: {  	v63 =	vld [tilespmem:s9+$0x1A00];
	(xrf0) =	vmax.scan.msk.u32 $0xffff, v9;
	v8 =	vadd.s32 v12, v8  }
0x469: {  	s13 =	simm.s32 $0x50;
	p0 =	por $0x1, $0x1;
	v14 =	vld [tilespmem:s9+$0x1A80];
	v8 =	vadd.s32 v15, v8;
	v15, _, _ =	vpop (xrf0)  }
0x46a: {  	s12 =	simm.s32 $0x70;
	s16 =	simm.s32 $0x60;
	s31 =	sor.u32 s7, s10;
	v9 =	vld [tilespmem:s9+$0x1B00];
	v8 =	vadd.s32 v16, v8;
	(v2sf) =	vpush v15, $0xF  }
0x46b: {  	s6 =	sor.u32 $0x380, s31;
	s2 =	sadd.s32 $0x0, s25;
	p3 =	slt.s32 s30, $0x10;
	v10 =	vld [tilespmem:s9+$0x1B80];
	(xrf0) =	vadd.scan.msk.s32 $0xffff, v8  }
0x46c: {  	s4 =	simm.s32 $0xFFFFFFFF;
	s2 =	sadd.s32 $0x80000000, s2;
	p0 =	por !p0, !p3;
	v12 =	vld [tilespmem:s9+$0x1C00];
	v11 =	vadd.s32 v17, v11  }
0x46d: {  	p0 =	por !p0, !p0;
	v13 =	vld [tilespmem:s6+$0x1900];
	s6 =	simm.s32 $0x0;
	s26 =	smov.u32 s24;
	v11 =	vadd.s32 v63, v11  }
0x46e: {  	s4 =	smov.u32 @p0 s2;
	p3 =	por p0, p0;
	v14 =	vadd.s32 v14, v11;
	v11 =	vld [tilespmem:s9+$0x2100];
	v15, _, _ =	vpop (xrf0);
	s2 =	spop (v2sf)  }
.LBB2_49:
0x46f: {  	p4 =	sne.s32 s12, $0xF0;
	v9 =	vadd.s32 v9, v14;
	v14 =	vld [tilespmem:s9+$0x2180];
	(v2sf) =	vpush v15, $0xF;
	s8 =	sxor.u32 $0x80000000, s2  }
0x470: {  	p0 =	slt.s32 s4, $0x0;
	v9 =	vadd.s32 v10, v9;
	v10 =	vld [tilespmem:s9+$0x2200];
	p5 =	slt.s32 s8, $0x10;
	v15 =	vmov s8  }
0x471: {  	s1 =	sadd.s32 s1, s2;
	v9 =	vadd.s32 v12, v9;
	v12 =	vld [tilespmem:s9+$0x2280];
	v16, _, _ =	vpop (xrf0);
	s8 =	spop (v2sf);
	p0 =	por !p0, !p5;
	vm4 =	vgt.s32 v15, v0  }
0x472: {  	s1 =	sadd.s32 $0x80000000, s1;
	v9 =	vadd.s32 v13, v9;
	v13 =	vld [tilespmem:s9+$0x2300];
	(v2sf) =	vpush v16, $0xF;
	s24 =	sadd.s32 s24, s8;
	p5 =	por !p0, !p0;
	v15 =	vnsel vm4, $0x0, v7;
	v7 =	vmovc v6;
	v6 =	vmovc v8  }
0x473: {  	s7 =	sadd.s32 $0x80, s7;
	v8 =	vadd.s32 v11, v9;
	v9 =	vld [tilespmem:s9+$0x2380];
	v11 =	vadd.s32 s24, v16;
	s4 =	smov.u32 @p5 s1;
	(xrf0) =	vadd.scan.msk.s32 $0xffff, v15;
	s1 =	smov.u32 s28  }
0x474: {  	s2 =	sand.u32 $0x70, s13;
	s8 =	sand.u32 $0x400, s7;
	s28 =	smov.u32 s3;
	v8 =	vadd.s32 v14, v8;
	v14 =	vld [tilespmem:s9+$0x2400];
	vm4 =	vge.s32 v11, v5  }
0x475: {  	s3 =	smov.u32 s10;
	s10 =	smov.u32 s13;
	v8 =	vadd.s32 v10, v8;
	v10 =	vld [tilespmem:s9+$0x2480];
	s9 =	sor.u32 s2, s8;
	v11 =	vmctz.xlane vm4  }
0x476: {  	s13 =	smov.u32 s16;
	s16 =	smov.u32 s12;
	v15 =	vld [tilespmem:s9+$0x1900];
	v8 =	vadd.s32 v12, v8  }
0x477: {  	v12 =	vld [tilespmem:s9+$0x1980];
	v8 =	vadd.s32 v13, v8;
	v11 =	vxor.u32 $0x80000000, v11  }
0x478: {  	v13 =	vld [tilespmem:s9+$0x1A00];
	v8 =	vadd.s32 v9, v8;
	(xrf0) =	vmax.scan.msk.u32 $0xffff, v11  }
0x479: {  	v11 =	vld [tilespmem:s9+$0x1A80];
	v8 =	vadd.s32 v14, v8;
	v14, _, _ =	vpop (xrf0);
	s2 =	spop (v2sf)  }
.Ltmp26:
0x47a: {  	v9 =	vld [tilespmem:s9+$0x1B00];
	v8 =	vadd.s32 v10, v8;
	(v2sf) =	vpush v14, $0xF;
	s2 =	sadd.s32 s6, s2;
	s6 =	smov.u32 s29;
	(pc) =	sbr.rel @p4 .LBB2_49-.Ltmp26, $4  }
0x47b: {  	s8 =	sor.u32 s7, s10;
	s29 =	smov.u32 s26;
	v10 =	vld [tilespmem:s9+$0x1B80];
	(xrf0) =	vadd.scan.msk.s32 $0xffff, v8;
	s5 =	smov.u32 @p3 s2  }
0x47c: {  	s26 =	smov.u32 s24;
	s2 =	sor.u32 $0x380, s8;
	p3 =	por p5, p5;
	v14 =	vadd.s32 v15, v12;
	v12 =	vld [tilespmem:s9+$0x1C00]  }
0x47d: {  	v14 =	vadd.s32 v13, v14;
	v13 =	vld [tilespmem:s2+$0x1900]  }
0x47e: {  	s12 =	sadd.s32 $0x10, s12;
	v14 =	vadd.s32 v11, v14;
	v11 =	vld [tilespmem:s9+$0x2100];
	v15, _, _ =	vpop (xrf0);
	s2 =	spop (v2sf)  }
0x47f: {  	v16 =	vld [tilespmem:s9+$0x2180]  }
0x480: {  	v17 =	vld [tilespmem:s9+$0x2200]  }
0x481: {  	v18 =	vld [tilespmem:s9+$0x2280]  }
0x482: {  	v9 =	vadd.s32 v9, v14;
	v54 =	vld [tilespmem:s9+$0x2300]  }
0x483: {  	(v2sf) =	vpush v15, $0xF;
	v56 =	vld [tilespmem:s9+$0x2380];
	s11 =	sadd.s32 $0x80, s7;
	v9 =	vadd.s32 v10, v9;
	v55, _, _ =	vpop (xrf0)  }
0x484: {  	s22 =	sand.u32 $0x70, s13;
	v57 =	vld [tilespmem:s9+$0x2400];
	s8 =	sand.u32 $0x400, s11;
	v9 =	vadd.s32 v12, v9;
	(v2sf) =	vpush v55, $0xF  }
0x485: {  	v58 =	vld [tilespmem:s9+$0x2480];
	s8 =	sor.u32 s22, s8;
	v9 =	vadd.s32 v13, v9  }
0x486: {  	s23 =	spop (v2sf);
	v59 =	vld [tilespmem:s8+$0x1900];
	v9 =	vadd.s32 v11, v9  }
0x487: {  	s24 =	sadd.s32 s24, s23;
	v60 =	vld [tilespmem:s8+$0x1980];
	v9 =	vadd.s32 v16, v9  }
0x488: {  	s12 =	sxor.u32 $0x80000000, s2;
	v61 =	vld [tilespmem:s8+$0x1A00];
	v10 =	vadd.s32 s24, v55;
	v9 =	vadd.s32 v17, v9  }
0x489: {  	v19 =	vmov s12;
	v62 =	vld [tilespmem:s8+$0x1A80];
	vm4 =	vge.s32 v10, v5;
	v9 =	vadd.s32 v18, v9  }
0x48a: {  	v63 =	vmctz.xlane vm4;
	vm4 =	vgt.s32 v19, v0;
	v19 =	vld [tilespmem:s8+$0x1B00];
	v9 =	vadd.s32 v54, v9  }
0x48b: {  	s25 =	sor.u32 s11, s13;
	v20 =	vld [tilespmem:s8+$0x1B80];
	v7 =	vnsel vm4, $0x0, v7;
	v9 =	vadd.s32 v56, v9  }
0x48c: {  	s7 =	sor.u32 $0x380, s25;
	v22 =	vld [tilespmem:s8+$0x1C00];
	(xrf0) =	vadd.scan.msk.s32 $0xffff, v7;
	v21 =	vxor.u32 $0x80000000, v63;
	v11 =	vadd.s32 v59, v60;
	v7 =	vadd.s32 v57, v9  }
0x48d: {  	v24 =	vld [tilespmem:s7+$0x1900];
	(xrf0) =	vmax.scan.msk.u32 $0xffff, v21;
	v23 =	vadd.s32 v61, v11;
	v7 =	vadd.s32 v58, v7  }
0x48e: {  	v25 =	vld [tilespmem:s8+$0x2100];
	v9 =	vadd.s32 v62, v23;
	(xrf0) =	vadd.scan.msk.s32 $0xffff, v7  }
0x48f: {  	v26 =	vld [tilespmem:s8+$0x2180];
	v9 =	vadd.s32 v19, v9  }
0x490: {  	v27 =	vld [tilespmem:s8+$0x2200];
	v9 =	vadd.s32 v20, v9  }
0x491: {  	v28 =	vld [tilespmem:s8+$0x2280];
	s0 =	spop (v2sf);
	v9 =	vadd.s32 v22, v9  }
0x492: {  	v30 =	vld [tilespmem:s8+$0x2300];
	v29, _, _ =	vpop (xrf0);
	v9 =	vadd.s32 v24, v9;
	s15 =	spop (v2sf)  }
0x493: {  	v32 =	vld [tilespmem:s8+$0x2380];
	(v2sf) =	vpush v29, $0xF;
	v31, _, _ =	vpop (xrf0);
	v9 =	vadd.s32 v25, v9;
	s30 =	spop (v2sf)  }
0x494: {  	s11 =	sadd.s32 $0x80, s11;
	v34 =	vld [tilespmem:s8+$0x2400];
	(v2sf) =	vpush v31, $0xF;
	v9 =	vadd.s32 v26, v9;
	v33, _, _ =	vpop (xrf0);
	s9 =	sadd.s32 s24, s30  }
0x495: {  	s14 =	sand.u32 $0x70, s16;
	s17 =	sand.u32 $0x400, s11;
	v35 =	vld [tilespmem:s8+$0x2480];
	s19 =	sxor.u32 $0x80000000, s15;
	v9 =	vadd.s32 v27, v9;
	(v2sf) =	vpush v33, $0xF;
	v15 =	vadd.s32 s9, v33  }
0x496: {  	s31 =	sor.u32 s14, s17;
	v36 =	vmov s19;
	v9 =	vadd.s32 v28, v9;
	vm4 =	vge.s32 v15, v5  }
0x497: {  	v38 =	vld [tilespmem:s31+$0x1900];
	v9 =	vadd.s32 v30, v9;
	v37 =	vmctz.xlane vm4;
	vm4 =	vgt.s32 v36, v0  }
0x498: {  	v39 =	vld [tilespmem:s31+$0x1980];
	v9 =	vadd.s32 v32, v9;
	v6 =	vnsel vm4, $0x0, v6  }
0x499: {  	v40 =	vld [tilespmem:s31+$0x1A00];
	v9 =	vadd.s32 v34, v9;
	(xrf0) =	vadd.scan.msk.s32 $0xffff, v6;
	v6 =	vxor.u32 $0x80000000, v37  }
0x49a: {  	v9 =	vadd.s32 v35, v9;
	(xrf0) =	vmax.scan.msk.u32 $0xffff, v6;
	v6 =	vld [tilespmem:s31+$0x1A80]  }
0x49b: {  	v41 =	vld [tilespmem:s31+$0x1B00];
	(xrf0) =	vadd.scan.msk.s32 $0xffff, v9  }
0x49c: {  	s11 =	sor.u32 s11, s16;
	v42 =	vld [tilespmem:s31+$0x1B80]  }
0x49d: {  	s11 =	sor.u32 $0x380, s11;
	v43 =	vld [tilespmem:s31+$0x1C00];
	v11 =	vadd.s32 v38, v39  }
0x49e: {  	v44 =	vld [tilespmem:s11+$0x1900];
	v10 =	vadd.s32 v40, v11  }
0x49f: {  	v46 =	vld [tilespmem:s31+$0x2100];
	v45, _, _ =	vpop (xrf0);
	v6 =	vadd.s32 v6, v10  }
0x4a0: {  	v48 =	vld [tilespmem:s31+$0x2180];
	(v2sf) =	vpush v45, $0xF;
	v47, _, _ =	vpop (xrf0);
	v6 =	vadd.s32 v41, v6  }
0x4a1: {  	v49 =	vld [tilespmem:s31+$0x2200];
	(v2sf) =	vpush v47, $0xF;
	v6 =	vadd.s32 v42, v6;
	v50, _, _ =	vpop (xrf0)  }
0x4a2: {  	v51 =	vld [tilespmem:s31+$0x2280];
	s11 =	spop (v2sf);
	v6 =	vadd.s32 v43, v6;
	(v2sf) =	vpush v50, $0xF  }
0x4a3: {  	v52 =	vld [tilespmem:s31+$0x2300];
	s14 =	spop (v2sf);
	v6 =	vadd.s32 v44, v6  }
0x4a4: {  	v53 =	vld [tilespmem:s31+$0x2380];
	[dreg:$0x1e] =	wrdreg s0;
	s0 =	spop (v2sf);
	v6 =	vadd.s32 v46, v6  }
0x4a5: {  	v54 =	vld [tilespmem:s31+$0x2400];
	s18 =	sadd.s32 s9, s0;
	v6 =	vadd.s32 v48, v6  }
0x4a6: {  	v55 =	vld [tilespmem:s31+$0x2480];
	s21 =	sxor.u32 $0x80000000, s14;
	v15 =	vadd.s32 s18, v50;
	v6 =	vadd.s32 v49, v6  }
0x4a7: {  	v56 =	vmov s21;
	vm4 =	vge.s32 v15, v5;
	v6 =	vadd.s32 v51, v6  }
0x4a8: {  	v57 =	vmctz.xlane vm4;
	vm4 =	vgt.s32 v56, v0;
	v6 =	vadd.s32 v52, v6  }
0x4a9: {  	v8 =	vnsel vm4, $0x0, v8;
	v6 =	vadd.s32 v53, v6  }
0x4aa: {  	(xrf0) =	vadd.scan.msk.s32 $0xffff, v8;
	v58 =	vxor.u32 $0x80000000, v57;
	v6 =	vadd.s32 v54, v6  }
0x4ab: {  	(xrf0) =	vmax.scan.msk.u32 $0xffff, v58;
	v6 =	vadd.s32 v55, v6  }
0x4ac: {  	(xrf0) =	vadd.scan.msk.s32 $0xffff, v6;
	_ =	sdelay $0x2  }
0x4ad: {  	s17 =	spop (v2sf)  }
0x4ae: {  	v59, _, _ =	vpop (xrf0);
	s22 =	spop (v2sf)  }
0x4af: {  	v60, _, _ =	vpop (xrf0);
	s7 =	spop (v2sf)  }
0x4b0: {  	v61, _, _ =	vpop (xrf0);
	s8 =	sadd.s32 s18, s7  }
0x4b1: {  	s20 =	sxor.u32 $0x80000000, s22;
	v62 =	vadd.s32 s8, v61  }
0x4b2: {  	v63 =	vmov s20;
	vm4 =	vge.s32 v62, v5  }
0x4b3: {  	v5 =	vmctz.xlane vm4;
	vm4 =	vgt.s32 v63, v0  }
0x4b4: {  	v7 =	vnsel vm4, $0x0, v7  }
0x4b5: {  	(xrf0) =	vadd.scan.msk.s32 $0xffff, v7;
	v5 =	vxor.u32 $0x80000000, v5  }
0x4b6: {  	(xrf0) =	vmax.scan.msk.u32 $0xffff, v5;
	_ =	sdelay $0x2  }
0x4b7: {  	(v2sf) =	vpush v59, $0xF  }
0x4b8: {  	(v2sf) =	vpush v60, $0xF  }
0x4b9: {  	(v2sf) =	vpush v61, $0xF;
	v5, _, _ =	vpop (xrf0)  }
0x4ba: {  	(v2sf) =	vpush v5, $0xF;
	v5, _, _ =	vpop (xrf0)  }
0x4bb: {  	(v2sf) =	vpush v5, $0xF;
	_ =	sdelay $0xa  }
0x4bc: {  	s25 =	spop (v2sf)  }
0x4bd: {  	s30 =	spop (v2sf)  }
0x4be: {  	s23 =	spop (v2sf)  }
0x4bf: {  	s7 =	spop (v2sf)  }
0x4c0: {  	s31 =	sxor.u32 $0x80000000, s30;
	s23 =	spop (v2sf)  }
0x4c1: {  	v5 =	vmov s31;
	s0 =	sxor.u32 $0x80000000, s23  }
0x4c2: {  	vm4 =	vgt.s32 v5, v0;
	v7 =	vmov s0  }
0x4c3: {  	p4 =	slt.s32 s4, $0x0;
	p0 =	slt.s32 s12, $0x10;
	v5 =	vnsel vm4, $0x0, v9;
	vm4 =	vgt.s32 v7, v0  }
0x4c4: {  	s1 =	sadd.s32 s1, s2;
	p0 =	por !p4, !p0;
	(xrf0) =	vadd.scan.msk.s32 $0xffff, v5;
	v5 =	vnsel vm4, $0x0, v6  }
0x4c5: {  	s1 =	sadd.s32 $0x80000000, s1;
	p4 =	por !p0, !p0;
	(xrf0) =	vadd.scan.msk.s32 $0xffff, v5  }
0x4c6: {  	s4 =	smov.u32 @p4 s1  }
0x4c7: {  	p5 =	slt.s32 s4, $0x0;
	p6 =	slt.s32 s19, $0x10  }
0x4c8: {  	s12 =	sadd.s32 s28, s15;
	p0 =	por !p5, !p6  }
0x4c9: {  	s1 =	sadd.s32 $0x80000000, s12;
	p5 =	por !p0, !p0  }
0x4ca: {  	s4 =	smov.u32 @p5 s1;
	v5, _, _ =	vpop (xrf0)  }
0x4cb: {  	p6 =	slt.s32 s4, $0x0;
	p0 =	slt.s32 s21, $0x10;
	(v2sf) =	vpush v5, $0xF;
	v5, _, _ =	vpop (xrf0)  }
0x4cc: {  	s19 =	rddreg [dreg:$0x1e];
	s15 =	sadd.s32 s3, s14;
	p0 =	por !p6, !p0;
	(v2sf) =	vpush v5, $0xF  }
0x4cd: {  	s2 =	sadd.s32 s6, s19;
	s1 =	sadd.s32 $0x80000000, s15;
	p6 =	por !p0, !p0  }
0x4ce: {  	s5 =	smov.u32 @p3 s2;
	s4 =	smov.u32 @p6 s1;
	s1 =	sadd.s32 s29, s11  }
0x4cf: {  	s29 =	rddreg [dreg:$0x19];
	p3 =	slt.s32 s4, $0x0;
	p0 =	slt.s32 s20, $0x10  }
0x4d0: {  	s21 =	sadd.s32 s10, s22;
	p0 =	por !p3, !p0;
	p3 =	por p4, p4  }
0x4d1: {  	s5 =	smov.u32 @p3 s1;
	p3 =	por !p0, !p0;
	s1 =	sadd.s32 $0x80000000, s21  }
0x4d2: {  	s2 =	sadd.s32 s26, s17;
	p0 =	por p5, p5;
	s4 =	smov.u32 @p3 s1  }
0x4d3: {  	s5 =	smov.u32 @p0 s2;
	p0 =	slt.s32 s4, $0x0;
	p4 =	slt.s32 s31, $0x10  }
0x4d4: {  	p5 =	por p6, p6;
	s22 =	sadd.s32 s13, s30;
	p0 =	por !p0, !p4  }
0x4d5: {  	s2 =	sadd.s32 s24, s25;
	s1 =	sadd.s32 $0x80000000, s22;
	p0 =	por !p0, !p0  }
0x4d6: {  	p3 =	por p3, p3;
	s5 =	smov.u32 @p5 s2;
	s4 =	smov.u32 @p0 s1  }
0x4d7: {  	p0 =	por p0, p0;
	p5 =	slt.s32 s4, $0x0;
	p6 =	slt.s32 s0, $0x10  }
0x4d8: {  	s1 =	sadd.s32 s9, s7;
	s25 =	sadd.s32 s16, s23;
	p6 =	por !p5, !p6  }
0x4d9: {  	s5 =	smov.u32 @p3 s1;
	s0 =	sadd.s32 $0x80000000, s25;
	p3 =	por !p6, !p6  }
0x4da: {  	s1 =	sshll.u32 s29, $0x8;
	s4 =	smov.u32 @p3 s0;
	s26 =	spop (v2sf)  }
0x4db: {  	s1 =	sadd.s32 s1, s4;
	s0 =	sadd.s32 s18, s26;
	s28 =	spop (v2sf)  }
0x4dc: {  	s5 =	smov.u32 @p0 s0;
	p0 =	por p3, p3;
	s0 =	sadd.s32 s8, s28  }
0x4dd: {  	s30 =	rddreg [dreg:$0x16];
	v5 =	vmov s1;
	s5 =	smov.u32 @p0 s0  }
0x4de: {  	v5 =	vnsel vm0, $0x0, v5;
	s0 =	ssub.s32 s30, s5  }
0x4df: {  	v5 =	vsel vm1, s0, v5  }
0x4e0: {  	s6 =	simm.s32 $0x1;
	s31 =	rddreg [dreg:$0x10];
	s9 =	simm.s32 $0x2900;
	[tilespmem:$0x2900] =	vst v5  }
0x4e1: {  	[spmem:s31] =	stream.linear.scatter [tilespmem:s9], [sflag:$0x1], $0x80, $0x38;
	[tilespmem:$0x3698] =	vst v63  }
0x4e2: {  	_ =	swait.ge [sflag:s6], $0x80  }
0x4e3: {  	s7 =	simm.s32 $0x400;
	[sflag:s6] =	ssyncset.done $0x0  }
0x4e4: {  	s8 =	simm.s32 $0x1800;
	s5 =	simm.s32 $0x80;
	[sflag:s6] =	ssyncadd.s32 $0xFFFFFF80  }
.LBB2_51:
0x4e5: {  	[bflag:$0x0] =	sbarrier.arrive $0xFFFF  }
0x4e6: {  	s0 =	rddreg [dreg:$0x10]  }
0x4e7: {  	[tilespmem:s9], [sflag:$0x1] =	stream.linear.gather [spmem:s0], $0x80, $0x38;
	[tilespmem:$0x3698] =	vst v63  }
0x4e8: {  	_ =	swait.ge [sflag:s6], $0x80  }
0x4e9: {  	[sflag:s6] =	ssyncset.done $0x0  }
0x4ea: {  	[sflag:s6] =	ssyncadd.s32 $0xFFFFFF80  }
0x4eb: {  	v5 =	vld [tilespmem:$0x2900];
	_ =	sdelay $0x4  }
0x4ec: {  	v6 =	vnsel vm2, $0x0, v5  }
0x4ed: {  	v5 =	vsel vm3, $0x0, v5;
	(xrf0) =	vadd.scan.msk.s32 $0xffff, v6  }
0x4ee: {  	(xrf0) =	vadd.scan.msk.s32 $0xffff, v5;
	_ =	sdelay $0x4  }
0x4ef: {  	v5, _, _ =	vpop (xrf0)  }
0x4f0: {  	v6, _, _ =	vpop (xrf0)  }
0x4f1: {  	(v2sf) =	vpush v6, $0xF;
	_ =	sdelay $0x6  }
0x4f2: {  	s1 =	sld [smem:$0x7FD];
	_ =	sdelay $0x2  }
0x4f3: {  	p0 =	seq.s32 s1, $0x1  }
.Ltmp27:
0x4f4: {  	_ = 	snop;
	(pc) =	sbr.rel @p0 .LBB2_52-.Ltmp27, $2  }
0x4f5: {  	_ =	sdelay $0x2  }
0x4f6: {  	s0 =	spop (v2sf)  }
0x4f7: {  	(v2sf) =	vpush v5, $0xF;
	_ =	sdelay $0xc  }
0x4f8: {  	s2 =	simm.s32 $0x0  }
0x4f9: {  	v9 =	vld [tilespmem:s2+$0x400]  }
0x4fa: {  	v10 =	vld [tilespmem:s2+$0x0];
	s1 =	spop (v2sf)  }
0x4fb: {  	s1 =	sxor.u32 $0x80000000, s1  }
0x4fc: {  	v6 =	vimm.f32 $0.0e+00;
	v7 =	vimm.s32 $0x0;
	v8 =	vmov s1;
	s1 =	simm.s32 $0x40  }
.LBB2_54:
0x4fd: {  	p3 =	sne.s32 s1, $0xFC0  }
.Ltmp28:
0x4fe: {  	s2 =	sshra.s32 s1, $0x2;
	s1 =	sadd.s32 $0x40, s1;
	v11 =	vxor.u32 $0x80000000, v9;
	(pc) =	sbr.rel @p3 .LBB2_54-.Ltmp28, $4  }
0x4ff: {  	v9 =	vld [tilespmem:s2+$0x400];
	vm4 =	vlt.s32 v11, v8;
	vm5 =	veq.f32 v10, $0.0e+00  }
0x500: {  	v11 =	vnsel vm4, $0x0, v10;
	v10 =	vld [tilespmem:s2+$0x0];
	vm4 =	vmand vm4, vm5  }
0x501: {  	v6 =	vadd.f32 v11, v6;
	v11 =	vsel vm4, $0x1, v1  }
0x502: {  	v7 =	vadd.s32 v11, v7  }
0x503: {  	_ = 	snop  }
.Ltmp29:
0x504: {  	v9 =	vxor.u32 $0x80000000, v9;
	(pc) =	sbr.rel .LBB2_56-.Ltmp29, $4  }
0x505: {  	vm4 =	vlt.s32 v9, v8;
	vm5 =	veq.f32 v10, $0.0e+00  }
0x506: {  	vm5 =	vmand vm4, vm5  }
0x507: {  	v8 =	vnsel vm4, $0x0, v10;
	v63 =	vsel vm5, $0x1, v1  }
0x508: {  	v6 =	vadd.f32 v8, v6;
	v7 =	vadd.s32 v63, v7  }
.LBB2_52:
0x509: {  	v7 =	vimm.s32 $0x0;
	v6 =	vimm.f32 $0.0e+00  }
.LBB2_56:
0x50a: {  	(xrf0) =	vadd.scan.msk.s32 $0xffff, v7;
	_ =	sdelay $0x5  }
0x50b: {  	v7, _, _ =	vpop (xrf0)  }
0x50c: {  	(v2sf) =	vpush v7, $0xF;
	_ =	sdelay $0x6  }
0x50d: {  	(xrf2) =	vadd.scan.msk.f32 $0xffff, v6;
	_ =	sdelay $0x7  }
0x50e: {  	s1 =	spop (v2sf)  }
0x50f: {  	s1 =	scvt.s32.f32 s1  }
0x510: {  	v6, _, _ =	vpop (xrf2)  }
0x511: {  	v6 =	vbroadcast v6, $0xF;
	v7 =	vmov s1  }
0x512: {  	v7 =	vnsel vm1, $0x0, v7  }
0x513: {  	v6 =	vsel vm2, v6, v7  }
0x514: {  	s31 =	rddreg [dreg:$0x11];
	s2 =	simm.s32 $0x2980;
	[tilespmem:$0x2980] =	vst v6  }
0x515: {  	[spmem:s31] =	stream.linear.scatter [tilespmem:s2], [sflag:$0x1], $0x80, $0x38;
	[tilespmem:$0x3698] =	vst v63  }
.Ltmp30:
0x516: {  	_ =	swait.ge [sflag:s6], $0x80;
	(pc) =	sbr.rel @p1 .LBB2_58-.Ltmp30, $4  }
0x517: {  	[sflag:s6] =	ssyncset.done $0x0  }
0x518: {  	[sflag:s6] =	ssyncadd.s32 $0xFFFFFF80  }
0x519: {  	[bflag:$0x0] =	sbarrier.arrive $0xFFFF  }
0x51a: {  	s3 =	rddreg [dreg:$0x13]  }
0x51b: {  	s1 =	rddreg [dreg:$0x3];
	s2 =	simm.s32 $0x2A00  }
0x51c: {  	[tilespmem:s2], [sflag:$0x1] =	stream.linear.gather [spmem:s1], $0x800, $0x38;
	[tilespmem:$0x3698] =	vst v63  }
0x51d: {  	_ =	swait.ge [sflag:s6], $0x800  }
0x51e: {  	[sflag:s6] =	ssyncset.done $0x0  }
0x51f: {  	[sflag:s6] =	ssyncadd.s32 $0xFFFFF800  }
0x520: {  	v6 =	vld [tilespmem:$0x2A00];
	_ =	sdelay $0x1  }
0x521: {  	v7 =	vld [tilespmem:$0x2A80];
	_ =	sdelay $0x1  }
0x522: {  	v8 =	vld [tilespmem:$0x2B00]  }
0x523: {  	v6 =	vadd.f32 $0.0e+00, v6  }
0x524: {  	v9 =	vld [tilespmem:$0x2B80]  }
0x525: {  	v6 =	vadd.f32 v7, v6  }
0x526: {  	v7 =	vld [tilespmem:$0x2C00]  }
0x527: {  	v6 =	vadd.f32 v8, v6  }
0x528: {  	v56 =	vld [tilespmem:$0x2C80]  }
0x529: {  	v6 =	vadd.f32 v9, v6  }
0x52a: {  	v57 =	vld [tilespmem:$0x2D00]  }
0x52b: {  	v6 =	vadd.f32 v7, v6  }
0x52c: {  	v7 =	vld [tilespmem:$0x2D80]  }
0x52d: {  	v6 =	vadd.f32 v56, v6  }
0x52e: {  	v58 =	vld [tilespmem:$0x2E00]  }
0x52f: {  	v6 =	vadd.f32 v57, v6  }
0x530: {  	v59 =	vld [tilespmem:$0x2E80]  }
0x531: {  	v6 =	vadd.f32 v7, v6  }
0x532: {  	v7 =	vld [tilespmem:$0x2F00]  }
0x533: {  	v6 =	vadd.f32 v58, v6  }
0x534: {  	v60 =	vld [tilespmem:$0x2F80]  }
0x535: {  	v6 =	vadd.f32 v59, v6  }
0x536: {  	v61 =	vld [tilespmem:$0x3000]  }
0x537: {  	v6 =	vadd.f32 v7, v6  }
0x538: {  	v7 =	vld [tilespmem:$0x3080]  }
0x539: {  	v6 =	vadd.f32 v60, v6  }
0x53a: {  	v62 =	vld [tilespmem:$0x3100]  }
0x53b: {  	v6 =	vadd.f32 v61, v6  }
0x53c: {  	v63 =	vld [tilespmem:$0x3180]  }
0x53d: {  	v6 =	vadd.f32 v7, v6;
	_ =	sdelay $0x1  }
0x53e: {  	v6 =	vadd.f32 v62, v6;
	_ =	sdelay $0x1  }
0x53f: {  	v6 =	vadd.f32 v63, v6;
	_ =	sdelay $0x1  }
0x540: {  	v7 =	vnsel vm2, $0x0, v6  }
0x541: {  	v6 =	vsel vm3, $0x0, v6;
	(xrf2) =	vadd.scan.msk.f32 $0xffff, v7  }
0x542: {  	(xrf2) =	vadd.scan.msk.f32 $0xffff, v6;
	_ =	sdelay $0x8  }
0x543: {  	v6, _, _ =	vpop (xrf2)  }
0x544: {  	v7, _, _ =	vpop (xrf2)  }
0x545: {  	(v2sf) =	vpush v7, $0xF;
	_ =	sdelay $0xa  }
0x546: {  	v5 =	vbroadcast v5, $0xF;
	_ =	sdelay $0x1  }
0x547: {  	vm4 =	vgt.s32 v5, $0xFFFFFFFF  }
0x548: {  	s0 =	scvt.s32.f32 s0;
	v7 =	vsel vm4, $0xFFFFFFFF, v4  }
0x549: {  	v5 =	vxor.u32 v5, v7;
	s28 =	spop (v2sf)  }
0x54a: {  	v7 =	vmov s0;
	vm4 =	veq.f32 v5, $0.0e+00;
	s1 =	ssub.f32 $1.638000000e+03, s28  }
0x54b: {  	v7 =	vnsel vm4, $0x0, v7  }
0x54c: {  	v7 =	vsub.f32 s1, v7;
	_ =	sdelay $0x1  }
0x54d: {  	(erf) = vrcp.f32 v7;
	_ =	sdelay $0x4  }
0x54e: {  	v6 =	vbroadcast v6, $0xF  }
0x54f: {  	v5 =	vmul.f32 s0, v5;
	_ =	sdelay $0x1  }
0x550: {  	v5 =	vadd.f32 v6, v5  }
0x551: {  	v6 =	vpop (erf)  }
0x552: {  	v5 =	vmul.f32 v6, v5  }
0x553: {  	s30 =	simm.s32 $0x0  }
.Ltmp31:
0x554: {  	s31 =	simm.s32 $0x3200;
	s29 =	rddreg [dreg:$0x1];
	[tilespmem:$0x3200] =	vst v5;
	(pc) =	sbr.rel .LBB2_58-.Ltmp31, $4  }
0x555: {  	[hbm4b:s29+s30] =	stream.linear.scatter [tilespmem:s31], [sflag:$0x1], $0x80, $0x38;
	[tilespmem:$0x3698] =	vst v63  }
0x556: {  	_ =	swait.ge [sflag:s6], $0x80  }
0x557: {  	[sflag:s6] =	ssyncset.done $0x0  }
0x558: {  	[sflag:s6] =	ssyncadd.s32 $0xFFFFFF80  }
.LBB2_59:
0x559: {  	_ =	sfence.sel $0x180000  }
0x55a: {  	[bflag:$0x0] =	sbarrier.arrive $0xFFFF  }
0x55b: {  	_ =	strace $0x90000047  }
0x55c: {  	s0 =	stileid.u32;
	[bflag:$0x2] =	sbarrier.arrive $0xFFFF  }
0x55d: {  	p0 =	sne.s32 s0, $0x0;
	s0 =	rddreg [dreg:$0x5]  }
0x55e: {  	s0 =	sadd.s32 @!p0 $0x100000, s0  }
0x55f: {  	[sflag:s0] =	ssyncadd.tile.s32 @!p0 $0x1;
	_ =	shalt  }
.Lfunc_end2:
_tile_overlayer_lowered:
.L_overlay_start_2:
0x560: {  	(tag) =	ssettag $0x2  }
0x561: {  	s0 =	rddreg [dreg:$0x0];
	s2 =	stileid.u32  }
0x562: {  	s1 =	rddreg [dreg:$0x1];
	p0 =	sne.s32 s2, $0x0  }
0x563: {  	s3 =	rddreg [dreg:$0x2];
	[bflag:$0x3] =	sbarrier.arrive $0xFFFF;
	s2 =	simm.s32 @!p0 $0x1C01  }
0x564: {  	[timem:s3], [sflag:s2] =	dma.local @!p0 [hbm:s0], s1  }
0x565: {  	s0 =	simm.s32 @!p0 $0x1  }
0x566: {  	_ =	swait.ge @!p0 [sflag:s0], s1  }
0x567: {  	s1 =	ssub.s32 @!p0 $0x0, s1;
	[sflag:s0] =	ssyncset.done @!p0 $0x0  }
0x568: {  	[sflag:s0] =	ssyncadd.s32 @!p0 s1  }
0x569: {  	[bflag:$0x3] =	sbarrier.arrive $0xFFFF  }
0x56a: {  	_ =	shalt  }

</sc_bundles>
